<compile_context>
chip_gen: v7x
topology: tpu7x:2x2x1
jax: 0.10.2.dev20260603
libtpu: 0.0.44.dev20260713+nightly
codegen_flags: <defaults>
</compile_context>

<pallas_src>
import functools

import jax
import jax.numpy as jnp
from jax import lax
from jax.experimental import pallas as pl
from jax.experimental.pallas import tpu as pltpu
from jax.experimental.pallas import tpu_sc as plsc

_B, _K, _S, _LY = 4096, 100, 2000, 20
_KP = 112
_LYP = 32
_POSW = 32
_NC, _NS = 2, 16
_NW = _NC * _NS
_CH = 16
_RPW = _B // _NW
_NCH = _RPW // _CH
_LAMBDA = 0.05


_T = 8192


_U = 25


def _sc_body(tki_h, si_h, sv_h, yi_h, yv_h,
             tkt_h, posv_h, post_h,
             tki0, si0, yi0, yv0, tki1, si1, yi1, yv1,
             tkt, posv, post,
             svrow, tkey, tval, sem0, sem1):
    wid = lax.axis_index("s") * _NC + lax.axis_index("c")
    neg1 = jnp.full((16,), -1, jnp.int32)

    def init_tbl(i, c):
        tkey[pl.ds(i * 16, 16)] = neg1
        return c

    lax.fori_loop(0, _T // 16, init_tbl, 0)

    bufs = ((tki0, si0, yi0, yv0), (tki1, si1, yi1, yv1))
    sems = (sem0, sem1)

    def _copies(ci, par):
        r0 = wid * _RPW + ci * _CH
        tki_b, si_b, yi_b, yv_b = bufs[par]
        sem = sems[par]
        return ((tki_h.at[pl.ds(r0, _CH)], tki_b, sem),
                (si_h.at[pl.ds(r0, _CH)], si_b, sem),
                (yi_h.at[pl.ds(r0, _CH)], yi_b, sem),
                (yv_h.at[pl.ds(r0, _CH)], yv_b, sem))

    def _issue(ci, par):
        for src, dst, sem in _copies(ci, par):
            pltpu.async_copy(src, dst, sem)

    def _wait(ci, par):
        for src, dst, sem in _copies(ci, par):
            pltpu.make_async_copy(src, dst, sem).wait()

    def chunk_body(ci, par):
        r0 = wid * _RPW + ci * _CH
        tki, si, yi, yv = bufs[par]

        def row_body(r, carry2):
            z = jnp.zeros((16,), jnp.float32)
            posv[r, pl.ds(0, 16)] = z
            posv[r, pl.ds(16, 16)] = z
            post[r, pl.ds(0, 16)] = z
            post[r, pl.ds(16, 16)] = z

            yia = yi[r, pl.ds(0, 16)]
            yib = yi[r, pl.ds(16, 16)]
            yva = yv[r, pl.ds(0, 16)]
            yvb = yv[r, pl.ds(16, 16)]
            one = jnp.ones((16,), jnp.float32)

            ha = jnp.bitwise_and(yia, _T - 1)
            hb = jnp.bitwise_and(yib, _T - 1)
            mb = lax.iota(jnp.int32, 16) < (_LY - 16)
            plsc.store_scatter(tkey, [ha], yia)
            plsc.store_scatter(tval, [ha], yva)
            plsc.store_scatter(tkey, [hb], yib, mask=mb)
            plsc.store_scatter(tval, [hb], yvb, mask=mb)
            gka = plsc.load_gather(tkey, [ha])
            gva = plsc.load_gather(tval, [ha])
            gkb = plsc.load_gather(tkey, [hb])
            gvb = plsc.load_gather(tval, [hb])
            bad_a = jnp.logical_or(gka != yia, gva != yva)
            bad_b = jnp.logical_and(
                jnp.logical_or(gkb != yib, gvb != yvb), mb)
            bad = jnp.logical_or(bad_a, bad_b)

            def compact(get_mask):
                pltpu.sync_copy(sv_h.at[r0 + r], svrow)

                def cand(i, off):
                    m = get_mask(i)
                    rank = off + plsc.cumsum(
                        jnp.where(m, 1, 0).astype(jnp.int32))
                    wr = jnp.logical_and(m, rank <= _LY)
                    vals = svrow[pl.ds(i * 16, 16)]
                    plsc.store_scatter(posv.at[r], [rank - 1], vals, mask=wr)
                    plsc.store_scatter(post.at[r], [rank - 1], one, mask=wr)
                    return off + plsc.all_reduce_population_count(m)

                lax.fori_loop(0, _S // 16, cand, jnp.zeros((16,), jnp.int32))

            for v in range(_KP // 16):
                inds = tki[r, pl.ds(v * 16, 16)]
                h = jnp.bitwise_and(inds, _T - 1)
                gk = plsc.load_gather(tkey, [h])
                gv = plsc.load_gather(tval, [h])
                tkt[r, pl.ds(v * 16, 16)] = jnp.where(gk == inds, gv, z)

            def p1(i, acc):
                for u in range(_U):
                    inds = si[r, pl.ds((i * _U + u) * 16, 16)]
                    h = jnp.bitwise_and(inds, _T - 1)
                    gk = plsc.load_gather(tkey, [h])
                    acc = jnp.logical_or(acc, gk == inds)
                return acc

            anyv = lax.fori_loop(0, _S // 16 // _U, p1,
                                 jnp.zeros((16,), jnp.bool_))
            nbad = plsc.all_reduce_population_count(bad)[0]
            nhit = plsc.all_reduce_population_count(anyv)[0]

            @pl.when(jnp.logical_and(nbad == 0, nhit > 0))
            def _p2():
                def mask_of(i):
                    inds = si[r, pl.ds(i * 16, 16)]
                    h = jnp.bitwise_and(inds, _T - 1)
                    gk = plsc.load_gather(tkey, [h])
                    return gk == inds

                compact(mask_of)

            @pl.when(nbad > 0)
            def _slow():
                yis = ([yia[j] for j in range(16)]
                       + [yib[j] for j in range(_LY - 16)])
                yvs = ([yva[j] for j in range(16)]
                       + [yvb[j] for j in range(_LY - 16)])
                for v in range(_KP // 16):
                    inds = tki[r, pl.ds(v * 16, 16)]
                    t = z
                    for j in range(_LY):
                        t = jnp.where(inds == yis[j], yvs[j], t)
                    tkt[r, pl.ds(v * 16, 16)] = t

                def mask_of(i):
                    inds = si[r, pl.ds(i * 16, 16)]
                    m = inds == yis[0]
                    for j in range(1, _LY):
                        m = jnp.logical_or(m, inds == yis[j])
                    return m

                compact(mask_of)

            plsc.store_scatter(tkey, [ha], neg1)
            plsc.store_scatter(tkey, [hb], neg1, mask=mb)
            return carry2

        lax.fori_loop(0, _CH, row_body, 0)
        pltpu.sync_copy(tkt, tkt_h.at[pl.ds(r0, _CH)])
        pltpu.sync_copy(posv, posv_h.at[pl.ds(r0, _CH)])
        pltpu.sync_copy(post, post_h.at[pl.ds(r0, _CH)])

    _issue(0, 0)
    _issue(1, 1)

    def q_body(q, c):
        for par in range(2):
            ci = 2 * q + par
            _wait(ci, par)
            chunk_body(ci, par)

            @pl.when(ci + 2 < _NCH)
            def _():
                _issue(ci + 2, par)

        return c

    lax.fori_loop(0, _NCH // 2, q_body, 0)


@functools.cache
def _sc_match():
    return pl.kernel(
        _sc_body,
        out_type=(
            jax.ShapeDtypeStruct((_B, _KP), jnp.float32),
            jax.ShapeDtypeStruct((_B, _POSW), jnp.float32),
            jax.ShapeDtypeStruct((_B, _POSW), jnp.float32),
        ),
        mesh=plsc.VectorSubcoreMesh(core_axis_name="c", subcore_axis_name="s",
                                    num_cores=_NC, num_subcores=_NS),
        compiler_params=pltpu.CompilerParams(needs_layout_passes=False),
        scratch_types=[
            pltpu.VMEM((_CH, _KP), jnp.int32),
            pltpu.VMEM((_CH, _S), jnp.int32),
            pltpu.VMEM((_CH, _LYP), jnp.int32),
            pltpu.VMEM((_CH, _LYP), jnp.float32),
            pltpu.VMEM((_CH, _KP), jnp.int32),
            pltpu.VMEM((_CH, _S), jnp.int32),
            pltpu.VMEM((_CH, _LYP), jnp.int32),
            pltpu.VMEM((_CH, _LYP), jnp.float32),
            pltpu.VMEM((_CH, _KP), jnp.float32),
            pltpu.VMEM((_CH, _POSW), jnp.float32),
            pltpu.VMEM((_CH, _POSW), jnp.float32),
            pltpu.VMEM((_S,), jnp.float32),
            pltpu.VMEM((_T,), jnp.int32),
            pltpu.VMEM((_T,), jnp.float32),
            pltpu.SemaphoreType.DMA,
            pltpu.SemaphoreType.DMA,
        ],
    )


def _tc_body(p_ref, t_ref, v_ref, tt_ref, o_ref):
    p = p_ref[...]
    t = t_ref[...]
    lp = jnp.maximum(jnp.log(p), -100.0)
    l1p = jnp.maximum(jnp.log(1.0 - p), -100.0)
    term1 = -jnp.sum(t * lp + (1.0 - t) * l1p)
    v = v_ref[...]
    tt = tt_ref[...]
    lv = jnp.maximum(jnp.log(v), -100.0)
    l1v = jnp.maximum(jnp.log(1.0 - v), -100.0)
    term2 = -jnp.sum(tt * lv + (1.0 - tt) * l1v)
    total = term1 / (_B * _K) + _LAMBDA * term2 / (_B * _LY)
    o_ref[...] = total.reshape(1, 1)


_tc_bce = pl.pallas_call(
    _tc_body,
    out_shape=jax.ShapeDtypeStruct((1, 1), jnp.float32),
)


def kernel(topK_label_vals, label_shortlist_vals, y_vals,
           topK_label_inds, label_shortlist_inds, y_inds):
    tki = jnp.pad(topK_label_inds, ((0, 0), (0, _KP - _K)), constant_values=-1)
    yi = jnp.pad(y_inds, ((0, 0), (0, _LYP - _LY)), constant_values=-1)
    yv = jnp.pad(y_vals, ((0, 0), (0, _LYP - _LY)))
    tkt, posv, post = _sc_match()(
        tki, label_shortlist_inds, label_shortlist_vals, yi, yv)
    loss = _tc_bce(topK_label_vals, tkt[:, :_K], posv, post)
    return loss[0, 0]

# --- scband reference (transcript-rebuilt; emitter-appended) ---
"""Pipeline reference for scband-eliasloss-63574105916123 (READ-ONLY COPY).

The authoritative reference and input builder live on the scoring server;
editing this copy changes nothing except your own understanding.
"""

import jax, jax.numpy as jnp
import numpy as np

NUMY = 1000000
LOSS_LAMBDA = 0.05


def _bce_mean(p, t):
    # torch.nn.BCELoss clamps log terms at -100
    log_p = jnp.clip(jnp.log(p), -100.0, None)
    log_1mp = jnp.clip(jnp.log(1.0 - p), -100.0, None)
    return jnp.mean(-(t * log_p + (1.0 - t) * log_1mp))


def setup_inputs(seed: int = 0) -> dict:
    key = jax.random.key(seed)
    k1, k2, k3, k4, k5, k6 = jax.random.split(key, 6)
    B, K, S, Ly = 4096, 100, 2000, 20
    # probabilities in (0,1), as produced by a sigmoid/softmax head
    topK_label_vals = jax.random.uniform(k1, (B, K), dtype=jnp.float32) * 0.98 + 0.01
    label_shortlist_vals = jax.random.uniform(k2, (B, S), dtype=jnp.float32) * 0.98 + 0.01
    y_vals = jax.random.uniform(k3, (B, Ly), dtype=jnp.float32) * 0.98 + 0.01
    topK_label_inds = jax.random.randint(k4, (B, K), 0, NUMY, dtype=jnp.int64 if jax.config.jax_enable_x64 else jnp.int32).astype(jnp.int32)
    label_shortlist_inds = jax.random.randint(k5, (B, S), 0, NUMY).astype(jnp.int32)
    y_inds = jax.random.randint(k6, (B, Ly), 0, NUMY).astype(jnp.int32)
    return {
        'topK_label_vals': topK_label_vals,
        'label_shortlist_vals': label_shortlist_vals,
        'y_vals': y_vals,
        'topK_label_inds': topK_label_inds,
        'label_shortlist_inds': label_shortlist_inds,
        'y_inds': y_inds,
    }


def reference(topK_label_vals, label_shortlist_vals, y_vals,
              topK_label_inds, label_shortlist_inds, y_inds):
    Ly = y_inds.shape[1]
    topK_targets = jnp.zeros_like(topK_label_vals)
    short_targets = jnp.zeros_like(label_shortlist_vals)
    for j in range(Ly):
        m1 = topK_label_inds == y_inds[:, j:j + 1]
        topK_targets = jnp.where(m1, y_vals[:, j:j + 1], topK_targets)
        m2 = (label_shortlist_inds == y_inds[:, j:j + 1]) & (label_shortlist_inds < NUMY)
        short_targets = jnp.where(m2, 1.0, short_targets)
    # torch builds targets under no_grad
    topK_targets = jax.lax.stop_gradient(topK_targets)
    short_targets = jax.lax.stop_gradient(short_targets)

    loss_classification = _bce_mean(topK_label_vals, topK_targets)

    pos_t, pos_i = jax.lax.top_k(short_targets, Ly)
    pos_v = jnp.take_along_axis(label_shortlist_vals, pos_i, axis=1)
    pos_v = jnp.where(pos_t < 1e-05, 0.0, pos_v)
    loss_shortlist = _bce_mean(pos_v, pos_t)

    return loss_classification + LOSS_LAMBDA * loss_shortlist

if __name__ == "__main__":
    import jax
    _d = setup_inputs()
    print(jax.jit(kernel)(*tuple(_d.values())))

</pallas_src>

<mosaic_0001>
#map = affine_map<(d0, d1) -> (0, 0)>
module attributes {stable_mosaic.version = 14 : i64} {
  func.func @_sc_body(%arg0: i32, %arg1: i32, %arg2: memref<4096x112xi32, #tpu.memory_space<hbm>>, %arg3: memref<4096x2000xi32, #tpu.memory_space<hbm>>, %arg4: memref<4096x2000xf32, #tpu.memory_space<hbm>>, %arg5: memref<4096x32xi32, #tpu.memory_space<hbm>>, %arg6: memref<4096x32xf32, #tpu.memory_space<hbm>>, %arg7: memref<4096x112xf32, #tpu.memory_space<hbm>>, %arg8: memref<4096x32xf32, #tpu.memory_space<hbm>>, %arg9: memref<4096x32xf32, #tpu.memory_space<hbm>>, %arg10: memref<16x112xi32, #tpu.memory_space<vmem>>, %arg11: memref<16x2000xi32, #tpu.memory_space<vmem>>, %arg12: memref<16x32xi32, #tpu.memory_space<vmem>>, %arg13: memref<16x32xf32, #tpu.memory_space<vmem>>, %arg14: memref<16x112xi32, #tpu.memory_space<vmem>>, %arg15: memref<16x2000xi32, #tpu.memory_space<vmem>>, %arg16: memref<16x32xi32, #tpu.memory_space<vmem>>, %arg17: memref<16x32xf32, #tpu.memory_space<vmem>>, %arg18: memref<16x112xf32, #tpu.memory_space<vmem>>, %arg19: memref<16x32xf32, #tpu.memory_space<vmem>>, %arg20: memref<16x32xf32, #tpu.memory_space<vmem>>, %arg21: memref<2000xf32, #tpu.memory_space<vmem>>, %arg22: memref<8192xi32, #tpu.memory_space<vmem>>, %arg23: memref<8192xf32, #tpu.memory_space<vmem>>, %arg24: memref<!tpu.dma_semaphore, #tpu.memory_space<semaphore_mem>>, %arg25: memref<!tpu.dma_semaphore, #tpu.memory_space<semaphore_mem>>) attributes {dimension_semantics = [#tpu.dimension_semantics<core_parallel>, #tpu.dimension_semantics<subcore_parallel>], iteration_bounds = array<i64: 2, 16>, scalar_prefetch = 0 : i64, scratch_operands = 16 : i64, tpu.core_type = #tpu.core_type<sc_vector_subcore>, window_params = [{transform_indices = #map}, {transform_indices = #map}, {transform_indices = #map}, {transform_indices = #map}, {transform_indices = #map}, {transform_indices = #map}, {transform_indices = #map}, {transform_indices = #map}]} {
    %mul3A = arith.constant 2 : i32
    %mul3A_0 = arith.muli %arg1, %mul3A : i32
    %add3A = arith.addi %mul3A_0, %arg0 : i32
    %broadcast_in_dim3A = arith.constant -1 : i32
    %broadcast_in_dim3A_1 = vector.broadcast %broadcast_in_dim3A : i32 to vector<16xi32>
    %scan3A = arith.constant 0 : i32
    %scan3A_2 = arith.constant 0 : i32
    %scan3A_3 = arith.constant 512 : i32
    %scan3A_4 = arith.addi %scan3A_2, %scan3A_3 : i32
    %scan3A_5 = arith.constant 1 : i32
    scf.for %scan3A_52 = %scan3A_2 to %scan3A_4 step %scan3A_5  : i32 {
      %mul3A_53 = arith.constant 16 : i32
      %mul3A_54 = arith.muli %scan3A_52, %mul3A_53 : i32
      %swap3A = arith.index_cast %mul3A_54 : i32 to index
      %swap3A_55 = tpu.vector_load %arg22[%swap3A] {strides = array<i32>} : memref<8192xi32, #tpu.memory_space<vmem>>, vector<16xi32>,
      tpu.vector_store %arg22[%swap3A], %broadcast_in_dim3A_1 {strides = array<i32>} : memref<8192xi32, #tpu.memory_space<vmem>>, vector<16xi32>,
    }
    %scan3A_6 = arith.constant 512 : i32
    %mul3A_7 = arith.constant 128 : i32
    %mul3A_8 = arith.muli %add3A, %mul3A_7 : i32
    %add3A_9 = arith.constant 0 : i32
    %add3A_10 = arith.addi %mul3A_8, %add3A_9 : i32
    %dma_start3A = arith.constant 0 : i32
    %dma_start3A_11 = tpu.memref_slice %arg2[%add3A_10, %dma_start3A] : memref<4096x112xi32, #tpu.memory_space<hbm>> -> memref<16x112xi32, #tpu.memory_space<hbm>>
    %dma_start3A_12 = arith.constant 0 : i32
    %dma_start3A_13 = tpu.memref_slice %arg2[%add3A_10, %dma_start3A_12] : memref<4096x112xi32, #tpu.memory_space<hbm>> -> memref<16x112xi32, #tpu.memory_space<hbm>>
    tpu.enqueue_dma source(%dma_start3A_13 : memref<16x112xi32, #tpu.memory_space<hbm>>) target(%arg10 : memref<16x112xi32, #tpu.memory_space<vmem>>) target_semaphore(%arg24 : memref<!tpu.dma_semaphore, #tpu.memory_space<semaphore_mem>>)
    %dma_start3A_14 = arith.constant 0 : i32
    %dma_start3A_15 = tpu.memref_slice %arg3[%add3A_10, %dma_start3A_14] : memref<4096x2000xi32, #tpu.memory_space<hbm>> -> memref<16x2000xi32, #tpu.memory_space<hbm>>
    %dma_start3A_16 = arith.constant 0 : i32
    %dma_start3A_17 = tpu.memref_slice %arg3[%add3A_10, %dma_start3A_16] : memref<4096x2000xi32, #tpu.memory_space<hbm>> -> memref<16x2000xi32, #tpu.memory_space<hbm>>
    tpu.enqueue_dma source(%dma_start3A_17 : memref<16x2000xi32, #tpu.memory_space<hbm>>) target(%arg11 : memref<16x2000xi32, #tpu.memory_space<vmem>>) target_semaphore(%arg24 : memref<!tpu.dma_semaphore, #tpu.memory_space<semaphore_mem>>)
    %dma_start3A_18 = arith.constant 0 : i32
    %dma_start3A_19 = tpu.memref_slice %arg5[%add3A_10, %dma_start3A_18] : memref<4096x32xi32, #tpu.memory_space<hbm>> -> memref<16x32xi32, #tpu.memory_space<hbm>>
    %dma_start3A_20 = arith.constant 0 : i32
    %dma_start3A_21 = tpu.memref_slice %arg5[%add3A_10, %dma_start3A_20] : memref<4096x32xi32, #tpu.memory_space<hbm>> -> memref<16x32xi32, #tpu.memory_space<hbm>>
    tpu.enqueue_dma source(%dma_start3A_21 : memref<16x32xi32, #tpu.memory_space<hbm>>) target(%arg12 : memref<16x32xi32, #tpu.memory_space<vmem>>) target_semaphore(%arg24 : memref<!tpu.dma_semaphore, #tpu.memory_space<semaphore_mem>>)
    %dma_start3A_22 = arith.constant 0 : i32
    %dma_start3A_23 = tpu.memref_slice %arg6[%add3A_10, %dma_start3A_22] : memref<4096x32xf32, #tpu.memory_space<hbm>> -> memref<16x32xf32, #tpu.memory_space<hbm>>
    %dma_start3A_24 = arith.constant 0 : i32
    %dma_start3A_25 = tpu.memref_slice %arg6[%add3A_10, %dma_start3A_24] : memref<4096x32xf32, #tpu.memory_space<hbm>> -> memref<16x32xf32, #tpu.memory_space<hbm>>
    tpu.enqueue_dma source(%dma_start3A_25 : memref<16x32xf32, #tpu.memory_space<hbm>>) target(%arg13 : memref<16x32xf32, #tpu.memory_space<vmem>>) target_semaphore(%arg24 : memref<!tpu.dma_semaphore, #tpu.memory_space<semaphore_mem>>)
    %mul3A_26 = arith.constant 128 : i32
    %mul3A_27 = arith.muli %add3A, %mul3A_26 : i32
    %add3A_28 = arith.constant 16 : i32
    %add3A_29 = arith.addi %mul3A_27, %add3A_28 : i32
    %dma_start3A_30 = arith.constant 0 : i32
    %dma_start3A_31 = tpu.memref_slice %arg2[%add3A_29, %dma_start3A_30] : memref<4096x112xi32, #tpu.memory_space<hbm>> -> memref<16x112xi32, #tpu.memory_space<hbm>>
    %dma_start3A_32 = arith.constant 0 : i32
    %dma_start3A_33 = tpu.memref_slice %arg2[%add3A_29, %dma_start3A_32] : memref<4096x112xi32, #tpu.memory_space<hbm>> -> memref<16x112xi32, #tpu.memory_space<hbm>>
    tpu.enqueue_dma source(%dma_start3A_33 : memref<16x112xi32, #tpu.memory_space<hbm>>) target(%arg14 : memref<16x112xi32, #tpu.memory_space<vmem>>) target_semaphore(%arg25 : memref<!tpu.dma_semaphore, #tpu.memory_space<semaphore_mem>>)
    %dma_start3A_34 = arith.constant 0 : i32
    %dma_start3A_35 = tpu.memref_slice %arg3[%add3A_29, %dma_start3A_34] : memref<4096x2000xi32, #tpu.memory_space<hbm>> -> memref<16x2000xi32, #tpu.memory_space<hbm>>
    %dma_start3A_36 = arith.constant 0 : i32
    %dma_start3A_37 = tpu.memref_slice %arg3[%add3A_29, %dma_start3A_36] : memref<4096x2000xi32, #tpu.memory_space<hbm>> -> memref<16x2000xi32, #tpu.memory_space<hbm>>
    tpu.enqueue_dma source(%dma_start3A_37 : memref<16x2000xi32, #tpu.memory_space<hbm>>) target(%arg15 : memref<16x2000xi32, #tpu.memory_space<vmem>>) target_semaphore(%arg25 : memref<!tpu.dma_semaphore, #tpu.memory_space<semaphore_mem>>)
    %dma_start3A_38 = arith.constant 0 : i32
    %dma_start3A_39 = tpu.memref_slice %arg5[%add3A_29, %dma_start3A_38] : memref<4096x32xi32, #tpu.memory_space<hbm>> -> memref<16x32xi32, #tpu.memory_space<hbm>>
    %dma_start3A_40 = arith.constant 0 : i32
    %dma_start3A_41 = tpu.memref_slice %arg5[%add3A_29, %dma_start3A_40] : memref<4096x32xi32, #tpu.memory_space<hbm>> -> memref<16x32xi32, #tpu.memory_space<hbm>>
    tpu.enqueue_dma source(%dma_start3A_41 : memref<16x32xi32, #tpu.memory_space<hbm>>) target(%arg16 : memref<16x32xi32, #tpu.memory_space<vmem>>) target_semaphore(%arg25 : memref<!tpu.dma_semaphore, #tpu.memory_space<semaphore_mem>>)
    %dma_start3A_42 = arith.constant 0 : i32
    %dma_start3A_43 = tpu.memref_slice %arg6[%add3A_29, %dma_start3A_42] : memref<4096x32xf32, #tpu.memory_space<hbm>> -> memref<16x32xf32, #tpu.memory_space<hbm>>
    %dma_start3A_44 = arith.constant 0 : i32
    %dma_start3A_45 = tpu.memref_slice %arg6[%add3A_29, %dma_start3A_44] : memref<4096x32xf32, #tpu.memory_space<hbm>> -> memref<16x32xf32, #tpu.memory_space<hbm>>
    tpu.enqueue_dma source(%dma_start3A_45 : memref<16x32xf32, #tpu.memory_space<hbm>>) target(%arg17 : memref<16x32xf32, #tpu.memory_space<vmem>>) target_semaphore(%arg25 : memref<!tpu.dma_semaphore, #tpu.memory_space<semaphore_mem>>)
    %scan3A_46 = arith.constant 0 : i32
    %scan3A_47 = arith.constant 0 : i32
    %scan3A_48 = arith.constant 4 : i32
    %scan3A_49 = arith.addi %scan3A_47, %scan3A_48 : i32
    %scan3A_50 = arith.constant 1 : i32
    scf.for %scan3A_52 = %scan3A_47 to %scan3A_49 step %scan3A_50  : i32 {
      %mul3A_53 = arith.constant 2 : i32
      %mul3A_54 = arith.muli %mul3A_53, %scan3A_52 : i32
      %add3A_55 = arith.constant 0 : i32
      %add3A_56 = arith.addi %mul3A_54, %add3A_55 : i32
      %mul3A_57 = arith.constant 128 : i32
      %mul3A_58 = arith.muli %add3A, %mul3A_57 : i32
      %mul3A_59 = arith.constant 16 : i32
      %mul3A_60 = arith.muli %add3A_56, %mul3A_59 : i32
      %add3A_61 = arith.addi %mul3A_58, %mul3A_60 : i32
      %dma_wait3A = arith.constant 0 : i32
      %dma_wait3A_62 = tpu.memref_slice %arg2[%add3A_61, %dma_wait3A] : memref<4096x112xi32, #tpu.memory_space<hbm>> -> memref<16x112xi32, #tpu.memory_space<hbm>>
      %dma_wait3A_63 = arith.constant 0 : i32
      %dma_wait3A_64 = tpu.memref_slice %arg2[%add3A_61, %dma_wait3A_63] : memref<4096x112xi32, #tpu.memory_space<hbm>> -> memref<16x112xi32, #tpu.memory_space<hbm>>
      tpu.wait_dma2 semaphore(%arg24 : memref<!tpu.dma_semaphore, #tpu.memory_space<semaphore_mem>>) src(%dma_wait3A_64 : memref<16x112xi32, #tpu.memory_space<hbm>>) dst(%arg10 : memref<16x112xi32, #tpu.memory_space<vmem>>)
      %dma_wait3A_65 = arith.constant 0 : i32
      %dma_wait3A_66 = tpu.memref_slice %arg3[%add3A_61, %dma_wait3A_65] : memref<4096x2000xi32, #tpu.memory_space<hbm>> -> memref<16x2000xi32, #tpu.memory_space<hbm>>
      %dma_wait3A_67 = arith.constant 0 : i32
      %dma_wait3A_68 = tpu.memref_slice %arg3[%add3A_61, %dma_wait3A_67] : memref<4096x2000xi32, #tpu.memory_space<hbm>> -> memref<16x2000xi32, #tpu.memory_space<hbm>>
      tpu.wait_dma2 semaphore(%arg24 : memref<!tpu.dma_semaphore, #tpu.memory_space<semaphore_mem>>) src(%dma_wait3A_68 : memref<16x2000xi32, #tpu.memory_space<hbm>>) dst(%arg11 : memref<16x2000xi32, #tpu.memory_space<vmem>>)
      %dma_wait3A_69 = arith.constant 0 : i32
      %dma_wait3A_70 = tpu.memref_slice %arg5[%add3A_61, %dma_wait3A_69] : memref<4096x32xi32, #tpu.memory_space<hbm>> -> memref<16x32xi32, #tpu.memory_space<hbm>>
      %dma_wait3A_71 = arith.constant 0 : i32
      %dma_wait3A_72 = tpu.memref_slice %arg5[%add3A_61, %dma_wait3A_71] : memref<4096x32xi32, #tpu.memory_space<hbm>> -> memref<16x32xi32, #tpu.memory_space<hbm>>
      tpu.wait_dma2 semaphore(%arg24 : memref<!tpu.dma_semaphore, #tpu.memory_space<semaphore_mem>>) src(%dma_wait3A_72 : memref<16x32xi32, #tpu.memory_space<hbm>>) dst(%arg12 : memref<16x32xi32, #tpu.memory_space<vmem>>)
      %dma_wait3A_73 = arith.constant 0 : i32
      %dma_wait3A_74 = tpu.memref_slice %arg6[%add3A_61, %dma_wait3A_73] : memref<4096x32xf32, #tpu.memory_space<hbm>> -> memref<16x32xf32, #tpu.memory_space<hbm>>
      %dma_wait3A_75 = arith.constant 0 : i32
      %dma_wait3A_76 = tpu.memref_slice %arg6[%add3A_61, %dma_wait3A_75] : memref<4096x32xf32, #tpu.memory_space<hbm>> -> memref<16x32xf32, #tpu.memory_space<hbm>>
      tpu.wait_dma2 semaphore(%arg24 : memref<!tpu.dma_semaphore, #tpu.memory_space<semaphore_mem>>) src(%dma_wait3A_76 : memref<16x32xf32, #tpu.memory_space<hbm>>) dst(%arg13 : memref<16x32xf32, #tpu.memory_space<vmem>>)
      %mul3A_77 = arith.constant 128 : i32
      %mul3A_78 = arith.muli %add3A, %mul3A_77 : i32
      %mul3A_79 = arith.constant 16 : i32
      %mul3A_80 = arith.muli %add3A_56, %mul3A_79 : i32
      %add3A_81 = arith.addi %mul3A_78, %mul3A_80 : i32
      %scan3A_82 = arith.constant 0 : i32
      %scan3A_83 = arith.constant 0 : i32
      %scan3A_84 = arith.constant 16 : i32
      %scan3A_85 = arith.addi %scan3A_83, %scan3A_84 : i32
      %scan3A_86 = arith.constant 1 : i32
      scf.for %scan3A_135 = %scan3A_83 to %scan3A_85 step %scan3A_86  : i32 {
        %broadcast_in_dim3A_136 = arith.constant 0.000000e+00 : f32
        %broadcast_in_dim3A_137 = vector.broadcast %broadcast_in_dim3A_136 : f32 to vector<16xf32>
        %swap3A = arith.index_cast %scan3A_135 : i32 to index
        %swap3A_138 = arith.constant 0 : index
        %swap3A_139 = tpu.vector_load %arg19[%swap3A, %swap3A_138] {strides = array<i32>} : memref<16x32xf32, #tpu.memory_space<vmem>>, vector<16xf32>,
        tpu.vector_store %arg19[%swap3A, %swap3A_138], %broadcast_in_dim3A_137 {strides = array<i32>} : memref<16x32xf32, #tpu.memory_space<vmem>>, vector<16xf32>,
        %swap3A_140 = arith.index_cast %scan3A_135 : i32 to index
        %swap3A_141 = arith.constant 16 : index
        %swap3A_142 = tpu.vector_load %arg19[%swap3A_140, %swap3A_141] {strides = array<i32>} : memref<16x32xf32, #tpu.memory_space<vmem>>, vector<16xf32>,
        tpu.vector_store %arg19[%swap3A_140, %swap3A_141], %broadcast_in_dim3A_137 {strides = array<i32>} : memref<16x32xf32, #tpu.memory_space<vmem>>, vector<16xf32>,
        %swap3A_143 = arith.index_cast %scan3A_135 : i32 to index
        %swap3A_144 = arith.constant 0 : index
        %swap3A_145 = tpu.vector_load %arg20[%swap3A_143, %swap3A_144] {strides = array<i32>} : memref<16x32xf32, #tpu.memory_space<vmem>>, vector<16xf32>,
        tpu.vector_store %arg20[%swap3A_143, %swap3A_144], %broadcast_in_dim3A_137 {strides = array<i32>} : memref<16x32xf32, #tpu.memory_space<vmem>>, vector<16xf32>,
        %swap3A_146 = arith.index_cast %scan3A_135 : i32 to index
        %swap3A_147 = arith.constant 16 : index
        %swap3A_148 = tpu.vector_load %arg20[%swap3A_146, %swap3A_147] {strides = array<i32>} : memref<16x32xf32, #tpu.memory_space<vmem>>, vector<16xf32>,
        tpu.vector_store %arg20[%swap3A_146, %swap3A_147], %broadcast_in_dim3A_137 {strides = array<i32>} : memref<16x32xf32, #tpu.memory_space<vmem>>, vector<16xf32>,
        %get3A = arith.index_cast %scan3A_135 : i32 to index
        %get3A_149 = arith.constant 0 : index
        %get3A_150 = tpu.vector_load %arg12[%get3A, %get3A_149] {strides = array<i32>} : memref<16x32xi32, #tpu.memory_space<vmem>>, vector<16xi32>,
        %get3A_151 = arith.index_cast %scan3A_135 : i32 to index
        %get3A_152 = arith.constant 16 : index
        %get3A_153 = tpu.vector_load %arg12[%get3A_151, %get3A_152] {strides = array<i32>} : memref<16x32xi32, #tpu.memory_space<vmem>>, vector<16xi32>,
        %get3A_154 = arith.index_cast %scan3A_135 : i32 to index
        %get3A_155 = arith.constant 0 : index
        %get3A_156 = tpu.vector_load %arg13[%get3A_154, %get3A_155] {strides = array<i32>} : memref<16x32xf32, #tpu.memory_space<vmem>>, vector<16xf32>,
        %get3A_157 = arith.index_cast %scan3A_135 : i32 to index
        %get3A_158 = arith.constant 16 : index
        %get3A_159 = tpu.vector_load %arg13[%get3A_157, %get3A_158] {strides = array<i32>} : memref<16x32xf32, #tpu.memory_space<vmem>>, vector<16xf32>,
        %broadcast_in_dim3A_160 = arith.constant 1.000000e+00 : f32
        %broadcast_in_dim3A_161 = vector.broadcast %broadcast_in_dim3A_160 : f32 to vector<16xf32>
        %and3A = arith.constant 8191 : i32
        %and3A_162 = vector.broadcast %and3A : i32 to vector<16xi32>
        %and3A_163 = arith.andi %get3A_150, %and3A_162 : vector<16xi32>
        %and3A_164 = arith.constant 8191 : i32
        %and3A_165 = vector.broadcast %and3A_164 : i32 to vector<16xi32>
        %and3A_166 = arith.andi %get3A_153, %and3A_165 : vector<16xi32>
        %iota3A = tpu.iota {dimensions = array<i32: 0>} : vector<16xi32>
        %lt3A_167 = arith.constant 4 : i32
        %lt3A_168 = vector.broadcast %lt3A_167 : i32 to vector<16xi32>
        %lt3A_169 = arith.cmpi slt, %iota3A, %lt3A_168 : vector<16xi32>
        tpu.vector_store_idx %arg22[%and3A_163], %get3A_150 : memref<8192xi32, #tpu.memory_space<vmem>>[vector<16xi32>], vector<16xi32>,
        tpu.vector_store_idx %arg23[%and3A_163], %get3A_156 : memref<8192xf32, #tpu.memory_space<vmem>>[vector<16xi32>], vector<16xf32>,
        tpu.vector_store_idx %arg22[%and3A_166], %get3A_153 masked %lt3A_169 : memref<8192xi32, #tpu.memory_space<vmem>>[vector<16xi32>], vector<16xi32>, vector<16xi1>
        tpu.vector_store_idx %arg23[%and3A_166], %get3A_159 masked %lt3A_169 : memref<8192xf32, #tpu.memory_space<vmem>>[vector<16xi32>], vector<16xf32>, vector<16xi1>
        %gather3A = tpu.vector_load_idx %arg22[%and3A_163] : memref<8192xi32, #tpu.memory_space<vmem>>[vector<16xi32>], vector<16xi32>,
        %gather3A_170 = tpu.vector_load_idx %arg23[%and3A_163] : memref<8192xf32, #tpu.memory_space<vmem>>[vector<16xi32>], vector<16xf32>,
        %gather3A_171 = tpu.vector_load_idx %arg22[%and3A_166] : memref<8192xi32, #tpu.memory_space<vmem>>[vector<16xi32>], vector<16xi32>,
        %gather3A_172 = tpu.vector_load_idx %arg23[%and3A_166] : memref<8192xf32, #tpu.memory_space<vmem>>[vector<16xi32>], vector<16xf32>,
        %ne3A = arith.cmpi ne, %gather3A, %get3A_150 : vector<16xi32>
        %ne3A_173 = arith.cmpf one, %gather3A_170, %get3A_156 : vector<16xf32>
        %or3A = arith.ori %ne3A, %ne3A_173 : vector<16xi1>
        %ne3A_174 = arith.cmpi ne, %gather3A_171, %get3A_153 : vector<16xi32>
        %ne3A_175 = arith.cmpf one, %gather3A_172, %get3A_159 : vector<16xf32>
        %or3A_176 = arith.ori %ne3A_174, %ne3A_175 : vector<16xi1>
        %and3A_177 = arith.andi %or3A_176, %lt3A_169 : vector<16xi1>
        %or3A_178 = arith.ori %or3A, %and3A_177 : vector<16xi1>
        %get3A_179 = arith.index_cast %scan3A_135 : i32 to index
        %get3A_180 = arith.constant 0 : index
        %get3A_181 = tpu.vector_load %arg10[%get3A_179, %get3A_180] {strides = array<i32>} : memref<16x112xi32, #tpu.memory_space<vmem>>, vector<16xi32>,
        %and3A_182 = arith.constant 8191 : i32
        %and3A_183 = vector.broadcast %and3A_182 : i32 to vector<16xi32>
        %and3A_184 = arith.andi %get3A_181, %and3A_183 : vector<16xi32>
        %gather3A_185 = tpu.vector_load_idx %arg22[%and3A_184] : memref<8192xi32, #tpu.memory_space<vmem>>[vector<16xi32>], vector<16xi32>,
        %gather3A_186 = tpu.vector_load_idx %arg23[%and3A_184] : memref<8192xf32, #tpu.memory_space<vmem>>[vector<16xi32>], vector<16xf32>,
        %eq3A = arith.cmpi eq, %gather3A_185, %get3A_181 : vector<16xi32>
        %select_n3A = arith.select %eq3A, %gather3A_186, %broadcast_in_dim3A_137 : vector<16xi1>, vector<16xf32>
        %swap3A_187 = arith.index_cast %scan3A_135 : i32 to index
        %swap3A_188 = arith.constant 0 : index
        %swap3A_189 = tpu.vector_load %arg18[%swap3A_187, %swap3A_188] {strides = array<i32>} : memref<16x112xf32, #tpu.memory_space<vmem>>, vector<16xf32>,
        tpu.vector_store %arg18[%swap3A_187, %swap3A_188], %select_n3A {strides = array<i32>} : memref<16x112xf32, #tpu.memory_space<vmem>>, vector<16xf32>,
        %get3A_190 = arith.index_cast %scan3A_135 : i32 to index
        %get3A_191 = arith.constant 16 : index
        %get3A_192 = tpu.vector_load %arg10[%get3A_190, %get3A_191] {strides = array<i32>} : memref<16x112xi32, #tpu.memory_space<vmem>>, vector<16xi32>,
        %and3A_193 = arith.constant 8191 : i32
        %and3A_194 = vector.broadcast %and3A_193 : i32 to vector<16xi32>
        %and3A_195 = arith.andi %get3A_192, %and3A_194 : vector<16xi32>
        %gather3A_196 = tpu.vector_load_idx %arg22[%and3A_195] : memref<8192xi32, #tpu.memory_space<vmem>>[vector<16xi32>], vector<16xi32>,
        %gather3A_197 = tpu.vector_load_idx %arg23[%and3A_195] : memref<8192xf32, #tpu.memory_space<vmem>>[vector<16xi32>], vector<16xf32>,
        %eq3A_198 = arith.cmpi eq, %gather3A_196, %get3A_192 : vector<16xi32>
        %select_n3A_199 = arith.select %eq3A_198, %gather3A_197, %broadcast_in_dim3A_137 : vector<16xi1>, vector<16xf32>
        %swap3A_200 = arith.index_cast %scan3A_135 : i32 to index
        %swap3A_201 = arith.constant 16 : index
        %swap3A_202 = tpu.vector_load %arg18[%swap3A_200, %swap3A_201] {strides = array<i32>} : memref<16x112xf32, #tpu.memory_space<vmem>>, vector<16xf32>,
        tpu.vector_store %arg18[%swap3A_200, %swap3A_201], %select_n3A_199 {strides = array<i32>} : memref<16x112xf32, #tpu.memory_space<vmem>>, vector<16xf32>,
        %get3A_203 = arith.index_cast %scan3A_135 : i32 to index
        %get3A_204 = arith.constant 32 : index
        %get3A_205 = tpu.vector_load %arg10[%get3A_203, %get3A_204] {strides = array<i32>} : memref<16x112xi32, #tpu.memory_space<vmem>>, vector<16xi32>,
        %and3A_206 = arith.constant 8191 : i32
        %and3A_207 = vector.broadcast %and3A_206 : i32 to vector<16xi32>
        %and3A_208 = arith.andi %get3A_205, %and3A_207 : vector<16xi32>
        %gather3A_209 = tpu.vector_load_idx %arg22[%and3A_208] : memref<8192xi32, #tpu.memory_space<vmem>>[vector<16xi32>], vector<16xi32>,
        %gather3A_210 = tpu.vector_load_idx %arg23[%and3A_208] : memref<8192xf32, #tpu.memory_space<vmem>>[vector<16xi32>], vector<16xf32>,
        %eq3A_211 = arith.cmpi eq, %gather3A_209, %get3A_205 : vector<16xi32>
        %select_n3A_212 = arith.select %eq3A_211, %gather3A_210, %broadcast_in_dim3A_137 : vector<16xi1>, vector<16xf32>
        %swap3A_213 = arith.index_cast %scan3A_135 : i32 to index
        %swap3A_214 = arith.constant 32 : index
        %swap3A_215 = tpu.vector_load %arg18[%swap3A_213, %swap3A_214] {strides = array<i32>} : memref<16x112xf32, #tpu.memory_space<vmem>>, vector<16xf32>,
        tpu.vector_store %arg18[%swap3A_213, %swap3A_214], %select_n3A_212 {strides = array<i32>} : memref<16x112xf32, #tpu.memory_space<vmem>>, vector<16xf32>,
        %get3A_216 = arith.index_cast %scan3A_135 : i32 to index
        %get3A_217 = arith.constant 48 : index
        %get3A_218 = tpu.vector_load %arg10[%get3A_216, %get3A_217] {strides = array<i32>} : memref<16x112xi32, #tpu.memory_space<vmem>>, vector<16xi32>,
        %and3A_219 = arith.constant 8191 : i32
        %and3A_220 = vector.broadcast %and3A_219 : i32 to vector<16xi32>
        %and3A_221 = arith.andi %get3A_218, %and3A_220 : vector<16xi32>
        %gather3A_222 = tpu.vector_load_idx %arg22[%and3A_221] : memref<8192xi32, #tpu.memory_space<vmem>>[vector<16xi32>], vector<16xi32>,
        %gather3A_223 = tpu.vector_load_idx %arg23[%and3A_221] : memref<8192xf32, #tpu.memory_space<vmem>>[vector<16xi32>], vector<16xf32>,
        %eq3A_224 = arith.cmpi eq, %gather3A_222, %get3A_218 : vector<16xi32>
        %select_n3A_225 = arith.select %eq3A_224, %gather3A_223, %broadcast_in_dim3A_137 : vector<16xi1>, vector<16xf32>
        %swap3A_226 = arith.index_cast %scan3A_135 : i32 to index
        %swap3A_227 = arith.constant 48 : index
        %swap3A_228 = tpu.vector_load %arg18[%swap3A_226, %swap3A_227] {strides = array<i32>} : memref<16x112xf32, #tpu.memory_space<vmem>>, vector<16xf32>,
        tpu.vector_store %arg18[%swap3A_226, %swap3A_227], %select_n3A_225 {strides = array<i32>} : memref<16x112xf32, #tpu.memory_space<vmem>>, vector<16xf32>,
        %get3A_229 = arith.index_cast %scan3A_135 : i32 to index
        %get3A_230 = arith.constant 64 : index
        %get3A_231 = tpu.vector_load %arg10[%get3A_229, %get3A_230] {strides = array<i32>} : memref<16x112xi32, #tpu.memory_space<vmem>>, vector<16xi32>,
        %and3A_232 = arith.constant 8191 : i32
        %and3A_233 = vector.broadcast %and3A_232 : i32 to vector<16xi32>
        %and3A_234 = arith.andi %get3A_231, %and3A_233 : vector<16xi32>
        %gather3A_235 = tpu.vector_load_idx %arg22[%and3A_234] : memref<8192xi32, #tpu.memory_space<vmem>>[vector<16xi32>], vector<16xi32>,
        %gather3A_236 = tpu.vector_load_idx %arg23[%and3A_234] : memref<8192xf32, #tpu.memory_space<vmem>>[vector<16xi32>], vector<16xf32>,
        %eq3A_237 = arith.cmpi eq, %gather3A_235, %get3A_231 : vector<16xi32>
        %select_n3A_238 = arith.select %eq3A_237, %gather3A_236, %broadcast_in_dim3A_137 : vector<16xi1>, vector<16xf32>
        %swap3A_239 = arith.index_cast %scan3A_135 : i32 to index
        %swap3A_240 = arith.constant 64 : index
        %swap3A_241 = tpu.vector_load %arg18[%swap3A_239, %swap3A_240] {strides = array<i32>} : memref<16x112xf32, #tpu.memory_space<vmem>>, vector<16xf32>,
        tpu.vector_store %arg18[%swap3A_239, %swap3A_240], %select_n3A_238 {strides = array<i32>} : memref<16x112xf32, #tpu.memory_space<vmem>>, vector<16xf32>,
        %get3A_242 = arith.index_cast %scan3A_135 : i32 to index
        %get3A_243 = arith.constant 80 : index
        %get3A_244 = tpu.vector_load %arg10[%get3A_242, %get3A_243] {strides = array<i32>} : memref<16x112xi32, #tpu.memory_space<vmem>>, vector<16xi32>,
        %and3A_245 = arith.constant 8191 : i32
        %and3A_246 = vector.broadcast %and3A_245 : i32 to vector<16xi32>
        %and3A_247 = arith.andi %get3A_244, %and3A_246 : vector<16xi32>
        %gather3A_248 = tpu.vector_load_idx %arg22[%and3A_247] : memref<8192xi32, #tpu.memory_space<vmem>>[vector<16xi32>], vector<16xi32>,
        %gather3A_249 = tpu.vector_load_idx %arg23[%and3A_247] : memref<8192xf32, #tpu.memory_space<vmem>>[vector<16xi32>], vector<16xf32>,
        %eq3A_250 = arith.cmpi eq, %gather3A_248, %get3A_244 : vector<16xi32>
        %select_n3A_251 = arith.select %eq3A_250, %gather3A_249, %broadcast_in_dim3A_137 : vector<16xi1>, vector<16xf32>
        %swap3A_252 = arith.index_cast %scan3A_135 : i32 to index
        %swap3A_253 = arith.constant 80 : index
        %swap3A_254 = tpu.vector_load %arg18[%swap3A_252, %swap3A_253] {strides = array<i32>} : memref<16x112xf32, #tpu.memory_space<vmem>>, vector<16xf32>,
        tpu.vector_store %arg18[%swap3A_252, %swap3A_253], %select_n3A_251 {strides = array<i32>} : memref<16x112xf32, #tpu.memory_space<vmem>>, vector<16xf32>,
        %get3A_255 = arith.index_cast %scan3A_135 : i32 to index
        %get3A_256 = arith.constant 96 : index
        %get3A_257 = tpu.vector_load %arg10[%get3A_255, %get3A_256] {strides = array<i32>} : memref<16x112xi32, #tpu.memory_space<vmem>>, vector<16xi32>,
        %and3A_258 = arith.constant 8191 : i32
        %and3A_259 = vector.broadcast %and3A_258 : i32 to vector<16xi32>
        %and3A_260 = arith.andi %get3A_257, %and3A_259 : vector<16xi32>
        %gather3A_261 = tpu.vector_load_idx %arg22[%and3A_260] : memref<8192xi32, #tpu.memory_space<vmem>>[vector<16xi32>], vector<16xi32>,
        %gather3A_262 = tpu.vector_load_idx %arg23[%and3A_260] : memref<8192xf32, #tpu.memory_space<vmem>>[vector<16xi32>], vector<16xf32>,
        %eq3A_263 = arith.cmpi eq, %gather3A_261, %get3A_257 : vector<16xi32>
        %select_n3A_264 = arith.select %eq3A_263, %gather3A_262, %broadcast_in_dim3A_137 : vector<16xi1>, vector<16xf32>
        %swap3A_265 = arith.index_cast %scan3A_135 : i32 to index
        %swap3A_266 = arith.constant 96 : index
        %swap3A_267 = tpu.vector_load %arg18[%swap3A_265, %swap3A_266] {strides = array<i32>} : memref<16x112xf32, #tpu.memory_space<vmem>>, vector<16xf32>,
        tpu.vector_store %arg18[%swap3A_265, %swap3A_266], %select_n3A_264 {strides = array<i32>} : memref<16x112xf32, #tpu.memory_space<vmem>>, vector<16xf32>,
        %broadcast_in_dim3A_268 = arith.constant false
        %broadcast_in_dim3A_269 = vector.broadcast %broadcast_in_dim3A_268 : i1 to vector<16xi1>
        %scan3A_270 = arith.constant 0 : i32
        %scan3A_271 = arith.constant 5 : i32
        %scan3A_272 = arith.addi %scan3A_270, %scan3A_271 : i32
        %scan3A_273 = arith.constant 1 : i32
        %scan3A_274 = scf.for %scan3A_291 = %scan3A_270 to %scan3A_272 step %scan3A_273 iter_args(%scan3A_292 = %broadcast_in_dim3A_269) -> (vector<16xi1>)  : i32 {
          %mul3A_293 = arith.constant 25 : i32
          %mul3A_294 = arith.muli %scan3A_291, %mul3A_293 : i32
          %add3A_295 = arith.constant 0 : i32
          %add3A_296 = arith.addi %mul3A_294, %add3A_295 : i32
          %mul3A_297 = arith.constant 16 : i32
          %mul3A_298 = arith.muli %add3A_296, %mul3A_297 : i32
          %get3A_299 = arith.index_cast %scan3A_135 : i32 to index
          %get3A_300 = arith.index_cast %mul3A_298 : i32 to index
          %get3A_301 = tpu.vector_load %arg11[%get3A_299, %get3A_300] {strides = array<i32>} : memref<16x2000xi32, #tpu.memory_space<vmem>>, vector<16xi32>,
          %and3A_302 = arith.constant 8191 : i32
          %and3A_303 = vector.broadcast %and3A_302 : i32 to vector<16xi32>
          %and3A_304 = arith.andi %get3A_301, %and3A_303 : vector<16xi32>
          %gather3A_305 = tpu.vector_load_idx %arg22[%and3A_304] : memref<8192xi32, #tpu.memory_space<vmem>>[vector<16xi32>], vector<16xi32>,
          %eq3A_306 = arith.cmpi eq, %gather3A_305, %get3A_301 : vector<16xi32>
          %or3A_307 = arith.ori %scan3A_292, %eq3A_306 : vector<16xi1>
          %mul3A_308 = arith.constant 25 : i32
          %mul3A_309 = arith.muli %scan3A_291, %mul3A_308 : i32
          %add3A_310 = arith.constant 1 : i32
          %add3A_311 = arith.addi %mul3A_309, %add3A_310 : i32
          %mul3A_312 = arith.constant 16 : i32
          %mul3A_313 = arith.muli %add3A_311, %mul3A_312 : i32
          %get3A_314 = arith.index_cast %scan3A_135 : i32 to index
          %get3A_315 = arith.index_cast %mul3A_313 : i32 to index
          %get3A_316 = tpu.vector_load %arg11[%get3A_314, %get3A_315] {strides = array<i32>} : memref<16x2000xi32, #tpu.memory_space<vmem>>, vector<16xi32>,
          %and3A_317 = arith.constant 8191 : i32
          %and3A_318 = vector.broadcast %and3A_317 : i32 to vector<16xi32>
          %and3A_319 = arith.andi %get3A_316, %and3A_318 : vector<16xi32>
          %gather3A_320 = tpu.vector_load_idx %arg22[%and3A_319] : memref<8192xi32, #tpu.memory_space<vmem>>[vector<16xi32>], vector<16xi32>,
          %eq3A_321 = arith.cmpi eq, %gather3A_320, %get3A_316 : vector<16xi32>
          %or3A_322 = arith.ori %or3A_307, %eq3A_321 : vector<16xi1>
          %mul3A_323 = arith.constant 25 : i32
          %mul3A_324 = arith.muli %scan3A_291, %mul3A_323 : i32
          %add3A_325 = arith.constant 2 : i32
          %add3A_326 = arith.addi %mul3A_324, %add3A_325 : i32
          %mul3A_327 = arith.constant 16 : i32
          %mul3A_328 = arith.muli %add3A_326, %mul3A_327 : i32
          %get3A_329 = arith.index_cast %scan3A_135 : i32 to index
          %get3A_330 = arith.index_cast %mul3A_328 : i32 to index
          %get3A_331 = tpu.vector_load %arg11[%get3A_329, %get3A_330] {strides = array<i32>} : memref<16x2000xi32, #tpu.memory_space<vmem>>, vector<16xi32>,
          %and3A_332 = arith.constant 8191 : i32
          %and3A_333 = vector.broadcast %and3A_332 : i32 to vector<16xi32>
          %and3A_334 = arith.andi %get3A_331, %and3A_333 : vector<16xi32>
          %gather3A_335 = tpu.vector_load_idx %arg22[%and3A_334] : memref<8192xi32, #tpu.memory_space<vmem>>[vector<16xi32>], vector<16xi32>,
          %eq3A_336 = arith.cmpi eq, %gather3A_335, %get3A_331 : vector<16xi32>
          %or3A_337 = arith.ori %or3A_322, %eq3A_336 : vector<16xi1>
          %mul3A_338 = arith.constant 25 : i32
          %mul3A_339 = arith.muli %scan3A_291, %mul3A_338 : i32
          %add3A_340 = arith.constant 3 : i32
          %add3A_341 = arith.addi %mul3A_339, %add3A_340 : i32
          %mul3A_342 = arith.constant 16 : i32
          %mul3A_343 = arith.muli %add3A_341, %mul3A_342 : i32
          %get3A_344 = arith.index_cast %scan3A_135 : i32 to index
          %get3A_345 = arith.index_cast %mul3A_343 : i32 to index
          %get3A_346 = tpu.vector_load %arg11[%get3A_344, %get3A_345] {strides = array<i32>} : memref<16x2000xi32, #tpu.memory_space<vmem>>, vector<16xi32>,
          %and3A_347 = arith.constant 8191 : i32
          %and3A_348 = vector.broadcast %and3A_347 : i32 to vector<16xi32>
          %and3A_349 = arith.andi %get3A_346, %and3A_348 : vector<16xi32>
          %gather3A_350 = tpu.vector_load_idx %arg22[%and3A_349] : memref<8192xi32, #tpu.memory_space<vmem>>[vector<16xi32>], vector<16xi32>,
          %eq3A_351 = arith.cmpi eq, %gather3A_350, %get3A_346 : vector<16xi32>
          %or3A_352 = arith.ori %or3A_337, %eq3A_351 : vector<16xi1>
          %mul3A_353 = arith.constant 25 : i32
          %mul3A_354 = arith.muli %scan3A_291, %mul3A_353 : i32
          %add3A_355 = arith.constant 4 : i32
          %add3A_356 = arith.addi %mul3A_354, %add3A_355 : i32
          %mul3A_357 = arith.constant 16 : i32
          %mul3A_358 = arith.muli %add3A_356, %mul3A_357 : i32
          %get3A_359 = arith.index_cast %scan3A_135 : i32 to index
          %get3A_360 = arith.index_cast %mul3A_358 : i32 to index
          %get3A_361 = tpu.vector_load %arg11[%get3A_359, %get3A_360] {strides = array<i32>} : memref<16x2000xi32, #tpu.memory_space<vmem>>, vector<16xi32>,
          %and3A_362 = arith.constant 8191 : i32
          %and3A_363 = vector.broadcast %and3A_362 : i32 to vector<16xi32>
          %and3A_364 = arith.andi %get3A_361, %and3A_363 : vector<16xi32>
          %gather3A_365 = tpu.vector_load_idx %arg22[%and3A_364] : memref<8192xi32, #tpu.memory_space<vmem>>[vector<16xi32>], vector<16xi32>,
          %eq3A_366 = arith.cmpi eq, %gather3A_365, %get3A_361 : vector<16xi32>
          %or3A_367 = arith.ori %or3A_352, %eq3A_366 : vector<16xi1>
          %mul3A_368 = arith.constant 25 : i32
          %mul3A_369 = arith.muli %scan3A_291, %mul3A_368 : i32
          %add3A_370 = arith.constant 5 : i32
          %add3A_371 = arith.addi %mul3A_369, %add3A_370 : i32
          %mul3A_372 = arith.constant 16 : i32
          %mul3A_373 = arith.muli %add3A_371, %mul3A_372 : i32
          %get3A_374 = arith.index_cast %scan3A_135 : i32 to index
          %get3A_375 = arith.index_cast %mul3A_373 : i32 to index
          %get3A_376 = tpu.vector_load %arg11[%get3A_374, %get3A_375] {strides = array<i32>} : memref<16x2000xi32, #tpu.memory_space<vmem>>, vector<16xi32>,
          %and3A_377 = arith.constant 8191 : i32
          %and3A_378 = vector.broadcast %and3A_377 : i32 to vector<16xi32>
          %and3A_379 = arith.andi %get3A_376, %and3A_378 : vector<16xi32>
          %gather3A_380 = tpu.vector_load_idx %arg22[%and3A_379] : memref<8192xi32, #tpu.memory_space<vmem>>[vector<16xi32>], vector<16xi32>,
          %eq3A_381 = arith.cmpi eq, %gather3A_380, %get3A_376 : vector<16xi32>
          %or3A_382 = arith.ori %or3A_367, %eq3A_381 : vector<16xi1>
          %mul3A_383 = arith.constant 25 : i32
          %mul3A_384 = arith.muli %scan3A_291, %mul3A_383 : i32
          %add3A_385 = arith.constant 6 : i32
          %add3A_386 = arith.addi %mul3A_384, %add3A_385 : i32
          %mul3A_387 = arith.constant 16 : i32
          %mul3A_388 = arith.muli %add3A_386, %mul3A_387 : i32
          %get3A_389 = arith.index_cast %scan3A_135 : i32 to index
          %get3A_390 = arith.index_cast %mul3A_388 : i32 to index
          %get3A_391 = tpu.vector_load %arg11[%get3A_389, %get3A_390] {strides = array<i32>} : memref<16x2000xi32, #tpu.memory_space<vmem>>, vector<16xi32>,
          %and3A_392 = arith.constant 8191 : i32
          %and3A_393 = vector.broadcast %and3A_392 : i32 to vector<16xi32>
          %and3A_394 = arith.andi %get3A_391, %and3A_393 : vector<16xi32>
          %gather3A_395 = tpu.vector_load_idx %arg22[%and3A_394] : memref<8192xi32, #tpu.memory_space<vmem>>[vector<16xi32>], vector<16xi32>,
          %eq3A_396 = arith.cmpi eq, %gather3A_395, %get3A_391 : vector<16xi32>
          %or3A_397 = arith.ori %or3A_382, %eq3A_396 : vector<16xi1>
          %mul3A_398 = arith.constant 25 : i32
          %mul3A_399 = arith.muli %scan3A_291, %mul3A_398 : i32
          %add3A_400 = arith.constant 7 : i32
          %add3A_401 = arith.addi %mul3A_399, %add3A_400 : i32
          %mul3A_402 = arith.constant 16 : i32
          %mul3A_403 = arith.muli %add3A_401, %mul3A_402 : i32
          %get3A_404 = arith.index_cast %scan3A_135 : i32 to index
          %get3A_405 = arith.index_cast %mul3A_403 : i32 to index
          %get3A_406 = tpu.vector_load %arg11[%get3A_404, %get3A_405] {strides = array<i32>} : memref<16x2000xi32, #tpu.memory_space<vmem>>, vector<16xi32>,
          %and3A_407 = arith.constant 8191 : i32
          %and3A_408 = vector.broadcast %and3A_407 : i32 to vector<16xi32>
          %and3A_409 = arith.andi %get3A_406, %and3A_408 : vector<16xi32>
          %gather3A_410 = tpu.vector_load_idx %arg22[%and3A_409] : memref<8192xi32, #tpu.memory_space<vmem>>[vector<16xi32>], vector<16xi32>,
          %eq3A_411 = arith.cmpi eq, %gather3A_410, %get3A_406 : vector<16xi32>
          %or3A_412 = arith.ori %or3A_397, %eq3A_411 : vector<16xi1>
          %mul3A_413 = arith.constant 25 : i32
          %mul3A_414 = arith.muli %scan3A_291, %mul3A_413 : i32
          %add3A_415 = arith.constant 8 : i32
          %add3A_416 = arith.addi %mul3A_414, %add3A_415 : i32
          %mul3A_417 = arith.constant 16 : i32
          %mul3A_418 = arith.muli %add3A_416, %mul3A_417 : i32
          %get3A_419 = arith.index_cast %scan3A_135 : i32 to index
          %get3A_420 = arith.index_cast %mul3A_418 : i32 to index
          %get3A_421 = tpu.vector_load %arg11[%get3A_419, %get3A_420] {strides = array<i32>} : memref<16x2000xi32, #tpu.memory_space<vmem>>, vector<16xi32>,
          %and3A_422 = arith.constant 8191 : i32
          %and3A_423 = vector.broadcast %and3A_422 : i32 to vector<16xi32>
          %and3A_424 = arith.andi %get3A_421, %and3A_423 : vector<16xi32>
          %gather3A_425 = tpu.vector_load_idx %arg22[%and3A_424] : memref<8192xi32, #tpu.memory_space<vmem>>[vector<16xi32>], vector<16xi32>,
          %eq3A_426 = arith.cmpi eq, %gather3A_425, %get3A_421 : vector<16xi32>
          %or3A_427 = arith.ori %or3A_412, %eq3A_426 : vector<16xi1>
          %mul3A_428 = arith.constant 25 : i32
          %mul3A_429 = arith.muli %scan3A_291, %mul3A_428 : i32
          %add3A_430 = arith.constant 9 : i32
          %add3A_431 = arith.addi %mul3A_429, %add3A_430 : i32
          %mul3A_432 = arith.constant 16 : i32
          %mul3A_433 = arith.muli %add3A_431, %mul3A_432 : i32
          %get3A_434 = arith.index_cast %scan3A_135 : i32 to index
          %get3A_435 = arith.index_cast %mul3A_433 : i32 to index
          %get3A_436 = tpu.vector_load %arg11[%get3A_434, %get3A_435] {strides = array<i32>} : memref<16x2000xi32, #tpu.memory_space<vmem>>, vector<16xi32>,
          %and3A_437 = arith.constant 8191 : i32
          %and3A_438 = vector.broadcast %and3A_437 : i32 to vector<16xi32>
          %and3A_439 = arith.andi %get3A_436, %and3A_438 : vector<16xi32>
          %gather3A_440 = tpu.vector_load_idx %arg22[%and3A_439] : memref<8192xi32, #tpu.memory_space<vmem>>[vector<16xi32>], vector<16xi32>,
          %eq3A_441 = arith.cmpi eq, %gather3A_440, %get3A_436 : vector<16xi32>
          %or3A_442 = arith.ori %or3A_427, %eq3A_441 : vector<16xi1>
          %mul3A_443 = arith.constant 25 : i32
          %mul3A_444 = arith.muli %scan3A_291, %mul3A_443 : i32
          %add3A_445 = arith.constant 10 : i32
          %add3A_446 = arith.addi %mul3A_444, %add3A_445 : i32
          %mul3A_447 = arith.constant 16 : i32
          %mul3A_448 = arith.muli %add3A_446, %mul3A_447 : i32
          %get3A_449 = arith.index_cast %scan3A_135 : i32 to index
          %get3A_450 = arith.index_cast %mul3A_448 : i32 to index
          %get3A_451 = tpu.vector_load %arg11[%get3A_449, %get3A_450] {strides = array<i32>} : memref<16x2000xi32, #tpu.memory_space<vmem>>, vector<16xi32>,
          %and3A_452 = arith.constant 8191 : i32
          %and3A_453 = vector.broadcast %and3A_452 : i32 to vector<16xi32>
          %and3A_454 = arith.andi %get3A_451, %and3A_453 : vector<16xi32>
          %gather3A_455 = tpu.vector_load_idx %arg22[%and3A_454] : memref<8192xi32, #tpu.memory_space<vmem>>[vector<16xi32>], vector<16xi32>,
          %eq3A_456 = arith.cmpi eq, %gather3A_455, %get3A_451 : vector<16xi32>
          %or3A_457 = arith.ori %or3A_442, %eq3A_456 : vector<16xi1>
          %mul3A_458 = arith.constant 25 : i32
          %mul3A_459 = arith.muli %scan3A_291, %mul3A_458 : i32
          %add3A_460 = arith.constant 11 : i32
          %add3A_461 = arith.addi %mul3A_459, %add3A_460 : i32
          %mul3A_462 = arith.constant 16 : i32
          %mul3A_463 = arith.muli %add3A_461, %mul3A_462 : i32
          %get3A_464 = arith.index_cast %scan3A_135 : i32 to index
          %get3A_465 = arith.index_cast %mul3A_463 : i32 to index
          %get3A_466 = tpu.vector_load %arg11[%get3A_464, %get3A_465] {strides = array<i32>} : memref<16x2000xi32, #tpu.memory_space<vmem>>, vector<16xi32>,
          %and3A_467 = arith.constant 8191 : i32
          %and3A_468 = vector.broadcast %and3A_467 : i32 to vector<16xi32>
          %and3A_469 = arith.andi %get3A_466, %and3A_468 : vector<16xi32>
          %gather3A_470 = tpu.vector_load_idx %arg22[%and3A_469] : memref<8192xi32, #tpu.memory_space<vmem>>[vector<16xi32>], vector<16xi32>,
          %eq3A_471 = arith.cmpi eq, %gather3A_470, %get3A_466 : vector<16xi32>
          %or3A_472 = arith.ori %or3A_457, %eq3A_471 : vector<16xi1>
          %mul3A_473 = arith.constant 25 : i32
          %mul3A_474 = arith.muli %scan3A_291, %mul3A_473 : i32
          %add3A_475 = arith.constant 12 : i32
          %add3A_476 = arith.addi %mul3A_474, %add3A_475 : i32
          %mul3A_477 = arith.constant 16 : i32
          %mul3A_478 = arith.muli %add3A_476, %mul3A_477 : i32
          %get3A_479 = arith.index_cast %scan3A_135 : i32 to index
          %get3A_480 = arith.index_cast %mul3A_478 : i32 to index
          %get3A_481 = tpu.vector_load %arg11[%get3A_479, %get3A_480] {strides = array<i32>} : memref<16x2000xi32, #tpu.memory_space<vmem>>, vector<16xi32>,
          %and3A_482 = arith.constant 8191 : i32
          %and3A_483 = vector.broadcast %and3A_482 : i32 to vector<16xi32>
          %and3A_484 = arith.andi %get3A_481, %and3A_483 : vector<16xi32>
          %gather3A_485 = tpu.vector_load_idx %arg22[%and3A_484] : memref<8192xi32, #tpu.memory_space<vmem>>[vector<16xi32>], vector<16xi32>,
          %eq3A_486 = arith.cmpi eq, %gather3A_485, %get3A_481 : vector<16xi32>
          %or3A_487 = arith.ori %or3A_472, %eq3A_486 : vector<16xi1>
          %mul3A_488 = arith.constant 25 : i32
          %mul3A_489 = arith.muli %scan3A_291, %mul3A_488 : i32
          %add3A_490 = arith.constant 13 : i32
          %add3A_491 = arith.addi %mul3A_489, %add3A_490 : i32
          %mul3A_492 = arith.constant 16 : i32
          %mul3A_493 = arith.muli %add3A_491, %mul3A_492 : i32
          %get3A_494 = arith.index_cast %scan3A_135 : i32 to index
          %get3A_495 = arith.index_cast %mul3A_493 : i32 to index
          %get3A_496 = tpu.vector_load %arg11[%get3A_494, %get3A_495] {strides = array<i32>} : memref<16x2000xi32, #tpu.memory_space<vmem>>, vector<16xi32>,
          %and3A_497 = arith.constant 8191 : i32
          %and3A_498 = vector.broadcast %and3A_497 : i32 to vector<16xi32>
          %and3A_499 = arith.andi %get3A_496, %and3A_498 : vector<16xi32>
          %gather3A_500 = tpu.vector_load_idx %arg22[%and3A_499] : memref<8192xi32, #tpu.memory_space<vmem>>[vector<16xi32>], vector<16xi32>,
          %eq3A_501 = arith.cmpi eq, %gather3A_500, %get3A_496 : vector<16xi32>
          %or3A_502 = arith.ori %or3A_487, %eq3A_501 : vector<16xi1>
          %mul3A_503 = arith.constant 25 : i32
          %mul3A_504 = arith.muli %scan3A_291, %mul3A_503 : i32
          %add3A_505 = arith.constant 14 : i32
          %add3A_506 = arith.addi %mul3A_504, %add3A_505 : i32
          %mul3A_507 = arith.constant 16 : i32
          %mul3A_508 = arith.muli %add3A_506, %mul3A_507 : i32
          %get3A_509 = arith.index_cast %scan3A_135 : i32 to index
          %get3A_510 = arith.index_cast %mul3A_508 : i32 to index
          %get3A_511 = tpu.vector_load %arg11[%get3A_509, %get3A_510] {strides = array<i32>} : memref<16x2000xi32, #tpu.memory_space<vmem>>, vector<16xi32>,
          %and3A_512 = arith.constant 8191 : i32
          %and3A_513 = vector.broadcast %and3A_512 : i32 to vector<16xi32>
          %and3A_514 = arith.andi %get3A_511, %and3A_513 : vector<16xi32>
          %gather3A_515 = tpu.vector_load_idx %arg22[%and3A_514] : memref<8192xi32, #tpu.memory_space<vmem>>[vector<16xi32>], vector<16xi32>,
          %eq3A_516 = arith.cmpi eq, %gather3A_515, %get3A_511 : vector<16xi32>
          %or3A_517 = arith.ori %or3A_502, %eq3A_516 : vector<16xi1>
          %mul3A_518 = arith.constant 25 : i32
          %mul3A_519 = arith.muli %scan3A_291, %mul3A_518 : i32
          %add3A_520 = arith.constant 15 : i32
          %add3A_521 = arith.addi %mul3A_519, %add3A_520 : i32
          %mul3A_522 = arith.constant 16 : i32
          %mul3A_523 = arith.muli %add3A_521, %mul3A_522 : i32
          %get3A_524 = arith.index_cast %scan3A_135 : i32 to index
          %get3A_525 = arith.index_cast %mul3A_523 : i32 to index
          %get3A_526 = tpu.vector_load %arg11[%get3A_524, %get3A_525] {strides = array<i32>} : memref<16x2000xi32, #tpu.memory_space<vmem>>, vector<16xi32>,
          %and3A_527 = arith.constant 8191 : i32
          %and3A_528 = vector.broadcast %and3A_527 : i32 to vector<16xi32>
          %and3A_529 = arith.andi %get3A_526, %and3A_528 : vector<16xi32>
          %gather3A_530 = tpu.vector_load_idx %arg22[%and3A_529] : memref<8192xi32, #tpu.memory_space<vmem>>[vector<16xi32>], vector<16xi32>,
          %eq3A_531 = arith.cmpi eq, %gather3A_530, %get3A_526 : vector<16xi32>
          %or3A_532 = arith.ori %or3A_517, %eq3A_531 : vector<16xi1>
          %mul3A_533 = arith.constant 25 : i32
          %mul3A_534 = arith.muli %scan3A_291, %mul3A_533 : i32
          %add3A_535 = arith.constant 16 : i32
          %add3A_536 = arith.addi %mul3A_534, %add3A_535 : i32
          %mul3A_537 = arith.constant 16 : i32
          %mul3A_538 = arith.muli %add3A_536, %mul3A_537 : i32
          %get3A_539 = arith.index_cast %scan3A_135 : i32 to index
          %get3A_540 = arith.index_cast %mul3A_538 : i32 to index
          %get3A_541 = tpu.vector_load %arg11[%get3A_539, %get3A_540] {strides = array<i32>} : memref<16x2000xi32, #tpu.memory_space<vmem>>, vector<16xi32>,
          %and3A_542 = arith.constant 8191 : i32
          %and3A_543 = vector.broadcast %and3A_542 : i32 to vector<16xi32>
          %and3A_544 = arith.andi %get3A_541, %and3A_543 : vector<16xi32>
          %gather3A_545 = tpu.vector_load_idx %arg22[%and3A_544] : memref<8192xi32, #tpu.memory_space<vmem>>[vector<16xi32>], vector<16xi32>,
          %eq3A_546 = arith.cmpi eq, %gather3A_545, %get3A_541 : vector<16xi32>
          %or3A_547 = arith.ori %or3A_532, %eq3A_546 : vector<16xi1>
          %mul3A_548 = arith.constant 25 : i32
          %mul3A_549 = arith.muli %scan3A_291, %mul3A_548 : i32
          %add3A_550 = arith.constant 17 : i32
          %add3A_551 = arith.addi %mul3A_549, %add3A_550 : i32
          %mul3A_552 = arith.constant 16 : i32
          %mul3A_553 = arith.muli %add3A_551, %mul3A_552 : i32
          %get3A_554 = arith.index_cast %scan3A_135 : i32 to index
          %get3A_555 = arith.index_cast %mul3A_553 : i32 to index
          %get3A_556 = tpu.vector_load %arg11[%get3A_554, %get3A_555] {strides = array<i32>} : memref<16x2000xi32, #tpu.memory_space<vmem>>, vector<16xi32>,
          %and3A_557 = arith.constant 8191 : i32
          %and3A_558 = vector.broadcast %and3A_557 : i32 to vector<16xi32>
          %and3A_559 = arith.andi %get3A_556, %and3A_558 : vector<16xi32>
          %gather3A_560 = tpu.vector_load_idx %arg22[%and3A_559] : memref<8192xi32, #tpu.memory_space<vmem>>[vector<16xi32>], vector<16xi32>,
          %eq3A_561 = arith.cmpi eq, %gather3A_560, %get3A_556 : vector<16xi32>
          %or3A_562 = arith.ori %or3A_547, %eq3A_561 : vector<16xi1>
          %mul3A_563 = arith.constant 25 : i32
          %mul3A_564 = arith.muli %scan3A_291, %mul3A_563 : i32
          %add3A_565 = arith.constant 18 : i32
          %add3A_566 = arith.addi %mul3A_564, %add3A_565 : i32
          %mul3A_567 = arith.constant 16 : i32
          %mul3A_568 = arith.muli %add3A_566, %mul3A_567 : i32
          %get3A_569 = arith.index_cast %scan3A_135 : i32 to index
          %get3A_570 = arith.index_cast %mul3A_568 : i32 to index
          %get3A_571 = tpu.vector_load %arg11[%get3A_569, %get3A_570] {strides = array<i32>} : memref<16x2000xi32, #tpu.memory_space<vmem>>, vector<16xi32>,
          %and3A_572 = arith.constant 8191 : i32
          %and3A_573 = vector.broadcast %and3A_572 : i32 to vector<16xi32>
          %and3A_574 = arith.andi %get3A_571, %and3A_573 : vector<16xi32>
          %gather3A_575 = tpu.vector_load_idx %arg22[%and3A_574] : memref<8192xi32, #tpu.memory_space<vmem>>[vector<16xi32>], vector<16xi32>,
          %eq3A_576 = arith.cmpi eq, %gather3A_575, %get3A_571 : vector<16xi32>
          %or3A_577 = arith.ori %or3A_562, %eq3A_576 : vector<16xi1>
          %mul3A_578 = arith.constant 25 : i32
          %mul3A_579 = arith.muli %scan3A_291, %mul3A_578 : i32
          %add3A_580 = arith.constant 19 : i32
          %add3A_581 = arith.addi %mul3A_579, %add3A_580 : i32
          %mul3A_582 = arith.constant 16 : i32
          %mul3A_583 = arith.muli %add3A_581, %mul3A_582 : i32
          %get3A_584 = arith.index_cast %scan3A_135 : i32 to index
          %get3A_585 = arith.index_cast %mul3A_583 : i32 to index
          %get3A_586 = tpu.vector_load %arg11[%get3A_584, %get3A_585] {strides = array<i32>} : memref<16x2000xi32, #tpu.memory_space<vmem>>, vector<16xi32>,
          %and3A_587 = arith.constant 8191 : i32
          %and3A_588 = vector.broadcast %and3A_587 : i32 to vector<16xi32>
          %and3A_589 = arith.andi %get3A_586, %and3A_588 : vector<16xi32>
          %gather3A_590 = tpu.vector_load_idx %arg22[%and3A_589] : memref<8192xi32, #tpu.memory_space<vmem>>[vector<16xi32>], vector<16xi32>,
          %eq3A_591 = arith.cmpi eq, %gather3A_590, %get3A_586 : vector<16xi32>
          %or3A_592 = arith.ori %or3A_577, %eq3A_591 : vector<16xi1>
          %mul3A_593 = arith.constant 25 : i32
          %mul3A_594 = arith.muli %scan3A_291, %mul3A_593 : i32
          %add3A_595 = arith.constant 20 : i32
          %add3A_596 = arith.addi %mul3A_594, %add3A_595 : i32
          %mul3A_597 = arith.constant 16 : i32
          %mul3A_598 = arith.muli %add3A_596, %mul3A_597 : i32
          %get3A_599 = arith.index_cast %scan3A_135 : i32 to index
          %get3A_600 = arith.index_cast %mul3A_598 : i32 to index
          %get3A_601 = tpu.vector_load %arg11[%get3A_599, %get3A_600] {strides = array<i32>} : memref<16x2000xi32, #tpu.memory_space<vmem>>, vector<16xi32>,
          %and3A_602 = arith.constant 8191 : i32
          %and3A_603 = vector.broadcast %and3A_602 : i32 to vector<16xi32>
          %and3A_604 = arith.andi %get3A_601, %and3A_603 : vector<16xi32>
          %gather3A_605 = tpu.vector_load_idx %arg22[%and3A_604] : memref<8192xi32, #tpu.memory_space<vmem>>[vector<16xi32>], vector<16xi32>,
          %eq3A_606 = arith.cmpi eq, %gather3A_605, %get3A_601 : vector<16xi32>
          %or3A_607 = arith.ori %or3A_592, %eq3A_606 : vector<16xi1>
          %mul3A_608 = arith.constant 25 : i32
          %mul3A_609 = arith.muli %scan3A_291, %mul3A_608 : i32
          %add3A_610 = arith.constant 21 : i32
          %add3A_611 = arith.addi %mul3A_609, %add3A_610 : i32
          %mul3A_612 = arith.constant 16 : i32
          %mul3A_613 = arith.muli %add3A_611, %mul3A_612 : i32
          %get3A_614 = arith.index_cast %scan3A_135 : i32 to index
          %get3A_615 = arith.index_cast %mul3A_613 : i32 to index
          %get3A_616 = tpu.vector_load %arg11[%get3A_614, %get3A_615] {strides = array<i32>} : memref<16x2000xi32, #tpu.memory_space<vmem>>, vector<16xi32>,
          %and3A_617 = arith.constant 8191 : i32
          %and3A_618 = vector.broadcast %and3A_617 : i32 to vector<16xi32>
          %and3A_619 = arith.andi %get3A_616, %and3A_618 : vector<16xi32>
          %gather3A_620 = tpu.vector_load_idx %arg22[%and3A_619] : memref<8192xi32, #tpu.memory_space<vmem>>[vector<16xi32>], vector<16xi32>,
          %eq3A_621 = arith.cmpi eq, %gather3A_620, %get3A_616 : vector<16xi32>
          %or3A_622 = arith.ori %or3A_607, %eq3A_621 : vector<16xi1>
          %mul3A_623 = arith.constant 25 : i32
          %mul3A_624 = arith.muli %scan3A_291, %mul3A_623 : i32
          %add3A_625 = arith.constant 22 : i32
          %add3A_626 = arith.addi %mul3A_624, %add3A_625 : i32
          %mul3A_627 = arith.constant 16 : i32
          %mul3A_628 = arith.muli %add3A_626, %mul3A_627 : i32
          %get3A_629 = arith.index_cast %scan3A_135 : i32 to index
          %get3A_630 = arith.index_cast %mul3A_628 : i32 to index
          %get3A_631 = tpu.vector_load %arg11[%get3A_629, %get3A_630] {strides = array<i32>} : memref<16x2000xi32, #tpu.memory_space<vmem>>, vector<16xi32>,
          %and3A_632 = arith.constant 8191 : i32
          %and3A_633 = vector.broadcast %and3A_632 : i32 to vector<16xi32>
          %and3A_634 = arith.andi %get3A_631, %and3A_633 : vector<16xi32>
          %gather3A_635 = tpu.vector_load_idx %arg22[%and3A_634] : memref<8192xi32, #tpu.memory_space<vmem>>[vector<16xi32>], vector<16xi32>,
          %eq3A_636 = arith.cmpi eq, %gather3A_635, %get3A_631 : vector<16xi32>
          %or3A_637 = arith.ori %or3A_622, %eq3A_636 : vector<16xi1>
          %mul3A_638 = arith.constant 25 : i32
          %mul3A_639 = arith.muli %scan3A_291, %mul3A_638 : i32
          %add3A_640 = arith.constant 23 : i32
          %add3A_641 = arith.addi %mul3A_639, %add3A_640 : i32
          %mul3A_642 = arith.constant 16 : i32
          %mul3A_643 = arith.muli %add3A_641, %mul3A_642 : i32
          %get3A_644 = arith.index_cast %scan3A_135 : i32 to index
          %get3A_645 = arith.index_cast %mul3A_643 : i32 to index
          %get3A_646 = tpu.vector_load %arg11[%get3A_644, %get3A_645] {strides = array<i32>} : memref<16x2000xi32, #tpu.memory_space<vmem>>, vector<16xi32>,
          %and3A_647 = arith.constant 8191 : i32
          %and3A_648 = vector.broadcast %and3A_647 : i32 to vector<16xi32>
          %and3A_649 = arith.andi %get3A_646, %and3A_648 : vector<16xi32>
          %gather3A_650 = tpu.vector_load_idx %arg22[%and3A_649] : memref<8192xi32, #tpu.memory_space<vmem>>[vector<16xi32>], vector<16xi32>,
          %eq3A_651 = arith.cmpi eq, %gather3A_650, %get3A_646 : vector<16xi32>
          %or3A_652 = arith.ori %or3A_637, %eq3A_651 : vector<16xi1>
          %mul3A_653 = arith.constant 25 : i32
          %mul3A_654 = arith.muli %scan3A_291, %mul3A_653 : i32
          %add3A_655 = arith.constant 24 : i32
          %add3A_656 = arith.addi %mul3A_654, %add3A_655 : i32
          %mul3A_657 = arith.constant 16 : i32
          %mul3A_658 = arith.muli %add3A_656, %mul3A_657 : i32
          %get3A_659 = arith.index_cast %scan3A_135 : i32 to index
          %get3A_660 = arith.index_cast %mul3A_658 : i32 to index
          %get3A_661 = tpu.vector_load %arg11[%get3A_659, %get3A_660] {strides = array<i32>} : memref<16x2000xi32, #tpu.memory_space<vmem>>, vector<16xi32>,
          %and3A_662 = arith.constant 8191 : i32
          %and3A_663 = vector.broadcast %and3A_662 : i32 to vector<16xi32>
          %and3A_664 = arith.andi %get3A_661, %and3A_663 : vector<16xi32>
          %gather3A_665 = tpu.vector_load_idx %arg22[%and3A_664] : memref<8192xi32, #tpu.memory_space<vmem>>[vector<16xi32>], vector<16xi32>,
          %eq3A_666 = arith.cmpi eq, %gather3A_665, %get3A_661 : vector<16xi32>
          %or3A_667 = arith.ori %or3A_652, %eq3A_666 : vector<16xi1>
          scf.yield %or3A_667 : vector<16xi1>
        }
        %scan3A_275 = arith.constant 5 : i32
        %all_reduce_population_count3A = tpu.all_reduce %or3A_178 {dim = 0 : i64, kind = #tpu.reduction_kind<sum>} : vector<16xi1> -> vector<16xi32>
        %slice3A = vector.extract_strided_slice %all_reduce_population_count3A {offsets = [0], sizes = [1], strides = [1]} : vector<16xi32> to vector<1xi32>
        %squeeze3A = vector.extract %slice3A[0] : i32 from vector<1xi32>
        %all_reduce_population_count3A_276 = tpu.all_reduce %scan3A_274 {dim = 0 : i64, kind = #tpu.reduction_kind<sum>} : vector<16xi1> -> vector<16xi32>
        %slice3A_277 = vector.extract_strided_slice %all_reduce_population_count3A_276 {offsets = [0], sizes = [1], strides = [1]} : vector<16xi32> to vector<1xi32>
        %squeeze3A_278 = vector.extract %slice3A_277[0] : i32 from vector<1xi32>
        %eq3A_279 = arith.constant 0 : i32
        %eq3A_280 = arith.cmpi eq, %squeeze3A, %eq3A_279 : i32
        %gt3A = arith.constant 0 : i32
        %gt3A_281 = arith.cmpi sgt, %squeeze3A_278, %gt3A : i32
        %and3A_282 = arith.andi %eq3A_280, %gt3A_281 : i1
        %convert_element_type3A_283 = arith.extui %and3A_282 : i1 to i32
        %cond3A_284 = arith.constant 0 : i32
        %cond3A_285 = arith.cmpi ne, %convert_element_type3A_283, %cond3A_284 : i32
        scf.if %cond3A_285 {
          %add3A_291 = arith.addi %add3A_81, %scan3A_135 : i32
          "tpu.region"() ({
            %run_scoped3A = tpu.sem_alloc : memref<!tpu.dma_semaphore, #tpu.memory_space<semaphore_mem>>
            %dma_start3A_300 = arith.constant 0 : i32
            %dma_start3A_301 = tpu.memref_slice %arg4[%add3A_291, %dma_start3A_300] : memref<4096x2000xf32, #tpu.memory_space<hbm>> -> memref<1x2000xf32, #tpu.memory_space<hbm>>
            %dma_start3A_302 = tpu.memref_squeeze %dma_start3A_301 : memref<1x2000xf32, #tpu.memory_space<hbm>> -> memref<2000xf32, #tpu.memory_space<hbm>>
            %dma_start3A_303 = arith.constant 0 : i32
            %dma_start3A_304 = tpu.memref_slice %arg4[%add3A_291, %dma_start3A_303] : memref<4096x2000xf32, #tpu.memory_space<hbm>> -> memref<1x2000xf32, #tpu.memory_space<hbm>>
            %dma_start3A_305 = tpu.memref_squeeze %dma_start3A_304 : memref<1x2000xf32, #tpu.memory_space<hbm>> -> memref<2000xf32, #tpu.memory_space<hbm>>
            tpu.enqueue_dma source(%dma_start3A_305 : memref<2000xf32, #tpu.memory_space<hbm>>) target(%arg21 : memref<2000xf32, #tpu.memory_space<vmem>>) target_semaphore(%run_scoped3A : memref<!tpu.dma_semaphore, #tpu.memory_space<semaphore_mem>>)
            %dma_wait3A_306 = arith.constant 0 : i32
            %dma_wait3A_307 = tpu.memref_slice %arg4[%add3A_291, %dma_wait3A_306] : memref<4096x2000xf32, #tpu.memory_space<hbm>> -> memref<1x2000xf32, #tpu.memory_space<hbm>>
            %dma_wait3A_308 = tpu.memref_squeeze %dma_wait3A_307 : memref<1x2000xf32, #tpu.memory_space<hbm>> -> memref<2000xf32, #tpu.memory_space<hbm>>
            %dma_wait3A_309 = arith.constant 0 : i32
            %dma_wait3A_310 = tpu.memref_slice %arg4[%add3A_291, %dma_wait3A_309] : memref<4096x2000xf32, #tpu.memory_space<hbm>> -> memref<1x2000xf32, #tpu.memory_space<hbm>>
            %dma_wait3A_311 = tpu.memref_squeeze %dma_wait3A_310 : memref<1x2000xf32, #tpu.memory_space<hbm>> -> memref<2000xf32, #tpu.memory_space<hbm>>
            tpu.wait_dma2 semaphore(%run_scoped3A : memref<!tpu.dma_semaphore, #tpu.memory_space<semaphore_mem>>) src(%dma_wait3A_311 : memref<2000xf32, #tpu.memory_space<hbm>>) dst(%arg21 : memref<2000xf32, #tpu.memory_space<vmem>>)
            tpu.yield
          }) : () -> ()
          %broadcast_in_dim3A_292 = arith.constant 0 : i32
          %broadcast_in_dim3A_293 = vector.broadcast %broadcast_in_dim3A_292 : i32 to vector<16xi32>
          %scan3A_294 = arith.constant 0 : i32
          %scan3A_295 = arith.constant 125 : i32
          %scan3A_296 = arith.addi %scan3A_294, %scan3A_295 : i32
          %scan3A_297 = arith.constant 1 : i32
          %scan3A_298 = scf.for %scan3A_300 = %scan3A_294 to %scan3A_296 step %scan3A_297 iter_args(%scan3A_301 = %broadcast_in_dim3A_293) -> (vector<16xi32>)  : i32 {
            %mul3A_302 = arith.constant 16 : i32
            %mul3A_303 = arith.muli %scan3A_300, %mul3A_302 : i32
            %get3A_304 = arith.index_cast %scan3A_135 : i32 to index
            %get3A_305 = arith.index_cast %mul3A_303 : i32 to index
            %get3A_306 = tpu.vector_load %arg11[%get3A_304, %get3A_305] {strides = array<i32>} : memref<16x2000xi32, #tpu.memory_space<vmem>>, vector<16xi32>,
            %and3A_307 = arith.constant 8191 : i32
            %and3A_308 = vector.broadcast %and3A_307 : i32 to vector<16xi32>
            %and3A_309 = arith.andi %get3A_306, %and3A_308 : vector<16xi32>
            %gather3A_310 = tpu.vector_load_idx %arg22[%and3A_309] : memref<8192xi32, #tpu.memory_space<vmem>>[vector<16xi32>], vector<16xi32>,
            %eq3A_311 = arith.cmpi eq, %gather3A_310, %get3A_306 : vector<16xi32>
            %jit3A = arith.constant 1 : i32
            %jit3A_312 = arith.constant 0 : i32
            %broadcast_in_dim3A_313 = vector.broadcast %jit3A : i32 to vector<16xi32>
            %broadcast_in_dim3A_314 = vector.broadcast %jit3A_312 : i32 to vector<16xi32>
            %select_n3A_315 = arith.select %eq3A_311, %broadcast_in_dim3A_313, %broadcast_in_dim3A_314 : vector<16xi1>, vector<16xi32>
            %broadcast_in_dim3A_316 = arith.constant true
            %broadcast_in_dim3A_317 = vector.broadcast %broadcast_in_dim3A_316 : i1 to vector<16xi1>
            %masked_cumsum3A = tpu.scan <sum>, %select_n3A_315 masked %broadcast_in_dim3A_317 : vector<16xi32>, vector<16xi1> -> vector<16xi32>
            %add3A_318 = arith.addi %scan3A_301, %masked_cumsum3A : vector<16xi32>
            %le3A = arith.constant 20 : i32
            %le3A_319 = vector.broadcast %le3A : i32 to vector<16xi32>
            %le3A_320 = arith.cmpi sle, %add3A_318, %le3A_319 : vector<16xi32>
            %and3A_321 = arith.andi %eq3A_311, %le3A_320 : vector<16xi1>
            %mul3A_322 = arith.constant 16 : i32
            %mul3A_323 = arith.muli %scan3A_300, %mul3A_322 : i32
            %get3A_324 = arith.index_cast %mul3A_323 : i32 to index
            %get3A_325 = tpu.vector_load %arg21[%get3A_324] {strides = array<i32>} : memref<2000xf32, #tpu.memory_space<vmem>>, vector<16xf32>,
            %sub3A = arith.constant 1 : i32
            %sub3A_326 = vector.broadcast %sub3A : i32 to vector<16xi32>
            %sub3A_327 = arith.subi %add3A_318, %sub3A_326 : vector<16xi32>
            %scatter3A = arith.constant 0 : i32
            %scatter3A_328 = tpu.memref_slice %arg19[%scan3A_135, %scatter3A] : memref<16x32xf32, #tpu.memory_space<vmem>> -> memref<1x32xf32, #tpu.memory_space<vmem>>
            %scatter3A_329 = tpu.memref_squeeze %scatter3A_328 : memref<1x32xf32, #tpu.memory_space<vmem>> -> memref<32xf32, #tpu.memory_space<vmem>>
            tpu.vector_store_idx %scatter3A_329[%sub3A_327], %get3A_325 masked %and3A_321 : memref<32xf32, #tpu.memory_space<vmem>>[vector<16xi32>], vector<16xf32>, vector<16xi1>
            %sub3A_330 = arith.constant 1 : i32
            %sub3A_331 = vector.broadcast %sub3A_330 : i32 to vector<16xi32>
            %sub3A_332 = arith.subi %add3A_318, %sub3A_331 : vector<16xi32>
            %scatter3A_333 = arith.constant 0 : i32
            %scatter3A_334 = tpu.memref_slice %arg20[%scan3A_135, %scatter3A_333] : memref<16x32xf32, #tpu.memory_space<vmem>> -> memref<1x32xf32, #tpu.memory_space<vmem>>
            %scatter3A_335 = tpu.memref_squeeze %scatter3A_334 : memref<1x32xf32, #tpu.memory_space<vmem>> -> memref<32xf32, #tpu.memory_space<vmem>>
            tpu.vector_store_idx %scatter3A_335[%sub3A_332], %broadcast_in_dim3A_161 masked %and3A_321 : memref<32xf32, #tpu.memory_space<vmem>>[vector<16xi32>], vector<16xf32>, vector<16xi1>
            %all_reduce_population_count3A_336 = tpu.all_reduce %eq3A_311 {dim = 0 : i64, kind = #tpu.reduction_kind<sum>} : vector<16xi1> -> vector<16xi32>
            %add3A_337 = arith.addi %scan3A_301, %all_reduce_population_count3A_336 : vector<16xi32>
            scf.yield %add3A_337 : vector<16xi32>
          }
          %scan3A_299 = arith.constant 125 : i32
        } else {
        }
        %gt3A_286 = arith.constant 0 : i32
        %gt3A_287 = arith.cmpi sgt, %squeeze3A, %gt3A_286 : i32
        %convert_element_type3A_288 = arith.extui %gt3A_287 : i1 to i32
        %cond3A_289 = arith.constant 0 : i32
        %cond3A_290 = arith.cmpi ne, %convert_element_type3A_288, %cond3A_289 : i32
        scf.if %cond3A_290 {
          %slice3A_291 = vector.extract_strided_slice %get3A_150 {offsets = [0], sizes = [1], strides = [1]} : vector<16xi32> to vector<1xi32>
          %squeeze3A_292 = vector.extract %slice3A_291[0] : i32 from vector<1xi32>
          %slice3A_293 = vector.extract_strided_slice %get3A_150 {offsets = [1], sizes = [1], strides = [1]} : vector<16xi32> to vector<1xi32>
          %squeeze3A_294 = vector.extract %slice3A_293[0] : i32 from vector<1xi32>
          %slice3A_295 = vector.extract_strided_slice %get3A_150 {offsets = [2], sizes = [1], strides = [1]} : vector<16xi32> to vector<1xi32>
          %squeeze3A_296 = vector.extract %slice3A_295[0] : i32 from vector<1xi32>
          %slice3A_297 = vector.extract_strided_slice %get3A_150 {offsets = [3], sizes = [1], strides = [1]} : vector<16xi32> to vector<1xi32>
          %squeeze3A_298 = vector.extract %slice3A_297[0] : i32 from vector<1xi32>
          %slice3A_299 = vector.extract_strided_slice %get3A_150 {offsets = [4], sizes = [1], strides = [1]} : vector<16xi32> to vector<1xi32>
          %squeeze3A_300 = vector.extract %slice3A_299[0] : i32 from vector<1xi32>
          %slice3A_301 = vector.extract_strided_slice %get3A_150 {offsets = [5], sizes = [1], strides = [1]} : vector<16xi32> to vector<1xi32>
          %squeeze3A_302 = vector.extract %slice3A_301[0] : i32 from vector<1xi32>
          %slice3A_303 = vector.extract_strided_slice %get3A_150 {offsets = [6], sizes = [1], strides = [1]} : vector<16xi32> to vector<1xi32>
          %squeeze3A_304 = vector.extract %slice3A_303[0] : i32 from vector<1xi32>
          %slice3A_305 = vector.extract_strided_slice %get3A_150 {offsets = [7], sizes = [1], strides = [1]} : vector<16xi32> to vector<1xi32>
          %squeeze3A_306 = vector.extract %slice3A_305[0] : i32 from vector<1xi32>
          %slice3A_307 = vector.extract_strided_slice %get3A_150 {offsets = [8], sizes = [1], strides = [1]} : vector<16xi32> to vector<1xi32>
          %squeeze3A_308 = vector.extract %slice3A_307[0] : i32 from vector<1xi32>
          %slice3A_309 = vector.extract_strided_slice %get3A_150 {offsets = [9], sizes = [1], strides = [1]} : vector<16xi32> to vector<1xi32>
          %squeeze3A_310 = vector.extract %slice3A_309[0] : i32 from vector<1xi32>
          %slice3A_311 = vector.extract_strided_slice %get3A_150 {offsets = [10], sizes = [1], strides = [1]} : vector<16xi32> to vector<1xi32>
          %squeeze3A_312 = vector.extract %slice3A_311[0] : i32 from vector<1xi32>
          %slice3A_313 = vector.extract_strided_slice %get3A_150 {offsets = [11], sizes = [1], strides = [1]} : vector<16xi32> to vector<1xi32>
          %squeeze3A_314 = vector.extract %slice3A_313[0] : i32 from vector<1xi32>
          %slice3A_315 = vector.extract_strided_slice %get3A_150 {offsets = [12], sizes = [1], strides = [1]} : vector<16xi32> to vector<1xi32>
          %squeeze3A_316 = vector.extract %slice3A_315[0] : i32 from vector<1xi32>
          %slice3A_317 = vector.extract_strided_slice %get3A_150 {offsets = [13], sizes = [1], strides = [1]} : vector<16xi32> to vector<1xi32>
          %squeeze3A_318 = vector.extract %slice3A_317[0] : i32 from vector<1xi32>
          %slice3A_319 = vector.extract_strided_slice %get3A_150 {offsets = [14], sizes = [1], strides = [1]} : vector<16xi32> to vector<1xi32>
          %squeeze3A_320 = vector.extract %slice3A_319[0] : i32 from vector<1xi32>
          %slice3A_321 = vector.extract_strided_slice %get3A_150 {offsets = [15], sizes = [1], strides = [1]} : vector<16xi32> to vector<1xi32>
          %squeeze3A_322 = vector.extract %slice3A_321[0] : i32 from vector<1xi32>
          %slice3A_323 = vector.extract_strided_slice %get3A_153 {offsets = [0], sizes = [1], strides = [1]} : vector<16xi32> to vector<1xi32>
          %squeeze3A_324 = vector.extract %slice3A_323[0] : i32 from vector<1xi32>
          %slice3A_325 = vector.extract_strided_slice %get3A_153 {offsets = [1], sizes = [1], strides = [1]} : vector<16xi32> to vector<1xi32>
          %squeeze3A_326 = vector.extract %slice3A_325[0] : i32 from vector<1xi32>
          %slice3A_327 = vector.extract_strided_slice %get3A_153 {offsets = [2], sizes = [1], strides = [1]} : vector<16xi32> to vector<1xi32>
          %squeeze3A_328 = vector.extract %slice3A_327[0] : i32 from vector<1xi32>
          %slice3A_329 = vector.extract_strided_slice %get3A_153 {offsets = [3], sizes = [1], strides = [1]} : vector<16xi32> to vector<1xi32>
          %squeeze3A_330 = vector.extract %slice3A_329[0] : i32 from vector<1xi32>
          %slice3A_331 = vector.extract_strided_slice %get3A_156 {offsets = [0], sizes = [1], strides = [1]} : vector<16xf32> to vector<1xf32>
          %squeeze3A_332 = vector.extract %slice3A_331[0] : f32 from vector<1xf32>
          %slice3A_333 = vector.extract_strided_slice %get3A_156 {offsets = [1], sizes = [1], strides = [1]} : vector<16xf32> to vector<1xf32>
          %squeeze3A_334 = vector.extract %slice3A_333[0] : f32 from vector<1xf32>
          %slice3A_335 = vector.extract_strided_slice %get3A_156 {offsets = [2], sizes = [1], strides = [1]} : vector<16xf32> to vector<1xf32>
          %squeeze3A_336 = vector.extract %slice3A_335[0] : f32 from vector<1xf32>
          %slice3A_337 = vector.extract_strided_slice %get3A_156 {offsets = [3], sizes = [1], strides = [1]} : vector<16xf32> to vector<1xf32>
          %squeeze3A_338 = vector.extract %slice3A_337[0] : f32 from vector<1xf32>
          %slice3A_339 = vector.extract_strided_slice %get3A_156 {offsets = [4], sizes = [1], strides = [1]} : vector<16xf32> to vector<1xf32>
          %squeeze3A_340 = vector.extract %slice3A_339[0] : f32 from vector<1xf32>
          %slice3A_341 = vector.extract_strided_slice %get3A_156 {offsets = [5], sizes = [1], strides = [1]} : vector<16xf32> to vector<1xf32>
          %squeeze3A_342 = vector.extract %slice3A_341[0] : f32 from vector<1xf32>
          %slice3A_343 = vector.extract_strided_slice %get3A_156 {offsets = [6], sizes = [1], strides = [1]} : vector<16xf32> to vector<1xf32>
          %squeeze3A_344 = vector.extract %slice3A_343[0] : f32 from vector<1xf32>
          %slice3A_345 = vector.extract_strided_slice %get3A_156 {offsets = [7], sizes = [1], strides = [1]} : vector<16xf32> to vector<1xf32>
          %squeeze3A_346 = vector.extract %slice3A_345[0] : f32 from vector<1xf32>
          %slice3A_347 = vector.extract_strided_slice %get3A_156 {offsets = [8], sizes = [1], strides = [1]} : vector<16xf32> to vector<1xf32>
          %squeeze3A_348 = vector.extract %slice3A_347[0] : f32 from vector<1xf32>
          %slice3A_349 = vector.extract_strided_slice %get3A_156 {offsets = [9], sizes = [1], strides = [1]} : vector<16xf32> to vector<1xf32>
          %squeeze3A_350 = vector.extract %slice3A_349[0] : f32 from vector<1xf32>
          %slice3A_351 = vector.extract_strided_slice %get3A_156 {offsets = [10], sizes = [1], strides = [1]} : vector<16xf32> to vector<1xf32>
          %squeeze3A_352 = vector.extract %slice3A_351[0] : f32 from vector<1xf32>
          %slice3A_353 = vector.extract_strided_slice %get3A_156 {offsets = [11], sizes = [1], strides = [1]} : vector<16xf32> to vector<1xf32>
          %squeeze3A_354 = vector.extract %slice3A_353[0] : f32 from vector<1xf32>
          %slice3A_355 = vector.extract_strided_slice %get3A_156 {offsets = [12], sizes = [1], strides = [1]} : vector<16xf32> to vector<1xf32>
          %squeeze3A_356 = vector.extract %slice3A_355[0] : f32 from vector<1xf32>
          %slice3A_357 = vector.extract_strided_slice %get3A_156 {offsets = [13], sizes = [1], strides = [1]} : vector<16xf32> to vector<1xf32>
          %squeeze3A_358 = vector.extract %slice3A_357[0] : f32 from vector<1xf32>
          %slice3A_359 = vector.extract_strided_slice %get3A_156 {offsets = [14], sizes = [1], strides = [1]} : vector<16xf32> to vector<1xf32>
          %squeeze3A_360 = vector.extract %slice3A_359[0] : f32 from vector<1xf32>
          %slice3A_361 = vector.extract_strided_slice %get3A_156 {offsets = [15], sizes = [1], strides = [1]} : vector<16xf32> to vector<1xf32>
          %squeeze3A_362 = vector.extract %slice3A_361[0] : f32 from vector<1xf32>
          %slice3A_363 = vector.extract_strided_slice %get3A_159 {offsets = [0], sizes = [1], strides = [1]} : vector<16xf32> to vector<1xf32>
          %squeeze3A_364 = vector.extract %slice3A_363[0] : f32 from vector<1xf32>
          %slice3A_365 = vector.extract_strided_slice %get3A_159 {offsets = [1], sizes = [1], strides = [1]} : vector<16xf32> to vector<1xf32>
          %squeeze3A_366 = vector.extract %slice3A_365[0] : f32 from vector<1xf32>
          %slice3A_367 = vector.extract_strided_slice %get3A_159 {offsets = [2], sizes = [1], strides = [1]} : vector<16xf32> to vector<1xf32>
          %squeeze3A_368 = vector.extract %slice3A_367[0] : f32 from vector<1xf32>
          %slice3A_369 = vector.extract_strided_slice %get3A_159 {offsets = [3], sizes = [1], strides = [1]} : vector<16xf32> to vector<1xf32>
          %squeeze3A_370 = vector.extract %slice3A_369[0] : f32 from vector<1xf32>
          %get3A_371 = arith.index_cast %scan3A_135 : i32 to index
          %get3A_372 = arith.constant 0 : index
          %get3A_373 = tpu.vector_load %arg10[%get3A_371, %get3A_372] {strides = array<i32>} : memref<16x112xi32, #tpu.memory_space<vmem>>, vector<16xi32>,
          %eq3A_374 = vector.broadcast %squeeze3A_292 : i32 to vector<16xi32>
          %eq3A_375 = arith.cmpi eq, %get3A_373, %eq3A_374 : vector<16xi32>
          %broadcast_in_dim3A_376 = vector.broadcast %squeeze3A_332 : f32 to vector<16xf32>
          %select_n3A_377 = arith.select %eq3A_375, %broadcast_in_dim3A_376, %broadcast_in_dim3A_137 : vector<16xi1>, vector<16xf32>
          %eq3A_378 = vector.broadcast %squeeze3A_294 : i32 to vector<16xi32>
          %eq3A_379 = arith.cmpi eq, %get3A_373, %eq3A_378 : vector<16xi32>
          %broadcast_in_dim3A_380 = vector.broadcast %squeeze3A_334 : f32 to vector<16xf32>
          %select_n3A_381 = arith.select %eq3A_379, %broadcast_in_dim3A_380, %select_n3A_377 : vector<16xi1>, vector<16xf32>
          %eq3A_382 = vector.broadcast %squeeze3A_296 : i32 to vector<16xi32>
          %eq3A_383 = arith.cmpi eq, %get3A_373, %eq3A_382 : vector<16xi32>
          %broadcast_in_dim3A_384 = vector.broadcast %squeeze3A_336 : f32 to vector<16xf32>
          %select_n3A_385 = arith.select %eq3A_383, %broadcast_in_dim3A_384, %select_n3A_381 : vector<16xi1>, vector<16xf32>
          %eq3A_386 = vector.broadcast %squeeze3A_298 : i32 to vector<16xi32>
          %eq3A_387 = arith.cmpi eq, %get3A_373, %eq3A_386 : vector<16xi32>
          %broadcast_in_dim3A_388 = vector.broadcast %squeeze3A_338 : f32 to vector<16xf32>
          %select_n3A_389 = arith.select %eq3A_387, %broadcast_in_dim3A_388, %select_n3A_385 : vector<16xi1>, vector<16xf32>
          %eq3A_390 = vector.broadcast %squeeze3A_300 : i32 to vector<16xi32>
          %eq3A_391 = arith.cmpi eq, %get3A_373, %eq3A_390 : vector<16xi32>
          %broadcast_in_dim3A_392 = vector.broadcast %squeeze3A_340 : f32 to vector<16xf32>
          %select_n3A_393 = arith.select %eq3A_391, %broadcast_in_dim3A_392, %select_n3A_389 : vector<16xi1>, vector<16xf32>
          %eq3A_394 = vector.broadcast %squeeze3A_302 : i32 to vector<16xi32>
          %eq3A_395 = arith.cmpi eq, %get3A_373, %eq3A_394 : vector<16xi32>
          %broadcast_in_dim3A_396 = vector.broadcast %squeeze3A_342 : f32 to vector<16xf32>
          %select_n3A_397 = arith.select %eq3A_395, %broadcast_in_dim3A_396, %select_n3A_393 : vector<16xi1>, vector<16xf32>
          %eq3A_398 = vector.broadcast %squeeze3A_304 : i32 to vector<16xi32>
          %eq3A_399 = arith.cmpi eq, %get3A_373, %eq3A_398 : vector<16xi32>
          %broadcast_in_dim3A_400 = vector.broadcast %squeeze3A_344 : f32 to vector<16xf32>
          %select_n3A_401 = arith.select %eq3A_399, %broadcast_in_dim3A_400, %select_n3A_397 : vector<16xi1>, vector<16xf32>
          %eq3A_402 = vector.broadcast %squeeze3A_306 : i32 to vector<16xi32>
          %eq3A_403 = arith.cmpi eq, %get3A_373, %eq3A_402 : vector<16xi32>
          %broadcast_in_dim3A_404 = vector.broadcast %squeeze3A_346 : f32 to vector<16xf32>
          %select_n3A_405 = arith.select %eq3A_403, %broadcast_in_dim3A_404, %select_n3A_401 : vector<16xi1>, vector<16xf32>
          %eq3A_406 = vector.broadcast %squeeze3A_308 : i32 to vector<16xi32>
          %eq3A_407 = arith.cmpi eq, %get3A_373, %eq3A_406 : vector<16xi32>
          %broadcast_in_dim3A_408 = vector.broadcast %squeeze3A_348 : f32 to vector<16xf32>
          %select_n3A_409 = arith.select %eq3A_407, %broadcast_in_dim3A_408, %select_n3A_405 : vector<16xi1>, vector<16xf32>
          %eq3A_410 = vector.broadcast %squeeze3A_310 : i32 to vector<16xi32>
          %eq3A_411 = arith.cmpi eq, %get3A_373, %eq3A_410 : vector<16xi32>
          %broadcast_in_dim3A_412 = vector.broadcast %squeeze3A_350 : f32 to vector<16xf32>
          %select_n3A_413 = arith.select %eq3A_411, %broadcast_in_dim3A_412, %select_n3A_409 : vector<16xi1>, vector<16xf32>
          %eq3A_414 = vector.broadcast %squeeze3A_312 : i32 to vector<16xi32>
          %eq3A_415 = arith.cmpi eq, %get3A_373, %eq3A_414 : vector<16xi32>
          %broadcast_in_dim3A_416 = vector.broadcast %squeeze3A_352 : f32 to vector<16xf32>
          %select_n3A_417 = arith.select %eq3A_415, %broadcast_in_dim3A_416, %select_n3A_413 : vector<16xi1>, vector<16xf32>
          %eq3A_418 = vector.broadcast %squeeze3A_314 : i32 to vector<16xi32>
          %eq3A_419 = arith.cmpi eq, %get3A_373, %eq3A_418 : vector<16xi32>
          %broadcast_in_dim3A_420 = vector.broadcast %squeeze3A_354 : f32 to vector<16xf32>
          %select_n3A_421 = arith.select %eq3A_419, %broadcast_in_dim3A_420, %select_n3A_417 : vector<16xi1>, vector<16xf32>
          %eq3A_422 = vector.broadcast %squeeze3A_316 : i32 to vector<16xi32>
          %eq3A_423 = arith.cmpi eq, %get3A_373, %eq3A_422 : vector<16xi32>
          %broadcast_in_dim3A_424 = vector.broadcast %squeeze3A_356 : f32 to vector<16xf32>
          %select_n3A_425 = arith.select %eq3A_423, %broadcast_in_dim3A_424, %select_n3A_421 : vector<16xi1>, vector<16xf32>
          %eq3A_426 = vector.broadcast %squeeze3A_318 : i32 to vector<16xi32>
          %eq3A_427 = arith.cmpi eq, %get3A_373, %eq3A_426 : vector<16xi32>
          %broadcast_in_dim3A_428 = vector.broadcast %squeeze3A_358 : f32 to vector<16xf32>
          %select_n3A_429 = arith.select %eq3A_427, %broadcast_in_dim3A_428, %select_n3A_425 : vector<16xi1>, vector<16xf32>
          %eq3A_430 = vector.broadcast %squeeze3A_320 : i32 to vector<16xi32>
          %eq3A_431 = arith.cmpi eq, %get3A_373, %eq3A_430 : vector<16xi32>
          %broadcast_in_dim3A_432 = vector.broadcast %squeeze3A_360 : f32 to vector<16xf32>
          %select_n3A_433 = arith.select %eq3A_431, %broadcast_in_dim3A_432, %select_n3A_429 : vector<16xi1>, vector<16xf32>
          %eq3A_434 = vector.broadcast %squeeze3A_322 : i32 to vector<16xi32>
          %eq3A_435 = arith.cmpi eq, %get3A_373, %eq3A_434 : vector<16xi32>
          %broadcast_in_dim3A_436 = vector.broadcast %squeeze3A_362 : f32 to vector<16xf32>
          %select_n3A_437 = arith.select %eq3A_435, %broadcast_in_dim3A_436, %select_n3A_433 : vector<16xi1>, vector<16xf32>
          %eq3A_438 = vector.broadcast %squeeze3A_324 : i32 to vector<16xi32>
          %eq3A_439 = arith.cmpi eq, %get3A_373, %eq3A_438 : vector<16xi32>
          %broadcast_in_dim3A_440 = vector.broadcast %squeeze3A_364 : f32 to vector<16xf32>
          %select_n3A_441 = arith.select %eq3A_439, %broadcast_in_dim3A_440, %select_n3A_437 : vector<16xi1>, vector<16xf32>
          %eq3A_442 = vector.broadcast %squeeze3A_326 : i32 to vector<16xi32>
          %eq3A_443 = arith.cmpi eq, %get3A_373, %eq3A_442 : vector<16xi32>
          %broadcast_in_dim3A_444 = vector.broadcast %squeeze3A_366 : f32 to vector<16xf32>
          %select_n3A_445 = arith.select %eq3A_443, %broadcast_in_dim3A_444, %select_n3A_441 : vector<16xi1>, vector<16xf32>
          %eq3A_446 = vector.broadcast %squeeze3A_328 : i32 to vector<16xi32>
          %eq3A_447 = arith.cmpi eq, %get3A_373, %eq3A_446 : vector<16xi32>
          %broadcast_in_dim3A_448 = vector.broadcast %squeeze3A_368 : f32 to vector<16xf32>
          %select_n3A_449 = arith.select %eq3A_447, %broadcast_in_dim3A_448, %select_n3A_445 : vector<16xi1>, vector<16xf32>
          %eq3A_450 = vector.broadcast %squeeze3A_330 : i32 to vector<16xi32>
          %eq3A_451 = arith.cmpi eq, %get3A_373, %eq3A_450 : vector<16xi32>
          %broadcast_in_dim3A_452 = vector.broadcast %squeeze3A_370 : f32 to vector<16xf32>
          %select_n3A_453 = arith.select %eq3A_451, %broadcast_in_dim3A_452, %select_n3A_449 : vector<16xi1>, vector<16xf32>
          %swap3A_454 = arith.index_cast %scan3A_135 : i32 to index
          %swap3A_455 = arith.constant 0 : index
          %swap3A_456 = tpu.vector_load %arg18[%swap3A_454, %swap3A_455] {strides = array<i32>} : memref<16x112xf32, #tpu.memory_space<vmem>>, vector<16xf32>,
          tpu.vector_store %arg18[%swap3A_454, %swap3A_455], %select_n3A_453 {strides = array<i32>} : memref<16x112xf32, #tpu.memory_space<vmem>>, vector<16xf32>,
          %get3A_457 = arith.index_cast %scan3A_135 : i32 to index
          %get3A_458 = arith.constant 16 : index
          %get3A_459 = tpu.vector_load %arg10[%get3A_457, %get3A_458] {strides = array<i32>} : memref<16x112xi32, #tpu.memory_space<vmem>>, vector<16xi32>,
          %eq3A_460 = vector.broadcast %squeeze3A_292 : i32 to vector<16xi32>
          %eq3A_461 = arith.cmpi eq, %get3A_459, %eq3A_460 : vector<16xi32>
          %broadcast_in_dim3A_462 = vector.broadcast %squeeze3A_332 : f32 to vector<16xf32>
          %select_n3A_463 = arith.select %eq3A_461, %broadcast_in_dim3A_462, %broadcast_in_dim3A_137 : vector<16xi1>, vector<16xf32>
          %eq3A_464 = vector.broadcast %squeeze3A_294 : i32 to vector<16xi32>
          %eq3A_465 = arith.cmpi eq, %get3A_459, %eq3A_464 : vector<16xi32>
          %broadcast_in_dim3A_466 = vector.broadcast %squeeze3A_334 : f32 to vector<16xf32>
          %select_n3A_467 = arith.select %eq3A_465, %broadcast_in_dim3A_466, %select_n3A_463 : vector<16xi1>, vector<16xf32>
          %eq3A_468 = vector.broadcast %squeeze3A_296 : i32 to vector<16xi32>
          %eq3A_469 = arith.cmpi eq, %get3A_459, %eq3A_468 : vector<16xi32>
          %broadcast_in_dim3A_470 = vector.broadcast %squeeze3A_336 : f32 to vector<16xf32>
          %select_n3A_471 = arith.select %eq3A_469, %broadcast_in_dim3A_470, %select_n3A_467 : vector<16xi1>, vector<16xf32>
          %eq3A_472 = vector.broadcast %squeeze3A_298 : i32 to vector<16xi32>
          %eq3A_473 = arith.cmpi eq, %get3A_459, %eq3A_472 : vector<16xi32>
          %broadcast_in_dim3A_474 = vector.broadcast %squeeze3A_338 : f32 to vector<16xf32>
          %select_n3A_475 = arith.select %eq3A_473, %broadcast_in_dim3A_474, %select_n3A_471 : vector<16xi1>, vector<16xf32>
          %eq3A_476 = vector.broadcast %squeeze3A_300 : i32 to vector<16xi32>
          %eq3A_477 = arith.cmpi eq, %get3A_459, %eq3A_476 : vector<16xi32>
          %broadcast_in_dim3A_478 = vector.broadcast %squeeze3A_340 : f32 to vector<16xf32>
          %select_n3A_479 = arith.select %eq3A_477, %broadcast_in_dim3A_478, %select_n3A_475 : vector<16xi1>, vector<16xf32>
          %eq3A_480 = vector.broadcast %squeeze3A_302 : i32 to vector<16xi32>
          %eq3A_481 = arith.cmpi eq, %get3A_459, %eq3A_480 : vector<16xi32>
          %broadcast_in_dim3A_482 = vector.broadcast %squeeze3A_342 : f32 to vector<16xf32>
          %select_n3A_483 = arith.select %eq3A_481, %broadcast_in_dim3A_482, %select_n3A_479 : vector<16xi1>, vector<16xf32>
          %eq3A_484 = vector.broadcast %squeeze3A_304 : i32 to vector<16xi32>
          %eq3A_485 = arith.cmpi eq, %get3A_459, %eq3A_484 : vector<16xi32>
          %broadcast_in_dim3A_486 = vector.broadcast %squeeze3A_344 : f32 to vector<16xf32>
          %select_n3A_487 = arith.select %eq3A_485, %broadcast_in_dim3A_486, %select_n3A_483 : vector<16xi1>, vector<16xf32>
          %eq3A_488 = vector.broadcast %squeeze3A_306 : i32 to vector<16xi32>
          %eq3A_489 = arith.cmpi eq, %get3A_459, %eq3A_488 : vector<16xi32>
          %broadcast_in_dim3A_490 = vector.broadcast %squeeze3A_346 : f32 to vector<16xf32>
          %select_n3A_491 = arith.select %eq3A_489, %broadcast_in_dim3A_490, %select_n3A_487 : vector<16xi1>, vector<16xf32>
          %eq3A_492 = vector.broadcast %squeeze3A_308 : i32 to vector<16xi32>
          %eq3A_493 = arith.cmpi eq, %get3A_459, %eq3A_492 : vector<16xi32>
          %broadcast_in_dim3A_494 = vector.broadcast %squeeze3A_348 : f32 to vector<16xf32>
          %select_n3A_495 = arith.select %eq3A_493, %broadcast_in_dim3A_494, %select_n3A_491 : vector<16xi1>, vector<16xf32>
          %eq3A_496 = vector.broadcast %squeeze3A_310 : i32 to vector<16xi32>
          %eq3A_497 = arith.cmpi eq, %get3A_459, %eq3A_496 : vector<16xi32>
          %broadcast_in_dim3A_498 = vector.broadcast %squeeze3A_350 : f32 to vector<16xf32>
          %select_n3A_499 = arith.select %eq3A_497, %broadcast_in_dim3A_498, %select_n3A_495 : vector<16xi1>, vector<16xf32>
          %eq3A_500 = vector.broadcast %squeeze3A_312 : i32 to vector<16xi32>
          %eq3A_501 = arith.cmpi eq, %get3A_459, %eq3A_500 : vector<16xi32>
          %broadcast_in_dim3A_502 = vector.broadcast %squeeze3A_352 : f32 to vector<16xf32>
          %select_n3A_503 = arith.select %eq3A_501, %broadcast_in_dim3A_502, %select_n3A_499 : vector<16xi1>, vector<16xf32>
          %eq3A_504 = vector.broadcast %squeeze3A_314 : i32 to vector<16xi32>
          %eq3A_505 = arith.cmpi eq, %get3A_459, %eq3A_504 : vector<16xi32>
          %broadcast_in_dim3A_506 = vector.broadcast %squeeze3A_354 : f32 to vector<16xf32>
          %select_n3A_507 = arith.select %eq3A_505, %broadcast_in_dim3A_506, %select_n3A_503 : vector<16xi1>, vector<16xf32>
          %eq3A_508 = vector.broadcast %squeeze3A_316 : i32 to vector<16xi32>
          %eq3A_509 = arith.cmpi eq, %get3A_459, %eq3A_508 : vector<16xi32>
          %broadcast_in_dim3A_510 = vector.broadcast %squeeze3A_356 : f32 to vector<16xf32>
          %select_n3A_511 = arith.select %eq3A_509, %broadcast_in_dim3A_510, %select_n3A_507 : vector<16xi1>, vector<16xf32>
          %eq3A_512 = vector.broadcast %squeeze3A_318 : i32 to vector<16xi32>
          %eq3A_513 = arith.cmpi eq, %get3A_459, %eq3A_512 : vector<16xi32>
          %broadcast_in_dim3A_514 = vector.broadcast %squeeze3A_358 : f32 to vector<16xf32>
          %select_n3A_515 = arith.select %eq3A_513, %broadcast_in_dim3A_514, %select_n3A_511 : vector<16xi1>, vector<16xf32>
          %eq3A_516 = vector.broadcast %squeeze3A_320 : i32 to vector<16xi32>
          %eq3A_517 = arith.cmpi eq, %get3A_459, %eq3A_516 : vector<16xi32>
          %broadcast_in_dim3A_518 = vector.broadcast %squeeze3A_360 : f32 to vector<16xf32>
          %select_n3A_519 = arith.select %eq3A_517, %broadcast_in_dim3A_518, %select_n3A_515 : vector<16xi1>, vector<16xf32>
          %eq3A_520 = vector.broadcast %squeeze3A_322 : i32 to vector<16xi32>
          %eq3A_521 = arith.cmpi eq, %get3A_459, %eq3A_520 : vector<16xi32>
          %broadcast_in_dim3A_522 = vector.broadcast %squeeze3A_362 : f32 to vector<16xf32>
          %select_n3A_523 = arith.select %eq3A_521, %broadcast_in_dim3A_522, %select_n3A_519 : vector<16xi1>, vector<16xf32>
          %eq3A_524 = vector.broadcast %squeeze3A_324 : i32 to vector<16xi32>
          %eq3A_525 = arith.cmpi eq, %get3A_459, %eq3A_524 : vector<16xi32>
          %broadcast_in_dim3A_526 = vector.broadcast %squeeze3A_364 : f32 to vector<16xf32>
          %select_n3A_527 = arith.select %eq3A_525, %broadcast_in_dim3A_526, %select_n3A_523 : vector<16xi1>, vector<16xf32>
          %eq3A_528 = vector.broadcast %squeeze3A_326 : i32 to vector<16xi32>
          %eq3A_529 = arith.cmpi eq, %get3A_459, %eq3A_528 : vector<16xi32>
          %broadcast_in_dim3A_530 = vector.broadcast %squeeze3A_366 : f32 to vector<16xf32>
          %select_n3A_531 = arith.select %eq3A_529, %broadcast_in_dim3A_530, %select_n3A_527 : vector<16xi1>, vector<16xf32>
          %eq3A_532 = vector.broadcast %squeeze3A_328 : i32 to vector<16xi32>
          %eq3A_533 = arith.cmpi eq, %get3A_459, %eq3A_532 : vector<16xi32>
          %broadcast_in_dim3A_534 = vector.broadcast %squeeze3A_368 : f32 to vector<16xf32>
          %select_n3A_535 = arith.select %eq3A_533, %broadcast_in_dim3A_534, %select_n3A_531 : vector<16xi1>, vector<16xf32>
          %eq3A_536 = vector.broadcast %squeeze3A_330 : i32 to vector<16xi32>
          %eq3A_537 = arith.cmpi eq, %get3A_459, %eq3A_536 : vector<16xi32>
          %broadcast_in_dim3A_538 = vector.broadcast %squeeze3A_370 : f32 to vector<16xf32>
          %select_n3A_539 = arith.select %eq3A_537, %broadcast_in_dim3A_538, %select_n3A_535 : vector<16xi1>, vector<16xf32>
          %swap3A_540 = arith.index_cast %scan3A_135 : i32 to index
          %swap3A_541 = arith.constant 16 : index
          %swap3A_542 = tpu.vector_load %arg18[%swap3A_540, %swap3A_541] {strides = array<i32>} : memref<16x112xf32, #tpu.memory_space<vmem>>, vector<16xf32>,
          tpu.vector_store %arg18[%swap3A_540, %swap3A_541], %select_n3A_539 {strides = array<i32>} : memref<16x112xf32, #tpu.memory_space<vmem>>, vector<16xf32>,
          %get3A_543 = arith.index_cast %scan3A_135 : i32 to index
          %get3A_544 = arith.constant 32 : index
          %get3A_545 = tpu.vector_load %arg10[%get3A_543, %get3A_544] {strides = array<i32>} : memref<16x112xi32, #tpu.memory_space<vmem>>, vector<16xi32>,
          %eq3A_546 = vector.broadcast %squeeze3A_292 : i32 to vector<16xi32>
          %eq3A_547 = arith.cmpi eq, %get3A_545, %eq3A_546 : vector<16xi32>
          %broadcast_in_dim3A_548 = vector.broadcast %squeeze3A_332 : f32 to vector<16xf32>
          %select_n3A_549 = arith.select %eq3A_547, %broadcast_in_dim3A_548, %broadcast_in_dim3A_137 : vector<16xi1>, vector<16xf32>
          %eq3A_550 = vector.broadcast %squeeze3A_294 : i32 to vector<16xi32>
          %eq3A_551 = arith.cmpi eq, %get3A_545, %eq3A_550 : vector<16xi32>
          %broadcast_in_dim3A_552 = vector.broadcast %squeeze3A_334 : f32 to vector<16xf32>
          %select_n3A_553 = arith.select %eq3A_551, %broadcast_in_dim3A_552, %select_n3A_549 : vector<16xi1>, vector<16xf32>
          %eq3A_554 = vector.broadcast %squeeze3A_296 : i32 to vector<16xi32>
          %eq3A_555 = arith.cmpi eq, %get3A_545, %eq3A_554 : vector<16xi32>
          %broadcast_in_dim3A_556 = vector.broadcast %squeeze3A_336 : f32 to vector<16xf32>
          %select_n3A_557 = arith.select %eq3A_555, %broadcast_in_dim3A_556, %select_n3A_553 : vector<16xi1>, vector<16xf32>
          %eq3A_558 = vector.broadcast %squeeze3A_298 : i32 to vector<16xi32>
          %eq3A_559 = arith.cmpi eq, %get3A_545, %eq3A_558 : vector<16xi32>
          %broadcast_in_dim3A_560 = vector.broadcast %squeeze3A_338 : f32 to vector<16xf32>
          %select_n3A_561 = arith.select %eq3A_559, %broadcast_in_dim3A_560, %select_n3A_557 : vector<16xi1>, vector<16xf32>
          %eq3A_562 = vector.broadcast %squeeze3A_300 : i32 to vector<16xi32>
          %eq3A_563 = arith.cmpi eq, %get3A_545, %eq3A_562 : vector<16xi32>
          %broadcast_in_dim3A_564 = vector.broadcast %squeeze3A_340 : f32 to vector<16xf32>
          %select_n3A_565 = arith.select %eq3A_563, %broadcast_in_dim3A_564, %select_n3A_561 : vector<16xi1>, vector<16xf32>
          %eq3A_566 = vector.broadcast %squeeze3A_302 : i32 to vector<16xi32>
          %eq3A_567 = arith.cmpi eq, %get3A_545, %eq3A_566 : vector<16xi32>
          %broadcast_in_dim3A_568 = vector.broadcast %squeeze3A_342 : f32 to vector<16xf32>
          %select_n3A_569 = arith.select %eq3A_567, %broadcast_in_dim3A_568, %select_n3A_565 : vector<16xi1>, vector<16xf32>
          %eq3A_570 = vector.broadcast %squeeze3A_304 : i32 to vector<16xi32>
          %eq3A_571 = arith.cmpi eq, %get3A_545, %eq3A_570 : vector<16xi32>
          %broadcast_in_dim3A_572 = vector.broadcast %squeeze3A_344 : f32 to vector<16xf32>
          %select_n3A_573 = arith.select %eq3A_571, %broadcast_in_dim3A_572, %select_n3A_569 : vector<16xi1>, vector<16xf32>
          %eq3A_574 = vector.broadcast %squeeze3A_306 : i32 to vector<16xi32>
          %eq3A_575 = arith.cmpi eq, %get3A_545, %eq3A_574 : vector<16xi32>
          %broadcast_in_dim3A_576 = vector.broadcast %squeeze3A_346 : f32 to vector<16xf32>
          %select_n3A_577 = arith.select %eq3A_575, %broadcast_in_dim3A_576, %select_n3A_573 : vector<16xi1>, vector<16xf32>
          %eq3A_578 = vector.broadcast %squeeze3A_308 : i32 to vector<16xi32>
          %eq3A_579 = arith.cmpi eq, %get3A_545, %eq3A_578 : vector<16xi32>
          %broadcast_in_dim3A_580 = vector.broadcast %squeeze3A_348 : f32 to vector<16xf32>
          %select_n3A_581 = arith.select %eq3A_579, %broadcast_in_dim3A_580, %select_n3A_577 : vector<16xi1>, vector<16xf32>
          %eq3A_582 = vector.broadcast %squeeze3A_310 : i32 to vector<16xi32>
          %eq3A_583 = arith.cmpi eq, %get3A_545, %eq3A_582 : vector<16xi32>
          %broadcast_in_dim3A_584 = vector.broadcast %squeeze3A_350 : f32 to vector<16xf32>
          %select_n3A_585 = arith.select %eq3A_583, %broadcast_in_dim3A_584, %select_n3A_581 : vector<16xi1>, vector<16xf32>
          %eq3A_586 = vector.broadcast %squeeze3A_312 : i32 to vector<16xi32>
          %eq3A_587 = arith.cmpi eq, %get3A_545, %eq3A_586 : vector<16xi32>
          %broadcast_in_dim3A_588 = vector.broadcast %squeeze3A_352 : f32 to vector<16xf32>
          %select_n3A_589 = arith.select %eq3A_587, %broadcast_in_dim3A_588, %select_n3A_585 : vector<16xi1>, vector<16xf32>
          %eq3A_590 = vector.broadcast %squeeze3A_314 : i32 to vector<16xi32>
          %eq3A_591 = arith.cmpi eq, %get3A_545, %eq3A_590 : vector<16xi32>
          %broadcast_in_dim3A_592 = vector.broadcast %squeeze3A_354 : f32 to vector<16xf32>
          %select_n3A_593 = arith.select %eq3A_591, %broadcast_in_dim3A_592, %select_n3A_589 : vector<16xi1>, vector<16xf32>
          %eq3A_594 = vector.broadcast %squeeze3A_316 : i32 to vector<16xi32>
          %eq3A_595 = arith.cmpi eq, %get3A_545, %eq3A_594 : vector<16xi32>
          %broadcast_in_dim3A_596 = vector.broadcast %squeeze3A_356 : f32 to vector<16xf32>
          %select_n3A_597 = arith.select %eq3A_595, %broadcast_in_dim3A_596, %select_n3A_593 : vector<16xi1>, vector<16xf32>
          %eq3A_598 = vector.broadcast %squeeze3A_318 : i32 to vector<16xi32>
          %eq3A_599 = arith.cmpi eq, %get3A_545, %eq3A_598 : vector<16xi32>
          %broadcast_in_dim3A_600 = vector.broadcast %squeeze3A_358 : f32 to vector<16xf32>
          %select_n3A_601 = arith.select %eq3A_599, %broadcast_in_dim3A_600, %select_n3A_597 : vector<16xi1>, vector<16xf32>
          %eq3A_602 = vector.broadcast %squeeze3A_320 : i32 to vector<16xi32>
          %eq3A_603 = arith.cmpi eq, %get3A_545, %eq3A_602 : vector<16xi32>
          %broadcast_in_dim3A_604 = vector.broadcast %squeeze3A_360 : f32 to vector<16xf32>
          %select_n3A_605 = arith.select %eq3A_603, %broadcast_in_dim3A_604, %select_n3A_601 : vector<16xi1>, vector<16xf32>
          %eq3A_606 = vector.broadcast %squeeze3A_322 : i32 to vector<16xi32>
          %eq3A_607 = arith.cmpi eq, %get3A_545, %eq3A_606 : vector<16xi32>
          %broadcast_in_dim3A_608 = vector.broadcast %squeeze3A_362 : f32 to vector<16xf32>
          %select_n3A_609 = arith.select %eq3A_607, %broadcast_in_dim3A_608, %select_n3A_605 : vector<16xi1>, vector<16xf32>
          %eq3A_610 = vector.broadcast %squeeze3A_324 : i32 to vector<16xi32>
          %eq3A_611 = arith.cmpi eq, %get3A_545, %eq3A_610 : vector<16xi32>
          %broadcast_in_dim3A_612 = vector.broadcast %squeeze3A_364 : f32 to vector<16xf32>
          %select_n3A_613 = arith.select %eq3A_611, %broadcast_in_dim3A_612, %select_n3A_609 : vector<16xi1>, vector<16xf32>
          %eq3A_614 = vector.broadcast %squeeze3A_326 : i32 to vector<16xi32>
          %eq3A_615 = arith.cmpi eq, %get3A_545, %eq3A_614 : vector<16xi32>
          %broadcast_in_dim3A_616 = vector.broadcast %squeeze3A_366 : f32 to vector<16xf32>
          %select_n3A_617 = arith.select %eq3A_615, %broadcast_in_dim3A_616, %select_n3A_613 : vector<16xi1>, vector<16xf32>
          %eq3A_618 = vector.broadcast %squeeze3A_328 : i32 to vector<16xi32>
          %eq3A_619 = arith.cmpi eq, %get3A_545, %eq3A_618 : vector<16xi32>
          %broadcast_in_dim3A_620 = vector.broadcast %squeeze3A_368 : f32 to vector<16xf32>
          %select_n3A_621 = arith.select %eq3A_619, %broadcast_in_dim3A_620, %select_n3A_617 : vector<16xi1>, vector<16xf32>
          %eq3A_622 = vector.broadcast %squeeze3A_330 : i32 to vector<16xi32>
          %eq3A_623 = arith.cmpi eq, %get3A_545, %eq3A_622 : vector<16xi32>
          %broadcast_in_dim3A_624 = vector.broadcast %squeeze3A_370 : f32 to vector<16xf32>
          %select_n3A_625 = arith.select %eq3A_623, %broadcast_in_dim3A_624, %select_n3A_621 : vector<16xi1>, vector<16xf32>
          %swap3A_626 = arith.index_cast %scan3A_135 : i32 to index
          %swap3A_627 = arith.constant 32 : index
          %swap3A_628 = tpu.vector_load %arg18[%swap3A_626, %swap3A_627] {strides = array<i32>} : memref<16x112xf32, #tpu.memory_space<vmem>>, vector<16xf32>,
          tpu.vector_store %arg18[%swap3A_626, %swap3A_627], %select_n3A_625 {strides = array<i32>} : memref<16x112xf32, #tpu.memory_space<vmem>>, vector<16xf32>,
          %get3A_629 = arith.index_cast %scan3A_135 : i32 to index
          %get3A_630 = arith.constant 48 : index
          %get3A_631 = tpu.vector_load %arg10[%get3A_629, %get3A_630] {strides = array<i32>} : memref<16x112xi32, #tpu.memory_space<vmem>>, vector<16xi32>,
          %eq3A_632 = vector.broadcast %squeeze3A_292 : i32 to vector<16xi32>
          %eq3A_633 = arith.cmpi eq, %get3A_631, %eq3A_632 : vector<16xi32>
          %broadcast_in_dim3A_634 = vector.broadcast %squeeze3A_332 : f32 to vector<16xf32>
          %select_n3A_635 = arith.select %eq3A_633, %broadcast_in_dim3A_634, %broadcast_in_dim3A_137 : vector<16xi1>, vector<16xf32>
          %eq3A_636 = vector.broadcast %squeeze3A_294 : i32 to vector<16xi32>
          %eq3A_637 = arith.cmpi eq, %get3A_631, %eq3A_636 : vector<16xi32>
          %broadcast_in_dim3A_638 = vector.broadcast %squeeze3A_334 : f32 to vector<16xf32>
          %select_n3A_639 = arith.select %eq3A_637, %broadcast_in_dim3A_638, %select_n3A_635 : vector<16xi1>, vector<16xf32>
          %eq3A_640 = vector.broadcast %squeeze3A_296 : i32 to vector<16xi32>
          %eq3A_641 = arith.cmpi eq, %get3A_631, %eq3A_640 : vector<16xi32>
          %broadcast_in_dim3A_642 = vector.broadcast %squeeze3A_336 : f32 to vector<16xf32>
          %select_n3A_643 = arith.select %eq3A_641, %broadcast_in_dim3A_642, %select_n3A_639 : vector<16xi1>, vector<16xf32>
          %eq3A_644 = vector.broadcast %squeeze3A_298 : i32 to vector<16xi32>
          %eq3A_645 = arith.cmpi eq, %get3A_631, %eq3A_644 : vector<16xi32>
          %broadcast_in_dim3A_646 = vector.broadcast %squeeze3A_338 : f32 to vector<16xf32>
          %select_n3A_647 = arith.select %eq3A_645, %broadcast_in_dim3A_646, %select_n3A_643 : vector<16xi1>, vector<16xf32>
          %eq3A_648 = vector.broadcast %squeeze3A_300 : i32 to vector<16xi32>
          %eq3A_649 = arith.cmpi eq, %get3A_631, %eq3A_648 : vector<16xi32>
          %broadcast_in_dim3A_650 = vector.broadcast %squeeze3A_340 : f32 to vector<16xf32>
          %select_n3A_651 = arith.select %eq3A_649, %broadcast_in_dim3A_650, %select_n3A_647 : vector<16xi1>, vector<16xf32>
          %eq3A_652 = vector.broadcast %squeeze3A_302 : i32 to vector<16xi32>
          %eq3A_653 = arith.cmpi eq, %get3A_631, %eq3A_652 : vector<16xi32>
          %broadcast_in_dim3A_654 = vector.broadcast %squeeze3A_342 : f32 to vector<16xf32>
          %select_n3A_655 = arith.select %eq3A_653, %broadcast_in_dim3A_654, %select_n3A_651 : vector<16xi1>, vector<16xf32>
          %eq3A_656 = vector.broadcast %squeeze3A_304 : i32 to vector<16xi32>
          %eq3A_657 = arith.cmpi eq, %get3A_631, %eq3A_656 : vector<16xi32>
          %broadcast_in_dim3A_658 = vector.broadcast %squeeze3A_344 : f32 to vector<16xf32>
          %select_n3A_659 = arith.select %eq3A_657, %broadcast_in_dim3A_658, %select_n3A_655 : vector<16xi1>, vector<16xf32>
          %eq3A_660 = vector.broadcast %squeeze3A_306 : i32 to vector<16xi32>
          %eq3A_661 = arith.cmpi eq, %get3A_631, %eq3A_660 : vector<16xi32>
          %broadcast_in_dim3A_662 = vector.broadcast %squeeze3A_346 : f32 to vector<16xf32>
          %select_n3A_663 = arith.select %eq3A_661, %broadcast_in_dim3A_662, %select_n3A_659 : vector<16xi1>, vector<16xf32>
          %eq3A_664 = vector.broadcast %squeeze3A_308 : i32 to vector<16xi32>
          %eq3A_665 = arith.cmpi eq, %get3A_631, %eq3A_664 : vector<16xi32>
          %broadcast_in_dim3A_666 = vector.broadcast %squeeze3A_348 : f32 to vector<16xf32>
          %select_n3A_667 = arith.select %eq3A_665, %broadcast_in_dim3A_666, %select_n3A_663 : vector<16xi1>, vector<16xf32>
          %eq3A_668 = vector.broadcast %squeeze3A_310 : i32 to vector<16xi32>
          %eq3A_669 = arith.cmpi eq, %get3A_631, %eq3A_668 : vector<16xi32>
          %broadcast_in_dim3A_670 = vector.broadcast %squeeze3A_350 : f32 to vector<16xf32>
          %select_n3A_671 = arith.select %eq3A_669, %broadcast_in_dim3A_670, %select_n3A_667 : vector<16xi1>, vector<16xf32>
          %eq3A_672 = vector.broadcast %squeeze3A_312 : i32 to vector<16xi32>
          %eq3A_673 = arith.cmpi eq, %get3A_631, %eq3A_672 : vector<16xi32>
          %broadcast_in_dim3A_674 = vector.broadcast %squeeze3A_352 : f32 to vector<16xf32>
          %select_n3A_675 = arith.select %eq3A_673, %broadcast_in_dim3A_674, %select_n3A_671 : vector<16xi1>, vector<16xf32>
          %eq3A_676 = vector.broadcast %squeeze3A_314 : i32 to vector<16xi32>
          %eq3A_677 = arith.cmpi eq, %get3A_631, %eq3A_676 : vector<16xi32>
          %broadcast_in_dim3A_678 = vector.broadcast %squeeze3A_354 : f32 to vector<16xf32>
          %select_n3A_679 = arith.select %eq3A_677, %broadcast_in_dim3A_678, %select_n3A_675 : vector<16xi1>, vector<16xf32>
          %eq3A_680 = vector.broadcast %squeeze3A_316 : i32 to vector<16xi32>
          %eq3A_681 = arith.cmpi eq, %get3A_631, %eq3A_680 : vector<16xi32>
          %broadcast_in_dim3A_682 = vector.broadcast %squeeze3A_356 : f32 to vector<16xf32>
          %select_n3A_683 = arith.select %eq3A_681, %broadcast_in_dim3A_682, %select_n3A_679 : vector<16xi1>, vector<16xf32>
          %eq3A_684 = vector.broadcast %squeeze3A_318 : i32 to vector<16xi32>
          %eq3A_685 = arith.cmpi eq, %get3A_631, %eq3A_684 : vector<16xi32>
          %broadcast_in_dim3A_686 = vector.broadcast %squeeze3A_358 : f32 to vector<16xf32>
          %select_n3A_687 = arith.select %eq3A_685, %broadcast_in_dim3A_686, %select_n3A_683 : vector<16xi1>, vector<16xf32>
          %eq3A_688 = vector.broadcast %squeeze3A_320 : i32 to vector<16xi32>
          %eq3A_689 = arith.cmpi eq, %get3A_631, %eq3A_688 : vector<16xi32>
          %broadcast_in_dim3A_690 = vector.broadcast %squeeze3A_360 : f32 to vector<16xf32>
          %select_n3A_691 = arith.select %eq3A_689, %broadcast_in_dim3A_690, %select_n3A_687 : vector<16xi1>, vector<16xf32>
          %eq3A_692 = vector.broadcast %squeeze3A_322 : i32 to vector<16xi32>
          %eq3A_693 = arith.cmpi eq, %get3A_631, %eq3A_692 : vector<16xi32>
          %broadcast_in_dim3A_694 = vector.broadcast %squeeze3A_362 : f32 to vector<16xf32>
          %select_n3A_695 = arith.select %eq3A_693, %broadcast_in_dim3A_694, %select_n3A_691 : vector<16xi1>, vector<16xf32>
          %eq3A_696 = vector.broadcast %squeeze3A_324 : i32 to vector<16xi32>
          %eq3A_697 = arith.cmpi eq, %get3A_631, %eq3A_696 : vector<16xi32>
          %broadcast_in_dim3A_698 = vector.broadcast %squeeze3A_364 : f32 to vector<16xf32>
          %select_n3A_699 = arith.select %eq3A_697, %broadcast_in_dim3A_698, %select_n3A_695 : vector<16xi1>, vector<16xf32>
          %eq3A_700 = vector.broadcast %squeeze3A_326 : i32 to vector<16xi32>
          %eq3A_701 = arith.cmpi eq, %get3A_631, %eq3A_700 : vector<16xi32>
          %broadcast_in_dim3A_702 = vector.broadcast %squeeze3A_366 : f32 to vector<16xf32>
          %select_n3A_703 = arith.select %eq3A_701, %broadcast_in_dim3A_702, %select_n3A_699 : vector<16xi1>, vector<16xf32>
          %eq3A_704 = vector.broadcast %squeeze3A_328 : i32 to vector<16xi32>
          %eq3A_705 = arith.cmpi eq, %get3A_631, %eq3A_704 : vector<16xi32>
          %broadcast_in_dim3A_706 = vector.broadcast %squeeze3A_368 : f32 to vector<16xf32>
          %select_n3A_707 = arith.select %eq3A_705, %broadcast_in_dim3A_706, %select_n3A_703 : vector<16xi1>, vector<16xf32>
          %eq3A_708 = vector.broadcast %squeeze3A_330 : i32 to vector<16xi32>
          %eq3A_709 = arith.cmpi eq, %get3A_631, %eq3A_708 : vector<16xi32>
          %broadcast_in_dim3A_710 = vector.broadcast %squeeze3A_370 : f32 to vector<16xf32>
          %select_n3A_711 = arith.select %eq3A_709, %broadcast_in_dim3A_710, %select_n3A_707 : vector<16xi1>, vector<16xf32>
          %swap3A_712 = arith.index_cast %scan3A_135 : i32 to index
          %swap3A_713 = arith.constant 48 : index
          %swap3A_714 = tpu.vector_load %arg18[%swap3A_712, %swap3A_713] {strides = array<i32>} : memref<16x112xf32, #tpu.memory_space<vmem>>, vector<16xf32>,
          tpu.vector_store %arg18[%swap3A_712, %swap3A_713], %select_n3A_711 {strides = array<i32>} : memref<16x112xf32, #tpu.memory_space<vmem>>, vector<16xf32>,
          %get3A_715 = arith.index_cast %scan3A_135 : i32 to index
          %get3A_716 = arith.constant 64 : index
          %get3A_717 = tpu.vector_load %arg10[%get3A_715, %get3A_716] {strides = array<i32>} : memref<16x112xi32, #tpu.memory_space<vmem>>, vector<16xi32>,
          %eq3A_718 = vector.broadcast %squeeze3A_292 : i32 to vector<16xi32>
          %eq3A_719 = arith.cmpi eq, %get3A_717, %eq3A_718 : vector<16xi32>
          %broadcast_in_dim3A_720 = vector.broadcast %squeeze3A_332 : f32 to vector<16xf32>
          %select_n3A_721 = arith.select %eq3A_719, %broadcast_in_dim3A_720, %broadcast_in_dim3A_137 : vector<16xi1>, vector<16xf32>
          %eq3A_722 = vector.broadcast %squeeze3A_294 : i32 to vector<16xi32>
          %eq3A_723 = arith.cmpi eq, %get3A_717, %eq3A_722 : vector<16xi32>
          %broadcast_in_dim3A_724 = vector.broadcast %squeeze3A_334 : f32 to vector<16xf32>
          %select_n3A_725 = arith.select %eq3A_723, %broadcast_in_dim3A_724, %select_n3A_721 : vector<16xi1>, vector<16xf32>
          %eq3A_726 = vector.broadcast %squeeze3A_296 : i32 to vector<16xi32>
          %eq3A_727 = arith.cmpi eq, %get3A_717, %eq3A_726 : vector<16xi32>
          %broadcast_in_dim3A_728 = vector.broadcast %squeeze3A_336 : f32 to vector<16xf32>
          %select_n3A_729 = arith.select %eq3A_727, %broadcast_in_dim3A_728, %select_n3A_725 : vector<16xi1>, vector<16xf32>
          %eq3A_730 = vector.broadcast %squeeze3A_298 : i32 to vector<16xi32>
          %eq3A_731 = arith.cmpi eq, %get3A_717, %eq3A_730 : vector<16xi32>
          %broadcast_in_dim3A_732 = vector.broadcast %squeeze3A_338 : f32 to vector<16xf32>
          %select_n3A_733 = arith.select %eq3A_731, %broadcast_in_dim3A_732, %select_n3A_729 : vector<16xi1>, vector<16xf32>
          %eq3A_734 = vector.broadcast %squeeze3A_300 : i32 to vector<16xi32>
          %eq3A_735 = arith.cmpi eq, %get3A_717, %eq3A_734 : vector<16xi32>
          %broadcast_in_dim3A_736 = vector.broadcast %squeeze3A_340 : f32 to vector<16xf32>
          %select_n3A_737 = arith.select %eq3A_735, %broadcast_in_dim3A_736, %select_n3A_733 : vector<16xi1>, vector<16xf32>
          %eq3A_738 = vector.broadcast %squeeze3A_302 : i32 to vector<16xi32>
          %eq3A_739 = arith.cmpi eq, %get3A_717, %eq3A_738 : vector<16xi32>
          %broadcast_in_dim3A_740 = vector.broadcast %squeeze3A_342 : f32 to vector<16xf32>
          %select_n3A_741 = arith.select %eq3A_739, %broadcast_in_dim3A_740, %select_n3A_737 : vector<16xi1>, vector<16xf32>
          %eq3A_742 = vector.broadcast %squeeze3A_304 : i32 to vector<16xi32>
          %eq3A_743 = arith.cmpi eq, %get3A_717, %eq3A_742 : vector<16xi32>
          %broadcast_in_dim3A_744 = vector.broadcast %squeeze3A_344 : f32 to vector<16xf32>
          %select_n3A_745 = arith.select %eq3A_743, %broadcast_in_dim3A_744, %select_n3A_741 : vector<16xi1>, vector<16xf32>
          %eq3A_746 = vector.broadcast %squeeze3A_306 : i32 to vector<16xi32>
          %eq3A_747 = arith.cmpi eq, %get3A_717, %eq3A_746 : vector<16xi32>
          %broadcast_in_dim3A_748 = vector.broadcast %squeeze3A_346 : f32 to vector<16xf32>
          %select_n3A_749 = arith.select %eq3A_747, %broadcast_in_dim3A_748, %select_n3A_745 : vector<16xi1>, vector<16xf32>
          %eq3A_750 = vector.broadcast %squeeze3A_308 : i32 to vector<16xi32>
          %eq3A_751 = arith.cmpi eq, %get3A_717, %eq3A_750 : vector<16xi32>
          %broadcast_in_dim3A_752 = vector.broadcast %squeeze3A_348 : f32 to vector<16xf32>
          %select_n3A_753 = arith.select %eq3A_751, %broadcast_in_dim3A_752, %select_n3A_749 : vector<16xi1>, vector<16xf32>
          %eq3A_754 = vector.broadcast %squeeze3A_310 : i32 to vector<16xi32>
          %eq3A_755 = arith.cmpi eq, %get3A_717, %eq3A_754 : vector<16xi32>
          %broadcast_in_dim3A_756 = vector.broadcast %squeeze3A_350 : f32 to vector<16xf32>
          %select_n3A_757 = arith.select %eq3A_755, %broadcast_in_dim3A_756, %select_n3A_753 : vector<16xi1>, vector<16xf32>
          %eq3A_758 = vector.broadcast %squeeze3A_312 : i32 to vector<16xi32>
          %eq3A_759 = arith.cmpi eq, %get3A_717, %eq3A_758 : vector<16xi32>
          %broadcast_in_dim3A_760 = vector.broadcast %squeeze3A_352 : f32 to vector<16xf32>
          %select_n3A_761 = arith.select %eq3A_759, %broadcast_in_dim3A_760, %select_n3A_757 : vector<16xi1>, vector<16xf32>
          %eq3A_762 = vector.broadcast %squeeze3A_314 : i32 to vector<16xi32>
          %eq3A_763 = arith.cmpi eq, %get3A_717, %eq3A_762 : vector<16xi32>
          %broadcast_in_dim3A_764 = vector.broadcast %squeeze3A_354 : f32 to vector<16xf32>
          %select_n3A_765 = arith.select %eq3A_763, %broadcast_in_dim3A_764, %select_n3A_761 : vector<16xi1>, vector<16xf32>
          %eq3A_766 = vector.broadcast %squeeze3A_316 : i32 to vector<16xi32>
          %eq3A_767 = arith.cmpi eq, %get3A_717, %eq3A_766 : vector<16xi32>
          %broadcast_in_dim3A_768 = vector.broadcast %squeeze3A_356 : f32 to vector<16xf32>
          %select_n3A_769 = arith.select %eq3A_767, %broadcast_in_dim3A_768, %select_n3A_765 : vector<16xi1>, vector<16xf32>
          %eq3A_770 = vector.broadcast %squeeze3A_318 : i32 to vector<16xi32>
          %eq3A_771 = arith.cmpi eq, %get3A_717, %eq3A_770 : vector<16xi32>
          %broadcast_in_dim3A_772 = vector.broadcast %squeeze3A_358 : f32 to vector<16xf32>
          %select_n3A_773 = arith.select %eq3A_771, %broadcast_in_dim3A_772, %select_n3A_769 : vector<16xi1>, vector<16xf32>
          %eq3A_774 = vector.broadcast %squeeze3A_320 : i32 to vector<16xi32>
          %eq3A_775 = arith.cmpi eq, %get3A_717, %eq3A_774 : vector<16xi32>
          %broadcast_in_dim3A_776 = vector.broadcast %squeeze3A_360 : f32 to vector<16xf32>
          %select_n3A_777 = arith.select %eq3A_775, %broadcast_in_dim3A_776, %select_n3A_773 : vector<16xi1>, vector<16xf32>
          %eq3A_778 = vector.broadcast %squeeze3A_322 : i32 to vector<16xi32>
          %eq3A_779 = arith.cmpi eq, %get3A_717, %eq3A_778 : vector<16xi32>
          %broadcast_in_dim3A_780 = vector.broadcast %squeeze3A_362 : f32 to vector<16xf32>
          %select_n3A_781 = arith.select %eq3A_779, %broadcast_in_dim3A_780, %select_n3A_777 : vector<16xi1>, vector<16xf32>
          %eq3A_782 = vector.broadcast %squeeze3A_324 : i32 to vector<16xi32>
          %eq3A_783 = arith.cmpi eq, %get3A_717, %eq3A_782 : vector<16xi32>
          %broadcast_in_dim3A_784 = vector.broadcast %squeeze3A_364 : f32 to vector<16xf32>
          %select_n3A_785 = arith.select %eq3A_783, %broadcast_in_dim3A_784, %select_n3A_781 : vector<16xi1>, vector<16xf32>
          %eq3A_786 = vector.broadcast %squeeze3A_326 : i32 to vector<16xi32>
          %eq3A_787 = arith.cmpi eq, %get3A_717, %eq3A_786 : vector<16xi32>
          %broadcast_in_dim3A_788 = vector.broadcast %squeeze3A_366 : f32 to vector<16xf32>
          %select_n3A_789 = arith.select %eq3A_787, %broadcast_in_dim3A_788, %select_n3A_785 : vector<16xi1>, vector<16xf32>
          %eq3A_790 = vector.broadcast %squeeze3A_328 : i32 to vector<16xi32>
          %eq3A_791 = arith.cmpi eq, %get3A_717, %eq3A_790 : vector<16xi32>
          %broadcast_in_dim3A_792 = vector.broadcast %squeeze3A_368 : f32 to vector<16xf32>
          %select_n3A_793 = arith.select %eq3A_791, %broadcast_in_dim3A_792, %select_n3A_789 : vector<16xi1>, vector<16xf32>
          %eq3A_794 = vector.broadcast %squeeze3A_330 : i32 to vector<16xi32>
          %eq3A_795 = arith.cmpi eq, %get3A_717, %eq3A_794 : vector<16xi32>
          %broadcast_in_dim3A_796 = vector.broadcast %squeeze3A_370 : f32 to vector<16xf32>
          %select_n3A_797 = arith.select %eq3A_795, %broadcast_in_dim3A_796, %select_n3A_793 : vector<16xi1>, vector<16xf32>
          %swap3A_798 = arith.index_cast %scan3A_135 : i32 to index
          %swap3A_799 = arith.constant 64 : index
          %swap3A_800 = tpu.vector_load %arg18[%swap3A_798, %swap3A_799] {strides = array<i32>} : memref<16x112xf32, #tpu.memory_space<vmem>>, vector<16xf32>,
          tpu.vector_store %arg18[%swap3A_798, %swap3A_799], %select_n3A_797 {strides = array<i32>} : memref<16x112xf32, #tpu.memory_space<vmem>>, vector<16xf32>,
          %get3A_801 = arith.index_cast %scan3A_135 : i32 to index
          %get3A_802 = arith.constant 80 : index
          %get3A_803 = tpu.vector_load %arg10[%get3A_801, %get3A_802] {strides = array<i32>} : memref<16x112xi32, #tpu.memory_space<vmem>>, vector<16xi32>,
          %eq3A_804 = vector.broadcast %squeeze3A_292 : i32 to vector<16xi32>
          %eq3A_805 = arith.cmpi eq, %get3A_803, %eq3A_804 : vector<16xi32>
          %broadcast_in_dim3A_806 = vector.broadcast %squeeze3A_332 : f32 to vector<16xf32>
          %select_n3A_807 = arith.select %eq3A_805, %broadcast_in_dim3A_806, %broadcast_in_dim3A_137 : vector<16xi1>, vector<16xf32>
          %eq3A_808 = vector.broadcast %squeeze3A_294 : i32 to vector<16xi32>
          %eq3A_809 = arith.cmpi eq, %get3A_803, %eq3A_808 : vector<16xi32>
          %broadcast_in_dim3A_810 = vector.broadcast %squeeze3A_334 : f32 to vector<16xf32>
          %select_n3A_811 = arith.select %eq3A_809, %broadcast_in_dim3A_810, %select_n3A_807 : vector<16xi1>, vector<16xf32>
          %eq3A_812 = vector.broadcast %squeeze3A_296 : i32 to vector<16xi32>
          %eq3A_813 = arith.cmpi eq, %get3A_803, %eq3A_812 : vector<16xi32>
          %broadcast_in_dim3A_814 = vector.broadcast %squeeze3A_336 : f32 to vector<16xf32>
          %select_n3A_815 = arith.select %eq3A_813, %broadcast_in_dim3A_814, %select_n3A_811 : vector<16xi1>, vector<16xf32>
          %eq3A_816 = vector.broadcast %squeeze3A_298 : i32 to vector<16xi32>
          %eq3A_817 = arith.cmpi eq, %get3A_803, %eq3A_816 : vector<16xi32>
          %broadcast_in_dim3A_818 = vector.broadcast %squeeze3A_338 : f32 to vector<16xf32>
          %select_n3A_819 = arith.select %eq3A_817, %broadcast_in_dim3A_818, %select_n3A_815 : vector<16xi1>, vector<16xf32>
          %eq3A_820 = vector.broadcast %squeeze3A_300 : i32 to vector<16xi32>
          %eq3A_821 = arith.cmpi eq, %get3A_803, %eq3A_820 : vector<16xi32>
          %broadcast_in_dim3A_822 = vector.broadcast %squeeze3A_340 : f32 to vector<16xf32>
          %select_n3A_823 = arith.select %eq3A_821, %broadcast_in_dim3A_822, %select_n3A_819 : vector<16xi1>, vector<16xf32>
          %eq3A_824 = vector.broadcast %squeeze3A_302 : i32 to vector<16xi32>
          %eq3A_825 = arith.cmpi eq, %get3A_803, %eq3A_824 : vector<16xi32>
          %broadcast_in_dim3A_826 = vector.broadcast %squeeze3A_342 : f32 to vector<16xf32>
          %select_n3A_827 = arith.select %eq3A_825, %broadcast_in_dim3A_826, %select_n3A_823 : vector<16xi1>, vector<16xf32>
          %eq3A_828 = vector.broadcast %squeeze3A_304 : i32 to vector<16xi32>
          %eq3A_829 = arith.cmpi eq, %get3A_803, %eq3A_828 : vector<16xi32>
          %broadcast_in_dim3A_830 = vector.broadcast %squeeze3A_344 : f32 to vector<16xf32>
          %select_n3A_831 = arith.select %eq3A_829, %broadcast_in_dim3A_830, %select_n3A_827 : vector<16xi1>, vector<16xf32>
          %eq3A_832 = vector.broadcast %squeeze3A_306 : i32 to vector<16xi32>
          %eq3A_833 = arith.cmpi eq, %get3A_803, %eq3A_832 : vector<16xi32>
          %broadcast_in_dim3A_834 = vector.broadcast %squeeze3A_346 : f32 to vector<16xf32>
          %select_n3A_835 = arith.select %eq3A_833, %broadcast_in_dim3A_834, %select_n3A_831 : vector<16xi1>, vector<16xf32>
          %eq3A_836 = vector.broadcast %squeeze3A_308 : i32 to vector<16xi32>
          %eq3A_837 = arith.cmpi eq, %get3A_803, %eq3A_836 : vector<16xi32>
          %broadcast_in_dim3A_838 = vector.broadcast %squeeze3A_348 : f32 to vector<16xf32>
          %select_n3A_839 = arith.select %eq3A_837, %broadcast_in_dim3A_838, %select_n3A_835 : vector<16xi1>, vector<16xf32>
          %eq3A_840 = vector.broadcast %squeeze3A_310 : i32 to vector<16xi32>
          %eq3A_841 = arith.cmpi eq, %get3A_803, %eq3A_840 : vector<16xi32>
          %broadcast_in_dim3A_842 = vector.broadcast %squeeze3A_350 : f32 to vector<16xf32>
          %select_n3A_843 = arith.select %eq3A_841, %broadcast_in_dim3A_842, %select_n3A_839 : vector<16xi1>, vector<16xf32>
          %eq3A_844 = vector.broadcast %squeeze3A_312 : i32 to vector<16xi32>
          %eq3A_845 = arith.cmpi eq, %get3A_803, %eq3A_844 : vector<16xi32>
          %broadcast_in_dim3A_846 = vector.broadcast %squeeze3A_352 : f32 to vector<16xf32>
          %select_n3A_847 = arith.select %eq3A_845, %broadcast_in_dim3A_846, %select_n3A_843 : vector<16xi1>, vector<16xf32>
          %eq3A_848 = vector.broadcast %squeeze3A_314 : i32 to vector<16xi32>
          %eq3A_849 = arith.cmpi eq, %get3A_803, %eq3A_848 : vector<16xi32>
          %broadcast_in_dim3A_850 = vector.broadcast %squeeze3A_354 : f32 to vector<16xf32>
          %select_n3A_851 = arith.select %eq3A_849, %broadcast_in_dim3A_850, %select_n3A_847 : vector<16xi1>, vector<16xf32>
          %eq3A_852 = vector.broadcast %squeeze3A_316 : i32 to vector<16xi32>
          %eq3A_853 = arith.cmpi eq, %get3A_803, %eq3A_852 : vector<16xi32>
          %broadcast_in_dim3A_854 = vector.broadcast %squeeze3A_356 : f32 to vector<16xf32>
          %select_n3A_855 = arith.select %eq3A_853, %broadcast_in_dim3A_854, %select_n3A_851 : vector<16xi1>, vector<16xf32>
          %eq3A_856 = vector.broadcast %squeeze3A_318 : i32 to vector<16xi32>
          %eq3A_857 = arith.cmpi eq, %get3A_803, %eq3A_856 : vector<16xi32>
          %broadcast_in_dim3A_858 = vector.broadcast %squeeze3A_358 : f32 to vector<16xf32>
          %select_n3A_859 = arith.select %eq3A_857, %broadcast_in_dim3A_858, %select_n3A_855 : vector<16xi1>, vector<16xf32>
          %eq3A_860 = vector.broadcast %squeeze3A_320 : i32 to vector<16xi32>
          %eq3A_861 = arith.cmpi eq, %get3A_803, %eq3A_860 : vector<16xi32>
          %broadcast_in_dim3A_862 = vector.broadcast %squeeze3A_360 : f32 to vector<16xf32>
          %select_n3A_863 = arith.select %eq3A_861, %broadcast_in_dim3A_862, %select_n3A_859 : vector<16xi1>, vector<16xf32>
          %eq3A_864 = vector.broadcast %squeeze3A_322 : i32 to vector<16xi32>
          %eq3A_865 = arith.cmpi eq, %get3A_803, %eq3A_864 : vector<16xi32>
          %broadcast_in_dim3A_866 = vector.broadcast %squeeze3A_362 : f32 to vector<16xf32>
          %select_n3A_867 = arith.select %eq3A_865, %broadcast_in_dim3A_866, %select_n3A_863 : vector<16xi1>, vector<16xf32>
          %eq3A_868 = vector.broadcast %squeeze3A_324 : i32 to vector<16xi32>
          %eq3A_869 = arith.cmpi eq, %get3A_803, %eq3A_868 : vector<16xi32>
          %broadcast_in_dim3A_870 = vector.broadcast %squeeze3A_364 : f32 to vector<16xf32>
          %select_n3A_871 = arith.select %eq3A_869, %broadcast_in_dim3A_870, %select_n3A_867 : vector<16xi1>, vector<16xf32>
          %eq3A_872 = vector.broadcast %squeeze3A_326 : i32 to vector<16xi32>
          %eq3A_873 = arith.cmpi eq, %get3A_803, %eq3A_872 : vector<16xi32>
          %broadcast_in_dim3A_874 = vector.broadcast %squeeze3A_366 : f32 to vector<16xf32>
          %select_n3A_875 = arith.select %eq3A_873, %broadcast_in_dim3A_874, %select_n3A_871 : vector<16xi1>, vector<16xf32>
          %eq3A_876 = vector.broadcast %squeeze3A_328 : i32 to vector<16xi32>
          %eq3A_877 = arith.cmpi eq, %get3A_803, %eq3A_876 : vector<16xi32>
          %broadcast_in_dim3A_878 = vector.broadcast %squeeze3A_368 : f32 to vector<16xf32>
          %select_n3A_879 = arith.select %eq3A_877, %broadcast_in_dim3A_878, %select_n3A_875 : vector<16xi1>, vector<16xf32>
          %eq3A_880 = vector.broadcast %squeeze3A_330 : i32 to vector<16xi32>
          %eq3A_881 = arith.cmpi eq, %get3A_803, %eq3A_880 : vector<16xi32>
          %broadcast_in_dim3A_882 = vector.broadcast %squeeze3A_370 : f32 to vector<16xf32>
          %select_n3A_883 = arith.select %eq3A_881, %broadcast_in_dim3A_882, %select_n3A_879 : vector<16xi1>, vector<16xf32>
          %swap3A_884 = arith.index_cast %scan3A_135 : i32 to index
          %swap3A_885 = arith.constant 80 : index
          %swap3A_886 = tpu.vector_load %arg18[%swap3A_884, %swap3A_885] {strides = array<i32>} : memref<16x112xf32, #tpu.memory_space<vmem>>, vector<16xf32>,
          tpu.vector_store %arg18[%swap3A_884, %swap3A_885], %select_n3A_883 {strides = array<i32>} : memref<16x112xf32, #tpu.memory_space<vmem>>, vector<16xf32>,
          %get3A_887 = arith.index_cast %scan3A_135 : i32 to index
          %get3A_888 = arith.constant 96 : index
          %get3A_889 = tpu.vector_load %arg10[%get3A_887, %get3A_888] {strides = array<i32>} : memref<16x112xi32, #tpu.memory_space<vmem>>, vector<16xi32>,
          %eq3A_890 = vector.broadcast %squeeze3A_292 : i32 to vector<16xi32>
          %eq3A_891 = arith.cmpi eq, %get3A_889, %eq3A_890 : vector<16xi32>
          %broadcast_in_dim3A_892 = vector.broadcast %squeeze3A_332 : f32 to vector<16xf32>
          %select_n3A_893 = arith.select %eq3A_891, %broadcast_in_dim3A_892, %broadcast_in_dim3A_137 : vector<16xi1>, vector<16xf32>
          %eq3A_894 = vector.broadcast %squeeze3A_294 : i32 to vector<16xi32>
          %eq3A_895 = arith.cmpi eq, %get3A_889, %eq3A_894 : vector<16xi32>
          %broadcast_in_dim3A_896 = vector.broadcast %squeeze3A_334 : f32 to vector<16xf32>
          %select_n3A_897 = arith.select %eq3A_895, %broadcast_in_dim3A_896, %select_n3A_893 : vector<16xi1>, vector<16xf32>
          %eq3A_898 = vector.broadcast %squeeze3A_296 : i32 to vector<16xi32>
          %eq3A_899 = arith.cmpi eq, %get3A_889, %eq3A_898 : vector<16xi32>
          %broadcast_in_dim3A_900 = vector.broadcast %squeeze3A_336 : f32 to vector<16xf32>
          %select_n3A_901 = arith.select %eq3A_899, %broadcast_in_dim3A_900, %select_n3A_897 : vector<16xi1>, vector<16xf32>
          %eq3A_902 = vector.broadcast %squeeze3A_298 : i32 to vector<16xi32>
          %eq3A_903 = arith.cmpi eq, %get3A_889, %eq3A_902 : vector<16xi32>
          %broadcast_in_dim3A_904 = vector.broadcast %squeeze3A_338 : f32 to vector<16xf32>
          %select_n3A_905 = arith.select %eq3A_903, %broadcast_in_dim3A_904, %select_n3A_901 : vector<16xi1>, vector<16xf32>
          %eq3A_906 = vector.broadcast %squeeze3A_300 : i32 to vector<16xi32>
          %eq3A_907 = arith.cmpi eq, %get3A_889, %eq3A_906 : vector<16xi32>
          %broadcast_in_dim3A_908 = vector.broadcast %squeeze3A_340 : f32 to vector<16xf32>
          %select_n3A_909 = arith.select %eq3A_907, %broadcast_in_dim3A_908, %select_n3A_905 : vector<16xi1>, vector<16xf32>
          %eq3A_910 = vector.broadcast %squeeze3A_302 : i32 to vector<16xi32>
          %eq3A_911 = arith.cmpi eq, %get3A_889, %eq3A_910 : vector<16xi32>
          %broadcast_in_dim3A_912 = vector.broadcast %squeeze3A_342 : f32 to vector<16xf32>
          %select_n3A_913 = arith.select %eq3A_911, %broadcast_in_dim3A_912, %select_n3A_909 : vector<16xi1>, vector<16xf32>
          %eq3A_914 = vector.broadcast %squeeze3A_304 : i32 to vector<16xi32>
          %eq3A_915 = arith.cmpi eq, %get3A_889, %eq3A_914 : vector<16xi32>
          %broadcast_in_dim3A_916 = vector.broadcast %squeeze3A_344 : f32 to vector<16xf32>
          %select_n3A_917 = arith.select %eq3A_915, %broadcast_in_dim3A_916, %select_n3A_913 : vector<16xi1>, vector<16xf32>
          %eq3A_918 = vector.broadcast %squeeze3A_306 : i32 to vector<16xi32>
          %eq3A_919 = arith.cmpi eq, %get3A_889, %eq3A_918 : vector<16xi32>
          %broadcast_in_dim3A_920 = vector.broadcast %squeeze3A_346 : f32 to vector<16xf32>
          %select_n3A_921 = arith.select %eq3A_919, %broadcast_in_dim3A_920, %select_n3A_917 : vector<16xi1>, vector<16xf32>
          %eq3A_922 = vector.broadcast %squeeze3A_308 : i32 to vector<16xi32>
          %eq3A_923 = arith.cmpi eq, %get3A_889, %eq3A_922 : vector<16xi32>
          %broadcast_in_dim3A_924 = vector.broadcast %squeeze3A_348 : f32 to vector<16xf32>
          %select_n3A_925 = arith.select %eq3A_923, %broadcast_in_dim3A_924, %select_n3A_921 : vector<16xi1>, vector<16xf32>
          %eq3A_926 = vector.broadcast %squeeze3A_310 : i32 to vector<16xi32>
          %eq3A_927 = arith.cmpi eq, %get3A_889, %eq3A_926 : vector<16xi32>
          %broadcast_in_dim3A_928 = vector.broadcast %squeeze3A_350 : f32 to vector<16xf32>
          %select_n3A_929 = arith.select %eq3A_927, %broadcast_in_dim3A_928, %select_n3A_925 : vector<16xi1>, vector<16xf32>
          %eq3A_930 = vector.broadcast %squeeze3A_312 : i32 to vector<16xi32>
          %eq3A_931 = arith.cmpi eq, %get3A_889, %eq3A_930 : vector<16xi32>
          %broadcast_in_dim3A_932 = vector.broadcast %squeeze3A_352 : f32 to vector<16xf32>
          %select_n3A_933 = arith.select %eq3A_931, %broadcast_in_dim3A_932, %select_n3A_929 : vector<16xi1>, vector<16xf32>
          %eq3A_934 = vector.broadcast %squeeze3A_314 : i32 to vector<16xi32>
          %eq3A_935 = arith.cmpi eq, %get3A_889, %eq3A_934 : vector<16xi32>
          %broadcast_in_dim3A_936 = vector.broadcast %squeeze3A_354 : f32 to vector<16xf32>
          %select_n3A_937 = arith.select %eq3A_935, %broadcast_in_dim3A_936, %select_n3A_933 : vector<16xi1>, vector<16xf32>
          %eq3A_938 = vector.broadcast %squeeze3A_316 : i32 to vector<16xi32>
          %eq3A_939 = arith.cmpi eq, %get3A_889, %eq3A_938 : vector<16xi32>
          %broadcast_in_dim3A_940 = vector.broadcast %squeeze3A_356 : f32 to vector<16xf32>
          %select_n3A_941 = arith.select %eq3A_939, %broadcast_in_dim3A_940, %select_n3A_937 : vector<16xi1>, vector<16xf32>
          %eq3A_942 = vector.broadcast %squeeze3A_318 : i32 to vector<16xi32>
          %eq3A_943 = arith.cmpi eq, %get3A_889, %eq3A_942 : vector<16xi32>
          %broadcast_in_dim3A_944 = vector.broadcast %squeeze3A_358 : f32 to vector<16xf32>
          %select_n3A_945 = arith.select %eq3A_943, %broadcast_in_dim3A_944, %select_n3A_941 : vector<16xi1>, vector<16xf32>
          %eq3A_946 = vector.broadcast %squeeze3A_320 : i32 to vector<16xi32>
          %eq3A_947 = arith.cmpi eq, %get3A_889, %eq3A_946 : vector<16xi32>
          %broadcast_in_dim3A_948 = vector.broadcast %squeeze3A_360 : f32 to vector<16xf32>
          %select_n3A_949 = arith.select %eq3A_947, %broadcast_in_dim3A_948, %select_n3A_945 : vector<16xi1>, vector<16xf32>
          %eq3A_950 = vector.broadcast %squeeze3A_322 : i32 to vector<16xi32>
          %eq3A_951 = arith.cmpi eq, %get3A_889, %eq3A_950 : vector<16xi32>
          %broadcast_in_dim3A_952 = vector.broadcast %squeeze3A_362 : f32 to vector<16xf32>
          %select_n3A_953 = arith.select %eq3A_951, %broadcast_in_dim3A_952, %select_n3A_949 : vector<16xi1>, vector<16xf32>
          %eq3A_954 = vector.broadcast %squeeze3A_324 : i32 to vector<16xi32>
          %eq3A_955 = arith.cmpi eq, %get3A_889, %eq3A_954 : vector<16xi32>
          %broadcast_in_dim3A_956 = vector.broadcast %squeeze3A_364 : f32 to vector<16xf32>
          %select_n3A_957 = arith.select %eq3A_955, %broadcast_in_dim3A_956, %select_n3A_953 : vector<16xi1>, vector<16xf32>
          %eq3A_958 = vector.broadcast %squeeze3A_326 : i32 to vector<16xi32>
          %eq3A_959 = arith.cmpi eq, %get3A_889, %eq3A_958 : vector<16xi32>
          %broadcast_in_dim3A_960 = vector.broadcast %squeeze3A_366 : f32 to vector<16xf32>
          %select_n3A_961 = arith.select %eq3A_959, %broadcast_in_dim3A_960, %select_n3A_957 : vector<16xi1>, vector<16xf32>
          %eq3A_962 = vector.broadcast %squeeze3A_328 : i32 to vector<16xi32>
          %eq3A_963 = arith.cmpi eq, %get3A_889, %eq3A_962 : vector<16xi32>
          %broadcast_in_dim3A_964 = vector.broadcast %squeeze3A_368 : f32 to vector<16xf32>
          %select_n3A_965 = arith.select %eq3A_963, %broadcast_in_dim3A_964, %select_n3A_961 : vector<16xi1>, vector<16xf32>
          %eq3A_966 = vector.broadcast %squeeze3A_330 : i32 to vector<16xi32>
          %eq3A_967 = arith.cmpi eq, %get3A_889, %eq3A_966 : vector<16xi32>
          %broadcast_in_dim3A_968 = vector.broadcast %squeeze3A_370 : f32 to vector<16xf32>
          %select_n3A_969 = arith.select %eq3A_967, %broadcast_in_dim3A_968, %select_n3A_965 : vector<16xi1>, vector<16xf32>
          %swap3A_970 = arith.index_cast %scan3A_135 : i32 to index
          %swap3A_971 = arith.constant 96 : index
          %swap3A_972 = tpu.vector_load %arg18[%swap3A_970, %swap3A_971] {strides = array<i32>} : memref<16x112xf32, #tpu.memory_space<vmem>>, vector<16xf32>,
          tpu.vector_store %arg18[%swap3A_970, %swap3A_971], %select_n3A_969 {strides = array<i32>} : memref<16x112xf32, #tpu.memory_space<vmem>>, vector<16xf32>,
          %add3A_973 = arith.addi %add3A_81, %scan3A_135 : i32
          "tpu.region"() ({
            %run_scoped3A = tpu.sem_alloc : memref<!tpu.dma_semaphore, #tpu.memory_space<semaphore_mem>>
            %dma_start3A_982 = arith.constant 0 : i32
            %dma_start3A_983 = tpu.memref_slice %arg4[%add3A_973, %dma_start3A_982] : memref<4096x2000xf32, #tpu.memory_space<hbm>> -> memref<1x2000xf32, #tpu.memory_space<hbm>>
            %dma_start3A_984 = tpu.memref_squeeze %dma_start3A_983 : memref<1x2000xf32, #tpu.memory_space<hbm>> -> memref<2000xf32, #tpu.memory_space<hbm>>
            %dma_start3A_985 = arith.constant 0 : i32
            %dma_start3A_986 = tpu.memref_slice %arg4[%add3A_973, %dma_start3A_985] : memref<4096x2000xf32, #tpu.memory_space<hbm>> -> memref<1x2000xf32, #tpu.memory_space<hbm>>
            %dma_start3A_987 = tpu.memref_squeeze %dma_start3A_986 : memref<1x2000xf32, #tpu.memory_space<hbm>> -> memref<2000xf32, #tpu.memory_space<hbm>>
            tpu.enqueue_dma source(%dma_start3A_987 : memref<2000xf32, #tpu.memory_space<hbm>>) target(%arg21 : memref<2000xf32, #tpu.memory_space<vmem>>) target_semaphore(%run_scoped3A : memref<!tpu.dma_semaphore, #tpu.memory_space<semaphore_mem>>)
            %dma_wait3A_988 = arith.constant 0 : i32
            %dma_wait3A_989 = tpu.memref_slice %arg4[%add3A_973, %dma_wait3A_988] : memref<4096x2000xf32, #tpu.memory_space<hbm>> -> memref<1x2000xf32, #tpu.memory_space<hbm>>
            %dma_wait3A_990 = tpu.memref_squeeze %dma_wait3A_989 : memref<1x2000xf32, #tpu.memory_space<hbm>> -> memref<2000xf32, #tpu.memory_space<hbm>>
            %dma_wait3A_991 = arith.constant 0 : i32
            %dma_wait3A_992 = tpu.memref_slice %arg4[%add3A_973, %dma_wait3A_991] : memref<4096x2000xf32, #tpu.memory_space<hbm>> -> memref<1x2000xf32, #tpu.memory_space<hbm>>
            %dma_wait3A_993 = tpu.memref_squeeze %dma_wait3A_992 : memref<1x2000xf32, #tpu.memory_space<hbm>> -> memref<2000xf32, #tpu.memory_space<hbm>>
            tpu.wait_dma2 semaphore(%run_scoped3A : memref<!tpu.dma_semaphore, #tpu.memory_space<semaphore_mem>>) src(%dma_wait3A_993 : memref<2000xf32, #tpu.memory_space<hbm>>) dst(%arg21 : memref<2000xf32, #tpu.memory_space<vmem>>)
            tpu.yield
          }) : () -> ()
          %broadcast_in_dim3A_974 = arith.constant 0 : i32
          %broadcast_in_dim3A_975 = vector.broadcast %broadcast_in_dim3A_974 : i32 to vector<16xi32>
          %scan3A_976 = arith.constant 0 : i32
          %scan3A_977 = arith.constant 125 : i32
          %scan3A_978 = arith.addi %scan3A_976, %scan3A_977 : i32
          %scan3A_979 = arith.constant 1 : i32
          %scan3A_980 = scf.for %scan3A_982 = %scan3A_976 to %scan3A_978 step %scan3A_979 iter_args(%scan3A_983 = %broadcast_in_dim3A_975) -> (vector<16xi32>)  : i32 {
            %mul3A_984 = arith.constant 16 : i32
            %mul3A_985 = arith.muli %scan3A_982, %mul3A_984 : i32
            %get3A_986 = arith.index_cast %scan3A_135 : i32 to index
            %get3A_987 = arith.index_cast %mul3A_985 : i32 to index
            %get3A_988 = tpu.vector_load %arg11[%get3A_986, %get3A_987] {strides = array<i32>} : memref<16x2000xi32, #tpu.memory_space<vmem>>, vector<16xi32>,
            %eq3A_989 = vector.broadcast %squeeze3A_292 : i32 to vector<16xi32>
            %eq3A_990 = arith.cmpi eq, %get3A_988, %eq3A_989 : vector<16xi32>
            %eq3A_991 = vector.broadcast %squeeze3A_294 : i32 to vector<16xi32>
            %eq3A_992 = arith.cmpi eq, %get3A_988, %eq3A_991 : vector<16xi32>
            %or3A_993 = arith.ori %eq3A_990, %eq3A_992 : vector<16xi1>
            %eq3A_994 = vector.broadcast %squeeze3A_296 : i32 to vector<16xi32>
            %eq3A_995 = arith.cmpi eq, %get3A_988, %eq3A_994 : vector<16xi32>
            %or3A_996 = arith.ori %or3A_993, %eq3A_995 : vector<16xi1>
            %eq3A_997 = vector.broadcast %squeeze3A_298 : i32 to vector<16xi32>
            %eq3A_998 = arith.cmpi eq, %get3A_988, %eq3A_997 : vector<16xi32>
            %or3A_999 = arith.ori %or3A_996, %eq3A_998 : vector<16xi1>
            %eq3A_1000 = vector.broadcast %squeeze3A_300 : i32 to vector<16xi32>
            %eq3A_1001 = arith.cmpi eq, %get3A_988, %eq3A_1000 : vector<16xi32>
            %or3A_1002 = arith.ori %or3A_999, %eq3A_1001 : vector<16xi1>
            %eq3A_1003 = vector.broadcast %squeeze3A_302 : i32 to vector<16xi32>
            %eq3A_1004 = arith.cmpi eq, %get3A_988, %eq3A_1003 : vector<16xi32>
            %or3A_1005 = arith.ori %or3A_1002, %eq3A_1004 : vector<16xi1>
            %eq3A_1006 = vector.broadcast %squeeze3A_304 : i32 to vector<16xi32>
            %eq3A_1007 = arith.cmpi eq, %get3A_988, %eq3A_1006 : vector<16xi32>
            %or3A_1008 = arith.ori %or3A_1005, %eq3A_1007 : vector<16xi1>
            %eq3A_1009 = vector.broadcast %squeeze3A_306 : i32 to vector<16xi32>
            %eq3A_1010 = arith.cmpi eq, %get3A_988, %eq3A_1009 : vector<16xi32>
            %or3A_1011 = arith.ori %or3A_1008, %eq3A_1010 : vector<16xi1>
            %eq3A_1012 = vector.broadcast %squeeze3A_308 : i32 to vector<16xi32>
            %eq3A_1013 = arith.cmpi eq, %get3A_988, %eq3A_1012 : vector<16xi32>
            %or3A_1014 = arith.ori %or3A_1011, %eq3A_1013 : vector<16xi1>
            %eq3A_1015 = vector.broadcast %squeeze3A_310 : i32 to vector<16xi32>
            %eq3A_1016 = arith.cmpi eq, %get3A_988, %eq3A_1015 : vector<16xi32>
            %or3A_1017 = arith.ori %or3A_1014, %eq3A_1016 : vector<16xi1>
            %eq3A_1018 = vector.broadcast %squeeze3A_312 : i32 to vector<16xi32>
            %eq3A_1019 = arith.cmpi eq, %get3A_988, %eq3A_1018 : vector<16xi32>
            %or3A_1020 = arith.ori %or3A_1017, %eq3A_1019 : vector<16xi1>
            %eq3A_1021 = vector.broadcast %squeeze3A_314 : i32 to vector<16xi32>
            %eq3A_1022 = arith.cmpi eq, %get3A_988, %eq3A_1021 : vector<16xi32>
            %or3A_1023 = arith.ori %or3A_1020, %eq3A_1022 : vector<16xi1>
            %eq3A_1024 = vector.broadcast %squeeze3A_316 : i32 to vector<16xi32>
            %eq3A_1025 = arith.cmpi eq, %get3A_988, %eq3A_1024 : vector<16xi32>
            %or3A_1026 = arith.ori %or3A_1023, %eq3A_1025 : vector<16xi1>
            %eq3A_1027 = vector.broadcast %squeeze3A_318 : i32 to vector<16xi32>
            %eq3A_1028 = arith.cmpi eq, %get3A_988, %eq3A_1027 : vector<16xi32>
            %or3A_1029 = arith.ori %or3A_1026, %eq3A_1028 : vector<16xi1>
            %eq3A_1030 = vector.broadcast %squeeze3A_320 : i32 to vector<16xi32>
            %eq3A_1031 = arith.cmpi eq, %get3A_988, %eq3A_1030 : vector<16xi32>
            %or3A_1032 = arith.ori %or3A_1029, %eq3A_1031 : vector<16xi1>
            %eq3A_1033 = vector.broadcast %squeeze3A_322 : i32 to vector<16xi32>
            %eq3A_1034 = arith.cmpi eq, %get3A_988, %eq3A_1033 : vector<16xi32>
            %or3A_1035 = arith.ori %or3A_1032, %eq3A_1034 : vector<16xi1>
            %eq3A_1036 = vector.broadcast %squeeze3A_324 : i32 to vector<16xi32>
            %eq3A_1037 = arith.cmpi eq, %get3A_988, %eq3A_1036 : vector<16xi32>
            %or3A_1038 = arith.ori %or3A_1035, %eq3A_1037 : vector<16xi1>
            %eq3A_1039 = vector.broadcast %squeeze3A_326 : i32 to vector<16xi32>
            %eq3A_1040 = arith.cmpi eq, %get3A_988, %eq3A_1039 : vector<16xi32>
            %or3A_1041 = arith.ori %or3A_1038, %eq3A_1040 : vector<16xi1>
            %eq3A_1042 = vector.broadcast %squeeze3A_328 : i32 to vector<16xi32>
            %eq3A_1043 = arith.cmpi eq, %get3A_988, %eq3A_1042 : vector<16xi32>
            %or3A_1044 = arith.ori %or3A_1041, %eq3A_1043 : vector<16xi1>
            %eq3A_1045 = vector.broadcast %squeeze3A_330 : i32 to vector<16xi32>
            %eq3A_1046 = arith.cmpi eq, %get3A_988, %eq3A_1045 : vector<16xi32>
            %or3A_1047 = arith.ori %or3A_1044, %eq3A_1046 : vector<16xi1>
            %jit3A = arith.constant 1 : i32
            %jit3A_1048 = arith.constant 0 : i32
            %broadcast_in_dim3A_1049 = vector.broadcast %jit3A : i32 to vector<16xi32>
            %broadcast_in_dim3A_1050 = vector.broadcast %jit3A_1048 : i32 to vector<16xi32>
            %select_n3A_1051 = arith.select %or3A_1047, %broadcast_in_dim3A_1049, %broadcast_in_dim3A_1050 : vector<16xi1>, vector<16xi32>
            %broadcast_in_dim3A_1052 = arith.constant true
            %broadcast_in_dim3A_1053 = vector.broadcast %broadcast_in_dim3A_1052 : i1 to vector<16xi1>
            %masked_cumsum3A = tpu.scan <sum>, %select_n3A_1051 masked %broadcast_in_dim3A_1053 : vector<16xi32>, vector<16xi1> -> vector<16xi32>
            %add3A_1054 = arith.addi %scan3A_983, %masked_cumsum3A : vector<16xi32>
            %le3A = arith.constant 20 : i32
            %le3A_1055 = vector.broadcast %le3A : i32 to vector<16xi32>
            %le3A_1056 = arith.cmpi sle, %add3A_1054, %le3A_1055 : vector<16xi32>
            %and3A_1057 = arith.andi %or3A_1047, %le3A_1056 : vector<16xi1>
            %mul3A_1058 = arith.constant 16 : i32
            %mul3A_1059 = arith.muli %scan3A_982, %mul3A_1058 : i32
            %get3A_1060 = arith.index_cast %mul3A_1059 : i32 to index
            %get3A_1061 = tpu.vector_load %arg21[%get3A_1060] {strides = array<i32>} : memref<2000xf32, #tpu.memory_space<vmem>>, vector<16xf32>,
            %sub3A = arith.constant 1 : i32
            %sub3A_1062 = vector.broadcast %sub3A : i32 to vector<16xi32>
            %sub3A_1063 = arith.subi %add3A_1054, %sub3A_1062 : vector<16xi32>
            %scatter3A = arith.constant 0 : i32
            %scatter3A_1064 = tpu.memref_slice %arg19[%scan3A_135, %scatter3A] : memref<16x32xf32, #tpu.memory_space<vmem>> -> memref<1x32xf32, #tpu.memory_space<vmem>>
            %scatter3A_1065 = tpu.memref_squeeze %scatter3A_1064 : memref<1x32xf32, #tpu.memory_space<vmem>> -> memref<32xf32, #tpu.memory_space<vmem>>
            tpu.vector_store_idx %scatter3A_1065[%sub3A_1063], %get3A_1061 masked %and3A_1057 : memref<32xf32, #tpu.memory_space<vmem>>[vector<16xi32>], vector<16xf32>, vector<16xi1>
            %sub3A_1066 = arith.constant 1 : i32
            %sub3A_1067 = vector.broadcast %sub3A_1066 : i32 to vector<16xi32>
            %sub3A_1068 = arith.subi %add3A_1054, %sub3A_1067 : vector<16xi32>
            %scatter3A_1069 = arith.constant 0 : i32
            %scatter3A_1070 = tpu.memref_slice %arg20[%scan3A_135, %scatter3A_1069] : memref<16x32xf32, #tpu.memory_space<vmem>> -> memref<1x32xf32, #tpu.memory_space<vmem>>
            %scatter3A_1071 = tpu.memref_squeeze %scatter3A_1070 : memref<1x32xf32, #tpu.memory_space<vmem>> -> memref<32xf32, #tpu.memory_space<vmem>>
            tpu.vector_store_idx %scatter3A_1071[%sub3A_1068], %broadcast_in_dim3A_161 masked %and3A_1057 : memref<32xf32, #tpu.memory_space<vmem>>[vector<16xi32>], vector<16xf32>, vector<16xi1>
            %all_reduce_population_count3A_1072 = tpu.all_reduce %or3A_1047 {dim = 0 : i64, kind = #tpu.reduction_kind<sum>} : vector<16xi1> -> vector<16xi32>
            %add3A_1073 = arith.addi %scan3A_983, %all_reduce_population_count3A_1072 : vector<16xi32>
            scf.yield %add3A_1073 : vector<16xi32>
          }
          %scan3A_981 = arith.constant 125 : i32
        } else {
        }
        tpu.vector_store_idx %arg22[%and3A_163], %broadcast_in_dim3A_1 : memref<8192xi32, #tpu.memory_space<vmem>>[vector<16xi32>], vector<16xi32>,
        tpu.vector_store_idx %arg22[%and3A_166], %broadcast_in_dim3A_1 masked %lt3A_169 : memref<8192xi32, #tpu.memory_space<vmem>>[vector<16xi32>], vector<16xi32>, vector<16xi1>
      }
      %scan3A_87 = arith.constant 16 : i32
      "tpu.region"() ({
        %run_scoped3A = tpu.sem_alloc : memref<!tpu.dma_semaphore, #tpu.memory_space<semaphore_mem>>
        %dma_start3A_135 = arith.constant 0 : i32
        %dma_start3A_136 = tpu.memref_slice %arg7[%add3A_81, %dma_start3A_135] : memref<4096x112xf32, #tpu.memory_space<hbm>> -> memref<16x112xf32, #tpu.memory_space<hbm>>
        %dma_start3A_137 = arith.constant 0 : i32
        %dma_start3A_138 = tpu.memref_slice %arg7[%add3A_81, %dma_start3A_137] : memref<4096x112xf32, #tpu.memory_space<hbm>> -> memref<16x112xf32, #tpu.memory_space<hbm>>
        tpu.enqueue_dma source(%arg18 : memref<16x112xf32, #tpu.memory_space<vmem>>) target(%dma_start3A_138 : memref<16x112xf32, #tpu.memory_space<hbm>>) target_semaphore(%run_scoped3A : memref<!tpu.dma_semaphore, #tpu.memory_space<semaphore_mem>>)
        %dma_wait3A_139 = arith.constant 0 : i32
        %dma_wait3A_140 = tpu.memref_slice %arg7[%add3A_81, %dma_wait3A_139] : memref<4096x112xf32, #tpu.memory_space<hbm>> -> memref<16x112xf32, #tpu.memory_space<hbm>>
        %dma_wait3A_141 = arith.constant 0 : i32
        %dma_wait3A_142 = tpu.memref_slice %arg7[%add3A_81, %dma_wait3A_141] : memref<4096x112xf32, #tpu.memory_space<hbm>> -> memref<16x112xf32, #tpu.memory_space<hbm>>
        tpu.wait_dma2 semaphore(%run_scoped3A : memref<!tpu.dma_semaphore, #tpu.memory_space<semaphore_mem>>) src(%arg18 : memref<16x112xf32, #tpu.memory_space<vmem>>) dst(%dma_wait3A_142 : memref<16x112xf32, #tpu.memory_space<hbm>>)
        tpu.yield
      }) : () -> ()
      "tpu.region"() ({
        %run_scoped3A = tpu.sem_alloc : memref<!tpu.dma_semaphore, #tpu.memory_space<semaphore_mem>>
        %dma_start3A_135 = arith.constant 0 : i32
        %dma_start3A_136 = tpu.memref_slice %arg8[%add3A_81, %dma_start3A_135] : memref<4096x32xf32, #tpu.memory_space<hbm>> -> memref<16x32xf32, #tpu.memory_space<hbm>>
        %dma_start3A_137 = arith.constant 0 : i32
        %dma_start3A_138 = tpu.memref_slice %arg8[%add3A_81, %dma_start3A_137] : memref<4096x32xf32, #tpu.memory_space<hbm>> -> memref<16x32xf32, #tpu.memory_space<hbm>>
        tpu.enqueue_dma source(%arg19 : memref<16x32xf32, #tpu.memory_space<vmem>>) target(%dma_start3A_138 : memref<16x32xf32, #tpu.memory_space<hbm>>) target_semaphore(%run_scoped3A : memref<!tpu.dma_semaphore, #tpu.memory_space<semaphore_mem>>)
        %dma_wait3A_139 = arith.constant 0 : i32
        %dma_wait3A_140 = tpu.memref_slice %arg8[%add3A_81, %dma_wait3A_139] : memref<4096x32xf32, #tpu.memory_space<hbm>> -> memref<16x32xf32, #tpu.memory_space<hbm>>
        %dma_wait3A_141 = arith.constant 0 : i32
        %dma_wait3A_142 = tpu.memref_slice %arg8[%add3A_81, %dma_wait3A_141] : memref<4096x32xf32, #tpu.memory_space<hbm>> -> memref<16x32xf32, #tpu.memory_space<hbm>>
        tpu.wait_dma2 semaphore(%run_scoped3A : memref<!tpu.dma_semaphore, #tpu.memory_space<semaphore_mem>>) src(%arg19 : memref<16x32xf32, #tpu.memory_space<vmem>>) dst(%dma_wait3A_142 : memref<16x32xf32, #tpu.memory_space<hbm>>)
        tpu.yield
      }) : () -> ()
      "tpu.region"() ({
        %run_scoped3A = tpu.sem_alloc : memref<!tpu.dma_semaphore, #tpu.memory_space<semaphore_mem>>
        %dma_start3A_135 = arith.constant 0 : i32
        %dma_start3A_136 = tpu.memref_slice %arg9[%add3A_81, %dma_start3A_135] : memref<4096x32xf32, #tpu.memory_space<hbm>> -> memref<16x32xf32, #tpu.memory_space<hbm>>
        %dma_start3A_137 = arith.constant 0 : i32
        %dma_start3A_138 = tpu.memref_slice %arg9[%add3A_81, %dma_start3A_137] : memref<4096x32xf32, #tpu.memory_space<hbm>> -> memref<16x32xf32, #tpu.memory_space<hbm>>
        tpu.enqueue_dma source(%arg20 : memref<16x32xf32, #tpu.memory_space<vmem>>) target(%dma_start3A_138 : memref<16x32xf32, #tpu.memory_space<hbm>>) target_semaphore(%run_scoped3A : memref<!tpu.dma_semaphore, #tpu.memory_space<semaphore_mem>>)
        %dma_wait3A_139 = arith.constant 0 : i32
        %dma_wait3A_140 = tpu.memref_slice %arg9[%add3A_81, %dma_wait3A_139] : memref<4096x32xf32, #tpu.memory_space<hbm>> -> memref<16x32xf32, #tpu.memory_space<hbm>>
        %dma_wait3A_141 = arith.constant 0 : i32
        %dma_wait3A_142 = tpu.memref_slice %arg9[%add3A_81, %dma_wait3A_141] : memref<4096x32xf32, #tpu.memory_space<hbm>> -> memref<16x32xf32, #tpu.memory_space<hbm>>
        tpu.wait_dma2 semaphore(%run_scoped3A : memref<!tpu.dma_semaphore, #tpu.memory_space<semaphore_mem>>) src(%arg20 : memref<16x32xf32, #tpu.memory_space<vmem>>) dst(%dma_wait3A_142 : memref<16x32xf32, #tpu.memory_space<hbm>>)
        tpu.yield
      }) : () -> ()
      %add3A_88 = arith.constant 2 : i32
      %add3A_89 = arith.addi %add3A_56, %add3A_88 : i32
      %lt3A = arith.constant 8 : i32
      %lt3A_90 = arith.cmpi slt, %add3A_89, %lt3A : i32
      %convert_element_type3A = arith.extui %lt3A_90 : i1 to i32
      %cond3A = arith.constant 0 : i32
      %cond3A_91 = arith.cmpi ne, %convert_element_type3A, %cond3A : i32
      scf.if %cond3A_91 {
        %add3A_135 = arith.constant 2 : i32
        %add3A_136 = arith.addi %add3A_56, %add3A_135 : i32
        %mul3A_137 = arith.constant 128 : i32
        %mul3A_138 = arith.muli %add3A, %mul3A_137 : i32
        %mul3A_139 = arith.constant 16 : i32
        %mul3A_140 = arith.muli %add3A_136, %mul3A_139 : i32
        %add3A_141 = arith.addi %mul3A_138, %mul3A_140 : i32
        %dma_start3A_142 = arith.constant 0 : i32
        %dma_start3A_143 = tpu.memref_slice %arg2[%add3A_141, %dma_start3A_142] : memref<4096x112xi32, #tpu.memory_space<hbm>> -> memref<16x112xi32, #tpu.memory_space<hbm>>
        %dma_start3A_144 = arith.constant 0 : i32
        %dma_start3A_145 = tpu.memref_slice %arg2[%add3A_141, %dma_start3A_144] : memref<4096x112xi32, #tpu.memory_space<hbm>> -> memref<16x112xi32, #tpu.memory_space<hbm>>
        tpu.enqueue_dma source(%dma_start3A_145 : memref<16x112xi32, #tpu.memory_space<hbm>>) target(%arg10 : memref<16x112xi32, #tpu.memory_space<vmem>>) target_semaphore(%arg24 : memref<!tpu.dma_semaphore, #tpu.memory_space<semaphore_mem>>)
        %dma_start3A_146 = arith.constant 0 : i32
        %dma_start3A_147 = tpu.memref_slice %arg3[%add3A_141, %dma_start3A_146] : memref<4096x2000xi32, #tpu.memory_space<hbm>> -> memref<16x2000xi32, #tpu.memory_space<hbm>>
        %dma_start3A_148 = arith.constant 0 : i32
        %dma_start3A_149 = tpu.memref_slice %arg3[%add3A_141, %dma_start3A_148] : memref<4096x2000xi32, #tpu.memory_space<hbm>> -> memref<16x2000xi32, #tpu.memory_space<hbm>>
        tpu.enqueue_dma source(%dma_start3A_149 : memref<16x2000xi32, #tpu.memory_space<hbm>>) target(%arg11 : memref<16x2000xi32, #tpu.memory_space<vmem>>) target_semaphore(%arg24 : memref<!tpu.dma_semaphore, #tpu.memory_space<semaphore_mem>>)
        %dma_start3A_150 = arith.constant 0 : i32
        %dma_start3A_151 = tpu.memref_slice %arg5[%add3A_141, %dma_start3A_150] : memref<4096x32xi32, #tpu.memory_space<hbm>> -> memref<16x32xi32, #tpu.memory_space<hbm>>
        %dma_start3A_152 = arith.constant 0 : i32
        %dma_start3A_153 = tpu.memref_slice %arg5[%add3A_141, %dma_start3A_152] : memref<4096x32xi32, #tpu.memory_space<hbm>> -> memref<16x32xi32, #tpu.memory_space<hbm>>
        tpu.enqueue_dma source(%dma_start3A_153 : memref<16x32xi32, #tpu.memory_space<hbm>>) target(%arg12 : memref<16x32xi32, #tpu.memory_space<vmem>>) target_semaphore(%arg24 : memref<!tpu.dma_semaphore, #tpu.memory_space<semaphore_mem>>)
        %dma_start3A_154 = arith.constant 0 : i32
        %dma_start3A_155 = tpu.memref_slice %arg6[%add3A_141, %dma_start3A_154] : memref<4096x32xf32, #tpu.memory_space<hbm>> -> memref<16x32xf32, #tpu.memory_space<hbm>>
        %dma_start3A_156 = arith.constant 0 : i32
        %dma_start3A_157 = tpu.memref_slice %arg6[%add3A_141, %dma_start3A_156] : memref<4096x32xf32, #tpu.memory_space<hbm>> -> memref<16x32xf32, #tpu.memory_space<hbm>>
        tpu.enqueue_dma source(%dma_start3A_157 : memref<16x32xf32, #tpu.memory_space<hbm>>) target(%arg13 : memref<16x32xf32, #tpu.memory_space<vmem>>) target_semaphore(%arg24 : memref<!tpu.dma_semaphore, #tpu.memory_space<semaphore_mem>>)
      } else {
      }
      %mul3A_92 = arith.constant 2 : i32
      %mul3A_93 = arith.muli %mul3A_92, %scan3A_52 : i32
      %add3A_94 = arith.constant 1 : i32
      %add3A_95 = arith.addi %mul3A_93, %add3A_94 : i32
      %mul3A_96 = arith.constant 128 : i32
      %mul3A_97 = arith.muli %add3A, %mul3A_96 : i32
      %mul3A_98 = arith.constant 16 : i32
      %mul3A_99 = arith.muli %add3A_95, %mul3A_98 : i32
      %add3A_100 = arith.addi %mul3A_97, %mul3A_99 : i32
      %dma_wait3A_101 = arith.constant 0 : i32
      %dma_wait3A_102 = tpu.memref_slice %arg2[%add3A_100, %dma_wait3A_101] : memref<4096x112xi32, #tpu.memory_space<hbm>> -> memref<16x112xi32, #tpu.memory_space<hbm>>
      %dma_wait3A_103 = arith.constant 0 : i32
      %dma_wait3A_104 = tpu.memref_slice %arg2[%add3A_100, %dma_wait3A_103] : memref<4096x112xi32, #tpu.memory_space<hbm>> -> memref<16x112xi32, #tpu.memory_space<hbm>>
      tpu.wait_dma2 semaphore(%arg25 : memref<!tpu.dma_semaphore, #tpu.memory_space<semaphore_mem>>) src(%dma_wait3A_104 : memref<16x112xi32, #tpu.memory_space<hbm>>) dst(%arg14 : memref<16x112xi32, #tpu.memory_space<vmem>>)
      %dma_wait3A_105 = arith.constant 0 : i32
      %dma_wait3A_106 = tpu.memref_slice %arg3[%add3A_100, %dma_wait3A_105] : memref<4096x2000xi32, #tpu.memory_space<hbm>> -> memref<16x2000xi32, #tpu.memory_space<hbm>>
      %dma_wait3A_107 = arith.constant 0 : i32
      %dma_wait3A_108 = tpu.memref_slice %arg3[%add3A_100, %dma_wait3A_107] : memref<4096x2000xi32, #tpu.memory_space<hbm>> -> memref<16x2000xi32, #tpu.memory_space<hbm>>
      tpu.wait_dma2 semaphore(%arg25 : memref<!tpu.dma_semaphore, #tpu.memory_space<semaphore_mem>>) src(%dma_wait3A_108 : memref<16x2000xi32, #tpu.memory_space<hbm>>) dst(%arg15 : memref<16x2000xi32, #tpu.memory_space<vmem>>)
      %dma_wait3A_109 = arith.constant 0 : i32
      %dma_wait3A_110 = tpu.memref_slice %arg5[%add3A_100, %dma_wait3A_109] : memref<4096x32xi32, #tpu.memory_space<hbm>> -> memref<16x32xi32, #tpu.memory_space<hbm>>
      %dma_wait3A_111 = arith.constant 0 : i32
      %dma_wait3A_112 = tpu.memref_slice %arg5[%add3A_100, %dma_wait3A_111] : memref<4096x32xi32, #tpu.memory_space<hbm>> -> memref<16x32xi32, #tpu.memory_space<hbm>>
      tpu.wait_dma2 semaphore(%arg25 : memref<!tpu.dma_semaphore, #tpu.memory_space<semaphore_mem>>) src(%dma_wait3A_112 : memref<16x32xi32, #tpu.memory_space<hbm>>) dst(%arg16 : memref<16x32xi32, #tpu.memory_space<vmem>>)
      %dma_wait3A_113 = arith.constant 0 : i32
      %dma_wait3A_114 = tpu.memref_slice %arg6[%add3A_100, %dma_wait3A_113] : memref<4096x32xf32, #tpu.memory_space<hbm>> -> memref<16x32xf32, #tpu.memory_space<hbm>>
      %dma_wait3A_115 = arith.constant 0 : i32
      %dma_wait3A_116 = tpu.memref_slice %arg6[%add3A_100, %dma_wait3A_115] : memref<4096x32xf32, #tpu.memory_space<hbm>> -> memref<16x32xf32, #tpu.memory_space<hbm>>
      tpu.wait_dma2 semaphore(%arg25 : memref<!tpu.dma_semaphore, #tpu.memory_space<semaphore_mem>>) src(%dma_wait3A_116 : memref<16x32xf32, #tpu.memory_space<hbm>>) dst(%arg17 : memref<16x32xf32, #tpu.memory_space<vmem>>)
      %mul3A_117 = arith.constant 128 : i32
      %mul3A_118 = arith.muli %add3A, %mul3A_117 : i32
      %mul3A_119 = arith.constant 16 : i32
      %mul3A_120 = arith.muli %add3A_95, %mul3A_119 : i32
      %add3A_121 = arith.addi %mul3A_118, %mul3A_120 : i32
      %scan3A_122 = arith.constant 0 : i32
      %scan3A_123 = arith.constant 0 : i32
      %scan3A_124 = arith.constant 16 : i32
      %scan3A_125 = arith.addi %scan3A_123, %scan3A_124 : i32
      %scan3A_126 = arith.constant 1 : i32
      scf.for %scan3A_135 = %scan3A_123 to %scan3A_125 step %scan3A_126  : i32 {
        %broadcast_in_dim3A_136 = arith.constant 0.000000e+00 : f32
        %broadcast_in_dim3A_137 = vector.broadcast %broadcast_in_dim3A_136 : f32 to vector<16xf32>
        %swap3A = arith.index_cast %scan3A_135 : i32 to index
        %swap3A_138 = arith.constant 0 : index
        %swap3A_139 = tpu.vector_load %arg19[%swap3A, %swap3A_138] {strides = array<i32>} : memref<16x32xf32, #tpu.memory_space<vmem>>, vector<16xf32>,
        tpu.vector_store %arg19[%swap3A, %swap3A_138], %broadcast_in_dim3A_137 {strides = array<i32>} : memref<16x32xf32, #tpu.memory_space<vmem>>, vector<16xf32>,
        %swap3A_140 = arith.index_cast %scan3A_135 : i32 to index
        %swap3A_141 = arith.constant 16 : index
        %swap3A_142 = tpu.vector_load %arg19[%swap3A_140, %swap3A_141] {strides = array<i32>} : memref<16x32xf32, #tpu.memory_space<vmem>>, vector<16xf32>,
        tpu.vector_store %arg19[%swap3A_140, %swap3A_141], %broadcast_in_dim3A_137 {strides = array<i32>} : memref<16x32xf32, #tpu.memory_space<vmem>>, vector<16xf32>,
        %swap3A_143 = arith.index_cast %scan3A_135 : i32 to index
        %swap3A_144 = arith.constant 0 : index
        %swap3A_145 = tpu.vector_load %arg20[%swap3A_143, %swap3A_144] {strides = array<i32>} : memref<16x32xf32, #tpu.memory_space<vmem>>, vector<16xf32>,
        tpu.vector_store %arg20[%swap3A_143, %swap3A_144], %broadcast_in_dim3A_137 {strides = array<i32>} : memref<16x32xf32, #tpu.memory_space<vmem>>, vector<16xf32>,
        %swap3A_146 = arith.index_cast %scan3A_135 : i32 to index
        %swap3A_147 = arith.constant 16 : index
        %swap3A_148 = tpu.vector_load %arg20[%swap3A_146, %swap3A_147] {strides = array<i32>} : memref<16x32xf32, #tpu.memory_space<vmem>>, vector<16xf32>,
        tpu.vector_store %arg20[%swap3A_146, %swap3A_147], %broadcast_in_dim3A_137 {strides = array<i32>} : memref<16x32xf32, #tpu.memory_space<vmem>>, vector<16xf32>,
        %get3A = arith.index_cast %scan3A_135 : i32 to index
        %get3A_149 = arith.constant 0 : index
        %get3A_150 = tpu.vector_load %arg16[%get3A, %get3A_149] {strides = array<i32>} : memref<16x32xi32, #tpu.memory_space<vmem>>, vector<16xi32>,
        %get3A_151 = arith.index_cast %scan3A_135 : i32 to index
        %get3A_152 = arith.constant 16 : index
        %get3A_153 = tpu.vector_load %arg16[%get3A_151, %get3A_152] {strides = array<i32>} : memref<16x32xi32, #tpu.memory_space<vmem>>, vector<16xi32>,
        %get3A_154 = arith.index_cast %scan3A_135 : i32 to index
        %get3A_155 = arith.constant 0 : index
        %get3A_156 = tpu.vector_load %arg17[%get3A_154, %get3A_155] {strides = array<i32>} : memref<16x32xf32, #tpu.memory_space<vmem>>, vector<16xf32>,
        %get3A_157 = arith.index_cast %scan3A_135 : i32 to index
        %get3A_158 = arith.constant 16 : index
        %get3A_159 = tpu.vector_load %arg17[%get3A_157, %get3A_158] {strides = array<i32>} : memref<16x32xf32, #tpu.memory_space<vmem>>, vector<16xf32>,
        %broadcast_in_dim3A_160 = arith.constant 1.000000e+00 : f32
        %broadcast_in_dim3A_161 = vector.broadcast %broadcast_in_dim3A_160 : f32 to vector<16xf32>
        %and3A = arith.constant 8191 : i32
        %and3A_162 = vector.broadcast %and3A : i32 to vector<16xi32>
        %and3A_163 = arith.andi %get3A_150, %and3A_162 : vector<16xi32>
        %and3A_164 = arith.constant 8191 : i32
        %and3A_165 = vector.broadcast %and3A_164 : i32 to vector<16xi32>
        %and3A_166 = arith.andi %get3A_153, %and3A_165 : vector<16xi32>
        %iota3A = tpu.iota {dimensions = array<i32: 0>} : vector<16xi32>
        %lt3A_167 = arith.constant 4 : i32
        %lt3A_168 = vector.broadcast %lt3A_167 : i32 to vector<16xi32>
        %lt3A_169 = arith.cmpi slt, %iota3A, %lt3A_168 : vector<16xi32>
        tpu.vector_store_idx %arg22[%and3A_163], %get3A_150 : memref<8192xi32, #tpu.memory_space<vmem>>[vector<16xi32>], vector<16xi32>,
        tpu.vector_store_idx %arg23[%and3A_163], %get3A_156 : memref<8192xf32, #tpu.memory_space<vmem>>[vector<16xi32>], vector<16xf32>,
        tpu.vector_store_idx %arg22[%and3A_166], %get3A_153 masked %lt3A_169 : memref<8192xi32, #tpu.memory_space<vmem>>[vector<16xi32>], vector<16xi32>, vector<16xi1>
        tpu.vector_store_idx %arg23[%and3A_166], %get3A_159 masked %lt3A_169 : memref<8192xf32, #tpu.memory_space<vmem>>[vector<16xi32>], vector<16xf32>, vector<16xi1>
        %gather3A = tpu.vector_load_idx %arg22[%and3A_163] : memref<8192xi32, #tpu.memory_space<vmem>>[vector<16xi32>], vector<16xi32>,
        %gather3A_170 = tpu.vector_load_idx %arg23[%and3A_163] : memref<8192xf32, #tpu.memory_space<vmem>>[vector<16xi32>], vector<16xf32>,
        %gather3A_171 = tpu.vector_load_idx %arg22[%and3A_166] : memref<8192xi32, #tpu.memory_space<vmem>>[vector<16xi32>], vector<16xi32>,
        %gather3A_172 = tpu.vector_load_idx %arg23[%and3A_166] : memref<8192xf32, #tpu.memory_space<vmem>>[vector<16xi32>], vector<16xf32>,
        %ne3A = arith.cmpi ne, %gather3A, %get3A_150 : vector<16xi32>
        %ne3A_173 = arith.cmpf one, %gather3A_170, %get3A_156 : vector<16xf32>
        %or3A = arith.ori %ne3A, %ne3A_173 : vector<16xi1>
        %ne3A_174 = arith.cmpi ne, %gather3A_171, %get3A_153 : vector<16xi32>
        %ne3A_175 = arith.cmpf one, %gather3A_172, %get3A_159 : vector<16xf32>
        %or3A_176 = arith.ori %ne3A_174, %ne3A_175 : vector<16xi1>
        %and3A_177 = arith.andi %or3A_176, %lt3A_169 : vector<16xi1>
        %or3A_178 = arith.ori %or3A, %and3A_177 : vector<16xi1>
        %get3A_179 = arith.index_cast %scan3A_135 : i32 to index
        %get3A_180 = arith.constant 0 : index
        %get3A_181 = tpu.vector_load %arg14[%get3A_179, %get3A_180] {strides = array<i32>} : memref<16x112xi32, #tpu.memory_space<vmem>>, vector<16xi32>,
        %and3A_182 = arith.constant 8191 : i32
        %and3A_183 = vector.broadcast %and3A_182 : i32 to vector<16xi32>
        %and3A_184 = arith.andi %get3A_181, %and3A_183 : vector<16xi32>
        %gather3A_185 = tpu.vector_load_idx %arg22[%and3A_184] : memref<8192xi32, #tpu.memory_space<vmem>>[vector<16xi32>], vector<16xi32>,
        %gather3A_186 = tpu.vector_load_idx %arg23[%and3A_184] : memref<8192xf32, #tpu.memory_space<vmem>>[vector<16xi32>], vector<16xf32>,
        %eq3A = arith.cmpi eq, %gather3A_185, %get3A_181 : vector<16xi32>
        %select_n3A = arith.select %eq3A, %gather3A_186, %broadcast_in_dim3A_137 : vector<16xi1>, vector<16xf32>
        %swap3A_187 = arith.index_cast %scan3A_135 : i32 to index
        %swap3A_188 = arith.constant 0 : index
        %swap3A_189 = tpu.vector_load %arg18[%swap3A_187, %swap3A_188] {strides = array<i32>} : memref<16x112xf32, #tpu.memory_space<vmem>>, vector<16xf32>,
        tpu.vector_store %arg18[%swap3A_187, %swap3A_188], %select_n3A {strides = array<i32>} : memref<16x112xf32, #tpu.memory_space<vmem>>, vector<16xf32>,
        %get3A_190 = arith.index_cast %scan3A_135 : i32 to index
        %get3A_191 = arith.constant 16 : index
        %get3A_192 = tpu.vector_load %arg14[%get3A_190, %get3A_191] {strides = array<i32>} : memref<16x112xi32, #tpu.memory_space<vmem>>, vector<16xi32>,
        %and3A_193 = arith.constant 8191 : i32
        %and3A_194 = vector.broadcast %and3A_193 : i32 to vector<16xi32>
        %and3A_195 = arith.andi %get3A_192, %and3A_194 : vector<16xi32>
        %gather3A_196 = tpu.vector_load_idx %arg22[%and3A_195] : memref<8192xi32, #tpu.memory_space<vmem>>[vector<16xi32>], vector<16xi32>,
        %gather3A_197 = tpu.vector_load_idx %arg23[%and3A_195] : memref<8192xf32, #tpu.memory_space<vmem>>[vector<16xi32>], vector<16xf32>,
        %eq3A_198 = arith.cmpi eq, %gather3A_196, %get3A_192 : vector<16xi32>
        %select_n3A_199 = arith.select %eq3A_198, %gather3A_197, %broadcast_in_dim3A_137 : vector<16xi1>, vector<16xf32>
        %swap3A_200 = arith.index_cast %scan3A_135 : i32 to index
        %swap3A_201 = arith.constant 16 : index
        %swap3A_202 = tpu.vector_load %arg18[%swap3A_200, %swap3A_201] {strides = array<i32>} : memref<16x112xf32, #tpu.memory_space<vmem>>, vector<16xf32>,
        tpu.vector_store %arg18[%swap3A_200, %swap3A_201], %select_n3A_199 {strides = array<i32>} : memref<16x112xf32, #tpu.memory_space<vmem>>, vector<16xf32>,
        %get3A_203 = arith.index_cast %scan3A_135 : i32 to index
        %get3A_204 = arith.constant 32 : index
        %get3A_205 = tpu.vector_load %arg14[%get3A_203, %get3A_204] {strides = array<i32>} : memref<16x112xi32, #tpu.memory_space<vmem>>, vector<16xi32>,
        %and3A_206 = arith.constant 8191 : i32
        %and3A_207 = vector.broadcast %and3A_206 : i32 to vector<16xi32>
        %and3A_208 = arith.andi %get3A_205, %and3A_207 : vector<16xi32>
        %gather3A_209 = tpu.vector_load_idx %arg22[%and3A_208] : memref<8192xi32, #tpu.memory_space<vmem>>[vector<16xi32>], vector<16xi32>,
        %gather3A_210 = tpu.vector_load_idx %arg23[%and3A_208] : memref<8192xf32, #tpu.memory_space<vmem>>[vector<16xi32>], vector<16xf32>,
        %eq3A_211 = arith.cmpi eq, %gather3A_209, %get3A_205 : vector<16xi32>
        %select_n3A_212 = arith.select %eq3A_211, %gather3A_210, %broadcast_in_dim3A_137 : vector<16xi1>, vector<16xf32>
        %swap3A_213 = arith.index_cast %scan3A_135 : i32 to index
        %swap3A_214 = arith.constant 32 : index
        %swap3A_215 = tpu.vector_load %arg18[%swap3A_213, %swap3A_214] {strides = array<i32>} : memref<16x112xf32, #tpu.memory_space<vmem>>, vector<16xf32>,
        tpu.vector_store %arg18[%swap3A_213, %swap3A_214], %select_n3A_212 {strides = array<i32>} : memref<16x112xf32, #tpu.memory_space<vmem>>, vector<16xf32>,
        %get3A_216 = arith.index_cast %scan3A_135 : i32 to index
        %get3A_217 = arith.constant 48 : index
        %get3A_218 = tpu.vector_load %arg14[%get3A_216, %get3A_217] {strides = array<i32>} : memref<16x112xi32, #tpu.memory_space<vmem>>, vector<16xi32>,
        %and3A_219 = arith.constant 8191 : i32
        %and3A_220 = vector.broadcast %and3A_219 : i32 to vector<16xi32>
        %and3A_221 = arith.andi %get3A_218, %and3A_220 : vector<16xi32>
        %gather3A_222 = tpu.vector_load_idx %arg22[%and3A_221] : memref<8192xi32, #tpu.memory_space<vmem>>[vector<16xi32>], vector<16xi32>,
        %gather3A_223 = tpu.vector_load_idx %arg23[%and3A_221] : memref<8192xf32, #tpu.memory_space<vmem>>[vector<16xi32>], vector<16xf32>,
        %eq3A_224 = arith.cmpi eq, %gather3A_222, %get3A_218 : vector<16xi32>
        %select_n3A_225 = arith.select %eq3A_224, %gather3A_223, %broadcast_in_dim3A_137 : vector<16xi1>, vector<16xf32>
        %swap3A_226 = arith.index_cast %scan3A_135 : i32 to index
        %swap3A_227 = arith.constant 48 : index
        %swap3A_228 = tpu.vector_load %arg18[%swap3A_226, %swap3A_227] {strides = array<i32>} : memref<16x112xf32, #tpu.memory_space<vmem>>, vector<16xf32>,
        tpu.vector_store %arg18[%swap3A_226, %swap3A_227], %select_n3A_225 {strides = array<i32>} : memref<16x112xf32, #tpu.memory_space<vmem>>, vector<16xf32>,
        %get3A_229 = arith.index_cast %scan3A_135 : i32 to index
        %get3A_230 = arith.constant 64 : index
        %get3A_231 = tpu.vector_load %arg14[%get3A_229, %get3A_230] {strides = array<i32>} : memref<16x112xi32, #tpu.memory_space<vmem>>, vector<16xi32>,
        %and3A_232 = arith.constant 8191 : i32
        %and3A_233 = vector.broadcast %and3A_232 : i32 to vector<16xi32>
        %and3A_234 = arith.andi %get3A_231, %and3A_233 : vector<16xi32>
        %gather3A_235 = tpu.vector_load_idx %arg22[%and3A_234] : memref<8192xi32, #tpu.memory_space<vmem>>[vector<16xi32>], vector<16xi32>,
        %gather3A_236 = tpu.vector_load_idx %arg23[%and3A_234] : memref<8192xf32, #tpu.memory_space<vmem>>[vector<16xi32>], vector<16xf32>,
        %eq3A_237 = arith.cmpi eq, %gather3A_235, %get3A_231 : vector<16xi32>
        %select_n3A_238 = arith.select %eq3A_237, %gather3A_236, %broadcast_in_dim3A_137 : vector<16xi1>, vector<16xf32>
        %swap3A_239 = arith.index_cast %scan3A_135 : i32 to index
        %swap3A_240 = arith.constant 64 : index
        %swap3A_241 = tpu.vector_load %arg18[%swap3A_239, %swap3A_240] {strides = array<i32>} : memref<16x112xf32, #tpu.memory_space<vmem>>, vector<16xf32>,
        tpu.vector_store %arg18[%swap3A_239, %swap3A_240], %select_n3A_238 {strides = array<i32>} : memref<16x112xf32, #tpu.memory_space<vmem>>, vector<16xf32>,
        %get3A_242 = arith.index_cast %scan3A_135 : i32 to index
        %get3A_243 = arith.constant 80 : index
        %get3A_244 = tpu.vector_load %arg14[%get3A_242, %get3A_243] {strides = array<i32>} : memref<16x112xi32, #tpu.memory_space<vmem>>, vector<16xi32>,
        %and3A_245 = arith.constant 8191 : i32
        %and3A_246 = vector.broadcast %and3A_245 : i32 to vector<16xi32>
        %and3A_247 = arith.andi %get3A_244, %and3A_246 : vector<16xi32>
        %gather3A_248 = tpu.vector_load_idx %arg22[%and3A_247] : memref<8192xi32, #tpu.memory_space<vmem>>[vector<16xi32>], vector<16xi32>,
        %gather3A_249 = tpu.vector_load_idx %arg23[%and3A_247] : memref<8192xf32, #tpu.memory_space<vmem>>[vector<16xi32>], vector<16xf32>,
        %eq3A_250 = arith.cmpi eq, %gather3A_248, %get3A_244 : vector<16xi32>
        %select_n3A_251 = arith.select %eq3A_250, %gather3A_249, %broadcast_in_dim3A_137 : vector<16xi1>, vector<16xf32>
        %swap3A_252 = arith.index_cast %scan3A_135 : i32 to index
        %swap3A_253 = arith.constant 80 : index
        %swap3A_254 = tpu.vector_load %arg18[%swap3A_252, %swap3A_253] {strides = array<i32>} : memref<16x112xf32, #tpu.memory_space<vmem>>, vector<16xf32>,
        tpu.vector_store %arg18[%swap3A_252, %swap3A_253], %select_n3A_251 {strides = array<i32>} : memref<16x112xf32, #tpu.memory_space<vmem>>, vector<16xf32>,
        %get3A_255 = arith.index_cast %scan3A_135 : i32 to index
        %get3A_256 = arith.constant 96 : index
        %get3A_257 = tpu.vector_load %arg14[%get3A_255, %get3A_256] {strides = array<i32>} : memref<16x112xi32, #tpu.memory_space<vmem>>, vector<16xi32>,
        %and3A_258 = arith.constant 8191 : i32
        %and3A_259 = vector.broadcast %and3A_258 : i32 to vector<16xi32>
        %and3A_260 = arith.andi %get3A_257, %and3A_259 : vector<16xi32>
        %gather3A_261 = tpu.vector_load_idx %arg22[%and3A_260] : memref<8192xi32, #tpu.memory_space<vmem>>[vector<16xi32>], vector<16xi32>,
        %gather3A_262 = tpu.vector_load_idx %arg23[%and3A_260] : memref<8192xf32, #tpu.memory_space<vmem>>[vector<16xi32>], vector<16xf32>,
        %eq3A_263 = arith.cmpi eq, %gather3A_261, %get3A_257 : vector<16xi32>
        %select_n3A_264 = arith.select %eq3A_263, %gather3A_262, %broadcast_in_dim3A_137 : vector<16xi1>, vector<16xf32>
        %swap3A_265 = arith.index_cast %scan3A_135 : i32 to index
        %swap3A_266 = arith.constant 96 : index
        %swap3A_267 = tpu.vector_load %arg18[%swap3A_265, %swap3A_266] {strides = array<i32>} : memref<16x112xf32, #tpu.memory_space<vmem>>, vector<16xf32>,
        tpu.vector_store %arg18[%swap3A_265, %swap3A_266], %select_n3A_264 {strides = array<i32>} : memref<16x112xf32, #tpu.memory_space<vmem>>, vector<16xf32>,
        %broadcast_in_dim3A_268 = arith.constant false
        %broadcast_in_dim3A_269 = vector.broadcast %broadcast_in_dim3A_268 : i1 to vector<16xi1>
        %scan3A_270 = arith.constant 0 : i32
        %scan3A_271 = arith.constant 5 : i32
        %scan3A_272 = arith.addi %scan3A_270, %scan3A_271 : i32
        %scan3A_273 = arith.constant 1 : i32
        %scan3A_274 = scf.for %scan3A_291 = %scan3A_270 to %scan3A_272 step %scan3A_273 iter_args(%scan3A_292 = %broadcast_in_dim3A_269) -> (vector<16xi1>)  : i32 {
          %mul3A_293 = arith.constant 25 : i32
          %mul3A_294 = arith.muli %scan3A_291, %mul3A_293 : i32
          %add3A_295 = arith.constant 0 : i32
          %add3A_296 = arith.addi %mul3A_294, %add3A_295 : i32
          %mul3A_297 = arith.constant 16 : i32
          %mul3A_298 = arith.muli %add3A_296, %mul3A_297 : i32
          %get3A_299 = arith.index_cast %scan3A_135 : i32 to index
          %get3A_300 = arith.index_cast %mul3A_298 : i32 to index
          %get3A_301 = tpu.vector_load %arg15[%get3A_299, %get3A_300] {strides = array<i32>} : memref<16x2000xi32, #tpu.memory_space<vmem>>, vector<16xi32>,
          %and3A_302 = arith.constant 8191 : i32
          %and3A_303 = vector.broadcast %and3A_302 : i32 to vector<16xi32>
          %and3A_304 = arith.andi %get3A_301, %and3A_303 : vector<16xi32>
          %gather3A_305 = tpu.vector_load_idx %arg22[%and3A_304] : memref<8192xi32, #tpu.memory_space<vmem>>[vector<16xi32>], vector<16xi32>,
          %eq3A_306 = arith.cmpi eq, %gather3A_305, %get3A_301 : vector<16xi32>
          %or3A_307 = arith.ori %scan3A_292, %eq3A_306 : vector<16xi1>
          %mul3A_308 = arith.constant 25 : i32
          %mul3A_309 = arith.muli %scan3A_291, %mul3A_308 : i32
          %add3A_310 = arith.constant 1 : i32
          %add3A_311 = arith.addi %mul3A_309, %add3A_310 : i32
          %mul3A_312 = arith.constant 16 : i32
          %mul3A_313 = arith.muli %add3A_311, %mul3A_312 : i32
          %get3A_314 = arith.index_cast %scan3A_135 : i32 to index
          %get3A_315 = arith.index_cast %mul3A_313 : i32 to index
          %get3A_316 = tpu.vector_load %arg15[%get3A_314, %get3A_315] {strides = array<i32>} : memref<16x2000xi32, #tpu.memory_space<vmem>>, vector<16xi32>,
          %and3A_317 = arith.constant 8191 : i32
          %and3A_318 = vector.broadcast %and3A_317 : i32 to vector<16xi32>
          %and3A_319 = arith.andi %get3A_316, %and3A_318 : vector<16xi32>
          %gather3A_320 = tpu.vector_load_idx %arg22[%and3A_319] : memref<8192xi32, #tpu.memory_space<vmem>>[vector<16xi32>], vector<16xi32>,
          %eq3A_321 = arith.cmpi eq, %gather3A_320, %get3A_316 : vector<16xi32>
          %or3A_322 = arith.ori %or3A_307, %eq3A_321 : vector<16xi1>
          %mul3A_323 = arith.constant 25 : i32
          %mul3A_324 = arith.muli %scan3A_291, %mul3A_323 : i32
          %add3A_325 = arith.constant 2 : i32
          %add3A_326 = arith.addi %mul3A_324, %add3A_325 : i32
          %mul3A_327 = arith.constant 16 : i32
          %mul3A_328 = arith.muli %add3A_326, %mul3A_327 : i32
          %get3A_329 = arith.index_cast %scan3A_135 : i32 to index
          %get3A_330 = arith.index_cast %mul3A_328 : i32 to index
          %get3A_331 = tpu.vector_load %arg15[%get3A_329, %get3A_330] {strides = array<i32>} : memref<16x2000xi32, #tpu.memory_space<vmem>>, vector<16xi32>,
          %and3A_332 = arith.constant 8191 : i32
          %and3A_333 = vector.broadcast %and3A_332 : i32 to vector<16xi32>
          %and3A_334 = arith.andi %get3A_331, %and3A_333 : vector<16xi32>
          %gather3A_335 = tpu.vector_load_idx %arg22[%and3A_334] : memref<8192xi32, #tpu.memory_space<vmem>>[vector<16xi32>], vector<16xi32>,
          %eq3A_336 = arith.cmpi eq, %gather3A_335, %get3A_331 : vector<16xi32>
          %or3A_337 = arith.ori %or3A_322, %eq3A_336 : vector<16xi1>
          %mul3A_338 = arith.constant 25 : i32
          %mul3A_339 = arith.muli %scan3A_291, %mul3A_338 : i32
          %add3A_340 = arith.constant 3 : i32
          %add3A_341 = arith.addi %mul3A_339, %add3A_340 : i32
          %mul3A_342 = arith.constant 16 : i32
          %mul3A_343 = arith.muli %add3A_341, %mul3A_342 : i32
          %get3A_344 = arith.index_cast %scan3A_135 : i32 to index
          %get3A_345 = arith.index_cast %mul3A_343 : i32 to index
          %get3A_346 = tpu.vector_load %arg15[%get3A_344, %get3A_345] {strides = array<i32>} : memref<16x2000xi32, #tpu.memory_space<vmem>>, vector<16xi32>,
          %and3A_347 = arith.constant 8191 : i32
          %and3A_348 = vector.broadcast %and3A_347 : i32 to vector<16xi32>
          %and3A_349 = arith.andi %get3A_346, %and3A_348 : vector<16xi32>
          %gather3A_350 = tpu.vector_load_idx %arg22[%and3A_349] : memref<8192xi32, #tpu.memory_space<vmem>>[vector<16xi32>], vector<16xi32>,
          %eq3A_351 = arith.cmpi eq, %gather3A_350, %get3A_346 : vector<16xi32>
          %or3A_352 = arith.ori %or3A_337, %eq3A_351 : vector<16xi1>
          %mul3A_353 = arith.constant 25 : i32
          %mul3A_354 = arith.muli %scan3A_291, %mul3A_353 : i32
          %add3A_355 = arith.constant 4 : i32
          %add3A_356 = arith.addi %mul3A_354, %add3A_355 : i32
          %mul3A_357 = arith.constant 16 : i32
          %mul3A_358 = arith.muli %add3A_356, %mul3A_357 : i32
          %get3A_359 = arith.index_cast %scan3A_135 : i32 to index
          %get3A_360 = arith.index_cast %mul3A_358 : i32 to index
          %get3A_361 = tpu.vector_load %arg15[%get3A_359, %get3A_360] {strides = array<i32>} : memref<16x2000xi32, #tpu.memory_space<vmem>>, vector<16xi32>,
          %and3A_362 = arith.constant 8191 : i32
          %and3A_363 = vector.broadcast %and3A_362 : i32 to vector<16xi32>
          %and3A_364 = arith.andi %get3A_361, %and3A_363 : vector<16xi32>
          %gather3A_365 = tpu.vector_load_idx %arg22[%and3A_364] : memref<8192xi32, #tpu.memory_space<vmem>>[vector<16xi32>], vector<16xi32>,
          %eq3A_366 = arith.cmpi eq, %gather3A_365, %get3A_361 : vector<16xi32>
          %or3A_367 = arith.ori %or3A_352, %eq3A_366 : vector<16xi1>
          %mul3A_368 = arith.constant 25 : i32
          %mul3A_369 = arith.muli %scan3A_291, %mul3A_368 : i32
          %add3A_370 = arith.constant 5 : i32
          %add3A_371 = arith.addi %mul3A_369, %add3A_370 : i32
          %mul3A_372 = arith.constant 16 : i32
          %mul3A_373 = arith.muli %add3A_371, %mul3A_372 : i32
          %get3A_374 = arith.index_cast %scan3A_135 : i32 to index
          %get3A_375 = arith.index_cast %mul3A_373 : i32 to index
          %get3A_376 = tpu.vector_load %arg15[%get3A_374, %get3A_375] {strides = array<i32>} : memref<16x2000xi32, #tpu.memory_space<vmem>>, vector<16xi32>,
          %and3A_377 = arith.constant 8191 : i32
          %and3A_378 = vector.broadcast %and3A_377 : i32 to vector<16xi32>
          %and3A_379 = arith.andi %get3A_376, %and3A_378 : vector<16xi32>
          %gather3A_380 = tpu.vector_load_idx %arg22[%and3A_379] : memref<8192xi32, #tpu.memory_space<vmem>>[vector<16xi32>], vector<16xi32>,
          %eq3A_381 = arith.cmpi eq, %gather3A_380, %get3A_376 : vector<16xi32>
          %or3A_382 = arith.ori %or3A_367, %eq3A_381 : vector<16xi1>
          %mul3A_383 = arith.constant 25 : i32
          %mul3A_384 = arith.muli %scan3A_291, %mul3A_383 : i32
          %add3A_385 = arith.constant 6 : i32
          %add3A_386 = arith.addi %mul3A_384, %add3A_385 : i32
          %mul3A_387 = arith.constant 16 : i32
          %mul3A_388 = arith.muli %add3A_386, %mul3A_387 : i32
          %get3A_389 = arith.index_cast %scan3A_135 : i32 to index
          %get3A_390 = arith.index_cast %mul3A_388 : i32 to index
          %get3A_391 = tpu.vector_load %arg15[%get3A_389, %get3A_390] {strides = array<i32>} : memref<16x2000xi32, #tpu.memory_space<vmem>>, vector<16xi32>,
          %and3A_392 = arith.constant 8191 : i32
          %and3A_393 = vector.broadcast %and3A_392 : i32 to vector<16xi32>
          %and3A_394 = arith.andi %get3A_391, %and3A_393 : vector<16xi32>
          %gather3A_395 = tpu.vector_load_idx %arg22[%and3A_394] : memref<8192xi32, #tpu.memory_space<vmem>>[vector<16xi32>], vector<16xi32>,
          %eq3A_396 = arith.cmpi eq, %gather3A_395, %get3A_391 : vector<16xi32>
          %or3A_397 = arith.ori %or3A_382, %eq3A_396 : vector<16xi1>
          %mul3A_398 = arith.constant 25 : i32
          %mul3A_399 = arith.muli %scan3A_291, %mul3A_398 : i32
          %add3A_400 = arith.constant 7 : i32
          %add3A_401 = arith.addi %mul3A_399, %add3A_400 : i32
          %mul3A_402 = arith.constant 16 : i32
          %mul3A_403 = arith.muli %add3A_401, %mul3A_402 : i32
          %get3A_404 = arith.index_cast %scan3A_135 : i32 to index
          %get3A_405 = arith.index_cast %mul3A_403 : i32 to index
          %get3A_406 = tpu.vector_load %arg15[%get3A_404, %get3A_405] {strides = array<i32>} : memref<16x2000xi32, #tpu.memory_space<vmem>>, vector<16xi32>,
          %and3A_407 = arith.constant 8191 : i32
          %and3A_408 = vector.broadcast %and3A_407 : i32 to vector<16xi32>
          %and3A_409 = arith.andi %get3A_406, %and3A_408 : vector<16xi32>
          %gather3A_410 = tpu.vector_load_idx %arg22[%and3A_409] : memref<8192xi32, #tpu.memory_space<vmem>>[vector<16xi32>], vector<16xi32>,
          %eq3A_411 = arith.cmpi eq, %gather3A_410, %get3A_406 : vector<16xi32>
          %or3A_412 = arith.ori %or3A_397, %eq3A_411 : vector<16xi1>
          %mul3A_413 = arith.constant 25 : i32
          %mul3A_414 = arith.muli %scan3A_291, %mul3A_413 : i32
          %add3A_415 = arith.constant 8 : i32
          %add3A_416 = arith.addi %mul3A_414, %add3A_415 : i32
          %mul3A_417 = arith.constant 16 : i32
          %mul3A_418 = arith.muli %add3A_416, %mul3A_417 : i32
          %get3A_419 = arith.index_cast %scan3A_135 : i32 to index
          %get3A_420 = arith.index_cast %mul3A_418 : i32 to index
          %get3A_421 = tpu.vector_load %arg15[%get3A_419, %get3A_420] {strides = array<i32>} : memref<16x2000xi32, #tpu.memory_space<vmem>>, vector<16xi32>,
          %and3A_422 = arith.constant 8191 : i32
          %and3A_423 = vector.broadcast %and3A_422 : i32 to vector<16xi32>
          %and3A_424 = arith.andi %get3A_421, %and3A_423 : vector<16xi32>
          %gather3A_425 = tpu.vector_load_idx %arg22[%and3A_424] : memref<8192xi32, #tpu.memory_space<vmem>>[vector<16xi32>], vector<16xi32>,
          %eq3A_426 = arith.cmpi eq, %gather3A_425, %get3A_421 : vector<16xi32>
          %or3A_427 = arith.ori %or3A_412, %eq3A_426 : vector<16xi1>
          %mul3A_428 = arith.constant 25 : i32
          %mul3A_429 = arith.muli %scan3A_291, %mul3A_428 : i32
          %add3A_430 = arith.constant 9 : i32
          %add3A_431 = arith.addi %mul3A_429, %add3A_430 : i32
          %mul3A_432 = arith.constant 16 : i32
          %mul3A_433 = arith.muli %add3A_431, %mul3A_432 : i32
          %get3A_434 = arith.index_cast %scan3A_135 : i32 to index
          %get3A_435 = arith.index_cast %mul3A_433 : i32 to index
          %get3A_436 = tpu.vector_load %arg15[%get3A_434, %get3A_435] {strides = array<i32>} : memref<16x2000xi32, #tpu.memory_space<vmem>>, vector<16xi32>,
          %and3A_437 = arith.constant 8191 : i32
          %and3A_438 = vector.broadcast %and3A_437 : i32 to vector<16xi32>
          %and3A_439 = arith.andi %get3A_436, %and3A_438 : vector<16xi32>
          %gather3A_440 = tpu.vector_load_idx %arg22[%and3A_439] : memref<8192xi32, #tpu.memory_space<vmem>>[vector<16xi32>], vector<16xi32>,
          %eq3A_441 = arith.cmpi eq, %gather3A_440, %get3A_436 : vector<16xi32>
          %or3A_442 = arith.ori %or3A_427, %eq3A_441 : vector<16xi1>
          %mul3A_443 = arith.constant 25 : i32
          %mul3A_444 = arith.muli %scan3A_291, %mul3A_443 : i32
          %add3A_445 = arith.constant 10 : i32
          %add3A_446 = arith.addi %mul3A_444, %add3A_445 : i32
          %mul3A_447 = arith.constant 16 : i32
          %mul3A_448 = arith.muli %add3A_446, %mul3A_447 : i32
          %get3A_449 = arith.index_cast %scan3A_135 : i32 to index
          %get3A_450 = arith.index_cast %mul3A_448 : i32 to index
          %get3A_451 = tpu.vector_load %arg15[%get3A_449, %get3A_450] {strides = array<i32>} : memref<16x2000xi32, #tpu.memory_space<vmem>>, vector<16xi32>,
          %and3A_452 = arith.constant 8191 : i32
          %and3A_453 = vector.broadcast %and3A_452 : i32 to vector<16xi32>
          %and3A_454 = arith.andi %get3A_451, %and3A_453 : vector<16xi32>
          %gather3A_455 = tpu.vector_load_idx %arg22[%and3A_454] : memref<8192xi32, #tpu.memory_space<vmem>>[vector<16xi32>], vector<16xi32>,
          %eq3A_456 = arith.cmpi eq, %gather3A_455, %get3A_451 : vector<16xi32>
          %or3A_457 = arith.ori %or3A_442, %eq3A_456 : vector<16xi1>
          %mul3A_458 = arith.constant 25 : i32
          %mul3A_459 = arith.muli %scan3A_291, %mul3A_458 : i32
          %add3A_460 = arith.constant 11 : i32
          %add3A_461 = arith.addi %mul3A_459, %add3A_460 : i32
          %mul3A_462 = arith.constant 16 : i32
          %mul3A_463 = arith.muli %add3A_461, %mul3A_462 : i32
          %get3A_464 = arith.index_cast %scan3A_135 : i32 to index
          %get3A_465 = arith.index_cast %mul3A_463 : i32 to index
          %get3A_466 = tpu.vector_load %arg15[%get3A_464, %get3A_465] {strides = array<i32>} : memref<16x2000xi32, #tpu.memory_space<vmem>>, vector<16xi32>,
          %and3A_467 = arith.constant 8191 : i32
          %and3A_468 = vector.broadcast %and3A_467 : i32 to vector<16xi32>
          %and3A_469 = arith.andi %get3A_466, %and3A_468 : vector<16xi32>
          %gather3A_470 = tpu.vector_load_idx %arg22[%and3A_469] : memref<8192xi32, #tpu.memory_space<vmem>>[vector<16xi32>], vector<16xi32>,
          %eq3A_471 = arith.cmpi eq, %gather3A_470, %get3A_466 : vector<16xi32>
          %or3A_472 = arith.ori %or3A_457, %eq3A_471 : vector<16xi1>
          %mul3A_473 = arith.constant 25 : i32
          %mul3A_474 = arith.muli %scan3A_291, %mul3A_473 : i32
          %add3A_475 = arith.constant 12 : i32
          %add3A_476 = arith.addi %mul3A_474, %add3A_475 : i32
          %mul3A_477 = arith.constant 16 : i32
          %mul3A_478 = arith.muli %add3A_476, %mul3A_477 : i32
          %get3A_479 = arith.index_cast %scan3A_135 : i32 to index
          %get3A_480 = arith.index_cast %mul3A_478 : i32 to index
          %get3A_481 = tpu.vector_load %arg15[%get3A_479, %get3A_480] {strides = array<i32>} : memref<16x2000xi32, #tpu.memory_space<vmem>>, vector<16xi32>,
          %and3A_482 = arith.constant 8191 : i32
          %and3A_483 = vector.broadcast %and3A_482 : i32 to vector<16xi32>
          %and3A_484 = arith.andi %get3A_481, %and3A_483 : vector<16xi32>
          %gather3A_485 = tpu.vector_load_idx %arg22[%and3A_484] : memref<8192xi32, #tpu.memory_space<vmem>>[vector<16xi32>], vector<16xi32>,
          %eq3A_486 = arith.cmpi eq, %gather3A_485, %get3A_481 : vector<16xi32>
          %or3A_487 = arith.ori %or3A_472, %eq3A_486 : vector<16xi1>
          %mul3A_488 = arith.constant 25 : i32
          %mul3A_489 = arith.muli %scan3A_291, %mul3A_488 : i32
          %add3A_490 = arith.constant 13 : i32
          %add3A_491 = arith.addi %mul3A_489, %add3A_490 : i32
          %mul3A_492 = arith.constant 16 : i32
          %mul3A_493 = arith.muli %add3A_491, %mul3A_492 : i32
          %get3A_494 = arith.index_cast %scan3A_135 : i32 to index
          %get3A_495 = arith.index_cast %mul3A_493 : i32 to index
          %get3A_496 = tpu.vector_load %arg15[%get3A_494, %get3A_495] {strides = array<i32>} : memref<16x2000xi32, #tpu.memory_space<vmem>>, vector<16xi32>,
          %and3A_497 = arith.constant 8191 : i32
          %and3A_498 = vector.broadcast %and3A_497 : i32 to vector<16xi32>
          %and3A_499 = arith.andi %get3A_496, %and3A_498 : vector<16xi32>
          %gather3A_500 = tpu.vector_load_idx %arg22[%and3A_499] : memref<8192xi32, #tpu.memory_space<vmem>>[vector<16xi32>], vector<16xi32>,
          %eq3A_501 = arith.cmpi eq, %gather3A_500, %get3A_496 : vector<16xi32>
          %or3A_502 = arith.ori %or3A_487, %eq3A_501 : vector<16xi1>
          %mul3A_503 = arith.constant 25 : i32
          %mul3A_504 = arith.muli %scan3A_291, %mul3A_503 : i32
          %add3A_505 = arith.constant 14 : i32
          %add3A_506 = arith.addi %mul3A_504, %add3A_505 : i32
          %mul3A_507 = arith.constant 16 : i32
          %mul3A_508 = arith.muli %add3A_506, %mul3A_507 : i32
          %get3A_509 = arith.index_cast %scan3A_135 : i32 to index
          %get3A_510 = arith.index_cast %mul3A_508 : i32 to index
          %get3A_511 = tpu.vector_load %arg15[%get3A_509, %get3A_510] {strides = array<i32>} : memref<16x2000xi32, #tpu.memory_space<vmem>>, vector<16xi32>,
          %and3A_512 = arith.constant 8191 : i32
          %and3A_513 = vector.broadcast %and3A_512 : i32 to vector<16xi32>
          %and3A_514 = arith.andi %get3A_511, %and3A_513 : vector<16xi32>
          %gather3A_515 = tpu.vector_load_idx %arg22[%and3A_514] : memref<8192xi32, #tpu.memory_space<vmem>>[vector<16xi32>], vector<16xi32>,
          %eq3A_516 = arith.cmpi eq, %gather3A_515, %get3A_511 : vector<16xi32>
          %or3A_517 = arith.ori %or3A_502, %eq3A_516 : vector<16xi1>
          %mul3A_518 = arith.constant 25 : i32
          %mul3A_519 = arith.muli %scan3A_291, %mul3A_518 : i32
          %add3A_520 = arith.constant 15 : i32
          %add3A_521 = arith.addi %mul3A_519, %add3A_520 : i32
          %mul3A_522 = arith.constant 16 : i32
          %mul3A_523 = arith.muli %add3A_521, %mul3A_522 : i32
          %get3A_524 = arith.index_cast %scan3A_135 : i32 to index
          %get3A_525 = arith.index_cast %mul3A_523 : i32 to index
          %get3A_526 = tpu.vector_load %arg15[%get3A_524, %get3A_525] {strides = array<i32>} : memref<16x2000xi32, #tpu.memory_space<vmem>>, vector<16xi32>,
          %and3A_527 = arith.constant 8191 : i32
          %and3A_528 = vector.broadcast %and3A_527 : i32 to vector<16xi32>
          %and3A_529 = arith.andi %get3A_526, %and3A_528 : vector<16xi32>
          %gather3A_530 = tpu.vector_load_idx %arg22[%and3A_529] : memref<8192xi32, #tpu.memory_space<vmem>>[vector<16xi32>], vector<16xi32>,
          %eq3A_531 = arith.cmpi eq, %gather3A_530, %get3A_526 : vector<16xi32>
          %or3A_532 = arith.ori %or3A_517, %eq3A_531 : vector<16xi1>
          %mul3A_533 = arith.constant 25 : i32
          %mul3A_534 = arith.muli %scan3A_291, %mul3A_533 : i32
          %add3A_535 = arith.constant 16 : i32
          %add3A_536 = arith.addi %mul3A_534, %add3A_535 : i32
          %mul3A_537 = arith.constant 16 : i32
          %mul3A_538 = arith.muli %add3A_536, %mul3A_537 : i32
          %get3A_539 = arith.index_cast %scan3A_135 : i32 to index
          %get3A_540 = arith.index_cast %mul3A_538 : i32 to index
          %get3A_541 = tpu.vector_load %arg15[%get3A_539, %get3A_540] {strides = array<i32>} : memref<16x2000xi32, #tpu.memory_space<vmem>>, vector<16xi32>,
          %and3A_542 = arith.constant 8191 : i32
          %and3A_543 = vector.broadcast %and3A_542 : i32 to vector<16xi32>
          %and3A_544 = arith.andi %get3A_541, %and3A_543 : vector<16xi32>
          %gather3A_545 = tpu.vector_load_idx %arg22[%and3A_544] : memref<8192xi32, #tpu.memory_space<vmem>>[vector<16xi32>], vector<16xi32>,
          %eq3A_546 = arith.cmpi eq, %gather3A_545, %get3A_541 : vector<16xi32>
          %or3A_547 = arith.ori %or3A_532, %eq3A_546 : vector<16xi1>
          %mul3A_548 = arith.constant 25 : i32
          %mul3A_549 = arith.muli %scan3A_291, %mul3A_548 : i32
          %add3A_550 = arith.constant 17 : i32
          %add3A_551 = arith.addi %mul3A_549, %add3A_550 : i32
          %mul3A_552 = arith.constant 16 : i32
          %mul3A_553 = arith.muli %add3A_551, %mul3A_552 : i32
          %get3A_554 = arith.index_cast %scan3A_135 : i32 to index
          %get3A_555 = arith.index_cast %mul3A_553 : i32 to index
          %get3A_556 = tpu.vector_load %arg15[%get3A_554, %get3A_555] {strides = array<i32>} : memref<16x2000xi32, #tpu.memory_space<vmem>>, vector<16xi32>,
          %and3A_557 = arith.constant 8191 : i32
          %and3A_558 = vector.broadcast %and3A_557 : i32 to vector<16xi32>
          %and3A_559 = arith.andi %get3A_556, %and3A_558 : vector<16xi32>
          %gather3A_560 = tpu.vector_load_idx %arg22[%and3A_559] : memref<8192xi32, #tpu.memory_space<vmem>>[vector<16xi32>], vector<16xi32>,
          %eq3A_561 = arith.cmpi eq, %gather3A_560, %get3A_556 : vector<16xi32>
          %or3A_562 = arith.ori %or3A_547, %eq3A_561 : vector<16xi1>
          %mul3A_563 = arith.constant 25 : i32
          %mul3A_564 = arith.muli %scan3A_291, %mul3A_563 : i32
          %add3A_565 = arith.constant 18 : i32
          %add3A_566 = arith.addi %mul3A_564, %add3A_565 : i32
          %mul3A_567 = arith.constant 16 : i32
          %mul3A_568 = arith.muli %add3A_566, %mul3A_567 : i32
          %get3A_569 = arith.index_cast %scan3A_135 : i32 to index
          %get3A_570 = arith.index_cast %mul3A_568 : i32 to index
          %get3A_571 = tpu.vector_load %arg15[%get3A_569, %get3A_570] {strides = array<i32>} : memref<16x2000xi32, #tpu.memory_space<vmem>>, vector<16xi32>,
          %and3A_572 = arith.constant 8191 : i32
          %and3A_573 = vector.broadcast %and3A_572 : i32 to vector<16xi32>
          %and3A_574 = arith.andi %get3A_571, %and3A_573 : vector<16xi32>
          %gather3A_575 = tpu.vector_load_idx %arg22[%and3A_574] : memref<8192xi32, #tpu.memory_space<vmem>>[vector<16xi32>], vector<16xi32>,
          %eq3A_576 = arith.cmpi eq, %gather3A_575, %get3A_571 : vector<16xi32>
          %or3A_577 = arith.ori %or3A_562, %eq3A_576 : vector<16xi1>
          %mul3A_578 = arith.constant 25 : i32
          %mul3A_579 = arith.muli %scan3A_291, %mul3A_578 : i32
          %add3A_580 = arith.constant 19 : i32
          %add3A_581 = arith.addi %mul3A_579, %add3A_580 : i32
          %mul3A_582 = arith.constant 16 : i32
          %mul3A_583 = arith.muli %add3A_581, %mul3A_582 : i32
          %get3A_584 = arith.index_cast %scan3A_135 : i32 to index
          %get3A_585 = arith.index_cast %mul3A_583 : i32 to index
          %get3A_586 = tpu.vector_load %arg15[%get3A_584, %get3A_585] {strides = array<i32>} : memref<16x2000xi32, #tpu.memory_space<vmem>>, vector<16xi32>,
          %and3A_587 = arith.constant 8191 : i32
          %and3A_588 = vector.broadcast %and3A_587 : i32 to vector<16xi32>
          %and3A_589 = arith.andi %get3A_586, %and3A_588 : vector<16xi32>
          %gather3A_590 = tpu.vector_load_idx %arg22[%and3A_589] : memref<8192xi32, #tpu.memory_space<vmem>>[vector<16xi32>], vector<16xi32>,
          %eq3A_591 = arith.cmpi eq, %gather3A_590, %get3A_586 : vector<16xi32>
          %or3A_592 = arith.ori %or3A_577, %eq3A_591 : vector<16xi1>
          %mul3A_593 = arith.constant 25 : i32
          %mul3A_594 = arith.muli %scan3A_291, %mul3A_593 : i32
          %add3A_595 = arith.constant 20 : i32
          %add3A_596 = arith.addi %mul3A_594, %add3A_595 : i32
          %mul3A_597 = arith.constant 16 : i32
          %mul3A_598 = arith.muli %add3A_596, %mul3A_597 : i32
          %get3A_599 = arith.index_cast %scan3A_135 : i32 to index
          %get3A_600 = arith.index_cast %mul3A_598 : i32 to index
          %get3A_601 = tpu.vector_load %arg15[%get3A_599, %get3A_600] {strides = array<i32>} : memref<16x2000xi32, #tpu.memory_space<vmem>>, vector<16xi32>,
          %and3A_602 = arith.constant 8191 : i32
          %and3A_603 = vector.broadcast %and3A_602 : i32 to vector<16xi32>
          %and3A_604 = arith.andi %get3A_601, %and3A_603 : vector<16xi32>
          %gather3A_605 = tpu.vector_load_idx %arg22[%and3A_604] : memref<8192xi32, #tpu.memory_space<vmem>>[vector<16xi32>], vector<16xi32>,
          %eq3A_606 = arith.cmpi eq, %gather3A_605, %get3A_601 : vector<16xi32>
          %or3A_607 = arith.ori %or3A_592, %eq3A_606 : vector<16xi1>
          %mul3A_608 = arith.constant 25 : i32
          %mul3A_609 = arith.muli %scan3A_291, %mul3A_608 : i32
          %add3A_610 = arith.constant 21 : i32
          %add3A_611 = arith.addi %mul3A_609, %add3A_610 : i32
          %mul3A_612 = arith.constant 16 : i32
          %mul3A_613 = arith.muli %add3A_611, %mul3A_612 : i32
          %get3A_614 = arith.index_cast %scan3A_135 : i32 to index
          %get3A_615 = arith.index_cast %mul3A_613 : i32 to index
          %get3A_616 = tpu.vector_load %arg15[%get3A_614, %get3A_615] {strides = array<i32>} : memref<16x2000xi32, #tpu.memory_space<vmem>>, vector<16xi32>,
          %and3A_617 = arith.constant 8191 : i32
          %and3A_618 = vector.broadcast %and3A_617 : i32 to vector<16xi32>
          %and3A_619 = arith.andi %get3A_616, %and3A_618 : vector<16xi32>
          %gather3A_620 = tpu.vector_load_idx %arg22[%and3A_619] : memref<8192xi32, #tpu.memory_space<vmem>>[vector<16xi32>], vector<16xi32>,
          %eq3A_621 = arith.cmpi eq, %gather3A_620, %get3A_616 : vector<16xi32>
          %or3A_622 = arith.ori %or3A_607, %eq3A_621 : vector<16xi1>
          %mul3A_623 = arith.constant 25 : i32
          %mul3A_624 = arith.muli %scan3A_291, %mul3A_623 : i32
          %add3A_625 = arith.constant 22 : i32
          %add3A_626 = arith.addi %mul3A_624, %add3A_625 : i32
          %mul3A_627 = arith.constant 16 : i32
          %mul3A_628 = arith.muli %add3A_626, %mul3A_627 : i32
          %get3A_629 = arith.index_cast %scan3A_135 : i32 to index
          %get3A_630 = arith.index_cast %mul3A_628 : i32 to index
          %get3A_631 = tpu.vector_load %arg15[%get3A_629, %get3A_630] {strides = array<i32>} : memref<16x2000xi32, #tpu.memory_space<vmem>>, vector<16xi32>,
          %and3A_632 = arith.constant 8191 : i32
          %and3A_633 = vector.broadcast %and3A_632 : i32 to vector<16xi32>
          %and3A_634 = arith.andi %get3A_631, %and3A_633 : vector<16xi32>
          %gather3A_635 = tpu.vector_load_idx %arg22[%and3A_634] : memref<8192xi32, #tpu.memory_space<vmem>>[vector<16xi32>], vector<16xi32>,
          %eq3A_636 = arith.cmpi eq, %gather3A_635, %get3A_631 : vector<16xi32>
          %or3A_637 = arith.ori %or3A_622, %eq3A_636 : vector<16xi1>
          %mul3A_638 = arith.constant 25 : i32
          %mul3A_639 = arith.muli %scan3A_291, %mul3A_638 : i32
          %add3A_640 = arith.constant 23 : i32
          %add3A_641 = arith.addi %mul3A_639, %add3A_640 : i32
          %mul3A_642 = arith.constant 16 : i32
          %mul3A_643 = arith.muli %add3A_641, %mul3A_642 : i32
          %get3A_644 = arith.index_cast %scan3A_135 : i32 to index
          %get3A_645 = arith.index_cast %mul3A_643 : i32 to index
          %get3A_646 = tpu.vector_load %arg15[%get3A_644, %get3A_645] {strides = array<i32>} : memref<16x2000xi32, #tpu.memory_space<vmem>>, vector<16xi32>,
          %and3A_647 = arith.constant 8191 : i32
          %and3A_648 = vector.broadcast %and3A_647 : i32 to vector<16xi32>
          %and3A_649 = arith.andi %get3A_646, %and3A_648 : vector<16xi32>
          %gather3A_650 = tpu.vector_load_idx %arg22[%and3A_649] : memref<8192xi32, #tpu.memory_space<vmem>>[vector<16xi32>], vector<16xi32>,
          %eq3A_651 = arith.cmpi eq, %gather3A_650, %get3A_646 : vector<16xi32>
          %or3A_652 = arith.ori %or3A_637, %eq3A_651 : vector<16xi1>
          %mul3A_653 = arith.constant 25 : i32
          %mul3A_654 = arith.muli %scan3A_291, %mul3A_653 : i32
          %add3A_655 = arith.constant 24 : i32
          %add3A_656 = arith.addi %mul3A_654, %add3A_655 : i32
          %mul3A_657 = arith.constant 16 : i32
          %mul3A_658 = arith.muli %add3A_656, %mul3A_657 : i32
          %get3A_659 = arith.index_cast %scan3A_135 : i32 to index
          %get3A_660 = arith.index_cast %mul3A_658 : i32 to index
          %get3A_661 = tpu.vector_load %arg15[%get3A_659, %get3A_660] {strides = array<i32>} : memref<16x2000xi32, #tpu.memory_space<vmem>>, vector<16xi32>,
          %and3A_662 = arith.constant 8191 : i32
          %and3A_663 = vector.broadcast %and3A_662 : i32 to vector<16xi32>
          %and3A_664 = arith.andi %get3A_661, %and3A_663 : vector<16xi32>
          %gather3A_665 = tpu.vector_load_idx %arg22[%and3A_664] : memref<8192xi32, #tpu.memory_space<vmem>>[vector<16xi32>], vector<16xi32>,
          %eq3A_666 = arith.cmpi eq, %gather3A_665, %get3A_661 : vector<16xi32>
          %or3A_667 = arith.ori %or3A_652, %eq3A_666 : vector<16xi1>
          scf.yield %or3A_667 : vector<16xi1>
        }
        %scan3A_275 = arith.constant 5 : i32
        %all_reduce_population_count3A = tpu.all_reduce %or3A_178 {dim = 0 : i64, kind = #tpu.reduction_kind<sum>} : vector<16xi1> -> vector<16xi32>
        %slice3A = vector.extract_strided_slice %all_reduce_population_count3A {offsets = [0], sizes = [1], strides = [1]} : vector<16xi32> to vector<1xi32>
        %squeeze3A = vector.extract %slice3A[0] : i32 from vector<1xi32>
        %all_reduce_population_count3A_276 = tpu.all_reduce %scan3A_274 {dim = 0 : i64, kind = #tpu.reduction_kind<sum>} : vector<16xi1> -> vector<16xi32>
        %slice3A_277 = vector.extract_strided_slice %all_reduce_population_count3A_276 {offsets = [0], sizes = [1], strides = [1]} : vector<16xi32> to vector<1xi32>
        %squeeze3A_278 = vector.extract %slice3A_277[0] : i32 from vector<1xi32>
        %eq3A_279 = arith.constant 0 : i32
        %eq3A_280 = arith.cmpi eq, %squeeze3A, %eq3A_279 : i32
        %gt3A = arith.constant 0 : i32
        %gt3A_281 = arith.cmpi sgt, %squeeze3A_278, %gt3A : i32
        %and3A_282 = arith.andi %eq3A_280, %gt3A_281 : i1
        %convert_element_type3A_283 = arith.extui %and3A_282 : i1 to i32
        %cond3A_284 = arith.constant 0 : i32
        %cond3A_285 = arith.cmpi ne, %convert_element_type3A_283, %cond3A_284 : i32
        scf.if %cond3A_285 {
          %add3A_291 = arith.addi %add3A_121, %scan3A_135 : i32
          "tpu.region"() ({
            %run_scoped3A = tpu.sem_alloc : memref<!tpu.dma_semaphore, #tpu.memory_space<semaphore_mem>>
            %dma_start3A_300 = arith.constant 0 : i32
            %dma_start3A_301 = tpu.memref_slice %arg4[%add3A_291, %dma_start3A_300] : memref<4096x2000xf32, #tpu.memory_space<hbm>> -> memref<1x2000xf32, #tpu.memory_space<hbm>>
            %dma_start3A_302 = tpu.memref_squeeze %dma_start3A_301 : memref<1x2000xf32, #tpu.memory_space<hbm>> -> memref<2000xf32, #tpu.memory_space<hbm>>
            %dma_start3A_303 = arith.constant 0 : i32
            %dma_start3A_304 = tpu.memref_slice %arg4[%add3A_291, %dma_start3A_303] : memref<4096x2000xf32, #tpu.memory_space<hbm>> -> memref<1x2000xf32, #tpu.memory_space<hbm>>
            %dma_start3A_305 = tpu.memref_squeeze %dma_start3A_304 : memref<1x2000xf32, #tpu.memory_space<hbm>> -> memref<2000xf32, #tpu.memory_space<hbm>>
            tpu.enqueue_dma source(%dma_start3A_305 : memref<2000xf32, #tpu.memory_space<hbm>>) target(%arg21 : memref<2000xf32, #tpu.memory_space<vmem>>) target_semaphore(%run_scoped3A : memref<!tpu.dma_semaphore, #tpu.memory_space<semaphore_mem>>)
            %dma_wait3A_306 = arith.constant 0 : i32
            %dma_wait3A_307 = tpu.memref_slice %arg4[%add3A_291, %dma_wait3A_306] : memref<4096x2000xf32, #tpu.memory_space<hbm>> -> memref<1x2000xf32, #tpu.memory_space<hbm>>
            %dma_wait3A_308 = tpu.memref_squeeze %dma_wait3A_307 : memref<1x2000xf32, #tpu.memory_space<hbm>> -> memref<2000xf32, #tpu.memory_space<hbm>>
            %dma_wait3A_309 = arith.constant 0 : i32
            %dma_wait3A_310 = tpu.memref_slice %arg4[%add3A_291, %dma_wait3A_309] : memref<4096x2000xf32, #tpu.memory_space<hbm>> -> memref<1x2000xf32, #tpu.memory_space<hbm>>
            %dma_wait3A_311 = tpu.memref_squeeze %dma_wait3A_310 : memref<1x2000xf32, #tpu.memory_space<hbm>> -> memref<2000xf32, #tpu.memory_space<hbm>>
            tpu.wait_dma2 semaphore(%run_scoped3A : memref<!tpu.dma_semaphore, #tpu.memory_space<semaphore_mem>>) src(%dma_wait3A_311 : memref<2000xf32, #tpu.memory_space<hbm>>) dst(%arg21 : memref<2000xf32, #tpu.memory_space<vmem>>)
            tpu.yield
          }) : () -> ()
          %broadcast_in_dim3A_292 = arith.constant 0 : i32
          %broadcast_in_dim3A_293 = vector.broadcast %broadcast_in_dim3A_292 : i32 to vector<16xi32>
          %scan3A_294 = arith.constant 0 : i32
          %scan3A_295 = arith.constant 125 : i32
          %scan3A_296 = arith.addi %scan3A_294, %scan3A_295 : i32
          %scan3A_297 = arith.constant 1 : i32
          %scan3A_298 = scf.for %scan3A_300 = %scan3A_294 to %scan3A_296 step %scan3A_297 iter_args(%scan3A_301 = %broadcast_in_dim3A_293) -> (vector<16xi32>)  : i32 {
            %mul3A_302 = arith.constant 16 : i32
            %mul3A_303 = arith.muli %scan3A_300, %mul3A_302 : i32
            %get3A_304 = arith.index_cast %scan3A_135 : i32 to index
            %get3A_305 = arith.index_cast %mul3A_303 : i32 to index
            %get3A_306 = tpu.vector_load %arg15[%get3A_304, %get3A_305] {strides = array<i32>} : memref<16x2000xi32, #tpu.memory_space<vmem>>, vector<16xi32>,
            %and3A_307 = arith.constant 8191 : i32
            %and3A_308 = vector.broadcast %and3A_307 : i32 to vector<16xi32>
            %and3A_309 = arith.andi %get3A_306, %and3A_308 : vector<16xi32>
            %gather3A_310 = tpu.vector_load_idx %arg22[%and3A_309] : memref<8192xi32, #tpu.memory_space<vmem>>[vector<16xi32>], vector<16xi32>,
            %eq3A_311 = arith.cmpi eq, %gather3A_310, %get3A_306 : vector<16xi32>
            %jit3A = arith.constant 1 : i32
            %jit3A_312 = arith.constant 0 : i32
            %broadcast_in_dim3A_313 = vector.broadcast %jit3A : i32 to vector<16xi32>
            %broadcast_in_dim3A_314 = vector.broadcast %jit3A_312 : i32 to vector<16xi32>
            %select_n3A_315 = arith.select %eq3A_311, %broadcast_in_dim3A_313, %broadcast_in_dim3A_314 : vector<16xi1>, vector<16xi32>
            %broadcast_in_dim3A_316 = arith.constant true
            %broadcast_in_dim3A_317 = vector.broadcast %broadcast_in_dim3A_316 : i1 to vector<16xi1>
            %masked_cumsum3A = tpu.scan <sum>, %select_n3A_315 masked %broadcast_in_dim3A_317 : vector<16xi32>, vector<16xi1> -> vector<16xi32>
            %add3A_318 = arith.addi %scan3A_301, %masked_cumsum3A : vector<16xi32>
            %le3A = arith.constant 20 : i32
            %le3A_319 = vector.broadcast %le3A : i32 to vector<16xi32>
            %le3A_320 = arith.cmpi sle, %add3A_318, %le3A_319 : vector<16xi32>
            %and3A_321 = arith.andi %eq3A_311, %le3A_320 : vector<16xi1>
            %mul3A_322 = arith.constant 16 : i32
            %mul3A_323 = arith.muli %scan3A_300, %mul3A_322 : i32
            %get3A_324 = arith.index_cast %mul3A_323 : i32 to index
            %get3A_325 = tpu.vector_load %arg21[%get3A_324] {strides = array<i32>} : memref<2000xf32, #tpu.memory_space<vmem>>, vector<16xf32>,
            %sub3A = arith.constant 1 : i32
            %sub3A_326 = vector.broadcast %sub3A : i32 to vector<16xi32>
            %sub3A_327 = arith.subi %add3A_318, %sub3A_326 : vector<16xi32>
            %scatter3A = arith.constant 0 : i32
            %scatter3A_328 = tpu.memref_slice %arg19[%scan3A_135, %scatter3A] : memref<16x32xf32, #tpu.memory_space<vmem>> -> memref<1x32xf32, #tpu.memory_space<vmem>>
            %scatter3A_329 = tpu.memref_squeeze %scatter3A_328 : memref<1x32xf32, #tpu.memory_space<vmem>> -> memref<32xf32, #tpu.memory_space<vmem>>
            tpu.vector_store_idx %scatter3A_329[%sub3A_327], %get3A_325 masked %and3A_321 : memref<32xf32, #tpu.memory_space<vmem>>[vector<16xi32>], vector<16xf32>, vector<16xi1>
            %sub3A_330 = arith.constant 1 : i32
            %sub3A_331 = vector.broadcast %sub3A_330 : i32 to vector<16xi32>
            %sub3A_332 = arith.subi %add3A_318, %sub3A_331 : vector<16xi32>
            %scatter3A_333 = arith.constant 0 : i32
            %scatter3A_334 = tpu.memref_slice %arg20[%scan3A_135, %scatter3A_333] : memref<16x32xf32, #tpu.memory_space<vmem>> -> memref<1x32xf32, #tpu.memory_space<vmem>>
            %scatter3A_335 = tpu.memref_squeeze %scatter3A_334 : memref<1x32xf32, #tpu.memory_space<vmem>> -> memref<32xf32, #tpu.memory_space<vmem>>
            tpu.vector_store_idx %scatter3A_335[%sub3A_332], %broadcast_in_dim3A_161 masked %and3A_321 : memref<32xf32, #tpu.memory_space<vmem>>[vector<16xi32>], vector<16xf32>, vector<16xi1>
            %all_reduce_population_count3A_336 = tpu.all_reduce %eq3A_311 {dim = 0 : i64, kind = #tpu.reduction_kind<sum>} : vector<16xi1> -> vector<16xi32>
            %add3A_337 = arith.addi %scan3A_301, %all_reduce_population_count3A_336 : vector<16xi32>
            scf.yield %add3A_337 : vector<16xi32>
          }
          %scan3A_299 = arith.constant 125 : i32
        } else {
        }
        %gt3A_286 = arith.constant 0 : i32
        %gt3A_287 = arith.cmpi sgt, %squeeze3A, %gt3A_286 : i32
        %convert_element_type3A_288 = arith.extui %gt3A_287 : i1 to i32
        %cond3A_289 = arith.constant 0 : i32
        %cond3A_290 = arith.cmpi ne, %convert_element_type3A_288, %cond3A_289 : i32
        scf.if %cond3A_290 {
          %slice3A_291 = vector.extract_strided_slice %get3A_150 {offsets = [0], sizes = [1], strides = [1]} : vector<16xi32> to vector<1xi32>
          %squeeze3A_292 = vector.extract %slice3A_291[0] : i32 from vector<1xi32>
          %slice3A_293 = vector.extract_strided_slice %get3A_150 {offsets = [1], sizes = [1], strides = [1]} : vector<16xi32> to vector<1xi32>
          %squeeze3A_294 = vector.extract %slice3A_293[0] : i32 from vector<1xi32>
          %slice3A_295 = vector.extract_strided_slice %get3A_150 {offsets = [2], sizes = [1], strides = [1]} : vector<16xi32> to vector<1xi32>
          %squeeze3A_296 = vector.extract %slice3A_295[0] : i32 from vector<1xi32>
          %slice3A_297 = vector.extract_strided_slice %get3A_150 {offsets = [3], sizes = [1], strides = [1]} : vector<16xi32> to vector<1xi32>
          %squeeze3A_298 = vector.extract %slice3A_297[0] : i32 from vector<1xi32>
          %slice3A_299 = vector.extract_strided_slice %get3A_150 {offsets = [4], sizes = [1], strides = [1]} : vector<16xi32> to vector<1xi32>
          %squeeze3A_300 = vector.extract %slice3A_299[0] : i32 from vector<1xi32>
          %slice3A_301 = vector.extract_strided_slice %get3A_150 {offsets = [5], sizes = [1], strides = [1]} : vector<16xi32> to vector<1xi32>
          %squeeze3A_302 = vector.extract %slice3A_301[0] : i32 from vector<1xi32>
          %slice3A_303 = vector.extract_strided_slice %get3A_150 {offsets = [6], sizes = [1], strides = [1]} : vector<16xi32> to vector<1xi32>
          %squeeze3A_304 = vector.extract %slice3A_303[0] : i32 from vector<1xi32>
          %slice3A_305 = vector.extract_strided_slice %get3A_150 {offsets = [7], sizes = [1], strides = [1]} : vector<16xi32> to vector<1xi32>
          %squeeze3A_306 = vector.extract %slice3A_305[0] : i32 from vector<1xi32>
          %slice3A_307 = vector.extract_strided_slice %get3A_150 {offsets = [8], sizes = [1], strides = [1]} : vector<16xi32> to vector<1xi32>
          %squeeze3A_308 = vector.extract %slice3A_307[0] : i32 from vector<1xi32>
          %slice3A_309 = vector.extract_strided_slice %get3A_150 {offsets = [9], sizes = [1], strides = [1]} : vector<16xi32> to vector<1xi32>
          %squeeze3A_310 = vector.extract %slice3A_309[0] : i32 from vector<1xi32>
          %slice3A_311 = vector.extract_strided_slice %get3A_150 {offsets = [10], sizes = [1], strides = [1]} : vector<16xi32> to vector<1xi32>
          %squeeze3A_312 = vector.extract %slice3A_311[0] : i32 from vector<1xi32>
          %slice3A_313 = vector.extract_strided_slice %get3A_150 {offsets = [11], sizes = [1], strides = [1]} : vector<16xi32> to vector<1xi32>
          %squeeze3A_314 = vector.extract %slice3A_313[0] : i32 from vector<1xi32>
          %slice3A_315 = vector.extract_strided_slice %get3A_150 {offsets = [12], sizes = [1], strides = [1]} : vector<16xi32> to vector<1xi32>
          %squeeze3A_316 = vector.extract %slice3A_315[0] : i32 from vector<1xi32>
          %slice3A_317 = vector.extract_strided_slice %get3A_150 {offsets = [13], sizes = [1], strides = [1]} : vector<16xi32> to vector<1xi32>
          %squeeze3A_318 = vector.extract %slice3A_317[0] : i32 from vector<1xi32>
          %slice3A_319 = vector.extract_strided_slice %get3A_150 {offsets = [14], sizes = [1], strides = [1]} : vector<16xi32> to vector<1xi32>
          %squeeze3A_320 = vector.extract %slice3A_319[0] : i32 from vector<1xi32>
          %slice3A_321 = vector.extract_strided_slice %get3A_150 {offsets = [15], sizes = [1], strides = [1]} : vector<16xi32> to vector<1xi32>
          %squeeze3A_322 = vector.extract %slice3A_321[0] : i32 from vector<1xi32>
          %slice3A_323 = vector.extract_strided_slice %get3A_153 {offsets = [0], sizes = [1], strides = [1]} : vector<16xi32> to vector<1xi32>
          %squeeze3A_324 = vector.extract %slice3A_323[0] : i32 from vector<1xi32>
          %slice3A_325 = vector.extract_strided_slice %get3A_153 {offsets = [1], sizes = [1], strides = [1]} : vector<16xi32> to vector<1xi32>
          %squeeze3A_326 = vector.extract %slice3A_325[0] : i32 from vector<1xi32>
          %slice3A_327 = vector.extract_strided_slice %get3A_153 {offsets = [2], sizes = [1], strides = [1]} : vector<16xi32> to vector<1xi32>
          %squeeze3A_328 = vector.extract %slice3A_327[0] : i32 from vector<1xi32>
          %slice3A_329 = vector.extract_strided_slice %get3A_153 {offsets = [3], sizes = [1], strides = [1]} : vector<16xi32> to vector<1xi32>
          %squeeze3A_330 = vector.extract %slice3A_329[0] : i32 from vector<1xi32>
          %slice3A_331 = vector.extract_strided_slice %get3A_156 {offsets = [0], sizes = [1], strides = [1]} : vector<16xf32> to vector<1xf32>
          %squeeze3A_332 = vector.extract %slice3A_331[0] : f32 from vector<1xf32>
          %slice3A_333 = vector.extract_strided_slice %get3A_156 {offsets = [1], sizes = [1], strides = [1]} : vector<16xf32> to vector<1xf32>
          %squeeze3A_334 = vector.extract %slice3A_333[0] : f32 from vector<1xf32>
          %slice3A_335 = vector.extract_strided_slice %get3A_156 {offsets = [2], sizes = [1], strides = [1]} : vector<16xf32> to vector<1xf32>
          %squeeze3A_336 = vector.extract %slice3A_335[0] : f32 from vector<1xf32>
          %slice3A_337 = vector.extract_strided_slice %get3A_156 {offsets = [3], sizes = [1], strides = [1]} : vector<16xf32> to vector<1xf32>
          %squeeze3A_338 = vector.extract %slice3A_337[0] : f32 from vector<1xf32>
          %slice3A_339 = vector.extract_strided_slice %get3A_156 {offsets = [4], sizes = [1], strides = [1]} : vector<16xf32> to vector<1xf32>
          %squeeze3A_340 = vector.extract %slice3A_339[0] : f32 from vector<1xf32>
          %slice3A_341 = vector.extract_strided_slice %get3A_156 {offsets = [5], sizes = [1], strides = [1]} : vector<16xf32> to vector<1xf32>
          %squeeze3A_342 = vector.extract %slice3A_341[0] : f32 from vector<1xf32>
          %slice3A_343 = vector.extract_strided_slice %get3A_156 {offsets = [6], sizes = [1], strides = [1]} : vector<16xf32> to vector<1xf32>
          %squeeze3A_344 = vector.extract %slice3A_343[0] : f32 from vector<1xf32>
          %slice3A_345 = vector.extract_strided_slice %get3A_156 {offsets = [7], sizes = [1], strides = [1]} : vector<16xf32> to vector<1xf32>
          %squeeze3A_346 = vector.extract %slice3A_345[0] : f32 from vector<1xf32>
          %slice3A_347 = vector.extract_strided_slice %get3A_156 {offsets = [8], sizes = [1], strides = [1]} : vector<16xf32> to vector<1xf32>
          %squeeze3A_348 = vector.extract %slice3A_347[0] : f32 from vector<1xf32>
          %slice3A_349 = vector.extract_strided_slice %get3A_156 {offsets = [9], sizes = [1], strides = [1]} : vector<16xf32> to vector<1xf32>
          %squeeze3A_350 = vector.extract %slice3A_349[0] : f32 from vector<1xf32>
          %slice3A_351 = vector.extract_strided_slice %get3A_156 {offsets = [10], sizes = [1], strides = [1]} : vector<16xf32> to vector<1xf32>
          %squeeze3A_352 = vector.extract %slice3A_351[0] : f32 from vector<1xf32>
          %slice3A_353 = vector.extract_strided_slice %get3A_156 {offsets = [11], sizes = [1], strides = [1]} : vector<16xf32> to vector<1xf32>
          %squeeze3A_354 = vector.extract %slice3A_353[0] : f32 from vector<1xf32>
          %slice3A_355 = vector.extract_strided_slice %get3A_156 {offsets = [12], sizes = [1], strides = [1]} : vector<16xf32> to vector<1xf32>
          %squeeze3A_356 = vector.extract %slice3A_355[0] : f32 from vector<1xf32>
          %slice3A_357 = vector.extract_strided_slice %get3A_156 {offsets = [13], sizes = [1], strides = [1]} : vector<16xf32> to vector<1xf32>
          %squeeze3A_358 = vector.extract %slice3A_357[0] : f32 from vector<1xf32>
          %slice3A_359 = vector.extract_strided_slice %get3A_156 {offsets = [14], sizes = [1], strides = [1]} : vector<16xf32> to vector<1xf32>
          %squeeze3A_360 = vector.extract %slice3A_359[0] : f32 from vector<1xf32>
          %slice3A_361 = vector.extract_strided_slice %get3A_156 {offsets = [15], sizes = [1], strides = [1]} : vector<16xf32> to vector<1xf32>
          %squeeze3A_362 = vector.extract %slice3A_361[0] : f32 from vector<1xf32>
          %slice3A_363 = vector.extract_strided_slice %get3A_159 {offsets = [0], sizes = [1], strides = [1]} : vector<16xf32> to vector<1xf32>
          %squeeze3A_364 = vector.extract %slice3A_363[0] : f32 from vector<1xf32>
          %slice3A_365 = vector.extract_strided_slice %get3A_159 {offsets = [1], sizes = [1], strides = [1]} : vector<16xf32> to vector<1xf32>
          %squeeze3A_366 = vector.extract %slice3A_365[0] : f32 from vector<1xf32>
          %slice3A_367 = vector.extract_strided_slice %get3A_159 {offsets = [2], sizes = [1], strides = [1]} : vector<16xf32> to vector<1xf32>
          %squeeze3A_368 = vector.extract %slice3A_367[0] : f32 from vector<1xf32>
          %slice3A_369 = vector.extract_strided_slice %get3A_159 {offsets = [3], sizes = [1], strides = [1]} : vector<16xf32> to vector<1xf32>
          %squeeze3A_370 = vector.extract %slice3A_369[0] : f32 from vector<1xf32>
          %get3A_371 = arith.index_cast %scan3A_135 : i32 to index
          %get3A_372 = arith.constant 0 : index
          %get3A_373 = tpu.vector_load %arg14[%get3A_371, %get3A_372] {strides = array<i32>} : memref<16x112xi32, #tpu.memory_space<vmem>>, vector<16xi32>,
          %eq3A_374 = vector.broadcast %squeeze3A_292 : i32 to vector<16xi32>
          %eq3A_375 = arith.cmpi eq, %get3A_373, %eq3A_374 : vector<16xi32>
          %broadcast_in_dim3A_376 = vector.broadcast %squeeze3A_332 : f32 to vector<16xf32>
          %select_n3A_377 = arith.select %eq3A_375, %broadcast_in_dim3A_376, %broadcast_in_dim3A_137 : vector<16xi1>, vector<16xf32>
          %eq3A_378 = vector.broadcast %squeeze3A_294 : i32 to vector<16xi32>
          %eq3A_379 = arith.cmpi eq, %get3A_373, %eq3A_378 : vector<16xi32>
          %broadcast_in_dim3A_380 = vector.broadcast %squeeze3A_334 : f32 to vector<16xf32>
          %select_n3A_381 = arith.select %eq3A_379, %broadcast_in_dim3A_380, %select_n3A_377 : vector<16xi1>, vector<16xf32>
          %eq3A_382 = vector.broadcast %squeeze3A_296 : i32 to vector<16xi32>
          %eq3A_383 = arith.cmpi eq, %get3A_373, %eq3A_382 : vector<16xi32>
          %broadcast_in_dim3A_384 = vector.broadcast %squeeze3A_336 : f32 to vector<16xf32>
          %select_n3A_385 = arith.select %eq3A_383, %broadcast_in_dim3A_384, %select_n3A_381 : vector<16xi1>, vector<16xf32>
          %eq3A_386 = vector.broadcast %squeeze3A_298 : i32 to vector<16xi32>
          %eq3A_387 = arith.cmpi eq, %get3A_373, %eq3A_386 : vector<16xi32>
          %broadcast_in_dim3A_388 = vector.broadcast %squeeze3A_338 : f32 to vector<16xf32>
          %select_n3A_389 = arith.select %eq3A_387, %broadcast_in_dim3A_388, %select_n3A_385 : vector<16xi1>, vector<16xf32>
          %eq3A_390 = vector.broadcast %squeeze3A_300 : i32 to vector<16xi32>
          %eq3A_391 = arith.cmpi eq, %get3A_373, %eq3A_390 : vector<16xi32>
          %broadcast_in_dim3A_392 = vector.broadcast %squeeze3A_340 : f32 to vector<16xf32>
          %select_n3A_393 = arith.select %eq3A_391, %broadcast_in_dim3A_392, %select_n3A_389 : vector<16xi1>, vector<16xf32>
          %eq3A_394 = vector.broadcast %squeeze3A_302 : i32 to vector<16xi32>
          %eq3A_395 = arith.cmpi eq, %get3A_373, %eq3A_394 : vector<16xi32>
          %broadcast_in_dim3A_396 = vector.broadcast %squeeze3A_342 : f32 to vector<16xf32>
          %select_n3A_397 = arith.select %eq3A_395, %broadcast_in_dim3A_396, %select_n3A_393 : vector<16xi1>, vector<16xf32>
          %eq3A_398 = vector.broadcast %squeeze3A_304 : i32 to vector<16xi32>
          %eq3A_399 = arith.cmpi eq, %get3A_373, %eq3A_398 : vector<16xi32>
          %broadcast_in_dim3A_400 = vector.broadcast %squeeze3A_344 : f32 to vector<16xf32>
          %select_n3A_401 = arith.select %eq3A_399, %broadcast_in_dim3A_400, %select_n3A_397 : vector<16xi1>, vector<16xf32>
          %eq3A_402 = vector.broadcast %squeeze3A_306 : i32 to vector<16xi32>
          %eq3A_403 = arith.cmpi eq, %get3A_373, %eq3A_402 : vector<16xi32>
          %broadcast_in_dim3A_404 = vector.broadcast %squeeze3A_346 : f32 to vector<16xf32>
          %select_n3A_405 = arith.select %eq3A_403, %broadcast_in_dim3A_404, %select_n3A_401 : vector<16xi1>, vector<16xf32>
          %eq3A_406 = vector.broadcast %squeeze3A_308 : i32 to vector<16xi32>
          %eq3A_407 = arith.cmpi eq, %get3A_373, %eq3A_406 : vector<16xi32>
          %broadcast_in_dim3A_408 = vector.broadcast %squeeze3A_348 : f32 to vector<16xf32>
          %select_n3A_409 = arith.select %eq3A_407, %broadcast_in_dim3A_408, %select_n3A_405 : vector<16xi1>, vector<16xf32>
          %eq3A_410 = vector.broadcast %squeeze3A_310 : i32 to vector<16xi32>
          %eq3A_411 = arith.cmpi eq, %get3A_373, %eq3A_410 : vector<16xi32>
          %broadcast_in_dim3A_412 = vector.broadcast %squeeze3A_350 : f32 to vector<16xf32>
          %select_n3A_413 = arith.select %eq3A_411, %broadcast_in_dim3A_412, %select_n3A_409 : vector<16xi1>, vector<16xf32>
          %eq3A_414 = vector.broadcast %squeeze3A_312 : i32 to vector<16xi32>
          %eq3A_415 = arith.cmpi eq, %get3A_373, %eq3A_414 : vector<16xi32>
          %broadcast_in_dim3A_416 = vector.broadcast %squeeze3A_352 : f32 to vector<16xf32>
          %select_n3A_417 = arith.select %eq3A_415, %broadcast_in_dim3A_416, %select_n3A_413 : vector<16xi1>, vector<16xf32>
          %eq3A_418 = vector.broadcast %squeeze3A_314 : i32 to vector<16xi32>
          %eq3A_419 = arith.cmpi eq, %get3A_373, %eq3A_418 : vector<16xi32>
          %broadcast_in_dim3A_420 = vector.broadcast %squeeze3A_354 : f32 to vector<16xf32>
          %select_n3A_421 = arith.select %eq3A_419, %broadcast_in_dim3A_420, %select_n3A_417 : vector<16xi1>, vector<16xf32>
          %eq3A_422 = vector.broadcast %squeeze3A_316 : i32 to vector<16xi32>
          %eq3A_423 = arith.cmpi eq, %get3A_373, %eq3A_422 : vector<16xi32>
          %broadcast_in_dim3A_424 = vector.broadcast %squeeze3A_356 : f32 to vector<16xf32>
          %select_n3A_425 = arith.select %eq3A_423, %broadcast_in_dim3A_424, %select_n3A_421 : vector<16xi1>, vector<16xf32>
          %eq3A_426 = vector.broadcast %squeeze3A_318 : i32 to vector<16xi32>
          %eq3A_427 = arith.cmpi eq, %get3A_373, %eq3A_426 : vector<16xi32>
          %broadcast_in_dim3A_428 = vector.broadcast %squeeze3A_358 : f32 to vector<16xf32>
          %select_n3A_429 = arith.select %eq3A_427, %broadcast_in_dim3A_428, %select_n3A_425 : vector<16xi1>, vector<16xf32>
          %eq3A_430 = vector.broadcast %squeeze3A_320 : i32 to vector<16xi32>
          %eq3A_431 = arith.cmpi eq, %get3A_373, %eq3A_430 : vector<16xi32>
          %broadcast_in_dim3A_432 = vector.broadcast %squeeze3A_360 : f32 to vector<16xf32>
          %select_n3A_433 = arith.select %eq3A_431, %broadcast_in_dim3A_432, %select_n3A_429 : vector<16xi1>, vector<16xf32>
          %eq3A_434 = vector.broadcast %squeeze3A_322 : i32 to vector<16xi32>
          %eq3A_435 = arith.cmpi eq, %get3A_373, %eq3A_434 : vector<16xi32>
          %broadcast_in_dim3A_436 = vector.broadcast %squeeze3A_362 : f32 to vector<16xf32>
          %select_n3A_437 = arith.select %eq3A_435, %broadcast_in_dim3A_436, %select_n3A_433 : vector<16xi1>, vector<16xf32>
          %eq3A_438 = vector.broadcast %squeeze3A_324 : i32 to vector<16xi32>
          %eq3A_439 = arith.cmpi eq, %get3A_373, %eq3A_438 : vector<16xi32>
          %broadcast_in_dim3A_440 = vector.broadcast %squeeze3A_364 : f32 to vector<16xf32>
          %select_n3A_441 = arith.select %eq3A_439, %broadcast_in_dim3A_440, %select_n3A_437 : vector<16xi1>, vector<16xf32>
          %eq3A_442 = vector.broadcast %squeeze3A_326 : i32 to vector<16xi32>
          %eq3A_443 = arith.cmpi eq, %get3A_373, %eq3A_442 : vector<16xi32>
          %broadcast_in_dim3A_444 = vector.broadcast %squeeze3A_366 : f32 to vector<16xf32>
          %select_n3A_445 = arith.select %eq3A_443, %broadcast_in_dim3A_444, %select_n3A_441 : vector<16xi1>, vector<16xf32>
          %eq3A_446 = vector.broadcast %squeeze3A_328 : i32 to vector<16xi32>
          %eq3A_447 = arith.cmpi eq, %get3A_373, %eq3A_446 : vector<16xi32>
          %broadcast_in_dim3A_448 = vector.broadcast %squeeze3A_368 : f32 to vector<16xf32>
          %select_n3A_449 = arith.select %eq3A_447, %broadcast_in_dim3A_448, %select_n3A_445 : vector<16xi1>, vector<16xf32>
          %eq3A_450 = vector.broadcast %squeeze3A_330 : i32 to vector<16xi32>
          %eq3A_451 = arith.cmpi eq, %get3A_373, %eq3A_450 : vector<16xi32>
          %broadcast_in_dim3A_452 = vector.broadcast %squeeze3A_370 : f32 to vector<16xf32>
          %select_n3A_453 = arith.select %eq3A_451, %broadcast_in_dim3A_452, %select_n3A_449 : vector<16xi1>, vector<16xf32>
          %swap3A_454 = arith.index_cast %scan3A_135 : i32 to index
          %swap3A_455 = arith.constant 0 : index
          %swap3A_456 = tpu.vector_load %arg18[%swap3A_454, %swap3A_455] {strides = array<i32>} : memref<16x112xf32, #tpu.memory_space<vmem>>, vector<16xf32>,
          tpu.vector_store %arg18[%swap3A_454, %swap3A_455], %select_n3A_453 {strides = array<i32>} : memref<16x112xf32, #tpu.memory_space<vmem>>, vector<16xf32>,
          %get3A_457 = arith.index_cast %scan3A_135 : i32 to index
          %get3A_458 = arith.constant 16 : index
          %get3A_459 = tpu.vector_load %arg14[%get3A_457, %get3A_458] {strides = array<i32>} : memref<16x112xi32, #tpu.memory_space<vmem>>, vector<16xi32>,
          %eq3A_460 = vector.broadcast %squeeze3A_292 : i32 to vector<16xi32>
          %eq3A_461 = arith.cmpi eq, %get3A_459, %eq3A_460 : vector<16xi32>
          %broadcast_in_dim3A_462 = vector.broadcast %squeeze3A_332 : f32 to vector<16xf32>
          %select_n3A_463 = arith.select %eq3A_461, %broadcast_in_dim3A_462, %broadcast_in_dim3A_137 : vector<16xi1>, vector<16xf32>
          %eq3A_464 = vector.broadcast %squeeze3A_294 : i32 to vector<16xi32>
          %eq3A_465 = arith.cmpi eq, %get3A_459, %eq3A_464 : vector<16xi32>
          %broadcast_in_dim3A_466 = vector.broadcast %squeeze3A_334 : f32 to vector<16xf32>
          %select_n3A_467 = arith.select %eq3A_465, %broadcast_in_dim3A_466, %select_n3A_463 : vector<16xi1>, vector<16xf32>
          %eq3A_468 = vector.broadcast %squeeze3A_296 : i32 to vector<16xi32>
          %eq3A_469 = arith.cmpi eq, %get3A_459, %eq3A_468 : vector<16xi32>
          %broadcast_in_dim3A_470 = vector.broadcast %squeeze3A_336 : f32 to vector<16xf32>
          %select_n3A_471 = arith.select %eq3A_469, %broadcast_in_dim3A_470, %select_n3A_467 : vector<16xi1>, vector<16xf32>
          %eq3A_472 = vector.broadcast %squeeze3A_298 : i32 to vector<16xi32>
          %eq3A_473 = arith.cmpi eq, %get3A_459, %eq3A_472 : vector<16xi32>
          %broadcast_in_dim3A_474 = vector.broadcast %squeeze3A_338 : f32 to vector<16xf32>
          %select_n3A_475 = arith.select %eq3A_473, %broadcast_in_dim3A_474, %select_n3A_471 : vector<16xi1>, vector<16xf32>
          %eq3A_476 = vector.broadcast %squeeze3A_300 : i32 to vector<16xi32>
          %eq3A_477 = arith.cmpi eq, %get3A_459, %eq3A_476 : vector<16xi32>
          %broadcast_in_dim3A_478 = vector.broadcast %squeeze3A_340 : f32 to vector<16xf32>
          %select_n3A_479 = arith.select %eq3A_477, %broadcast_in_dim3A_478, %select_n3A_475 : vector<16xi1>, vector<16xf32>
          %eq3A_480 = vector.broadcast %squeeze3A_302 : i32 to vector<16xi32>
          %eq3A_481 = arith.cmpi eq, %get3A_459, %eq3A_480 : vector<16xi32>
          %broadcast_in_dim3A_482 = vector.broadcast %squeeze3A_342 : f32 to vector<16xf32>
          %select_n3A_483 = arith.select %eq3A_481, %broadcast_in_dim3A_482, %select_n3A_479 : vector<16xi1>, vector<16xf32>
          %eq3A_484 = vector.broadcast %squeeze3A_304 : i32 to vector<16xi32>
          %eq3A_485 = arith.cmpi eq, %get3A_459, %eq3A_484 : vector<16xi32>
          %broadcast_in_dim3A_486 = vector.broadcast %squeeze3A_344 : f32 to vector<16xf32>
          %select_n3A_487 = arith.select %eq3A_485, %broadcast_in_dim3A_486, %select_n3A_483 : vector<16xi1>, vector<16xf32>
          %eq3A_488 = vector.broadcast %squeeze3A_306 : i32 to vector<16xi32>
          %eq3A_489 = arith.cmpi eq, %get3A_459, %eq3A_488 : vector<16xi32>
          %broadcast_in_dim3A_490 = vector.broadcast %squeeze3A_346 : f32 to vector<16xf32>
          %select_n3A_491 = arith.select %eq3A_489, %broadcast_in_dim3A_490, %select_n3A_487 : vector<16xi1>, vector<16xf32>
          %eq3A_492 = vector.broadcast %squeeze3A_308 : i32 to vector<16xi32>
          %eq3A_493 = arith.cmpi eq, %get3A_459, %eq3A_492 : vector<16xi32>
          %broadcast_in_dim3A_494 = vector.broadcast %squeeze3A_348 : f32 to vector<16xf32>
          %select_n3A_495 = arith.select %eq3A_493, %broadcast_in_dim3A_494, %select_n3A_491 : vector<16xi1>, vector<16xf32>
          %eq3A_496 = vector.broadcast %squeeze3A_310 : i32 to vector<16xi32>
          %eq3A_497 = arith.cmpi eq, %get3A_459, %eq3A_496 : vector<16xi32>
          %broadcast_in_dim3A_498 = vector.broadcast %squeeze3A_350 : f32 to vector<16xf32>
          %select_n3A_499 = arith.select %eq3A_497, %broadcast_in_dim3A_498, %select_n3A_495 : vector<16xi1>, vector<16xf32>
          %eq3A_500 = vector.broadcast %squeeze3A_312 : i32 to vector<16xi32>
          %eq3A_501 = arith.cmpi eq, %get3A_459, %eq3A_500 : vector<16xi32>
          %broadcast_in_dim3A_502 = vector.broadcast %squeeze3A_352 : f32 to vector<16xf32>
          %select_n3A_503 = arith.select %eq3A_501, %broadcast_in_dim3A_502, %select_n3A_499 : vector<16xi1>, vector<16xf32>
          %eq3A_504 = vector.broadcast %squeeze3A_314 : i32 to vector<16xi32>
          %eq3A_505 = arith.cmpi eq, %get3A_459, %eq3A_504 : vector<16xi32>
          %broadcast_in_dim3A_506 = vector.broadcast %squeeze3A_354 : f32 to vector<16xf32>
          %select_n3A_507 = arith.select %eq3A_505, %broadcast_in_dim3A_506, %select_n3A_503 : vector<16xi1>, vector<16xf32>
          %eq3A_508 = vector.broadcast %squeeze3A_316 : i32 to vector<16xi32>
          %eq3A_509 = arith.cmpi eq, %get3A_459, %eq3A_508 : vector<16xi32>
          %broadcast_in_dim3A_510 = vector.broadcast %squeeze3A_356 : f32 to vector<16xf32>
          %select_n3A_511 = arith.select %eq3A_509, %broadcast_in_dim3A_510, %select_n3A_507 : vector<16xi1>, vector<16xf32>
          %eq3A_512 = vector.broadcast %squeeze3A_318 : i32 to vector<16xi32>
          %eq3A_513 = arith.cmpi eq, %get3A_459, %eq3A_512 : vector<16xi32>
          %broadcast_in_dim3A_514 = vector.broadcast %squeeze3A_358 : f32 to vector<16xf32>
          %select_n3A_515 = arith.select %eq3A_513, %broadcast_in_dim3A_514, %select_n3A_511 : vector<16xi1>, vector<16xf32>
          %eq3A_516 = vector.broadcast %squeeze3A_320 : i32 to vector<16xi32>
          %eq3A_517 = arith.cmpi eq, %get3A_459, %eq3A_516 : vector<16xi32>
          %broadcast_in_dim3A_518 = vector.broadcast %squeeze3A_360 : f32 to vector<16xf32>
          %select_n3A_519 = arith.select %eq3A_517, %broadcast_in_dim3A_518, %select_n3A_515 : vector<16xi1>, vector<16xf32>
          %eq3A_520 = vector.broadcast %squeeze3A_322 : i32 to vector<16xi32>
          %eq3A_521 = arith.cmpi eq, %get3A_459, %eq3A_520 : vector<16xi32>
          %broadcast_in_dim3A_522 = vector.broadcast %squeeze3A_362 : f32 to vector<16xf32>
          %select_n3A_523 = arith.select %eq3A_521, %broadcast_in_dim3A_522, %select_n3A_519 : vector<16xi1>, vector<16xf32>
          %eq3A_524 = vector.broadcast %squeeze3A_324 : i32 to vector<16xi32>
          %eq3A_525 = arith.cmpi eq, %get3A_459, %eq3A_524 : vector<16xi32>
          %broadcast_in_dim3A_526 = vector.broadcast %squeeze3A_364 : f32 to vector<16xf32>
          %select_n3A_527 = arith.select %eq3A_525, %broadcast_in_dim3A_526, %select_n3A_523 : vector<16xi1>, vector<16xf32>
          %eq3A_528 = vector.broadcast %squeeze3A_326 : i32 to vector<16xi32>
          %eq3A_529 = arith.cmpi eq, %get3A_459, %eq3A_528 : vector<16xi32>
          %broadcast_in_dim3A_530 = vector.broadcast %squeeze3A_366 : f32 to vector<16xf32>
          %select_n3A_531 = arith.select %eq3A_529, %broadcast_in_dim3A_530, %select_n3A_527 : vector<16xi1>, vector<16xf32>
          %eq3A_532 = vector.broadcast %squeeze3A_328 : i32 to vector<16xi32>
          %eq3A_533 = arith.cmpi eq, %get3A_459, %eq3A_532 : vector<16xi32>
          %broadcast_in_dim3A_534 = vector.broadcast %squeeze3A_368 : f32 to vector<16xf32>
          %select_n3A_535 = arith.select %eq3A_533, %broadcast_in_dim3A_534, %select_n3A_531 : vector<16xi1>, vector<16xf32>
          %eq3A_536 = vector.broadcast %squeeze3A_330 : i32 to vector<16xi32>
          %eq3A_537 = arith.cmpi eq, %get3A_459, %eq3A_536 : vector<16xi32>
          %broadcast_in_dim3A_538 = vector.broadcast %squeeze3A_370 : f32 to vector<16xf32>
          %select_n3A_539 = arith.select %eq3A_537, %broadcast_in_dim3A_538, %select_n3A_535 : vector<16xi1>, vector<16xf32>
          %swap3A_540 = arith.index_cast %scan3A_135 : i32 to index
          %swap3A_541 = arith.constant 16 : index
          %swap3A_542 = tpu.vector_load %arg18[%swap3A_540, %swap3A_541] {strides = array<i32>} : memref<16x112xf32, #tpu.memory_space<vmem>>, vector<16xf32>,
          tpu.vector_store %arg18[%swap3A_540, %swap3A_541], %select_n3A_539 {strides = array<i32>} : memref<16x112xf32, #tpu.memory_space<vmem>>, vector<16xf32>,
          %get3A_543 = arith.index_cast %scan3A_135 : i32 to index
          %get3A_544 = arith.constant 32 : index
          %get3A_545 = tpu.vector_load %arg14[%get3A_543, %get3A_544] {strides = array<i32>} : memref<16x112xi32, #tpu.memory_space<vmem>>, vector<16xi32>,
          %eq3A_546 = vector.broadcast %squeeze3A_292 : i32 to vector<16xi32>
          %eq3A_547 = arith.cmpi eq, %get3A_545, %eq3A_546 : vector<16xi32>
          %broadcast_in_dim3A_548 = vector.broadcast %squeeze3A_332 : f32 to vector<16xf32>
          %select_n3A_549 = arith.select %eq3A_547, %broadcast_in_dim3A_548, %broadcast_in_dim3A_137 : vector<16xi1>, vector<16xf32>
          %eq3A_550 = vector.broadcast %squeeze3A_294 : i32 to vector<16xi32>
          %eq3A_551 = arith.cmpi eq, %get3A_545, %eq3A_550 : vector<16xi32>
          %broadcast_in_dim3A_552 = vector.broadcast %squeeze3A_334 : f32 to vector<16xf32>
          %select_n3A_553 = arith.select %eq3A_551, %broadcast_in_dim3A_552, %select_n3A_549 : vector<16xi1>, vector<16xf32>
          %eq3A_554 = vector.broadcast %squeeze3A_296 : i32 to vector<16xi32>
          %eq3A_555 = arith.cmpi eq, %get3A_545, %eq3A_554 : vector<16xi32>
          %broadcast_in_dim3A_556 = vector.broadcast %squeeze3A_336 : f32 to vector<16xf32>
          %select_n3A_557 = arith.select %eq3A_555, %broadcast_in_dim3A_556, %select_n3A_553 : vector<16xi1>, vector<16xf32>
          %eq3A_558 = vector.broadcast %squeeze3A_298 : i32 to vector<16xi32>
          %eq3A_559 = arith.cmpi eq, %get3A_545, %eq3A_558 : vector<16xi32>
          %broadcast_in_dim3A_560 = vector.broadcast %squeeze3A_338 : f32 to vector<16xf32>
          %select_n3A_561 = arith.select %eq3A_559, %broadcast_in_dim3A_560, %select_n3A_557 : vector<16xi1>, vector<16xf32>
          %eq3A_562 = vector.broadcast %squeeze3A_300 : i32 to vector<16xi32>
          %eq3A_563 = arith.cmpi eq, %get3A_545, %eq3A_562 : vector<16xi32>
          %broadcast_in_dim3A_564 = vector.broadcast %squeeze3A_340 : f32 to vector<16xf32>
          %select_n3A_565 = arith.select %eq3A_563, %broadcast_in_dim3A_564, %select_n3A_561 : vector<16xi1>, vector<16xf32>
          %eq3A_566 = vector.broadcast %squeeze3A_302 : i32 to vector<16xi32>
          %eq3A_567 = arith.cmpi eq, %get3A_545, %eq3A_566 : vector<16xi32>
          %broadcast_in_dim3A_568 = vector.broadcast %squeeze3A_342 : f32 to vector<16xf32>
          %select_n3A_569 = arith.select %eq3A_567, %broadcast_in_dim3A_568, %select_n3A_565 : vector<16xi1>, vector<16xf32>
          %eq3A_570 = vector.broadcast %squeeze3A_304 : i32 to vector<16xi32>
          %eq3A_571 = arith.cmpi eq, %get3A_545, %eq3A_570 : vector<16xi32>
          %broadcast_in_dim3A_572 = vector.broadcast %squeeze3A_344 : f32 to vector<16xf32>
          %select_n3A_573 = arith.select %eq3A_571, %broadcast_in_dim3A_572, %select_n3A_569 : vector<16xi1>, vector<16xf32>
          %eq3A_574 = vector.broadcast %squeeze3A_306 : i32 to vector<16xi32>
          %eq3A_575 = arith.cmpi eq, %get3A_545, %eq3A_574 : vector<16xi32>
          %broadcast_in_dim3A_576 = vector.broadcast %squeeze3A_346 : f32 to vector<16xf32>
          %select_n3A_577 = arith.select %eq3A_575, %broadcast_in_dim3A_576, %select_n3A_573 : vector<16xi1>, vector<16xf32>
          %eq3A_578 = vector.broadcast %squeeze3A_308 : i32 to vector<16xi32>
          %eq3A_579 = arith.cmpi eq, %get3A_545, %eq3A_578 : vector<16xi32>
          %broadcast_in_dim3A_580 = vector.broadcast %squeeze3A_348 : f32 to vector<16xf32>
          %select_n3A_581 = arith.select %eq3A_579, %broadcast_in_dim3A_580, %select_n3A_577 : vector<16xi1>, vector<16xf32>
          %eq3A_582 = vector.broadcast %squeeze3A_310 : i32 to vector<16xi32>
          %eq3A_583 = arith.cmpi eq, %get3A_545, %eq3A_582 : vector<16xi32>
          %broadcast_in_dim3A_584 = vector.broadcast %squeeze3A_350 : f32 to vector<16xf32>
          %select_n3A_585 = arith.select %eq3A_583, %broadcast_in_dim3A_584, %select_n3A_581 : vector<16xi1>, vector<16xf32>
          %eq3A_586 = vector.broadcast %squeeze3A_312 : i32 to vector<16xi32>
          %eq3A_587 = arith.cmpi eq, %get3A_545, %eq3A_586 : vector<16xi32>
          %broadcast_in_dim3A_588 = vector.broadcast %squeeze3A_352 : f32 to vector<16xf32>
          %select_n3A_589 = arith.select %eq3A_587, %broadcast_in_dim3A_588, %select_n3A_585 : vector<16xi1>, vector<16xf32>
          %eq3A_590 = vector.broadcast %squeeze3A_314 : i32 to vector<16xi32>
          %eq3A_591 = arith.cmpi eq, %get3A_545, %eq3A_590 : vector<16xi32>
          %broadcast_in_dim3A_592 = vector.broadcast %squeeze3A_354 : f32 to vector<16xf32>
          %select_n3A_593 = arith.select %eq3A_591, %broadcast_in_dim3A_592, %select_n3A_589 : vector<16xi1>, vector<16xf32>
          %eq3A_594 = vector.broadcast %squeeze3A_316 : i32 to vector<16xi32>
          %eq3A_595 = arith.cmpi eq, %get3A_545, %eq3A_594 : vector<16xi32>
          %broadcast_in_dim3A_596 = vector.broadcast %squeeze3A_356 : f32 to vector<16xf32>
          %select_n3A_597 = arith.select %eq3A_595, %broadcast_in_dim3A_596, %select_n3A_593 : vector<16xi1>, vector<16xf32>
          %eq3A_598 = vector.broadcast %squeeze3A_318 : i32 to vector<16xi32>
          %eq3A_599 = arith.cmpi eq, %get3A_545, %eq3A_598 : vector<16xi32>
          %broadcast_in_dim3A_600 = vector.broadcast %squeeze3A_358 : f32 to vector<16xf32>
          %select_n3A_601 = arith.select %eq3A_599, %broadcast_in_dim3A_600, %select_n3A_597 : vector<16xi1>, vector<16xf32>
          %eq3A_602 = vector.broadcast %squeeze3A_320 : i32 to vector<16xi32>
          %eq3A_603 = arith.cmpi eq, %get3A_545, %eq3A_602 : vector<16xi32>
          %broadcast_in_dim3A_604 = vector.broadcast %squeeze3A_360 : f32 to vector<16xf32>
          %select_n3A_605 = arith.select %eq3A_603, %broadcast_in_dim3A_604, %select_n3A_601 : vector<16xi1>, vector<16xf32>
          %eq3A_606 = vector.broadcast %squeeze3A_322 : i32 to vector<16xi32>
          %eq3A_607 = arith.cmpi eq, %get3A_545, %eq3A_606 : vector<16xi32>
          %broadcast_in_dim3A_608 = vector.broadcast %squeeze3A_362 : f32 to vector<16xf32>
          %select_n3A_609 = arith.select %eq3A_607, %broadcast_in_dim3A_608, %select_n3A_605 : vector<16xi1>, vector<16xf32>
          %eq3A_610 = vector.broadcast %squeeze3A_324 : i32 to vector<16xi32>
          %eq3A_611 = arith.cmpi eq, %get3A_545, %eq3A_610 : vector<16xi32>
          %broadcast_in_dim3A_612 = vector.broadcast %squeeze3A_364 : f32 to vector<16xf32>
          %select_n3A_613 = arith.select %eq3A_611, %broadcast_in_dim3A_612, %select_n3A_609 : vector<16xi1>, vector<16xf32>
          %eq3A_614 = vector.broadcast %squeeze3A_326 : i32 to vector<16xi32>
          %eq3A_615 = arith.cmpi eq, %get3A_545, %eq3A_614 : vector<16xi32>
          %broadcast_in_dim3A_616 = vector.broadcast %squeeze3A_366 : f32 to vector<16xf32>
          %select_n3A_617 = arith.select %eq3A_615, %broadcast_in_dim3A_616, %select_n3A_613 : vector<16xi1>, vector<16xf32>
          %eq3A_618 = vector.broadcast %squeeze3A_328 : i32 to vector<16xi32>
          %eq3A_619 = arith.cmpi eq, %get3A_545, %eq3A_618 : vector<16xi32>
          %broadcast_in_dim3A_620 = vector.broadcast %squeeze3A_368 : f32 to vector<16xf32>
          %select_n3A_621 = arith.select %eq3A_619, %broadcast_in_dim3A_620, %select_n3A_617 : vector<16xi1>, vector<16xf32>
          %eq3A_622 = vector.broadcast %squeeze3A_330 : i32 to vector<16xi32>
          %eq3A_623 = arith.cmpi eq, %get3A_545, %eq3A_622 : vector<16xi32>
          %broadcast_in_dim3A_624 = vector.broadcast %squeeze3A_370 : f32 to vector<16xf32>
          %select_n3A_625 = arith.select %eq3A_623, %broadcast_in_dim3A_624, %select_n3A_621 : vector<16xi1>, vector<16xf32>
          %swap3A_626 = arith.index_cast %scan3A_135 : i32 to index
          %swap3A_627 = arith.constant 32 : index
          %swap3A_628 = tpu.vector_load %arg18[%swap3A_626, %swap3A_627] {strides = array<i32>} : memref<16x112xf32, #tpu.memory_space<vmem>>, vector<16xf32>,
          tpu.vector_store %arg18[%swap3A_626, %swap3A_627], %select_n3A_625 {strides = array<i32>} : memref<16x112xf32, #tpu.memory_space<vmem>>, vector<16xf32>,
          %get3A_629 = arith.index_cast %scan3A_135 : i32 to index
          %get3A_630 = arith.constant 48 : index
          %get3A_631 = tpu.vector_load %arg14[%get3A_629, %get3A_630] {strides = array<i32>} : memref<16x112xi32, #tpu.memory_space<vmem>>, vector<16xi32>,
          %eq3A_632 = vector.broadcast %squeeze3A_292 : i32 to vector<16xi32>
          %eq3A_633 = arith.cmpi eq, %get3A_631, %eq3A_632 : vector<16xi32>
          %broadcast_in_dim3A_634 = vector.broadcast %squeeze3A_332 : f32 to vector<16xf32>
          %select_n3A_635 = arith.select %eq3A_633, %broadcast_in_dim3A_634, %broadcast_in_dim3A_137 : vector<16xi1>, vector<16xf32>
          %eq3A_636 = vector.broadcast %squeeze3A_294 : i32 to vector<16xi32>
          %eq3A_637 = arith.cmpi eq, %get3A_631, %eq3A_636 : vector<16xi32>
          %broadcast_in_dim3A_638 = vector.broadcast %squeeze3A_334 : f32 to vector<16xf32>
          %select_n3A_639 = arith.select %eq3A_637, %broadcast_in_dim3A_638, %select_n3A_635 : vector<16xi1>, vector<16xf32>
          %eq3A_640 = vector.broadcast %squeeze3A_296 : i32 to vector<16xi32>
          %eq3A_641 = arith.cmpi eq, %get3A_631, %eq3A_640 : vector<16xi32>
          %broadcast_in_dim3A_642 = vector.broadcast %squeeze3A_336 : f32 to vector<16xf32>
          %select_n3A_643 = arith.select %eq3A_641, %broadcast_in_dim3A_642, %select_n3A_639 : vector<16xi1>, vector<16xf32>
          %eq3A_644 = vector.broadcast %squeeze3A_298 : i32 to vector<16xi32>
          %eq3A_645 = arith.cmpi eq, %get3A_631, %eq3A_644 : vector<16xi32>
          %broadcast_in_dim3A_646 = vector.broadcast %squeeze3A_338 : f32 to vector<16xf32>
          %select_n3A_647 = arith.select %eq3A_645, %broadcast_in_dim3A_646, %select_n3A_643 : vector<16xi1>, vector<16xf32>
          %eq3A_648 = vector.broadcast %squeeze3A_300 : i32 to vector<16xi32>
          %eq3A_649 = arith.cmpi eq, %get3A_631, %eq3A_648 : vector<16xi32>
          %broadcast_in_dim3A_650 = vector.broadcast %squeeze3A_340 : f32 to vector<16xf32>
          %select_n3A_651 = arith.select %eq3A_649, %broadcast_in_dim3A_650, %select_n3A_647 : vector<16xi1>, vector<16xf32>
          %eq3A_652 = vector.broadcast %squeeze3A_302 : i32 to vector<16xi32>
          %eq3A_653 = arith.cmpi eq, %get3A_631, %eq3A_652 : vector<16xi32>
          %broadcast_in_dim3A_654 = vector.broadcast %squeeze3A_342 : f32 to vector<16xf32>
          %select_n3A_655 = arith.select %eq3A_653, %broadcast_in_dim3A_654, %select_n3A_651 : vector<16xi1>, vector<16xf32>
          %eq3A_656 = vector.broadcast %squeeze3A_304 : i32 to vector<16xi32>
          %eq3A_657 = arith.cmpi eq, %get3A_631, %eq3A_656 : vector<16xi32>
          %broadcast_in_dim3A_658 = vector.broadcast %squeeze3A_344 : f32 to vector<16xf32>
          %select_n3A_659 = arith.select %eq3A_657, %broadcast_in_dim3A_658, %select_n3A_655 : vector<16xi1>, vector<16xf32>
          %eq3A_660 = vector.broadcast %squeeze3A_306 : i32 to vector<16xi32>
          %eq3A_661 = arith.cmpi eq, %get3A_631, %eq3A_660 : vector<16xi32>
          %broadcast_in_dim3A_662 = vector.broadcast %squeeze3A_346 : f32 to vector<16xf32>
          %select_n3A_663 = arith.select %eq3A_661, %broadcast_in_dim3A_662, %select_n3A_659 : vector<16xi1>, vector<16xf32>
          %eq3A_664 = vector.broadcast %squeeze3A_308 : i32 to vector<16xi32>
          %eq3A_665 = arith.cmpi eq, %get3A_631, %eq3A_664 : vector<16xi32>
          %broadcast_in_dim3A_666 = vector.broadcast %squeeze3A_348 : f32 to vector<16xf32>
          %select_n3A_667 = arith.select %eq3A_665, %broadcast_in_dim3A_666, %select_n3A_663 : vector<16xi1>, vector<16xf32>
          %eq3A_668 = vector.broadcast %squeeze3A_310 : i32 to vector<16xi32>
          %eq3A_669 = arith.cmpi eq, %get3A_631, %eq3A_668 : vector<16xi32>
          %broadcast_in_dim3A_670 = vector.broadcast %squeeze3A_350 : f32 to vector<16xf32>
          %select_n3A_671 = arith.select %eq3A_669, %broadcast_in_dim3A_670, %select_n3A_667 : vector<16xi1>, vector<16xf32>
          %eq3A_672 = vector.broadcast %squeeze3A_312 : i32 to vector<16xi32>
          %eq3A_673 = arith.cmpi eq, %get3A_631, %eq3A_672 : vector<16xi32>
          %broadcast_in_dim3A_674 = vector.broadcast %squeeze3A_352 : f32 to vector<16xf32>
          %select_n3A_675 = arith.select %eq3A_673, %broadcast_in_dim3A_674, %select_n3A_671 : vector<16xi1>, vector<16xf32>
          %eq3A_676 = vector.broadcast %squeeze3A_314 : i32 to vector<16xi32>
          %eq3A_677 = arith.cmpi eq, %get3A_631, %eq3A_676 : vector<16xi32>
          %broadcast_in_dim3A_678 = vector.broadcast %squeeze3A_354 : f32 to vector<16xf32>
          %select_n3A_679 = arith.select %eq3A_677, %broadcast_in_dim3A_678, %select_n3A_675 : vector<16xi1>, vector<16xf32>
          %eq3A_680 = vector.broadcast %squeeze3A_316 : i32 to vector<16xi32>
          %eq3A_681 = arith.cmpi eq, %get3A_631, %eq3A_680 : vector<16xi32>
          %broadcast_in_dim3A_682 = vector.broadcast %squeeze3A_356 : f32 to vector<16xf32>
          %select_n3A_683 = arith.select %eq3A_681, %broadcast_in_dim3A_682, %select_n3A_679 : vector<16xi1>, vector<16xf32>
          %eq3A_684 = vector.broadcast %squeeze3A_318 : i32 to vector<16xi32>
          %eq3A_685 = arith.cmpi eq, %get3A_631, %eq3A_684 : vector<16xi32>
          %broadcast_in_dim3A_686 = vector.broadcast %squeeze3A_358 : f32 to vector<16xf32>
          %select_n3A_687 = arith.select %eq3A_685, %broadcast_in_dim3A_686, %select_n3A_683 : vector<16xi1>, vector<16xf32>
          %eq3A_688 = vector.broadcast %squeeze3A_320 : i32 to vector<16xi32>
          %eq3A_689 = arith.cmpi eq, %get3A_631, %eq3A_688 : vector<16xi32>
          %broadcast_in_dim3A_690 = vector.broadcast %squeeze3A_360 : f32 to vector<16xf32>
          %select_n3A_691 = arith.select %eq3A_689, %broadcast_in_dim3A_690, %select_n3A_687 : vector<16xi1>, vector<16xf32>
          %eq3A_692 = vector.broadcast %squeeze3A_322 : i32 to vector<16xi32>
          %eq3A_693 = arith.cmpi eq, %get3A_631, %eq3A_692 : vector<16xi32>
          %broadcast_in_dim3A_694 = vector.broadcast %squeeze3A_362 : f32 to vector<16xf32>
          %select_n3A_695 = arith.select %eq3A_693, %broadcast_in_dim3A_694, %select_n3A_691 : vector<16xi1>, vector<16xf32>
          %eq3A_696 = vector.broadcast %squeeze3A_324 : i32 to vector<16xi32>
          %eq3A_697 = arith.cmpi eq, %get3A_631, %eq3A_696 : vector<16xi32>
          %broadcast_in_dim3A_698 = vector.broadcast %squeeze3A_364 : f32 to vector<16xf32>
          %select_n3A_699 = arith.select %eq3A_697, %broadcast_in_dim3A_698, %select_n3A_695 : vector<16xi1>, vector<16xf32>
          %eq3A_700 = vector.broadcast %squeeze3A_326 : i32 to vector<16xi32>
          %eq3A_701 = arith.cmpi eq, %get3A_631, %eq3A_700 : vector<16xi32>
          %broadcast_in_dim3A_702 = vector.broadcast %squeeze3A_366 : f32 to vector<16xf32>
          %select_n3A_703 = arith.select %eq3A_701, %broadcast_in_dim3A_702, %select_n3A_699 : vector<16xi1>, vector<16xf32>
          %eq3A_704 = vector.broadcast %squeeze3A_328 : i32 to vector<16xi32>
          %eq3A_705 = arith.cmpi eq, %get3A_631, %eq3A_704 : vector<16xi32>
          %broadcast_in_dim3A_706 = vector.broadcast %squeeze3A_368 : f32 to vector<16xf32>
          %select_n3A_707 = arith.select %eq3A_705, %broadcast_in_dim3A_706, %select_n3A_703 : vector<16xi1>, vector<16xf32>
          %eq3A_708 = vector.broadcast %squeeze3A_330 : i32 to vector<16xi32>
          %eq3A_709 = arith.cmpi eq, %get3A_631, %eq3A_708 : vector<16xi32>
          %broadcast_in_dim3A_710 = vector.broadcast %squeeze3A_370 : f32 to vector<16xf32>
          %select_n3A_711 = arith.select %eq3A_709, %broadcast_in_dim3A_710, %select_n3A_707 : vector<16xi1>, vector<16xf32>
          %swap3A_712 = arith.index_cast %scan3A_135 : i32 to index
          %swap3A_713 = arith.constant 48 : index
          %swap3A_714 = tpu.vector_load %arg18[%swap3A_712, %swap3A_713] {strides = array<i32>} : memref<16x112xf32, #tpu.memory_space<vmem>>, vector<16xf32>,
          tpu.vector_store %arg18[%swap3A_712, %swap3A_713], %select_n3A_711 {strides = array<i32>} : memref<16x112xf32, #tpu.memory_space<vmem>>, vector<16xf32>,
          %get3A_715 = arith.index_cast %scan3A_135 : i32 to index
          %get3A_716 = arith.constant 64 : index
          %get3A_717 = tpu.vector_load %arg14[%get3A_715, %get3A_716] {strides = array<i32>} : memref<16x112xi32, #tpu.memory_space<vmem>>, vector<16xi32>,
          %eq3A_718 = vector.broadcast %squeeze3A_292 : i32 to vector<16xi32>
          %eq3A_719 = arith.cmpi eq, %get3A_717, %eq3A_718 : vector<16xi32>
          %broadcast_in_dim3A_720 = vector.broadcast %squeeze3A_332 : f32 to vector<16xf32>
          %select_n3A_721 = arith.select %eq3A_719, %broadcast_in_dim3A_720, %broadcast_in_dim3A_137 : vector<16xi1>, vector<16xf32>
          %eq3A_722 = vector.broadcast %squeeze3A_294 : i32 to vector<16xi32>
          %eq3A_723 = arith.cmpi eq, %get3A_717, %eq3A_722 : vector<16xi32>
          %broadcast_in_dim3A_724 = vector.broadcast %squeeze3A_334 : f32 to vector<16xf32>
          %select_n3A_725 = arith.select %eq3A_723, %broadcast_in_dim3A_724, %select_n3A_721 : vector<16xi1>, vector<16xf32>
          %eq3A_726 = vector.broadcast %squeeze3A_296 : i32 to vector<16xi32>
          %eq3A_727 = arith.cmpi eq, %get3A_717, %eq3A_726 : vector<16xi32>
          %broadcast_in_dim3A_728 = vector.broadcast %squeeze3A_336 : f32 to vector<16xf32>
          %select_n3A_729 = arith.select %eq3A_727, %broadcast_in_dim3A_728, %select_n3A_725 : vector<16xi1>, vector<16xf32>
          %eq3A_730 = vector.broadcast %squeeze3A_298 : i32 to vector<16xi32>
          %eq3A_731 = arith.cmpi eq, %get3A_717, %eq3A_730 : vector<16xi32>
          %broadcast_in_dim3A_732 = vector.broadcast %squeeze3A_338 : f32 to vector<16xf32>
          %select_n3A_733 = arith.select %eq3A_731, %broadcast_in_dim3A_732, %select_n3A_729 : vector<16xi1>, vector<16xf32>
          %eq3A_734 = vector.broadcast %squeeze3A_300 : i32 to vector<16xi32>
          %eq3A_735 = arith.cmpi eq, %get3A_717, %eq3A_734 : vector<16xi32>
          %broadcast_in_dim3A_736 = vector.broadcast %squeeze3A_340 : f32 to vector<16xf32>
          %select_n3A_737 = arith.select %eq3A_735, %broadcast_in_dim3A_736, %select_n3A_733 : vector<16xi1>, vector<16xf32>
          %eq3A_738 = vector.broadcast %squeeze3A_302 : i32 to vector<16xi32>
          %eq3A_739 = arith.cmpi eq, %get3A_717, %eq3A_738 : vector<16xi32>
          %broadcast_in_dim3A_740 = vector.broadcast %squeeze3A_342 : f32 to vector<16xf32>
          %select_n3A_741 = arith.select %eq3A_739, %broadcast_in_dim3A_740, %select_n3A_737 : vector<16xi1>, vector<16xf32>
          %eq3A_742 = vector.broadcast %squeeze3A_304 : i32 to vector<16xi32>
          %eq3A_743 = arith.cmpi eq, %get3A_717, %eq3A_742 : vector<16xi32>
          %broadcast_in_dim3A_744 = vector.broadcast %squeeze3A_344 : f32 to vector<16xf32>
          %select_n3A_745 = arith.select %eq3A_743, %broadcast_in_dim3A_744, %select_n3A_741 : vector<16xi1>, vector<16xf32>
          %eq3A_746 = vector.broadcast %squeeze3A_306 : i32 to vector<16xi32>
          %eq3A_747 = arith.cmpi eq, %get3A_717, %eq3A_746 : vector<16xi32>
          %broadcast_in_dim3A_748 = vector.broadcast %squeeze3A_346 : f32 to vector<16xf32>
          %select_n3A_749 = arith.select %eq3A_747, %broadcast_in_dim3A_748, %select_n3A_745 : vector<16xi1>, vector<16xf32>
          %eq3A_750 = vector.broadcast %squeeze3A_308 : i32 to vector<16xi32>
          %eq3A_751 = arith.cmpi eq, %get3A_717, %eq3A_750 : vector<16xi32>
          %broadcast_in_dim3A_752 = vector.broadcast %squeeze3A_348 : f32 to vector<16xf32>
          %select_n3A_753 = arith.select %eq3A_751, %broadcast_in_dim3A_752, %select_n3A_749 : vector<16xi1>, vector<16xf32>
          %eq3A_754 = vector.broadcast %squeeze3A_310 : i32 to vector<16xi32>
          %eq3A_755 = arith.cmpi eq, %get3A_717, %eq3A_754 : vector<16xi32>
          %broadcast_in_dim3A_756 = vector.broadcast %squeeze3A_350 : f32 to vector<16xf32>
          %select_n3A_757 = arith.select %eq3A_755, %broadcast_in_dim3A_756, %select_n3A_753 : vector<16xi1>, vector<16xf32>
          %eq3A_758 = vector.broadcast %squeeze3A_312 : i32 to vector<16xi32>
          %eq3A_759 = arith.cmpi eq, %get3A_717, %eq3A_758 : vector<16xi32>
          %broadcast_in_dim3A_760 = vector.broadcast %squeeze3A_352 : f32 to vector<16xf32>
          %select_n3A_761 = arith.select %eq3A_759, %broadcast_in_dim3A_760, %select_n3A_757 : vector<16xi1>, vector<16xf32>
          %eq3A_762 = vector.broadcast %squeeze3A_314 : i32 to vector<16xi32>
          %eq3A_763 = arith.cmpi eq, %get3A_717, %eq3A_762 : vector<16xi32>
          %broadcast_in_dim3A_764 = vector.broadcast %squeeze3A_354 : f32 to vector<16xf32>
          %select_n3A_765 = arith.select %eq3A_763, %broadcast_in_dim3A_764, %select_n3A_761 : vector<16xi1>, vector<16xf32>
          %eq3A_766 = vector.broadcast %squeeze3A_316 : i32 to vector<16xi32>
          %eq3A_767 = arith.cmpi eq, %get3A_717, %eq3A_766 : vector<16xi32>
          %broadcast_in_dim3A_768 = vector.broadcast %squeeze3A_356 : f32 to vector<16xf32>
          %select_n3A_769 = arith.select %eq3A_767, %broadcast_in_dim3A_768, %select_n3A_765 : vector<16xi1>, vector<16xf32>
          %eq3A_770 = vector.broadcast %squeeze3A_318 : i32 to vector<16xi32>
          %eq3A_771 = arith.cmpi eq, %get3A_717, %eq3A_770 : vector<16xi32>
          %broadcast_in_dim3A_772 = vector.broadcast %squeeze3A_358 : f32 to vector<16xf32>
          %select_n3A_773 = arith.select %eq3A_771, %broadcast_in_dim3A_772, %select_n3A_769 : vector<16xi1>, vector<16xf32>
          %eq3A_774 = vector.broadcast %squeeze3A_320 : i32 to vector<16xi32>
          %eq3A_775 = arith.cmpi eq, %get3A_717, %eq3A_774 : vector<16xi32>
          %broadcast_in_dim3A_776 = vector.broadcast %squeeze3A_360 : f32 to vector<16xf32>
          %select_n3A_777 = arith.select %eq3A_775, %broadcast_in_dim3A_776, %select_n3A_773 : vector<16xi1>, vector<16xf32>
          %eq3A_778 = vector.broadcast %squeeze3A_322 : i32 to vector<16xi32>
          %eq3A_779 = arith.cmpi eq, %get3A_717, %eq3A_778 : vector<16xi32>
          %broadcast_in_dim3A_780 = vector.broadcast %squeeze3A_362 : f32 to vector<16xf32>
          %select_n3A_781 = arith.select %eq3A_779, %broadcast_in_dim3A_780, %select_n3A_777 : vector<16xi1>, vector<16xf32>
          %eq3A_782 = vector.broadcast %squeeze3A_324 : i32 to vector<16xi32>
          %eq3A_783 = arith.cmpi eq, %get3A_717, %eq3A_782 : vector<16xi32>
          %broadcast_in_dim3A_784 = vector.broadcast %squeeze3A_364 : f32 to vector<16xf32>
          %select_n3A_785 = arith.select %eq3A_783, %broadcast_in_dim3A_784, %select_n3A_781 : vector<16xi1>, vector<16xf32>
          %eq3A_786 = vector.broadcast %squeeze3A_326 : i32 to vector<16xi32>
          %eq3A_787 = arith.cmpi eq, %get3A_717, %eq3A_786 : vector<16xi32>
          %broadcast_in_dim3A_788 = vector.broadcast %squeeze3A_366 : f32 to vector<16xf32>
          %select_n3A_789 = arith.select %eq3A_787, %broadcast_in_dim3A_788, %select_n3A_785 : vector<16xi1>, vector<16xf32>
          %eq3A_790 = vector.broadcast %squeeze3A_328 : i32 to vector<16xi32>
          %eq3A_791 = arith.cmpi eq, %get3A_717, %eq3A_790 : vector<16xi32>
          %broadcast_in_dim3A_792 = vector.broadcast %squeeze3A_368 : f32 to vector<16xf32>
          %select_n3A_793 = arith.select %eq3A_791, %broadcast_in_dim3A_792, %select_n3A_789 : vector<16xi1>, vector<16xf32>
          %eq3A_794 = vector.broadcast %squeeze3A_330 : i32 to vector<16xi32>
          %eq3A_795 = arith.cmpi eq, %get3A_717, %eq3A_794 : vector<16xi32>
          %broadcast_in_dim3A_796 = vector.broadcast %squeeze3A_370 : f32 to vector<16xf32>
          %select_n3A_797 = arith.select %eq3A_795, %broadcast_in_dim3A_796, %select_n3A_793 : vector<16xi1>, vector<16xf32>
          %swap3A_798 = arith.index_cast %scan3A_135 : i32 to index
          %swap3A_799 = arith.constant 64 : index
          %swap3A_800 = tpu.vector_load %arg18[%swap3A_798, %swap3A_799] {strides = array<i32>} : memref<16x112xf32, #tpu.memory_space<vmem>>, vector<16xf32>,
          tpu.vector_store %arg18[%swap3A_798, %swap3A_799], %select_n3A_797 {strides = array<i32>} : memref<16x112xf32, #tpu.memory_space<vmem>>, vector<16xf32>,
          %get3A_801 = arith.index_cast %scan3A_135 : i32 to index
          %get3A_802 = arith.constant 80 : index
          %get3A_803 = tpu.vector_load %arg14[%get3A_801, %get3A_802] {strides = array<i32>} : memref<16x112xi32, #tpu.memory_space<vmem>>, vector<16xi32>,
          %eq3A_804 = vector.broadcast %squeeze3A_292 : i32 to vector<16xi32>
          %eq3A_805 = arith.cmpi eq, %get3A_803, %eq3A_804 : vector<16xi32>
          %broadcast_in_dim3A_806 = vector.broadcast %squeeze3A_332 : f32 to vector<16xf32>
          %select_n3A_807 = arith.select %eq3A_805, %broadcast_in_dim3A_806, %broadcast_in_dim3A_137 : vector<16xi1>, vector<16xf32>
          %eq3A_808 = vector.broadcast %squeeze3A_294 : i32 to vector<16xi32>
          %eq3A_809 = arith.cmpi eq, %get3A_803, %eq3A_808 : vector<16xi32>
          %broadcast_in_dim3A_810 = vector.broadcast %squeeze3A_334 : f32 to vector<16xf32>
          %select_n3A_811 = arith.select %eq3A_809, %broadcast_in_dim3A_810, %select_n3A_807 : vector<16xi1>, vector<16xf32>
          %eq3A_812 = vector.broadcast %squeeze3A_296 : i32 to vector<16xi32>
          %eq3A_813 = arith.cmpi eq, %get3A_803, %eq3A_812 : vector<16xi32>
          %broadcast_in_dim3A_814 = vector.broadcast %squeeze3A_336 : f32 to vector<16xf32>
          %select_n3A_815 = arith.select %eq3A_813, %broadcast_in_dim3A_814, %select_n3A_811 : vector<16xi1>, vector<16xf32>
          %eq3A_816 = vector.broadcast %squeeze3A_298 : i32 to vector<16xi32>
          %eq3A_817 = arith.cmpi eq, %get3A_803, %eq3A_816 : vector<16xi32>
          %broadcast_in_dim3A_818 = vector.broadcast %squeeze3A_338 : f32 to vector<16xf32>
          %select_n3A_819 = arith.select %eq3A_817, %broadcast_in_dim3A_818, %select_n3A_815 : vector<16xi1>, vector<16xf32>
          %eq3A_820 = vector.broadcast %squeeze3A_300 : i32 to vector<16xi32>
          %eq3A_821 = arith.cmpi eq, %get3A_803, %eq3A_820 : vector<16xi32>
          %broadcast_in_dim3A_822 = vector.broadcast %squeeze3A_340 : f32 to vector<16xf32>
          %select_n3A_823 = arith.select %eq3A_821, %broadcast_in_dim3A_822, %select_n3A_819 : vector<16xi1>, vector<16xf32>
          %eq3A_824 = vector.broadcast %squeeze3A_302 : i32 to vector<16xi32>
          %eq3A_825 = arith.cmpi eq, %get3A_803, %eq3A_824 : vector<16xi32>
          %broadcast_in_dim3A_826 = vector.broadcast %squeeze3A_342 : f32 to vector<16xf32>
          %select_n3A_827 = arith.select %eq3A_825, %broadcast_in_dim3A_826, %select_n3A_823 : vector<16xi1>, vector<16xf32>
          %eq3A_828 = vector.broadcast %squeeze3A_304 : i32 to vector<16xi32>
          %eq3A_829 = arith.cmpi eq, %get3A_803, %eq3A_828 : vector<16xi32>
          %broadcast_in_dim3A_830 = vector.broadcast %squeeze3A_344 : f32 to vector<16xf32>
          %select_n3A_831 = arith.select %eq3A_829, %broadcast_in_dim3A_830, %select_n3A_827 : vector<16xi1>, vector<16xf32>
          %eq3A_832 = vector.broadcast %squeeze3A_306 : i32 to vector<16xi32>
          %eq3A_833 = arith.cmpi eq, %get3A_803, %eq3A_832 : vector<16xi32>
          %broadcast_in_dim3A_834 = vector.broadcast %squeeze3A_346 : f32 to vector<16xf32>
          %select_n3A_835 = arith.select %eq3A_833, %broadcast_in_dim3A_834, %select_n3A_831 : vector<16xi1>, vector<16xf32>
          %eq3A_836 = vector.broadcast %squeeze3A_308 : i32 to vector<16xi32>
          %eq3A_837 = arith.cmpi eq, %get3A_803, %eq3A_836 : vector<16xi32>
          %broadcast_in_dim3A_838 = vector.broadcast %squeeze3A_348 : f32 to vector<16xf32>
          %select_n3A_839 = arith.select %eq3A_837, %broadcast_in_dim3A_838, %select_n3A_835 : vector<16xi1>, vector<16xf32>
          %eq3A_840 = vector.broadcast %squeeze3A_310 : i32 to vector<16xi32>
          %eq3A_841 = arith.cmpi eq, %get3A_803, %eq3A_840 : vector<16xi32>
          %broadcast_in_dim3A_842 = vector.broadcast %squeeze3A_350 : f32 to vector<16xf32>
          %select_n3A_843 = arith.select %eq3A_841, %broadcast_in_dim3A_842, %select_n3A_839 : vector<16xi1>, vector<16xf32>
          %eq3A_844 = vector.broadcast %squeeze3A_312 : i32 to vector<16xi32>
          %eq3A_845 = arith.cmpi eq, %get3A_803, %eq3A_844 : vector<16xi32>
          %broadcast_in_dim3A_846 = vector.broadcast %squeeze3A_352 : f32 to vector<16xf32>
          %select_n3A_847 = arith.select %eq3A_845, %broadcast_in_dim3A_846, %select_n3A_843 : vector<16xi1>, vector<16xf32>
          %eq3A_848 = vector.broadcast %squeeze3A_314 : i32 to vector<16xi32>
          %eq3A_849 = arith.cmpi eq, %get3A_803, %eq3A_848 : vector<16xi32>
          %broadcast_in_dim3A_850 = vector.broadcast %squeeze3A_354 : f32 to vector<16xf32>
          %select_n3A_851 = arith.select %eq3A_849, %broadcast_in_dim3A_850, %select_n3A_847 : vector<16xi1>, vector<16xf32>
          %eq3A_852 = vector.broadcast %squeeze3A_316 : i32 to vector<16xi32>
          %eq3A_853 = arith.cmpi eq, %get3A_803, %eq3A_852 : vector<16xi32>
          %broadcast_in_dim3A_854 = vector.broadcast %squeeze3A_356 : f32 to vector<16xf32>
          %select_n3A_855 = arith.select %eq3A_853, %broadcast_in_dim3A_854, %select_n3A_851 : vector<16xi1>, vector<16xf32>
          %eq3A_856 = vector.broadcast %squeeze3A_318 : i32 to vector<16xi32>
          %eq3A_857 = arith.cmpi eq, %get3A_803, %eq3A_856 : vector<16xi32>
          %broadcast_in_dim3A_858 = vector.broadcast %squeeze3A_358 : f32 to vector<16xf32>
          %select_n3A_859 = arith.select %eq3A_857, %broadcast_in_dim3A_858, %select_n3A_855 : vector<16xi1>, vector<16xf32>
          %eq3A_860 = vector.broadcast %squeeze3A_320 : i32 to vector<16xi32>
          %eq3A_861 = arith.cmpi eq, %get3A_803, %eq3A_860 : vector<16xi32>
          %broadcast_in_dim3A_862 = vector.broadcast %squeeze3A_360 : f32 to vector<16xf32>
          %select_n3A_863 = arith.select %eq3A_861, %broadcast_in_dim3A_862, %select_n3A_859 : vector<16xi1>, vector<16xf32>
          %eq3A_864 = vector.broadcast %squeeze3A_322 : i32 to vector<16xi32>
          %eq3A_865 = arith.cmpi eq, %get3A_803, %eq3A_864 : vector<16xi32>
          %broadcast_in_dim3A_866 = vector.broadcast %squeeze3A_362 : f32 to vector<16xf32>
          %select_n3A_867 = arith.select %eq3A_865, %broadcast_in_dim3A_866, %select_n3A_863 : vector<16xi1>, vector<16xf32>
          %eq3A_868 = vector.broadcast %squeeze3A_324 : i32 to vector<16xi32>
          %eq3A_869 = arith.cmpi eq, %get3A_803, %eq3A_868 : vector<16xi32>
          %broadcast_in_dim3A_870 = vector.broadcast %squeeze3A_364 : f32 to vector<16xf32>
          %select_n3A_871 = arith.select %eq3A_869, %broadcast_in_dim3A_870, %select_n3A_867 : vector<16xi1>, vector<16xf32>
          %eq3A_872 = vector.broadcast %squeeze3A_326 : i32 to vector<16xi32>
          %eq3A_873 = arith.cmpi eq, %get3A_803, %eq3A_872 : vector<16xi32>
          %broadcast_in_dim3A_874 = vector.broadcast %squeeze3A_366 : f32 to vector<16xf32>
          %select_n3A_875 = arith.select %eq3A_873, %broadcast_in_dim3A_874, %select_n3A_871 : vector<16xi1>, vector<16xf32>
          %eq3A_876 = vector.broadcast %squeeze3A_328 : i32 to vector<16xi32>
          %eq3A_877 = arith.cmpi eq, %get3A_803, %eq3A_876 : vector<16xi32>
          %broadcast_in_dim3A_878 = vector.broadcast %squeeze3A_368 : f32 to vector<16xf32>
          %select_n3A_879 = arith.select %eq3A_877, %broadcast_in_dim3A_878, %select_n3A_875 : vector<16xi1>, vector<16xf32>
          %eq3A_880 = vector.broadcast %squeeze3A_330 : i32 to vector<16xi32>
          %eq3A_881 = arith.cmpi eq, %get3A_803, %eq3A_880 : vector<16xi32>
          %broadcast_in_dim3A_882 = vector.broadcast %squeeze3A_370 : f32 to vector<16xf32>
          %select_n3A_883 = arith.select %eq3A_881, %broadcast_in_dim3A_882, %select_n3A_879 : vector<16xi1>, vector<16xf32>
          %swap3A_884 = arith.index_cast %scan3A_135 : i32 to index
          %swap3A_885 = arith.constant 80 : index
          %swap3A_886 = tpu.vector_load %arg18[%swap3A_884, %swap3A_885] {strides = array<i32>} : memref<16x112xf32, #tpu.memory_space<vmem>>, vector<16xf32>,
          tpu.vector_store %arg18[%swap3A_884, %swap3A_885], %select_n3A_883 {strides = array<i32>} : memref<16x112xf32, #tpu.memory_space<vmem>>, vector<16xf32>,
          %get3A_887 = arith.index_cast %scan3A_135 : i32 to index
          %get3A_888 = arith.constant 96 : index
          %get3A_889 = tpu.vector_load %arg14[%get3A_887, %get3A_888] {strides = array<i32>} : memref<16x112xi32, #tpu.memory_space<vmem>>, vector<16xi32>,
          %eq3A_890 = vector.broadcast %squeeze3A_292 : i32 to vector<16xi32>
          %eq3A_891 = arith.cmpi eq, %get3A_889, %eq3A_890 : vector<16xi32>
          %broadcast_in_dim3A_892 = vector.broadcast %squeeze3A_332 : f32 to vector<16xf32>
          %select_n3A_893 = arith.select %eq3A_891, %broadcast_in_dim3A_892, %broadcast_in_dim3A_137 : vector<16xi1>, vector<16xf32>
          %eq3A_894 = vector.broadcast %squeeze3A_294 : i32 to vector<16xi32>
          %eq3A_895 = arith.cmpi eq, %get3A_889, %eq3A_894 : vector<16xi32>
          %broadcast_in_dim3A_896 = vector.broadcast %squeeze3A_334 : f32 to vector<16xf32>
          %select_n3A_897 = arith.select %eq3A_895, %broadcast_in_dim3A_896, %select_n3A_893 : vector<16xi1>, vector<16xf32>
          %eq3A_898 = vector.broadcast %squeeze3A_296 : i32 to vector<16xi32>
          %eq3A_899 = arith.cmpi eq, %get3A_889, %eq3A_898 : vector<16xi32>
          %broadcast_in_dim3A_900 = vector.broadcast %squeeze3A_336 : f32 to vector<16xf32>
          %select_n3A_901 = arith.select %eq3A_899, %broadcast_in_dim3A_900, %select_n3A_897 : vector<16xi1>, vector<16xf32>
          %eq3A_902 = vector.broadcast %squeeze3A_298 : i32 to vector<16xi32>
          %eq3A_903 = arith.cmpi eq, %get3A_889, %eq3A_902 : vector<16xi32>
          %broadcast_in_dim3A_904 = vector.broadcast %squeeze3A_338 : f32 to vector<16xf32>
          %select_n3A_905 = arith.select %eq3A_903, %broadcast_in_dim3A_904, %select_n3A_901 : vector<16xi1>, vector<16xf32>
          %eq3A_906 = vector.broadcast %squeeze3A_300 : i32 to vector<16xi32>
          %eq3A_907 = arith.cmpi eq, %get3A_889, %eq3A_906 : vector<16xi32>
          %broadcast_in_dim3A_908 = vector.broadcast %squeeze3A_340 : f32 to vector<16xf32>
          %select_n3A_909 = arith.select %eq3A_907, %broadcast_in_dim3A_908, %select_n3A_905 : vector<16xi1>, vector<16xf32>
          %eq3A_910 = vector.broadcast %squeeze3A_302 : i32 to vector<16xi32>
          %eq3A_911 = arith.cmpi eq, %get3A_889, %eq3A_910 : vector<16xi32>
          %broadcast_in_dim3A_912 = vector.broadcast %squeeze3A_342 : f32 to vector<16xf32>
          %select_n3A_913 = arith.select %eq3A_911, %broadcast_in_dim3A_912, %select_n3A_909 : vector<16xi1>, vector<16xf32>
          %eq3A_914 = vector.broadcast %squeeze3A_304 : i32 to vector<16xi32>
          %eq3A_915 = arith.cmpi eq, %get3A_889, %eq3A_914 : vector<16xi32>
          %broadcast_in_dim3A_916 = vector.broadcast %squeeze3A_344 : f32 to vector<16xf32>
          %select_n3A_917 = arith.select %eq3A_915, %broadcast_in_dim3A_916, %select_n3A_913 : vector<16xi1>, vector<16xf32>
          %eq3A_918 = vector.broadcast %squeeze3A_306 : i32 to vector<16xi32>
          %eq3A_919 = arith.cmpi eq, %get3A_889, %eq3A_918 : vector<16xi32>
          %broadcast_in_dim3A_920 = vector.broadcast %squeeze3A_346 : f32 to vector<16xf32>
          %select_n3A_921 = arith.select %eq3A_919, %broadcast_in_dim3A_920, %select_n3A_917 : vector<16xi1>, vector<16xf32>
          %eq3A_922 = vector.broadcast %squeeze3A_308 : i32 to vector<16xi32>
          %eq3A_923 = arith.cmpi eq, %get3A_889, %eq3A_922 : vector<16xi32>
          %broadcast_in_dim3A_924 = vector.broadcast %squeeze3A_348 : f32 to vector<16xf32>
          %select_n3A_925 = arith.select %eq3A_923, %broadcast_in_dim3A_924, %select_n3A_921 : vector<16xi1>, vector<16xf32>
          %eq3A_926 = vector.broadcast %squeeze3A_310 : i32 to vector<16xi32>
          %eq3A_927 = arith.cmpi eq, %get3A_889, %eq3A_926 : vector<16xi32>
          %broadcast_in_dim3A_928 = vector.broadcast %squeeze3A_350 : f32 to vector<16xf32>
          %select_n3A_929 = arith.select %eq3A_927, %broadcast_in_dim3A_928, %select_n3A_925 : vector<16xi1>, vector<16xf32>
          %eq3A_930 = vector.broadcast %squeeze3A_312 : i32 to vector<16xi32>
          %eq3A_931 = arith.cmpi eq, %get3A_889, %eq3A_930 : vector<16xi32>
          %broadcast_in_dim3A_932 = vector.broadcast %squeeze3A_352 : f32 to vector<16xf32>
          %select_n3A_933 = arith.select %eq3A_931, %broadcast_in_dim3A_932, %select_n3A_929 : vector<16xi1>, vector<16xf32>
          %eq3A_934 = vector.broadcast %squeeze3A_314 : i32 to vector<16xi32>
          %eq3A_935 = arith.cmpi eq, %get3A_889, %eq3A_934 : vector<16xi32>
          %broadcast_in_dim3A_936 = vector.broadcast %squeeze3A_354 : f32 to vector<16xf32>
          %select_n3A_937 = arith.select %eq3A_935, %broadcast_in_dim3A_936, %select_n3A_933 : vector<16xi1>, vector<16xf32>
          %eq3A_938 = vector.broadcast %squeeze3A_316 : i32 to vector<16xi32>
          %eq3A_939 = arith.cmpi eq, %get3A_889, %eq3A_938 : vector<16xi32>
          %broadcast_in_dim3A_940 = vector.broadcast %squeeze3A_356 : f32 to vector<16xf32>
          %select_n3A_941 = arith.select %eq3A_939, %broadcast_in_dim3A_940, %select_n3A_937 : vector<16xi1>, vector<16xf32>
          %eq3A_942 = vector.broadcast %squeeze3A_318 : i32 to vector<16xi32>
          %eq3A_943 = arith.cmpi eq, %get3A_889, %eq3A_942 : vector<16xi32>
          %broadcast_in_dim3A_944 = vector.broadcast %squeeze3A_358 : f32 to vector<16xf32>
          %select_n3A_945 = arith.select %eq3A_943, %broadcast_in_dim3A_944, %select_n3A_941 : vector<16xi1>, vector<16xf32>
          %eq3A_946 = vector.broadcast %squeeze3A_320 : i32 to vector<16xi32>
          %eq3A_947 = arith.cmpi eq, %get3A_889, %eq3A_946 : vector<16xi32>
          %broadcast_in_dim3A_948 = vector.broadcast %squeeze3A_360 : f32 to vector<16xf32>
          %select_n3A_949 = arith.select %eq3A_947, %broadcast_in_dim3A_948, %select_n3A_945 : vector<16xi1>, vector<16xf32>
          %eq3A_950 = vector.broadcast %squeeze3A_322 : i32 to vector<16xi32>
          %eq3A_951 = arith.cmpi eq, %get3A_889, %eq3A_950 : vector<16xi32>
          %broadcast_in_dim3A_952 = vector.broadcast %squeeze3A_362 : f32 to vector<16xf32>
          %select_n3A_953 = arith.select %eq3A_951, %broadcast_in_dim3A_952, %select_n3A_949 : vector<16xi1>, vector<16xf32>
          %eq3A_954 = vector.broadcast %squeeze3A_324 : i32 to vector<16xi32>
          %eq3A_955 = arith.cmpi eq, %get3A_889, %eq3A_954 : vector<16xi32>
          %broadcast_in_dim3A_956 = vector.broadcast %squeeze3A_364 : f32 to vector<16xf32>
          %select_n3A_957 = arith.select %eq3A_955, %broadcast_in_dim3A_956, %select_n3A_953 : vector<16xi1>, vector<16xf32>
          %eq3A_958 = vector.broadcast %squeeze3A_326 : i32 to vector<16xi32>
          %eq3A_959 = arith.cmpi eq, %get3A_889, %eq3A_958 : vector<16xi32>
          %broadcast_in_dim3A_960 = vector.broadcast %squeeze3A_366 : f32 to vector<16xf32>
          %select_n3A_961 = arith.select %eq3A_959, %broadcast_in_dim3A_960, %select_n3A_957 : vector<16xi1>, vector<16xf32>
          %eq3A_962 = vector.broadcast %squeeze3A_328 : i32 to vector<16xi32>
          %eq3A_963 = arith.cmpi eq, %get3A_889, %eq3A_962 : vector<16xi32>
          %broadcast_in_dim3A_964 = vector.broadcast %squeeze3A_368 : f32 to vector<16xf32>
          %select_n3A_965 = arith.select %eq3A_963, %broadcast_in_dim3A_964, %select_n3A_961 : vector<16xi1>, vector<16xf32>
          %eq3A_966 = vector.broadcast %squeeze3A_330 : i32 to vector<16xi32>
          %eq3A_967 = arith.cmpi eq, %get3A_889, %eq3A_966 : vector<16xi32>
          %broadcast_in_dim3A_968 = vector.broadcast %squeeze3A_370 : f32 to vector<16xf32>
          %select_n3A_969 = arith.select %eq3A_967, %broadcast_in_dim3A_968, %select_n3A_965 : vector<16xi1>, vector<16xf32>
          %swap3A_970 = arith.index_cast %scan3A_135 : i32 to index
          %swap3A_971 = arith.constant 96 : index
          %swap3A_972 = tpu.vector_load %arg18[%swap3A_970, %swap3A_971] {strides = array<i32>} : memref<16x112xf32, #tpu.memory_space<vmem>>, vector<16xf32>,
          tpu.vector_store %arg18[%swap3A_970, %swap3A_971], %select_n3A_969 {strides = array<i32>} : memref<16x112xf32, #tpu.memory_space<vmem>>, vector<16xf32>,
          %add3A_973 = arith.addi %add3A_121, %scan3A_135 : i32
          "tpu.region"() ({
            %run_scoped3A = tpu.sem_alloc : memref<!tpu.dma_semaphore, #tpu.memory_space<semaphore_mem>>
            %dma_start3A_982 = arith.constant 0 : i32
            %dma_start3A_983 = tpu.memref_slice %arg4[%add3A_973, %dma_start3A_982] : memref<4096x2000xf32, #tpu.memory_space<hbm>> -> memref<1x2000xf32, #tpu.memory_space<hbm>>
            %dma_start3A_984 = tpu.memref_squeeze %dma_start3A_983 : memref<1x2000xf32, #tpu.memory_space<hbm>> -> memref<2000xf32, #tpu.memory_space<hbm>>
            %dma_start3A_985 = arith.constant 0 : i32
            %dma_start3A_986 = tpu.memref_slice %arg4[%add3A_973, %dma_start3A_985] : memref<4096x2000xf32, #tpu.memory_space<hbm>> -> memref<1x2000xf32, #tpu.memory_space<hbm>>
            %dma_start3A_987 = tpu.memref_squeeze %dma_start3A_986 : memref<1x2000xf32, #tpu.memory_space<hbm>> -> memref<2000xf32, #tpu.memory_space<hbm>>
            tpu.enqueue_dma source(%dma_start3A_987 : memref<2000xf32, #tpu.memory_space<hbm>>) target(%arg21 : memref<2000xf32, #tpu.memory_space<vmem>>) target_semaphore(%run_scoped3A : memref<!tpu.dma_semaphore, #tpu.memory_space<semaphore_mem>>)
            %dma_wait3A_988 = arith.constant 0 : i32
            %dma_wait3A_989 = tpu.memref_slice %arg4[%add3A_973, %dma_wait3A_988] : memref<4096x2000xf32, #tpu.memory_space<hbm>> -> memref<1x2000xf32, #tpu.memory_space<hbm>>
            %dma_wait3A_990 = tpu.memref_squeeze %dma_wait3A_989 : memref<1x2000xf32, #tpu.memory_space<hbm>> -> memref<2000xf32, #tpu.memory_space<hbm>>
            %dma_wait3A_991 = arith.constant 0 : i32
            %dma_wait3A_992 = tpu.memref_slice %arg4[%add3A_973, %dma_wait3A_991] : memref<4096x2000xf32, #tpu.memory_space<hbm>> -> memref<1x2000xf32, #tpu.memory_space<hbm>>
            %dma_wait3A_993 = tpu.memref_squeeze %dma_wait3A_992 : memref<1x2000xf32, #tpu.memory_space<hbm>> -> memref<2000xf32, #tpu.memory_space<hbm>>
            tpu.wait_dma2 semaphore(%run_scoped3A : memref<!tpu.dma_semaphore, #tpu.memory_space<semaphore_mem>>) src(%dma_wait3A_993 : memref<2000xf32, #tpu.memory_space<hbm>>) dst(%arg21 : memref<2000xf32, #tpu.memory_space<vmem>>)
            tpu.yield
          }) : () -> ()
          %broadcast_in_dim3A_974 = arith.constant 0 : i32
          %broadcast_in_dim3A_975 = vector.broadcast %broadcast_in_dim3A_974 : i32 to vector<16xi32>
          %scan3A_976 = arith.constant 0 : i32
          %scan3A_977 = arith.constant 125 : i32
          %scan3A_978 = arith.addi %scan3A_976, %scan3A_977 : i32
          %scan3A_979 = arith.constant 1 : i32
          %scan3A_980 = scf.for %scan3A_982 = %scan3A_976 to %scan3A_978 step %scan3A_979 iter_args(%scan3A_983 = %broadcast_in_dim3A_975) -> (vector<16xi32>)  : i32 {
            %mul3A_984 = arith.constant 16 : i32
            %mul3A_985 = arith.muli %scan3A_982, %mul3A_984 : i32
            %get3A_986 = arith.index_cast %scan3A_135 : i32 to index
            %get3A_987 = arith.index_cast %mul3A_985 : i32 to index
            %get3A_988 = tpu.vector_load %arg15[%get3A_986, %get3A_987] {strides = array<i32>} : memref<16x2000xi32, #tpu.memory_space<vmem>>, vector<16xi32>,
            %eq3A_989 = vector.broadcast %squeeze3A_292 : i32 to vector<16xi32>
            %eq3A_990 = arith.cmpi eq, %get3A_988, %eq3A_989 : vector<16xi32>
            %eq3A_991 = vector.broadcast %squeeze3A_294 : i32 to vector<16xi32>
            %eq3A_992 = arith.cmpi eq, %get3A_988, %eq3A_991 : vector<16xi32>
            %or3A_993 = arith.ori %eq3A_990, %eq3A_992 : vector<16xi1>
            %eq3A_994 = vector.broadcast %squeeze3A_296 : i32 to vector<16xi32>
            %eq3A_995 = arith.cmpi eq, %get3A_988, %eq3A_994 : vector<16xi32>
            %or3A_996 = arith.ori %or3A_993, %eq3A_995 : vector<16xi1>
            %eq3A_997 = vector.broadcast %squeeze3A_298 : i32 to vector<16xi32>
            %eq3A_998 = arith.cmpi eq, %get3A_988, %eq3A_997 : vector<16xi32>
            %or3A_999 = arith.ori %or3A_996, %eq3A_998 : vector<16xi1>
            %eq3A_1000 = vector.broadcast %squeeze3A_300 : i32 to vector<16xi32>
            %eq3A_1001 = arith.cmpi eq, %get3A_988, %eq3A_1000 : vector<16xi32>
            %or3A_1002 = arith.ori %or3A_999, %eq3A_1001 : vector<16xi1>
            %eq3A_1003 = vector.broadcast %squeeze3A_302 : i32 to vector<16xi32>
            %eq3A_1004 = arith.cmpi eq, %get3A_988, %eq3A_1003 : vector<16xi32>
            %or3A_1005 = arith.ori %or3A_1002, %eq3A_1004 : vector<16xi1>
            %eq3A_1006 = vector.broadcast %squeeze3A_304 : i32 to vector<16xi32>
            %eq3A_1007 = arith.cmpi eq, %get3A_988, %eq3A_1006 : vector<16xi32>
            %or3A_1008 = arith.ori %or3A_1005, %eq3A_1007 : vector<16xi1>
            %eq3A_1009 = vector.broadcast %squeeze3A_306 : i32 to vector<16xi32>
            %eq3A_1010 = arith.cmpi eq, %get3A_988, %eq3A_1009 : vector<16xi32>
            %or3A_1011 = arith.ori %or3A_1008, %eq3A_1010 : vector<16xi1>
            %eq3A_1012 = vector.broadcast %squeeze3A_308 : i32 to vector<16xi32>
            %eq3A_1013 = arith.cmpi eq, %get3A_988, %eq3A_1012 : vector<16xi32>
            %or3A_1014 = arith.ori %or3A_1011, %eq3A_1013 : vector<16xi1>
            %eq3A_1015 = vector.broadcast %squeeze3A_310 : i32 to vector<16xi32>
            %eq3A_1016 = arith.cmpi eq, %get3A_988, %eq3A_1015 : vector<16xi32>
            %or3A_1017 = arith.ori %or3A_1014, %eq3A_1016 : vector<16xi1>
            %eq3A_1018 = vector.broadcast %squeeze3A_312 : i32 to vector<16xi32>
            %eq3A_1019 = arith.cmpi eq, %get3A_988, %eq3A_1018 : vector<16xi32>
            %or3A_1020 = arith.ori %or3A_1017, %eq3A_1019 : vector<16xi1>
            %eq3A_1021 = vector.broadcast %squeeze3A_314 : i32 to vector<16xi32>
            %eq3A_1022 = arith.cmpi eq, %get3A_988, %eq3A_1021 : vector<16xi32>
            %or3A_1023 = arith.ori %or3A_1020, %eq3A_1022 : vector<16xi1>
            %eq3A_1024 = vector.broadcast %squeeze3A_316 : i32 to vector<16xi32>
            %eq3A_1025 = arith.cmpi eq, %get3A_988, %eq3A_1024 : vector<16xi32>
            %or3A_1026 = arith.ori %or3A_1023, %eq3A_1025 : vector<16xi1>
            %eq3A_1027 = vector.broadcast %squeeze3A_318 : i32 to vector<16xi32>
            %eq3A_1028 = arith.cmpi eq, %get3A_988, %eq3A_1027 : vector<16xi32>
            %or3A_1029 = arith.ori %or3A_1026, %eq3A_1028 : vector<16xi1>
            %eq3A_1030 = vector.broadcast %squeeze3A_320 : i32 to vector<16xi32>
            %eq3A_1031 = arith.cmpi eq, %get3A_988, %eq3A_1030 : vector<16xi32>
            %or3A_1032 = arith.ori %or3A_1029, %eq3A_1031 : vector<16xi1>
            %eq3A_1033 = vector.broadcast %squeeze3A_322 : i32 to vector<16xi32>
            %eq3A_1034 = arith.cmpi eq, %get3A_988, %eq3A_1033 : vector<16xi32>
            %or3A_1035 = arith.ori %or3A_1032, %eq3A_1034 : vector<16xi1>
            %eq3A_1036 = vector.broadcast %squeeze3A_324 : i32 to vector<16xi32>
            %eq3A_1037 = arith.cmpi eq, %get3A_988, %eq3A_1036 : vector<16xi32>
            %or3A_1038 = arith.ori %or3A_1035, %eq3A_1037 : vector<16xi1>
            %eq3A_1039 = vector.broadcast %squeeze3A_326 : i32 to vector<16xi32>
            %eq3A_1040 = arith.cmpi eq, %get3A_988, %eq3A_1039 : vector<16xi32>
            %or3A_1041 = arith.ori %or3A_1038, %eq3A_1040 : vector<16xi1>
            %eq3A_1042 = vector.broadcast %squeeze3A_328 : i32 to vector<16xi32>
            %eq3A_1043 = arith.cmpi eq, %get3A_988, %eq3A_1042 : vector<16xi32>
            %or3A_1044 = arith.ori %or3A_1041, %eq3A_1043 : vector<16xi1>
            %eq3A_1045 = vector.broadcast %squeeze3A_330 : i32 to vector<16xi32>
            %eq3A_1046 = arith.cmpi eq, %get3A_988, %eq3A_1045 : vector<16xi32>
            %or3A_1047 = arith.ori %or3A_1044, %eq3A_1046 : vector<16xi1>
            %jit3A = arith.constant 1 : i32
            %jit3A_1048 = arith.constant 0 : i32
            %broadcast_in_dim3A_1049 = vector.broadcast %jit3A : i32 to vector<16xi32>
            %broadcast_in_dim3A_1050 = vector.broadcast %jit3A_1048 : i32 to vector<16xi32>
            %select_n3A_1051 = arith.select %or3A_1047, %broadcast_in_dim3A_1049, %broadcast_in_dim3A_1050 : vector<16xi1>, vector<16xi32>
            %broadcast_in_dim3A_1052 = arith.constant true
            %broadcast_in_dim3A_1053 = vector.broadcast %broadcast_in_dim3A_1052 : i1 to vector<16xi1>
            %masked_cumsum3A = tpu.scan <sum>, %select_n3A_1051 masked %broadcast_in_dim3A_1053 : vector<16xi32>, vector<16xi1> -> vector<16xi32>
            %add3A_1054 = arith.addi %scan3A_983, %masked_cumsum3A : vector<16xi32>
            %le3A = arith.constant 20 : i32
            %le3A_1055 = vector.broadcast %le3A : i32 to vector<16xi32>
            %le3A_1056 = arith.cmpi sle, %add3A_1054, %le3A_1055 : vector<16xi32>
            %and3A_1057 = arith.andi %or3A_1047, %le3A_1056 : vector<16xi1>
            %mul3A_1058 = arith.constant 16 : i32
            %mul3A_1059 = arith.muli %scan3A_982, %mul3A_1058 : i32
            %get3A_1060 = arith.index_cast %mul3A_1059 : i32 to index
            %get3A_1061 = tpu.vector_load %arg21[%get3A_1060] {strides = array<i32>} : memref<2000xf32, #tpu.memory_space<vmem>>, vector<16xf32>,
            %sub3A = arith.constant 1 : i32
            %sub3A_1062 = vector.broadcast %sub3A : i32 to vector<16xi32>
            %sub3A_1063 = arith.subi %add3A_1054, %sub3A_1062 : vector<16xi32>
            %scatter3A = arith.constant 0 : i32
            %scatter3A_1064 = tpu.memref_slice %arg19[%scan3A_135, %scatter3A] : memref<16x32xf32, #tpu.memory_space<vmem>> -> memref<1x32xf32, #tpu.memory_space<vmem>>
            %scatter3A_1065 = tpu.memref_squeeze %scatter3A_1064 : memref<1x32xf32, #tpu.memory_space<vmem>> -> memref<32xf32, #tpu.memory_space<vmem>>
            tpu.vector_store_idx %scatter3A_1065[%sub3A_1063], %get3A_1061 masked %and3A_1057 : memref<32xf32, #tpu.memory_space<vmem>>[vector<16xi32>], vector<16xf32>, vector<16xi1>
            %sub3A_1066 = arith.constant 1 : i32
            %sub3A_1067 = vector.broadcast %sub3A_1066 : i32 to vector<16xi32>
            %sub3A_1068 = arith.subi %add3A_1054, %sub3A_1067 : vector<16xi32>
            %scatter3A_1069 = arith.constant 0 : i32
            %scatter3A_1070 = tpu.memref_slice %arg20[%scan3A_135, %scatter3A_1069] : memref<16x32xf32, #tpu.memory_space<vmem>> -> memref<1x32xf32, #tpu.memory_space<vmem>>
            %scatter3A_1071 = tpu.memref_squeeze %scatter3A_1070 : memref<1x32xf32, #tpu.memory_space<vmem>> -> memref<32xf32, #tpu.memory_space<vmem>>
            tpu.vector_store_idx %scatter3A_1071[%sub3A_1068], %broadcast_in_dim3A_161 masked %and3A_1057 : memref<32xf32, #tpu.memory_space<vmem>>[vector<16xi32>], vector<16xf32>, vector<16xi1>
            %all_reduce_population_count3A_1072 = tpu.all_reduce %or3A_1047 {dim = 0 : i64, kind = #tpu.reduction_kind<sum>} : vector<16xi1> -> vector<16xi32>
            %add3A_1073 = arith.addi %scan3A_983, %all_reduce_population_count3A_1072 : vector<16xi32>
            scf.yield %add3A_1073 : vector<16xi32>
          }
          %scan3A_981 = arith.constant 125 : i32
        } else {
        }
        tpu.vector_store_idx %arg22[%and3A_163], %broadcast_in_dim3A_1 : memref<8192xi32, #tpu.memory_space<vmem>>[vector<16xi32>], vector<16xi32>,
        tpu.vector_store_idx %arg22[%and3A_166], %broadcast_in_dim3A_1 masked %lt3A_169 : memref<8192xi32, #tpu.memory_space<vmem>>[vector<16xi32>], vector<16xi32>, vector<16xi1>
      }
      %scan3A_127 = arith.constant 16 : i32
      "tpu.region"() ({
        %run_scoped3A = tpu.sem_alloc : memref<!tpu.dma_semaphore, #tpu.memory_space<semaphore_mem>>
        %dma_start3A_135 = arith.constant 0 : i32
        %dma_start3A_136 = tpu.memref_slice %arg7[%add3A_121, %dma_start3A_135] : memref<4096x112xf32, #tpu.memory_space<hbm>> -> memref<16x112xf32, #tpu.memory_space<hbm>>
        %dma_start3A_137 = arith.constant 0 : i32
        %dma_start3A_138 = tpu.memref_slice %arg7[%add3A_121, %dma_start3A_137] : memref<4096x112xf32, #tpu.memory_space<hbm>> -> memref<16x112xf32, #tpu.memory_space<hbm>>
        tpu.enqueue_dma source(%arg18 : memref<16x112xf32, #tpu.memory_space<vmem>>) target(%dma_start3A_138 : memref<16x112xf32, #tpu.memory_space<hbm>>) target_semaphore(%run_scoped3A : memref<!tpu.dma_semaphore, #tpu.memory_space<semaphore_mem>>)
        %dma_wait3A_139 = arith.constant 0 : i32
        %dma_wait3A_140 = tpu.memref_slice %arg7[%add3A_121, %dma_wait3A_139] : memref<4096x112xf32, #tpu.memory_space<hbm>> -> memref<16x112xf32, #tpu.memory_space<hbm>>
        %dma_wait3A_141 = arith.constant 0 : i32
        %dma_wait3A_142 = tpu.memref_slice %arg7[%add3A_121, %dma_wait3A_141] : memref<4096x112xf32, #tpu.memory_space<hbm>> -> memref<16x112xf32, #tpu.memory_space<hbm>>
        tpu.wait_dma2 semaphore(%run_scoped3A : memref<!tpu.dma_semaphore, #tpu.memory_space<semaphore_mem>>) src(%arg18 : memref<16x112xf32, #tpu.memory_space<vmem>>) dst(%dma_wait3A_142 : memref<16x112xf32, #tpu.memory_space<hbm>>)
        tpu.yield
      }) : () -> ()
      "tpu.region"() ({
        %run_scoped3A = tpu.sem_alloc : memref<!tpu.dma_semaphore, #tpu.memory_space<semaphore_mem>>
        %dma_start3A_135 = arith.constant 0 : i32
        %dma_start3A_136 = tpu.memref_slice %arg8[%add3A_121, %dma_start3A_135] : memref<4096x32xf32, #tpu.memory_space<hbm>> -> memref<16x32xf32, #tpu.memory_space<hbm>>
        %dma_start3A_137 = arith.constant 0 : i32
        %dma_start3A_138 = tpu.memref_slice %arg8[%add3A_121, %dma_start3A_137] : memref<4096x32xf32, #tpu.memory_space<hbm>> -> memref<16x32xf32, #tpu.memory_space<hbm>>
        tpu.enqueue_dma source(%arg19 : memref<16x32xf32, #tpu.memory_space<vmem>>) target(%dma_start3A_138 : memref<16x32xf32, #tpu.memory_space<hbm>>) target_semaphore(%run_scoped3A : memref<!tpu.dma_semaphore, #tpu.memory_space<semaphore_mem>>)
        %dma_wait3A_139 = arith.constant 0 : i32
        %dma_wait3A_140 = tpu.memref_slice %arg8[%add3A_121, %dma_wait3A_139] : memref<4096x32xf32, #tpu.memory_space<hbm>> -> memref<16x32xf32, #tpu.memory_space<hbm>>
        %dma_wait3A_141 = arith.constant 0 : i32
        %dma_wait3A_142 = tpu.memref_slice %arg8[%add3A_121, %dma_wait3A_141] : memref<4096x32xf32, #tpu.memory_space<hbm>> -> memref<16x32xf32, #tpu.memory_space<hbm>>
        tpu.wait_dma2 semaphore(%run_scoped3A : memref<!tpu.dma_semaphore, #tpu.memory_space<semaphore_mem>>) src(%arg19 : memref<16x32xf32, #tpu.memory_space<vmem>>) dst(%dma_wait3A_142 : memref<16x32xf32, #tpu.memory_space<hbm>>)
        tpu.yield
      }) : () -> ()
      "tpu.region"() ({
        %run_scoped3A = tpu.sem_alloc : memref<!tpu.dma_semaphore, #tpu.memory_space<semaphore_mem>>
        %dma_start3A_135 = arith.constant 0 : i32
        %dma_start3A_136 = tpu.memref_slice %arg9[%add3A_121, %dma_start3A_135] : memref<4096x32xf32, #tpu.memory_space<hbm>> -> memref<16x32xf32, #tpu.memory_space<hbm>>
        %dma_start3A_137 = arith.constant 0 : i32
        %dma_start3A_138 = tpu.memref_slice %arg9[%add3A_121, %dma_start3A_137] : memref<4096x32xf32, #tpu.memory_space<hbm>> -> memref<16x32xf32, #tpu.memory_space<hbm>>
        tpu.enqueue_dma source(%arg20 : memref<16x32xf32, #tpu.memory_space<vmem>>) target(%dma_start3A_138 : memref<16x32xf32, #tpu.memory_space<hbm>>) target_semaphore(%run_scoped3A : memref<!tpu.dma_semaphore, #tpu.memory_space<semaphore_mem>>)
        %dma_wait3A_139 = arith.constant 0 : i32
        %dma_wait3A_140 = tpu.memref_slice %arg9[%add3A_121, %dma_wait3A_139] : memref<4096x32xf32, #tpu.memory_space<hbm>> -> memref<16x32xf32, #tpu.memory_space<hbm>>
        %dma_wait3A_141 = arith.constant 0 : i32
        %dma_wait3A_142 = tpu.memref_slice %arg9[%add3A_121, %dma_wait3A_141] : memref<4096x32xf32, #tpu.memory_space<hbm>> -> memref<16x32xf32, #tpu.memory_space<hbm>>
        tpu.wait_dma2 semaphore(%run_scoped3A : memref<!tpu.dma_semaphore, #tpu.memory_space<semaphore_mem>>) src(%arg20 : memref<16x32xf32, #tpu.memory_space<vmem>>) dst(%dma_wait3A_142 : memref<16x32xf32, #tpu.memory_space<hbm>>)
        tpu.yield
      }) : () -> ()
      %add3A_128 = arith.constant 2 : i32
      %add3A_129 = arith.addi %add3A_95, %add3A_128 : i32
      %lt3A_130 = arith.constant 8 : i32
      %lt3A_131 = arith.cmpi slt, %add3A_129, %lt3A_130 : i32
      %convert_element_type3A_132 = arith.extui %lt3A_131 : i1 to i32
      %cond3A_133 = arith.constant 0 : i32
      %cond3A_134 = arith.cmpi ne, %convert_element_type3A_132, %cond3A_133 : i32
      scf.if %cond3A_134 {
        %add3A_135 = arith.constant 2 : i32
        %add3A_136 = arith.addi %add3A_95, %add3A_135 : i32
        %mul3A_137 = arith.constant 128 : i32
        %mul3A_138 = arith.muli %add3A, %mul3A_137 : i32
        %mul3A_139 = arith.constant 16 : i32
        %mul3A_140 = arith.muli %add3A_136, %mul3A_139 : i32
        %add3A_141 = arith.addi %mul3A_138, %mul3A_140 : i32
        %dma_start3A_142 = arith.constant 0 : i32
        %dma_start3A_143 = tpu.memref_slice %arg2[%add3A_141, %dma_start3A_142] : memref<4096x112xi32, #tpu.memory_space<hbm>> -> memref<16x112xi32, #tpu.memory_space<hbm>>
        %dma_start3A_144 = arith.constant 0 : i32
        %dma_start3A_145 = tpu.memref_slice %arg2[%add3A_141, %dma_start3A_144] : memref<4096x112xi32, #tpu.memory_space<hbm>> -> memref<16x112xi32, #tpu.memory_space<hbm>>
        tpu.enqueue_dma source(%dma_start3A_145 : memref<16x112xi32, #tpu.memory_space<hbm>>) target(%arg14 : memref<16x112xi32, #tpu.memory_space<vmem>>) target_semaphore(%arg25 : memref<!tpu.dma_semaphore, #tpu.memory_space<semaphore_mem>>)
        %dma_start3A_146 = arith.constant 0 : i32
        %dma_start3A_147 = tpu.memref_slice %arg3[%add3A_141, %dma_start3A_146] : memref<4096x2000xi32, #tpu.memory_space<hbm>> -> memref<16x2000xi32, #tpu.memory_space<hbm>>
        %dma_start3A_148 = arith.constant 0 : i32
        %dma_start3A_149 = tpu.memref_slice %arg3[%add3A_141, %dma_start3A_148] : memref<4096x2000xi32, #tpu.memory_space<hbm>> -> memref<16x2000xi32, #tpu.memory_space<hbm>>
        tpu.enqueue_dma source(%dma_start3A_149 : memref<16x2000xi32, #tpu.memory_space<hbm>>) target(%arg15 : memref<16x2000xi32, #tpu.memory_space<vmem>>) target_semaphore(%arg25 : memref<!tpu.dma_semaphore, #tpu.memory_space<semaphore_mem>>)
        %dma_start3A_150 = arith.constant 0 : i32
        %dma_start3A_151 = tpu.memref_slice %arg5[%add3A_141, %dma_start3A_150] : memref<4096x32xi32, #tpu.memory_space<hbm>> -> memref<16x32xi32, #tpu.memory_space<hbm>>
        %dma_start3A_152 = arith.constant 0 : i32
        %dma_start3A_153 = tpu.memref_slice %arg5[%add3A_141, %dma_start3A_152] : memref<4096x32xi32, #tpu.memory_space<hbm>> -> memref<16x32xi32, #tpu.memory_space<hbm>>
        tpu.enqueue_dma source(%dma_start3A_153 : memref<16x32xi32, #tpu.memory_space<hbm>>) target(%arg16 : memref<16x32xi32, #tpu.memory_space<vmem>>) target_semaphore(%arg25 : memref<!tpu.dma_semaphore, #tpu.memory_space<semaphore_mem>>)
        %dma_start3A_154 = arith.constant 0 : i32
        %dma_start3A_155 = tpu.memref_slice %arg6[%add3A_141, %dma_start3A_154] : memref<4096x32xf32, #tpu.memory_space<hbm>> -> memref<16x32xf32, #tpu.memory_space<hbm>>
        %dma_start3A_156 = arith.constant 0 : i32
        %dma_start3A_157 = tpu.memref_slice %arg6[%add3A_141, %dma_start3A_156] : memref<4096x32xf32, #tpu.memory_space<hbm>> -> memref<16x32xf32, #tpu.memory_space<hbm>>
        tpu.enqueue_dma source(%dma_start3A_157 : memref<16x32xf32, #tpu.memory_space<hbm>>) target(%arg17 : memref<16x32xf32, #tpu.memory_space<vmem>>) target_semaphore(%arg25 : memref<!tpu.dma_semaphore, #tpu.memory_space<semaphore_mem>>)
      } else {
      }
    }
    %scan3A_51 = arith.constant 4 : i32
    return
  }
}

module attributes {stable_mosaic.version = 14 : i64} {
  func.func @_tc_body(%arg0: memref<4096x100xf32, #tpu.memory_space<vmem>>, %arg1: memref<4096x100xf32, #tpu.memory_space<vmem>>, %arg2: memref<4096x32xf32, #tpu.memory_space<vmem>>, %arg3: memref<4096x32xf32, #tpu.memory_space<vmem>>, %arg4: memref<1x1xf32, #tpu.memory_space<vmem>>) attributes {dimension_semantics = [], scalar_prefetch = 0 : i64, scratch_operands = 0 : i64, tpu.core_type = #tpu.core_type<tc>} {
    %get3A = arith.constant 0 : index
    %get3A_0 = arith.constant 0 : index
    %get3A_1 = vector.load %arg0[%get3A, %get3A_0] : memref<4096x100xf32, #tpu.memory_space<vmem>>, vector<4096x100xf32>
    %get3A_2 = arith.constant 0 : index
    %get3A_3 = arith.constant 0 : index
    %get3A_4 = vector.load %arg1[%get3A_2, %get3A_3] : memref<4096x100xf32, #tpu.memory_space<vmem>>, vector<4096x100xf32>
    %log3A = math.log %get3A_1 : vector<4096x100xf32>
    %max3A = arith.constant -1.000000e+02 : f32
    %max3A_5 = vector.broadcast %max3A : f32 to vector<4096x100xf32>
    %max3A_6 = arith.maximumf %log3A, %max3A_5 : vector<4096x100xf32>
    %sub3A = arith.constant 1.000000e+00 : f32
    %sub3A_7 = vector.broadcast %sub3A : f32 to vector<4096x100xf32>
    %sub3A_8 = arith.subf %sub3A_7, %get3A_1 : vector<4096x100xf32>
    %log3A_9 = math.log %sub3A_8 : vector<4096x100xf32>
    %max3A_10 = arith.constant -1.000000e+02 : f32
    %max3A_11 = vector.broadcast %max3A_10 : f32 to vector<4096x100xf32>
    %max3A_12 = arith.maximumf %log3A_9, %max3A_11 : vector<4096x100xf32>
    %mul3A = arith.mulf %get3A_4, %max3A_6 : vector<4096x100xf32>
    %sub3A_13 = arith.constant 1.000000e+00 : f32
    %sub3A_14 = vector.broadcast %sub3A_13 : f32 to vector<4096x100xf32>
    %sub3A_15 = arith.subf %sub3A_14, %get3A_4 : vector<4096x100xf32>
    %mul3A_16 = arith.mulf %sub3A_15, %max3A_12 : vector<4096x100xf32>
    %add3A = arith.addf %mul3A, %mul3A_16 : vector<4096x100xf32>
    %reduce_sum3A = vector.shape_cast %add3A : vector<4096x100xf32> to vector<1x4096x100xf32>
    %reduce_sum3A_17 = arith.constant dense<0.000000e+00> : vector<1xf32>
    %reduce_sum3A_18 = vector.multi_reduction <add>, %reduce_sum3A, %reduce_sum3A_17 [1, 2] : vector<1x4096x100xf32> to vector<1xf32>
    %reduce_sum3A_19 = vector.shape_cast %reduce_sum3A_18 : vector<1xf32> to vector<1x1x1xf32>
    %reduce_sum3A_20 = vector.extract %reduce_sum3A_19[0, 0, 0] : f32 from vector<1x1x1xf32>
    %neg3A = arith.constant 0.000000e+00 : f32
    %neg3A_21 = arith.subf %neg3A, %reduce_sum3A_20 : f32
    %get3A_22 = arith.constant 0 : index
    %get3A_23 = arith.constant 0 : index
    %get3A_24 = vector.load %arg2[%get3A_22, %get3A_23] : memref<4096x32xf32, #tpu.memory_space<vmem>>, vector<4096x32xf32>
    %get3A_25 = arith.constant 0 : index
    %get3A_26 = arith.constant 0 : index
    %get3A_27 = vector.load %arg3[%get3A_25, %get3A_26] : memref<4096x32xf32, #tpu.memory_space<vmem>>, vector<4096x32xf32>
    %log3A_28 = math.log %get3A_24 : vector<4096x32xf32>
    %max3A_29 = arith.constant -1.000000e+02 : f32
    %max3A_30 = vector.broadcast %max3A_29 : f32 to vector<4096x32xf32>
    %max3A_31 = arith.maximumf %log3A_28, %max3A_30 : vector<4096x32xf32>
    %sub3A_32 = arith.constant 1.000000e+00 : f32
    %sub3A_33 = vector.broadcast %sub3A_32 : f32 to vector<4096x32xf32>
    %sub3A_34 = arith.subf %sub3A_33, %get3A_24 : vector<4096x32xf32>
    %log3A_35 = math.log %sub3A_34 : vector<4096x32xf32>
    %max3A_36 = arith.constant -1.000000e+02 : f32
    %max3A_37 = vector.broadcast %max3A_36 : f32 to vector<4096x32xf32>
    %max3A_38 = arith.maximumf %log3A_35, %max3A_37 : vector<4096x32xf32>
    %mul3A_39 = arith.mulf %get3A_27, %max3A_31 : vector<4096x32xf32>
    %sub3A_40 = arith.constant 1.000000e+00 : f32
    %sub3A_41 = vector.broadcast %sub3A_40 : f32 to vector<4096x32xf32>
    %sub3A_42 = arith.subf %sub3A_41, %get3A_27 : vector<4096x32xf32>
    %mul3A_43 = arith.mulf %sub3A_42, %max3A_38 : vector<4096x32xf32>
    %add3A_44 = arith.addf %mul3A_39, %mul3A_43 : vector<4096x32xf32>
    %reduce_sum3A_45 = vector.shape_cast %add3A_44 : vector<4096x32xf32> to vector<1x4096x32xf32>
    %reduce_sum3A_46 = arith.constant dense<0.000000e+00> : vector<1xf32>
    %reduce_sum3A_47 = vector.multi_reduction <add>, %reduce_sum3A_45, %reduce_sum3A_46 [1, 2] : vector<1x4096x32xf32> to vector<1xf32>
    %reduce_sum3A_48 = vector.shape_cast %reduce_sum3A_47 : vector<1xf32> to vector<1x1x1xf32>
    %reduce_sum3A_49 = vector.extract %reduce_sum3A_48[0, 0, 0] : f32 from vector<1x1x1xf32>
    %neg3A_50 = arith.constant 0.000000e+00 : f32
    %neg3A_51 = arith.subf %neg3A_50, %reduce_sum3A_49 : f32
    %div3A = arith.constant 4.096000e+05 : f32
    %div3A_52 = arith.divf %neg3A_21, %div3A : f32
    %mul3A_53 = arith.constant 5.000000e-02 : f32
    %mul3A_54 = arith.mulf %mul3A_53, %neg3A_51 : f32
    %div3A_55 = arith.constant 8.192000e+04 : f32
    %div3A_56 = arith.divf %mul3A_54, %div3A_55 : f32
    %add3A_57 = arith.addf %div3A_52, %div3A_56 : f32
    %reshape3A = vector.broadcast %add3A_57 : f32 to vector<1x1xf32>
    %swap3A = arith.constant 0 : index
    %swap3A_58 = arith.constant 0 : index
    %swap3A_59 = vector.load %arg4[%swap3A, %swap3A_58] : memref<1x1xf32, #tpu.memory_space<vmem>>, vector<1x1xf32>
    tpu.vector_store %arg4[%swap3A, %swap3A_58], %reshape3A {strides = array<i32>} : memref<1x1xf32, #tpu.memory_space<vmem>>, vector<1x1xf32>,
    return
  }
}

</mosaic_0001>

<sc_bundles>
// kernel: kernel.4.cloned.1.call-start
scs
__scs_entry_jumppad:
0x0: {  	(pc) =	sbr.rel $0x88, $3  }
0x1: {  	(tag) =	ssettag $0x0;
	lr =	simm.s32 $0x1  }
0x2: {  	[smem:$0x3F9B] =	sst lr;
	_ =	strace $0xD0000000  }
0x3: {  	_ = 	snop  }
0x4: {  	_ = 	snop  }
0x5: {  	_ = 	snop  }
0x6: {  	_ = 	snop  }
0x7: {  	_ = 	snop  }
__scs_overlays_trampoline_lowered:
0x8: {  	[smem:$0x3FAA] =	sst s0  }
0x9: {  	[smem:$0x3FAB] =	sst s1  }
0xa: {  	[smem:$0x3FAC] =	sst s2  }
0xb: {  	[smem:$0x3FAD] =	sst s3  }
0xc: {  	[smem:$0x3FAE] =	sst s4  }
0xd: {  	[smem:$0x3FAF] =	sst s5  }
0xe: {  	[smem:$0x3FB0] =	sst s6  }
0xf: {  	[smem:$0x3FB1] =	sst s7  }
0x10: {  	[smem:$0x3FB2] =	sst s8  }
0x11: {  	[smem:$0x3FB3] =	sst s9;
	s0 =	simm.s32 @!p0 $0x0  }
0x12: {  	s1 =	sld [smem:$0x3F99];
	s0 =	simm.s32 @p0 $0x1  }
0x13: {  	[smem:$0x3FB4] =	sst s0;
	s0 =	simm.s32 @!p1 $0x0  }
0x14: {  	s2 =	sld [smem:$0x3F98];
	s0 =	simm.s32 @p1 $0x1  }
0x15: {  	[smem:$0x3FB5] =	sst s0;
	s0 =	simm.s32 @!p2 $0x0  }
0x16: {  	s3 =	sld [smem:$0x3FDB];
	s0 =	simm.s32 @p2 $0x1  }
0x17: {  	s4 =	simm.s32 $0x1BF5;
	[smem:$0x3FB7] =	sst s0  }
0x18: {  	s0 =	sld [smem:$0x3F9A];
	_ =	swait.ge [sflag:s4], $0x0  }
0x19: {  	s7 =	sld [smem:$0x3F9B]  }
0x1a: {  	s8 =	sadd.s32 $0xFFFFE003, lr  }
0x1b: {  	s9 =	sadd.s32 $0xFFFFFEF7, lr;
	s5 =	simm.s32 $0xFFFFFFFF;
	p2 =	slt.u32 s8, $0xFFFFF086  }
0x1c: {  	p1 =	slt.u32 s9, $0xF7A;
	s5 =	simm.s32 @!p2 $0x0  }
0x1d: {  	s5 =	simm.s32 @p1 $0x1;
	p0 =	seq.s32 s7, s2  }
0x1e: {  	s7 =	smul.u32 @!p0 $0xF7A, s2;
	p2 =	seq.s32 @!p0 s5, $0x0  }
0x1f: {  	s9 =	smul.u32 $0xF7A, s1;
	s8 =	simm.s32 @!p0 $0x1BF5;
	p2 =	por !p2, p0  }
0x20: {  	[sflag:s8] =	ssyncset.s32 @!p0 $0xFFFFF086;
	s6 =	sadd.s32 @!p0 s3, s7;
	s7 =	simm.s32 @!p0 $0x108  }
0x21: {  	s3 =	sadd.s32 s3, s9;
	s6 =	sadd.s32 @!p0 $0x88, s6;
	s7 =	simm.s32 @p2 $0x1082  }
0x22: {  	[simem:s7], [sflag:s8] =	dma.local @!p0 [hbm:s6], $0xF7A  }
0x23: {  	s9 =	sor.u32 $0xD0000000, s2;
	s6 =	simm.s32 $0x108;
	_ =	swait.ge @!p0 [sflag:s8], $0x0  }
0x24: {  	s3 =	sadd.s32 $0x88, s3;
	s6 =	simm.s32 @!p1 $0x1082;
	[sflag:s4] =	ssyncset.s32 $0xFFFFF086  }
0x25: {  	[simem:s6], [sflag:s4] =	dma.local [hbm:s3], $0xF7A  }
0x26: {  	[smem:$0x3F9B] =	sst s1;
	(tag) =	ssettag s2;
	_ =	strace s9  }
0x27: {  	s1 =	sld [smem:$0x3FAB]  }
0x28: {  	s2 =	sld [smem:$0x3FAC]  }
0x29: {  	s4 =	sld [smem:$0x3FAE]  }
0x2a: {  	p0 =	seq.s32 s5, $0x0;
	s5 =	sld [smem:$0x3FAF]  }
0x2b: {  	s6 =	sld [smem:$0x3FB0]  }
0x2c: {  	s7 =	sld [smem:$0x3FB1]  }
0x2d: {  	s3 =	simm.s32 $0x108;
	s8 =	sld [smem:$0x3FB2]  }
0x2e: {  	s3 =	simm.s32 @!p0 $0x1082;
	s9 =	sld [smem:$0x3FB3]  }
0x2f: {  	lr =	sadd.s32 s0, s3;
	s0 =	sld [smem:$0x3FAA]  }
0x30: {  	s3 =	sld [smem:$0x3FAD]  }
0x31: {  	[smem:$0x3FB6] =	sst s10  }
0x32: {  	s10 =	sld [smem:$0x3FB4];
	_ =	sdelay $0x3  }
0x33: {  	p0 =	seq.s32 s10, $0x1;
	s10 =	sld [smem:$0x3FB6];
	_ =	sdelay $0x3  }
0x34: {  	[smem:$0x3FB6] =	sst s10  }
0x35: {  	s10 =	sld [smem:$0x3FB5];
	_ =	sdelay $0x3  }
0x36: {  	p1 =	seq.s32 s10, $0x1;
	s10 =	sld [smem:$0x3FB6];
	_ =	sdelay $0x3  }
0x37: {  	[smem:$0x3FB6] =	sst s10  }
0x38: {  	s10 =	sld [smem:$0x3FB7]  }
0x39: {  	_ = 	snop;
	(pc) =	sbr.ind lr, $3  }
0x3a: {  	_ = 	snop  }
0x3b: {  	_ = 	snop  }
0x3c: {  	p2 =	seq.s32 s10, $0x1;
	s10 =	sld [smem:$0x3FB6]  }
0x3d: {  	_ =	shalt  }
0x3e: {  	_ =	shalt  }
0x3f: {  	_ =	shalt  }
0x40: {  	_ =	shalt  }
0x41: {  	_ =	shalt  }
0x42: {  	_ =	shalt  }
0x43: {  	_ =	shalt  }
0x44: {  	_ =	shalt  }
0x45: {  	_ =	shalt  }
0x46: {  	_ =	shalt  }
0x47: {  	_ =	shalt  }
0x48: {  	_ =	shalt  }
0x49: {  	_ =	shalt  }
0x4a: {  	_ =	shalt  }
0x4b: {  	_ =	shalt  }
0x4c: {  	_ =	shalt  }
0x4d: {  	_ =	shalt  }
0x4e: {  	_ =	shalt  }
0x4f: {  	_ =	shalt  }
0x50: {  	_ =	shalt  }
0x51: {  	_ =	shalt  }
0x52: {  	_ =	shalt  }
0x53: {  	_ =	shalt  }
0x54: {  	_ =	shalt  }
0x55: {  	_ =	shalt  }
0x56: {  	_ =	shalt  }
0x57: {  	_ =	shalt  }
0x58: {  	_ =	shalt  }
0x59: {  	_ =	shalt  }
0x5a: {  	_ =	shalt  }
0x5b: {  	_ =	shalt  }
0x5c: {  	_ =	shalt  }
0x5d: {  	_ =	shalt  }
0x5e: {  	_ =	shalt  }
0x5f: {  	_ =	shalt  }
0x60: {  	_ =	shalt  }
0x61: {  	_ =	shalt  }
0x62: {  	_ =	shalt  }
0x63: {  	_ =	shalt  }
0x64: {  	_ =	shalt  }
0x65: {  	_ =	shalt  }
0x66: {  	_ =	shalt  }
0x67: {  	_ =	shalt  }
0x68: {  	_ =	shalt  }
0x69: {  	_ =	shalt  }
0x6a: {  	_ =	shalt  }
0x6b: {  	_ =	shalt  }
0x6c: {  	_ =	shalt  }
0x6d: {  	_ =	shalt  }
0x6e: {  	_ =	shalt  }
0x6f: {  	_ =	shalt  }
0x70: {  	_ =	shalt  }
0x71: {  	_ =	shalt  }
0x72: {  	_ =	shalt  }
0x73: {  	_ =	shalt  }
0x74: {  	_ =	shalt  }
0x75: {  	_ =	shalt  }
0x76: {  	_ =	shalt  }
0x77: {  	_ =	shalt  }
0x78: {  	_ =	shalt  }
0x79: {  	_ =	shalt  }
0x7a: {  	_ =	shalt  }
0x7b: {  	_ =	shalt  }
0x7c: {  	_ =	shalt  }
0x7d: {  	_ =	shalt  }
0x7e: {  	_ =	shalt  }
0x7f: {  	_ =	shalt  }
0x80: {  	_ =	shalt  }
0x81: {  	_ =	shalt  }
0x82: {  	_ =	shalt  }
0x83: {  	_ =	shalt  }
0x84: {  	_ =	shalt  }
0x85: {  	_ =	shalt  }
0x86: {  	_ =	shalt  }
0x87: {  	_ =	shalt  }
.Lfunc_end0:
.L_simem_size_0:
called_computation_lowered:
.L_overlay_start_0:
0x88: {  	s2 =	sld [smem:$0x3FD9]  }
0x89: {  	s3 =	sld [smem:$0x3FFE];
	_ =	sdelay $0x1  }
0x8a: {  	s1 =	srdreg.scid  }
0x8b: {  	s0 =	sand.u32 $0x1, s1  }
0x8c: {  	s16 =	sshll.u32 s0, $0xA;
	s2 =	sadd.s32 s3, s2  }
0x8d: {  	s2 =	sadd.s32 s2, s16  }
0x8e: {  	[smem:$0x3FC2] =	sst s2  }
0x8f: {  	_ = 	snop  }
0x90: {  	(tm) =	ssettm $0x1  }
0x91: {  	s17 =	sld [smem:$0x3FFB];
	_ =	sdelay $0x3  }
0x92: {  	_ =	strace s17  }
0x93: {  	s2 =	sld [smem:$0x3FFC];
	_ =	sdelay $0x3  }
0x94: {  	_ =	strace s2  }
0x95: {  	s2 =	sld [smem:$0x3FFD];
	_ =	sdelay $0x3  }
0x96: {  	_ =	strace s2  }
0x97: {  	_ =	strace $0x8FFFFFFF  }
0x98: {  	s18 =	sld [smem:$0x3FDB];
	_ =	sdelay $0x1  }
0x99: {  	s19 =	simm.s32 $_scs_section_size  }
0x9a: {  	s4 =	simm.s32 $_size__tile_overlayer_lowered;
	s5 =	simm.s32 $_tile_overlayer_lowered  }
0x9b: {  	s22 =	simm.s32 $0x1BFF;
	s21 =	sshll.u32 s5, $0x1;
	s2 =	sadd.s32 s19, s18  }
0x9c: {  	s6 =	simm.s32 $0x0;
	s20 =	sshll.u32 s4, $0x1;
	s4 =	sadd.s32 s21, s2  }
0x9d: {  	[timem:s6], [sflag:s22] =	dma.local [hbm:s4], s20  }
0x9e: {  	_ =	swait.ge [sflag:s22], s20  }
0x9f: {  	s3 =	ssub.s32 $0x0, s20;
	[sflag:s22] =	ssyncset.done $0x0  }
0xa0: {  	[sflag:s22] =	ssyncadd.s32 s3;
	_ =	sdelay $0x1  }
0xa1: {  	s23 =	simm.s32 $0x1B8B  }
0xa2: {  	_ =	swait.ge [sflag:s23], $0x1  }
0xa3: {  	[sflag:s23] =	ssyncset.done $0x0  }
0xa4: {  	s25 =	simm.s32 $0x1B8E;
	s24 =	sld [smem:$0x3FFE];
	[sflag:s23] =	ssyncadd.s32 $0xFFFFFFFF  }
0xa5: {  	s26 =	simm.s32 $execute0_lowered;
	[smem:$0x3FD2] =	sst s25  }
0xa6: {  	s4 =	sshll.u32 s26, $0x1;
	_ =	strace $0x80000046;
	[dreg:$0x1] =	wrdreg $0xFFFFFFFF  }
0xa7: {  	s28 =	simm.s32 $_size_execute0_lowered;
	s2 =	sadd.s32 s2, s4;
	[dreg:$0x0] =	wrdreg $0x0  }
0xa8: {  	s4 =	sshll.u32 s28, $0x1;
	[dreg:$0x2] =	wrdreg s2  }
0xa9: {  	[dreg:$0x3] =	wrdreg s4  }
0xaa: {  	[dreg:$0x4] =	wrdreg $0xC0  }
0xab: {  	_ =	task [dreg:s6], $0x5FFFF  }
0xac: {  	[dreg:$0x1] =	wrdreg $0xFFFFFFFF  }
0xad: {  	[dreg:$0x0] =	wrdreg $0x60  }
0xae: {  	[dreg:$0x2] =	wrdreg s24  }
0xaf: {  	[dreg:$0x3] =	wrdreg $0x9  }
0xb0: {  	_ =	task.clear_ibuf [dreg:s6], $0x4FFFF;
	_ =	strace $0x90000046  }
0xb1: {  	s29 =	simm.s32 $0x9;
	_ =	strace $0x80000048  }
0xb2: {  	_ =	swait.ge [sflag:s29], $0x1  }
0xb3: {  	[sflag:s29] =	ssyncadd.s32 $0xFFFFFFFF  }
0xb4: {  	_ =	strace $0x90000048  }
0xb5: {  	_ =	sfence  }
0xb6: {  	s30 =	sld [smem:$0x0];
	_ =	sdelay $0x2  }
0xb7: {  	s31 =	sshll.u32 s1, $0xD;
	s1 =	sshrl.u32 s1, $0x2  }
0xb8: {  	s3 =	sand.u32 $0x4000, s31;
	s1 =	sadd.s32 s1, s30  }
0xb9: {  	s0 =	sor.u32 s3, s0;
	s1 =	sshll.u32 s1, $0x11  }
0xba: {  	s0 =	sor.u32 s1, s0  }
0xbb: {  	s0 =	sadd.s32 $0x8F2B, s0  }
0xbc: {  	[sflag:s0] =	ssyncadd.remote.s32 $0x1  }
0xbd: {  	_ =	sfence.sel $0xFFFF  }
0xbe: {  	[dreg:$0x0] =	wrdreg $0xFFFFFFFF;
	(pc) =	sbr.abs _section_cstart, $3  }
0xbf: {  	[dreg:$0x1] =	wrdreg $0xFFFFFFFF  }
0xc0: {  	_ =	task.clear_ibuf [dreg:s6], $0x2FFFF;
	_ =	strace $0x9FFFFFFF  }
0xc1: {  	(tm) =	ssettm $0x7FFFFFFF  }
tec
execute0_lowered:
.L_overlay_start_1:
0x0: {  	(tag) =	ssettag $0x1  }
0x1: {  	s0 =	rddreg [dreg:$0x0];
	s1 =	simm.s32 $0x0  }
0x2: {  	[smem:$0x7FF] =	sst s1;
	s4 =	sadd.s32 $0x201600, s0  }
0x3: {  	s15 =	sadd.s32 $0x101600, s0;
	s6 =	sadd.s32 $0x211600, s0  }
0x4: {  	s7 =	sadd.s32 $0x221600, s0;
	s16 =	sadd.s32 $0x231600, s0  }
0x5: {  	_ =	strace $0x80000047;
	[smem:$0x7EC] =	sst s15  }
0x6: {  	s2 =	sadd.s32 $0x241600, s0;
	[smem:$0x7ED] =	sst s16  }
0x7: {  	s5 =	sadd.s32 $0x1600, s0;
	s0 =	sadd.s32 $0x251600, s0;
	[smem:$0x7EE] =	sst s2  }
0x8: {  	s17 =	srdreg.scid;
	[smem:$0x7EF] =	sst s0  }
0x9: {  	s3 =	stileid.u32;
	[dreg:$0x1e] =	wrdreg s4  }
0xa: {  	s1 =	sand.u32 $0x1, s17;
	s3 =	sshll.u32 s3, $0x8;
	[dreg:$0x1f] =	wrdreg s5  }
0xb: {  	s18 =	ssub.s32 $0x2, s1;
	s1 =	sshll.u32 s1, $0x7;
	[smem:$0x7F6] =	sst s6  }
0xc: {  	[smem:$0x7F8] =	sst s7;
	s19 =	sshrl.u32 s18, $0x1;
	s8 =	sor.u32 s1, s3  }
0xd: {  	s0 =	ssub.s32 s18, s19;
	s30 =	sor.u32 $0x20, s8;
	[smem:$0x7FB] =	sst s8  }
0xe: {  	s1 =	sshll.u32 s8, $0x4;
	s31 =	sor.u32 $0x30, s8;
	[smem:$0x7FA] =	sst s30  }
0xf: {  	s22 =	sshll.u32 s8, $0x8;
	s21 =	sadd.s32 s4, s1;
	[smem:$0x7FC] =	sst s31  }
0x10: {  	s20 =	sshrl.u32 s8, $0x3;
	s3 =	sadd.s32 s5, s22;
	[smem:$0x7F0] =	sst s21  }
0x11: {  	s2 =	sor.u32 $0x2, s20;
	s23 =	sadd.s32 s6, s1;
	[smem:$0x7F1] =	sst s3  }
0x12: {  	s1 =	sadd.s32 s7, s1;
	s0 =	smax.u32 s0, $0x1;
	[smem:$0x7F2] =	sst s23  }
0x13: {  	s24 =	sshll.u32 s2, $0x7;
	[smem:$0x7F3] =	sst s1;
	s26 =	sshll.u32 s2, $0xB  }
.Ltmp0:
0x14: {  	[smem:$0x7FD] =	sst s0;
	s25 =	sadd.s32 s4, s24;
	(pc) =	sbr.rel .LBB2_1-.Ltmp0, $4  }
0x15: {  	s1 =	sadd.s32 s5, s26;
	[smem:$0x7F4] =	sst s25  }
0x16: {  	s28 =	sadd.s32 s6, s24;
	[smem:$0x7F5] =	sst s1  }
0x17: {  	v0 =	vimm.s32 $0xFFFFFFFF;
	v1 =	vimm.f32 $0.0e+00;
	vm0 =	vmxor vm0, vm0;
	s29 =	sadd.s32 s7, s24;
	[smem:$0x7F7] =	sst s28  }
0x18: {  	vm1 =	vmmov $0xf;
	v2 =	vimm.s32 $0x0;
	v3 =	vimm.f32 $1.000000000e+00;
	[smem:$0x7F9] =	sst s29;
	s25 =	simm.s32 $0x15000;
	s1 =	simm.s32 $0x0  }
.LBB2_30:
0x19: {  	s1 =	sld [smem:$0x7EB]  }
0x1a: {  	s0 =	sld [smem:$0x7FD];
	_ =	sdelay $0x1  }
0x1b: {  	s1 =	sadd.s32 $0x1, s1  }
0x1c: {  	p0 =	sne.s32 s1, s0  }
.Ltmp1:
0x1d: {  	_ = 	snop;
	(pc) =	sbr.rel @!p0 .LBB2_31-.Ltmp1, $1  }
0x1e: {  	_ =	sdelay $0x3  }
.LBB2_1:
0x1f: {  	[smem:$0x7EB] =	sst s1;
	s0 =	simm.s32 $0x40;
	s1 =	simm.s32 $0x0  }
.LBB2_2:
0x20: {  	p0 =	sne.s32 s0, $0x7FC0;
	[tilespmem:s1+$0x15000] =	vst v0;
	s1 =	smov.u32 s0;
	s0 =	sadd.s32 $0x40, s0  }
.Ltmp2:
0x21: {  	(pc) =	sbr.rel @p0 .LBB2_2-.Ltmp2, $2  }
0x22: {  	_ =	sdelay $0x2  }
0x23: {  	s1 =	sshra.s32 s1, $0x2  }
0x24: {  	s0 =	sld [smem:$0x7F0];
	_ =	sdelay $0x1  }
0x25: {  	[tilespmem:s1+$0x15000] =	vst v0;
	s2 =	simm.s32 $0x0;
	s16 =	sld [smem:$0x7F1]  }
0x26: {  	[tilespmem:s2], [sflag:$0x1] =	stream.linear.gather [hbm4b:s0+s2], $0x800, $0x38;
	[tilespmem:$0x19000] =	vst v63  }
0x27: {  	s17 =	simm.s32 $0x800;
	s18 =	sld [smem:$0x7F2]  }
0x28: {  	[tilespmem:s17], [sflag:$0x1] =	stream.linear.gather [hbm4b:s16+s2], $0x8000, $0x38;
	[tilespmem:$0x19000] =	vst v63  }
0x29: {  	s19 =	simm.s32 $0x8800;
	s20 =	sld [smem:$0x7F3]  }
0x2a: {  	[tilespmem:s19], [sflag:$0x1] =	stream.linear.gather [hbm4b:s18+s2], $0x800, $0x38;
	[tilespmem:$0x19000] =	vst v63  }
0x2b: {  	s21 =	simm.s32 $0x9000;
	s22 =	sld [smem:$0x7F4]  }
0x2c: {  	[tilespmem:s21], [sflag:$0x1] =	stream.linear.gather [hbm4b:s20+s2], $0x800, $0x38;
	[tilespmem:$0x19000] =	vst v63  }
0x2d: {  	s23 =	simm.s32 $0x9800;
	s24 =	sld [smem:$0x7F5]  }
0x2e: {  	[tilespmem:s23], [sflag:$0x2] =	stream.linear.gather [hbm4b:s22+s2], $0x800, $0x38;
	[tilespmem:$0x19000] =	vst v63  }
0x2f: {  	s26 =	simm.s32 $0xA000;
	s28 =	sld [smem:$0x7F7]  }
0x30: {  	[tilespmem:s26], [sflag:$0x2] =	stream.linear.gather [hbm4b:s24+s2], $0x8000, $0x38;
	[tilespmem:$0x19000] =	vst v63  }
0x31: {  	s29 =	simm.s32 $0x12000;
	s30 =	sld [smem:$0x7F9]  }
0x32: {  	[tilespmem:s29], [sflag:$0x2] =	stream.linear.gather [hbm4b:s28+s2], $0x800, $0x38;
	[tilespmem:$0x19000] =	vst v63  }
0x33: {  	s31 =	simm.s32 $0x12800  }
0x34: {  	[tilespmem:s31], [sflag:$0x2] =	stream.linear.gather [hbm4b:s30+s2], $0x800, $0x38;
	[tilespmem:$0x19000] =	vst v63  }
.LBB2_4:
0x35: {  	s1 =	simm.s32 $0x1  }
0x36: {  	_ =	swait.ge [sflag:s1], $0x800  }
0x37: {  	[sflag:s1] =	ssyncset.done $0x0  }
0x38: {  	[sflag:s1] =	ssyncadd.s32 $0xFFFFF800  }
0x39: {  	_ =	swait.ge [sflag:s1], $0x8000  }
0x3a: {  	[sflag:s1] =	ssyncset.done $0x0  }
0x3b: {  	[sflag:s1] =	ssyncadd.s32 $0xFFFF8000  }
0x3c: {  	_ =	swait.ge [sflag:s1], $0x800  }
0x3d: {  	[sflag:s1] =	ssyncset.done $0x0  }
0x3e: {  	[sflag:s1] =	ssyncadd.s32 $0xFFFFF800  }
0x3f: {  	_ =	swait.ge [sflag:s1], $0x800  }
.Ltmp3:
0x40: {  	s0 =	sld [smem:$0x7FB];
	(pc) =	sbr.rel .LBB2_5-.Ltmp3, $4  }
0x41: {  	s31 =	sshll.u32 s2, $0x5  }
0x42: {  	s7 =	simm.s32 $0x0;
	s8 =	simm.s32 $0x0;
	[smem:$0x7E8] =	sst s2  }
0x43: {  	[sflag:s1] =	ssyncset.done $0x0;
	[smem:$0x7E9] =	sst s31;
	s0 =	sor.u32 s0, s31  }
0x44: {  	s9 =	simm.s32 $0x0;
	[sflag:s1] =	ssyncadd.s32 $0xFFFFF800;
	[smem:$0x7EA] =	sst s0  }
.LBB2_15:
0x45: {  	s9 =	sadd.s32 $0x1, s9  }
0x46: {  	p0 =	sne.s32 s9, $0x10  }
.Ltmp4:
0x47: {  	_ = 	snop;
	(pc) =	sbr.rel @!p0 .LBB2_16-.Ltmp4, $3  }
0x48: {  	_ =	sdelay $0x1  }
0x49: {  	[tilespmem:v4+s25+$0x0] =	vst.idx.msk $0xffff, v0  }
0x4a: {  	s8 =	sadd.s32 $0x800, s8;
	s7 =	sadd.s32 $0x1, s7;
	[tilespmem:v5+s25+$0x0] =	vst.idx.msk $0xf, v0  }
.LBB2_5:
0x4b: {  	s18 =	sshll.u32 s9, $0x7  }
0x4c: {  	v8 =	vld [tilespmem:s18+$0x8800];
	_ =	sdelay $0x1  }
0x4d: {  	v6 =	vld [tilespmem:s18+$0x8810];
	_ =	sdelay $0x2  }
0x4e: {  	v4 =	vand.u32 $0x1FFF, v8  }
0x4f: {  	[tilespmem:s18+$0x13800] =	vst v1;
	v9 =	vld [tilespmem:s18+$0x9000]  }
0x50: {  	[tilespmem:s18+$0x13810] =	vst v1;
	v5 =	vand.u32 $0x1FFF, v6  }
0x51: {  	[tilespmem:s18+$0x14000] =	vst v1;
	v7 =	vld [tilespmem:s18+$0x9010]  }
0x52: {  	[tilespmem:s18+$0x14010] =	vst v1  }
0x53: {  	s12 =	simm.s32 $0x17000;
	[tilespmem:v4+s25+$0x0] =	vst.idx.msk $0xffff, v8  }
0x54: {  	[tilespmem:v4+s12+$0x0] =	vst.idx.msk $0xffff, v9  }
0x55: {  	[tilespmem:v5+s25+$0x0] =	vst.idx.msk $0xf, v6  }
0x56: {  	[tilespmem:v5+s12+$0x0] =	vst.idx.msk $0xf, v7  }
0x57: {  	v14 =	vld [tilespmem:s18+$0x0];
	_ =	sdelay $0x4  }
0x58: {  	v10 =	vand.u32 $0x1FFF, v14;
	_ =	sdelay $0x2  }
0x59: {  	v15 =	vld [tilespmem:s18+$0x10];
	_ =	sdelay $0x1  }
0x5a: {  	v16 =	vld.idx.msk [tilespmem:v10+s25+$0x0], $0xffff  }
0x5b: {  	v17 =	vld.idx.msk [tilespmem:v10+s12+$0x0], $0xffff;
	_ =	sdelay $0x1  }
0x5c: {  	v11 =	vld.idx.msk [tilespmem:v4+s12+$0x0], $0xffff;
	v18 =	vand.u32 $0x1FFF, v15  }
0x5d: {  	v12 =	vld.idx.msk [tilespmem:v5+s25+$0x0], $0xffff  }
0x5e: {  	v13 =	vld.idx.msk [tilespmem:v5+s12+$0x0], $0xffff;
	vm2 =	veq.s32 v16, v14  }
0x5f: {  	v16 =	vld [tilespmem:s18+$0x20];
	v14 =	vnsel vm2, $0x0, v17  }
0x60: {  	v10 =	vld.idx.msk [tilespmem:v4+s25+$0x0], $0xffff;
	[tilespmem:s18+$0x13000] =	vst v14  }
0x61: {  	v14 =	vld.idx.msk [tilespmem:v18+s25+$0x0], $0xffff  }
0x62: {  	v17 =	vld.idx.msk [tilespmem:v18+s12+$0x0], $0xffff;
	_ =	sdelay $0x1  }
0x63: {  	v18 =	vand.u32 $0x1FFF, v16;
	_ =	sdelay $0x1  }
0x64: {  	vm2 =	veq.s32 v14, v15  }
0x65: {  	v15 =	vld [tilespmem:s18+$0x30];
	v14 =	vnsel vm2, $0x0, v17  }
0x66: {  	[tilespmem:s18+$0x13010] =	vst v14  }
0x67: {  	v14 =	vld.idx.msk [tilespmem:v18+s25+$0x0], $0xffff  }
0x68: {  	v17 =	vld.idx.msk [tilespmem:v18+s12+$0x0], $0xffff;
	_ =	sdelay $0x1  }
0x69: {  	v18 =	vand.u32 $0x1FFF, v15;
	_ =	sdelay $0x1  }
0x6a: {  	vm2 =	veq.s32 v14, v16  }
0x6b: {  	v16 =	vld [tilespmem:s18+$0x40];
	v14 =	vnsel vm2, $0x0, v17  }
0x6c: {  	[tilespmem:s18+$0x13020] =	vst v14  }
0x6d: {  	v14 =	vld.idx.msk [tilespmem:v18+s25+$0x0], $0xffff  }
0x6e: {  	v17 =	vld.idx.msk [tilespmem:v18+s12+$0x0], $0xffff;
	_ =	sdelay $0x1  }
0x6f: {  	v18 =	vand.u32 $0x1FFF, v16  }
0x70: {  	[smem:$0x7DB] =	sst s8  }
0x71: {  	s0 =	sshll.u32 s8, $0x2;
	[smem:$0x7DC] =	sst s7;
	vm2 =	veq.s32 v14, v15  }
0x72: {  	s1 =	sand.u32 $0x7, s7;
	[smem:$0x7DD] =	sst s9;
	s23 =	sshll.u32 s9, $0xB;
	v15 =	vld [tilespmem:s18+$0x50];
	v14 =	vnsel vm2, $0x0, v17  }
0x73: {  	s24 =	simm.s32 $0xB80;
	s7 =	simm.s32 $0x170;
	s17 =	simm.s32 $0x980;
	[tilespmem:s18+$0x13030] =	vst v14  }
0x74: {  	s15 =	simm.s32 $0x880;
	s19 =	simm.s32 $0x580;
	s20 =	simm.s32 $0x500;
	v14 =	vld.idx.msk [tilespmem:v18+s25+$0x0], $0xffff  }
0x75: {  	s22 =	simm.s32 $0x480;
	s26 =	simm.s32 $0x180;
	s28 =	simm.s32 $0x100;
	v17 =	vld.idx.msk [tilespmem:v18+s12+$0x0], $0xffff  }
0x76: {  	s29 =	simm.s32 $0x0;
	s2 =	simm.s32 $0xA00;
	s3 =	simm.s32 $0xA80  }
0x77: {  	s4 =	simm.s32 $0xB00;
	s5 =	simm.s32 $0x680;
	s6 =	simm.s32 $0x700;
	v18 =	vand.u32 $0x1FFF, v15  }
0x78: {  	s8 =	simm.s32 $0x780;
	s9 =	simm.s32 $0x380;
	s10 =	simm.s32 $0x600  }
0x79: {  	s0 =	sand.u32 $0xFFFF0000, s0;
	s1 =	sshll.u32 s1, $0x9;
	s16 =	sand.u32 $0x380, s18;
	vm2 =	veq.s32 v14, v16  }
0x7a: {  	s11 =	sand.u32 $0x70, s7;
	s13 =	sand.u32 $0x3FFFFC00, s29;
	s4 =	sand.u32 $0xFC00, s4;
	v16 =	vld [tilespmem:s18+$0x60];
	v14 =	vnsel vm2, $0x0, v17  }
0x7b: {  	s3 =	sand.u32 $0xFC00, s3;
	s2 =	sand.u32 $0xFC00, s2;
	s31 =	sand.u32 $0xFC00, s6;
	[tilespmem:s18+$0x13040] =	vst v14  }
0x7c: {  	s19 =	sand.u32 $0x3FFFFC00, s19;
	[smem:$0x7E6] =	sst s18;
	s0 =	sor.u32 s1, s0;
	v14 =	vld.idx.msk [tilespmem:v18+s25+$0x0], $0xffff  }
0x7d: {  	s1 =	sand.u32 $0x4000, s23;
	s23 =	simm.s32 $0x900;
	[smem:$0x7DE] =	sst s16;
	v17 =	vld.idx.msk [tilespmem:v18+s12+$0x0], $0xffff  }
0x7e: {  	v19 =	vmov s16;
	s16 =	sand.u32 $0x3FFFFC00, s17;
	s0 =	sshrl.u32 s0, $0x2;
	s21 =	sor.u32 $0x800, s1  }
0x7f: {  	s1 =	simm.s32 $0x160;
	s14 =	sor.u32 $0x800, s0;
	s0 =	sand.u32 $0xFC00, s24;
	v18 =	vand.u32 $0x1FFF, v16  }
0x80: {  	s4 =	sadd.s32 s4, s21;
	s0 =	sadd.s32 s0, s21;
	s6 =	sadd.s32 s19, s14  }
0x81: {  	s19 =	sand.u32 $0xFC00, s5;
	s5 =	sand.u32 $0xFC00, s10;
	s10 =	simm.s32 $0x480;
	vm2 =	veq.s32 v14, v15  }
0x82: {  	s24 =	sadd.s32 s11, s0;
	s11 =	simm.s32 $0x150;
	[dreg:$0x11] =	wrdreg s5;
	v14 =	vnsel vm2, $0x0, v17  }
0x83: {  	s3 =	sadd.s32 s3, s21;
	[dreg:$0x9] =	wrdreg s10;
	s0 =	sand.u32 $0x70, s11;
	[tilespmem:s18+$0x13050] =	vst v14  }
0x84: {  	s11 =	sand.u32 $0xFC00, s8;
	s8 =	simm.s32 $0x880;
	s0 =	sadd.s32 s0, s3;
	v14 =	vld.idx.msk [tilespmem:v18+s25+$0x0], $0xffff  }
0x85: {  	[dreg:$0x3] =	wrdreg s8;
	v15 =	vld.idx.msk [tilespmem:v18+s12+$0x0], $0xffff;
	s12 =	sand.u32 $0x70, s1;
	s1 =	sand.u32 $0x3FFFFC00, s23  }
0x86: {  	s4 =	sadd.s32 s12, s4;
	s3 =	sadd.s32 s1, s14;
	s12 =	sand.u32 $0x3FFFFC00, s15  }
0x87: {  	s15 =	simm.s32 $0x580;
	s1 =	sand.u32 $0x3FFFFC00, s20;
	s20 =	simm.s32 $0x180  }
0x88: {  	s8 =	sadd.s32 s12, s14;
	[dreg:$0x5] =	wrdreg s15;
	s12 =	sand.u32 $0x3FFFFC00, s22  }
0x89: {  	[dreg:$0xc] =	wrdreg s20;
	s22 =	sand.u32 $0x3FFFFC00, s26;
	s26 =	simm.s32 $0x100;
	vm2 =	veq.s32 v14, v16  }
0x8a: {  	s16 =	sadd.s32 s16, s14;
	s15 =	sadd.s32 s12, s14;
	[dreg:$0xd] =	wrdreg s26;
	v14 =	vnsel vm2, $0x0, v15  }
0x8b: {  	s5 =	sadd.s32 s22, s14;
	s12 =	simm.s32 $0x80;
	s22 =	simm.s32 $0x80;
	[tilespmem:s18+$0x13060] =	vst v14  }
0x8c: {  	[dreg:$0x10] =	wrdreg s22;
	s26 =	sand.u32 $0x3FFFFC00, s12;
	s12 =	sor.u32 $0x20, s18;
	v14 =	vld.idx.msk [tilespmem:v19+s24+$0x0 ss:$0x1], $0xffff  }
0x8d: {  	s13 =	sadd.s32 s13, s14;
	s22 =	sor.u32 $0x50, s18;
	[smem:$0x7E2] =	sst s12;
	v16 =	vld [tilespmem:s16+$0x30]  }
0x8e: {  	s10 =	simm.s32 $0x280;
	s20 =	simm.s32 $0x140;
	[smem:$0x7E5] =	sst s22;
	v17 =	vld [tilespmem:s3+$0x20]  }
0x8f: {  	s22 =	simm.s32 $0x70;
	s24 =	simm.s32 $0x500;
	s3 =	sadd.s32 s1, s14;
	v18 =	vld [tilespmem:s8+$0x10]  }
0x90: {  	s16 =	simm.s32 $0x300;
	s1 =	sand.u32 $0x3FFFFC00, s28;
	v24 =	vld [tilespmem:s15+$0x10];
	s15 =	simm.s32 $0x200  }
0x91: {  	v27 =	vld [tilespmem:s5+$0x30];
	s28 =	sand.u32 $0x70, s20;
	s5 =	sadd.s32 $0x14000, s18;
	s20 =	sor.u32 $0x40, s18  }
0x92: {  	v21 =	vld.idx.msk [tilespmem:v19+s4+$0x0 ss:$0x1], $0xffff;
	s4 =	simm.s32 $0x1800;
	[dreg:$0x7] =	wrdreg s24;
	s24 =	sand.u32 $0xFC00, s9  }
0x93: {  	v22 =	vld [tilespmem:s6+$0x30];
	s30 =	sand.u32 $0xFC00, s16;
	s6 =	sadd.s32 s1, s14;
	s16 =	sand.u32 $0xFC00, s10  }
0x94: {  	v15 =	vld [tilespmem:s13+$0xC00];
	s10 =	sand.u32 $0xFC00, s15;
	s1 =	simm.s32 $0xF0;
	[smem:$0x7E1] =	sst s5  }
0x95: {  	v20 =	vld [tilespmem:s13+$0x800];
	s9 =	sadd.s32 s2, s21;
	s2 =	sadd.s32 $0x13800, s18;
	[smem:$0x7E4] =	sst s20  }
0x96: {  	v23 =	vld [tilespmem:s3+$0x20];
	s3 =	sor.u32 $0x10, s18;
	s15 =	sor.u32 $0x30, s18;
	[smem:$0x7DF] =	sst s2  }
0x97: {  	s20 =	simm.s32 $0xE0;
	v29 =	vld [tilespmem:s6+$0x20];
	s6 =	sadd.s32 s26, s14;
	[smem:$0x7E0] =	sst s3  }
0x98: {  	v25 =	vld [tilespmem:s13+$0x400];
	s8 =	sand.u32 $0x70, s1;
	[smem:$0x7E3] =	sst s15;
	s26 =	sor.u32 $0x60, s18  }
0x99: {  	v30 =	vld [tilespmem:s13+$0x0];
	s15 =	simm.s32 $0xD0;
	s3 =	simm.s32 $0xC0;
	s18 =	simm.s32 $0x40  }
0x9a: {  	vm2 =	vmmov vm0;
	[smem:$0x7E7] =	sst s26;
	v32 =	vld [tilespmem:s6+$0x10];
	s6 =	simm.s32 $0x60;
	s26 =	simm.s32 $0x50  }
.LBB2_6:
0x9b: {  	s12 =	sadd.s32 s11, s21;
	s9 =	sadd.s32 s28, s9;
	v26 =	vld.idx.msk [tilespmem:v19+s0+$0x0 ss:$0x1], $0xffff;
	s11 =	sand.u32 $0x70, s18  }
0x9c: {  	s10 =	sadd.s32 s10, s21;
	s13 =	sand.u32 $0x70, s26;
	s8 =	sadd.s32 s8, s12;
	v28 =	vld.idx.msk [tilespmem:v19+s9+$0x0 ss:$0x1], $0xffff  }
0x9d: {  	s16 =	sadd.s32 s16, s21;
	s6 =	sand.u32 $0x70, s6;
	s0 =	sadd.s32 s11, s10;
	v31 =	vld.idx.msk [tilespmem:v19+s8+$0x0 ss:$0x1], $0xffff  }
0x9e: {  	s26 =	sadd.s32 s30, s21;
	s2 =	sand.u32 $0x70, s22;
	s18 =	sadd.s32 s13, s16;
	v33 =	vld.idx.msk [tilespmem:v19+s0+$0x0 ss:$0x1], $0xffff  }
0x9f: {  	s5 =	sadd.s32 s24, s21;
	s1 =	sadd.s32 s6, s26;
	s9 =	sand.u32 $0x70, s20;
	v34 =	vld.idx.msk [tilespmem:v19+s18+$0x0 ss:$0x1], $0xffff  }
0xa0: {  	v51 =	vand.u32 $0x1FFF, v22;
	s10 =	sadd.s32 s31, s21;
	s11 =	sand.u32 $0x70, s15;
	v36 =	vld.idx.msk [tilespmem:v19+s1+$0x0 ss:$0x1], $0xffff;
	s8 =	sadd.s32 s2, s5  }
0xa1: {  	v39 =	vand.u32 $0x1FFF, v29;
	s2 =	sadd.s32 s19, s21;
	s5 =	sadd.s32 s9, s10;
	s1 =	rddreg [dreg:$0x11];
	v38 =	vld.idx.msk [tilespmem:v19+s8+$0x0 ss:$0x1], $0xffff  }
0xa2: {  	s3 =	sand.u32 $0x70, s3;
	v41 =	vand.u32 $0x1FFF, v27;
	s12 =	sadd.s32 s1, s21;
	s0 =	sadd.s32 s11, s2;
	v40 =	vld.idx.msk [tilespmem:v19+s5+$0x0 ss:$0x1], $0xffff  }
0xa3: {  	v35 =	vand.u32 $0x1FFF, v30;
	s13 =	sadd.s32 s3, s12;
	v42 =	vld.idx.msk [tilespmem:v19+s0+$0x0 ss:$0x1], $0xffff  }
0xa4: {  	v37 =	vand.u32 $0x1FFF, v32;
	v44 =	vld.idx.msk [tilespmem:v19+s13+$0x0 ss:$0x1], $0xffff  }
0xa5: {  	v50 =	vand.u32 $0x1FFF, v23;
	v56 =	vld.idx.msk [tilespmem:v51+s25+$0x0], $0xffff  }
0xa6: {  	v59 =	vand.u32 $0x1FFF, v17;
	v39 =	vld.idx.msk [tilespmem:v39+s25+$0x0], $0xffff  }
0xa7: {  	s15 =	rddreg [dreg:$0x3];
	v48 =	vand.u32 $0x1FFF, v25;
	v41 =	vld.idx.msk [tilespmem:v41+s25+$0x0], $0xffff  }
0xa8: {  	s16 =	rddreg [dreg:$0x5];
	v49 =	vand.u32 $0x1FFF, v24;
	v35 =	vld.idx.msk [tilespmem:v35+s25+$0x0], $0xffff  }
0xa9: {  	p0 =	sne.s32 s4, $0x3D80;
	s7 =	sadd.s32 $0x190, s7;
	s31 =	rddreg [dreg:$0xc];
	v43 =	vand.u32 $0x1FFF, v33;
	v37 =	vld.idx.msk [tilespmem:v37+s25+$0x0], $0xffff  }
0xaa: {  	s14 =	sadd.s32 $0x10, s14;
	s17 =	sadd.s32 $0xC80, s17;
	s20 =	rddreg [dreg:$0xd];
	v45 =	vand.u32 $0x1FFF, v34;
	v54 =	vld.idx.msk [tilespmem:v50+s25+$0x0], $0xffff  }
0xab: {  	s23 =	sadd.s32 $0xC80, s23;
	s22 =	sand.u32 $0xFC00, s4;
	s18 =	rddreg [dreg:$0x7];
	v46 =	vand.u32 $0x1FFF, v36;
	v62 =	vld.idx.msk [tilespmem:v59+s25+$0x0], $0xffff  }
0xac: {  	s28 =	sadd.s32 $0xC80, s29;
	s30 =	sadd.s32 $0xFFFFF780, s4;
	s19 =	rddreg [dreg:$0x9];
	v47 =	vand.u32 $0x1FFF, v38;
	vm9 =	veq.s32 v39, v29;
	v29 =	vld.idx.msk [tilespmem:v48+s25+$0x0], $0xffff  }
0xad: {  	s6 =	sadd.s32 $0xFFFFFA80, s4;
	v57 =	vand.u32 $0x1FFF, v20;
	s31 =	sadd.s32 $0xC80, s31;
	s10 =	rddreg [dreg:$0x10];
	vm10 =	veq.s32 v41, v27;
	v27 =	vld.idx.msk [tilespmem:v49+s25+$0x0], $0xffff  }
0xae: {  	s30 =	sand.u32 $0xFC00, s30;
	s11 =	sadd.s32 $0xFFFFF680, s4;
	[dreg:$0xc] =	wrdreg s31;
	v53 =	vand.u32 $0x1FFF, v40;
	v43 =	vld.idx.msk [tilespmem:v43+s25+$0x0], $0xffff  }
0xaf: {  	s26 =	sadd.s32 $0xC80, s18;
	s18 =	sadd.s32 $0xFFFFFFF0, s7;
	[dreg:$0x12] =	wrdreg s11;
	v55 =	vand.u32 $0x1FFF, v31;
	v45 =	vld.idx.msk [tilespmem:v45+s25+$0x0], $0xffff  }
0xb0: {  	v58 =	vand.u32 $0x1FFF, v18;
	s9 =	sand.u32 $0x70, s7;
	s1 =	sadd.s32 $0xC80, s15;
	[dreg:$0x16] =	wrdreg s18;
	v46 =	vld.idx.msk [tilespmem:v46+s25+$0x0], $0xffff;
	vm3 =	veq.s32 v35, v30;
	vm4 =	veq.s32 v37, v32  }
0xb1: {  	s15 =	sadd.s32 $0xC80, s16;
	s24 =	sadd.s32 $0xC80, s19;
	[dreg:$0x3] =	wrdreg s1;
	v52 =	vand.u32 $0x1FFF, v42;
	v30 =	vld.idx.msk [tilespmem:v47+s25+$0x0], $0xffff;
	vm3 =	vmor vm3, vm4  }
0xb2: {  	s5 =	sadd.s32 $0xC80, s20;
	s2 =	sadd.s32 $0xC80, s10;
	[dreg:$0x5] =	wrdreg s15;
	v47 =	vand.u32 $0x1FFF, v44;
	vm3 =	vmor vm3, vm9;
	vm9 =	veq.s32 v54, v23;
	v23 =	vld.idx.msk [tilespmem:v57+s25+$0x0], $0xffff  }
0xb3: {  	s20 =	sadd.s32 $0xFFFFFE80, s4;
	s8 =	sadd.s32 $0xFFFFFF80, s4;
	[dreg:$0x7] =	wrdreg s26;
	vm15 =	veq.s32 v29, v25;
	v25 =	vld.idx.msk [tilespmem:v53+s25+$0x0], $0xffff;
	v29 =	vand.u32 $0x1FFF, v16  }
0xb4: {  	s19 =	sadd.s32 $0xFFFFFB80, s4;
	s10 =	sadd.s32 $0xFFFFFC00, s4;
	[dreg:$0x9] =	wrdreg s24;
	vm8 =	veq.s32 v27, v24;
	v24 =	vld.idx.msk [tilespmem:v55+s25+$0x0], $0xffff;
	v27 =	vand.u32 $0x1FFF, v28  }
0xb5: {  	s16 =	sadd.s32 $0xFFFFF800, s4;
	s3 =	sadd.s32 $0xFFFFFF00, s4;
	[dreg:$0xd] =	wrdreg s5;
	v60 =	vand.u32 $0x1FFF, v26;
	vm3 =	vmor vm3, vm10;
	vm10 =	veq.s32 v56, v22;
	v22 =	vld.idx.msk [tilespmem:v58+s25+$0x0], $0xffff  }
0xb6: {  	s12 =	sadd.s32 $0xFFFFF700, s4;
	s18 =	sadd.s32 s22, s21;
	[dreg:$0x10] =	wrdreg s2;
	vm11 =	veq.s32 v43, v33;
	vm14 =	veq.s32 v30, v38;
	v30 =	vld.idx.msk [tilespmem:v52+s25+$0x0], $0xffff  }
0xb7: {  	v61 =	vand.u32 $0x1FFF, v21;
	s0 =	sand.u32 $0x3FFFFC00, s28;
	s22 =	sadd.s32 $0xFFFFFFE0, s7;
	[dreg:$0x14] =	wrdreg s12;
	vm12 =	veq.s32 v45, v34;
	vm3 =	vmor vm3, vm11;
	v32 =	vld.idx.msk [tilespmem:v47+s25+$0x0], $0xffff  }
0xb8: {  	v63 =	vand.u32 $0x1FFF, v14;
	s8 =	sand.u32 $0xFC00, s8;
	s26 =	sand.u32 $0x3FFFFC00, s26;
	[dreg:$0x1a] =	wrdreg s22;
	vm13 =	veq.s32 v46, v36;
	vm3 =	vmor vm3, vm12;
	v29 =	vld.idx.msk [tilespmem:v29+s25+$0x0], $0xffff  }
0xb9: {  	s13 =	sadd.s32 $0xFFFFFB00, s4;
	s12 =	sand.u32 $0x3FFFFC00, s17;
	[dreg:$0x18] =	wrdreg s8;
	vm3 =	vmor vm3, vm13;
	vm13 =	veq.s32 v25, v40;
	v25 =	vld.idx.msk [tilespmem:v27+s25+$0x0], $0xffff  }
0xba: {  	s29 =	sadd.s32 s0, s14;
	s22 =	sand.u32 $0x3FFFFC00, s23;
	s0 =	sadd.s32 $0xFFFFFFD0, s7;
	vm3 =	vmor vm3, vm14;
	vm14 =	veq.s32 v24, v31;
	v24 =	vld.idx.msk [tilespmem:v60+s25+$0x0], $0xffff  }
0xbb: {  	s8 =	sand.u32 $0xFC00, s3;
	s11 =	sadd.s32 s9, s18;
	s9 =	sand.u32 $0xFC00, s20;
	v27 =	vld [tilespmem:s29+$0xC00];
	vm12 =	veq.s32 v30, v42;
	v30 =	vand.u32 $0x1FFF, v15  }
0xbc: {  	s20 =	sadd.s32 $0xFFFFFF70, s7;
	s3 =	sadd.s32 $0xFFFFFF50, s7;
	s26 =	sadd.s32 s26, s14;
	vm3 =	vmor vm3, vm15;
	vm15 =	veq.s32 v23, v20;
	v20 =	vld.idx.msk [tilespmem:v61+s25+$0x0], $0xffff  }
0xbd: {  	s18 =	sadd.s32 $0xFFFFFED0, s7;
	s4 =	sadd.s32 $0xC80, s4;
	s22 =	sadd.s32 s22, s14;
	vm3 =	vmor vm3, vm8;
	vm8 =	veq.s32 v22, v18;
	v22 =	vld.idx.msk [tilespmem:v63+s25+$0x0], $0xffff  }
0xbe: {  	[dreg:$0x1c] =	wrdreg s8;
	s8 =	sadd.s32 $0xFFFFFF80, s7;
	s12 =	sadd.s32 s12, s14;
	vm3 =	vmor vm3, vm9;
	vm9 =	veq.s32 v62, v17;
	v17 =	vld [tilespmem:s22+$0x20]  }
0xbf: {  	s9 =	sadd.s32 s9, s21;
	s8 =	sand.u32 $0x70, s8;
	s22 =	sadd.s32 $0xFFFFFF00, s7;
	vm3 =	vmor vm3, vm10;
	vm10 =	veq.s32 v29, v16;
	v29 =	vld.idx.msk [tilespmem:v19+s11+$0x0 ss:$0x1], $0xffff  }
0xc0: {  	vm11 =	veq.s32 v32, v44;
	s11 =	sand.u32 $0xFC00, s10;
	v23 =	vld.idx.msk [tilespmem:v30+s25+$0x0], $0xffff;
	s25 =	sand.u32 $0x3FFFFC00, s1;
	s1 =	sand.u32 $0x3FFFFC00, s15  }
0xc1: {  	vm3 =	vmor vm3, vm11;
	v16 =	vld [tilespmem:s12+$0x30];
	s15 =	sadd.s32 $0xFFFFFF60, s7;
	s12 =	sadd.s32 s25, s14;
	s25 =	sand.u32 $0xFC00, s19  }
0xc2: {  	vm11 =	veq.s32 v25, v28;
	v25 =	vld [tilespmem:s29+$0x400];
	vm3 =	vmor vm3, vm12;
	s19 =	sand.u32 $0x3FFFFC00, s24;
	s10 =	sadd.s32 s1, s14;
	s24 =	sand.u32 $0xFC00, s16  }
0xc3: {  	vm3 =	vmor vm3, vm13;
	s1 =	sand.u32 $0x3FFFFC00, s31;
	v18 =	vld [tilespmem:s12+$0x10];
	s12 =	sand.u32 $0xFC00, s13;
	s13 =	sand.u32 $0xFC00, s6  }
0xc4: {  	vm13 =	veq.s32 v20, v21;
	v20 =	vld [tilespmem:s29+$0x800];
	vm3 =	vmor vm3, vm14;
	s16 =	sadd.s32 s1, s14;
	s1 =	sand.u32 $0x3FFFFC00, s2;
	s2 =	rddreg [dreg:$0x1c]  }
0xc5: {  	v30 =	vld [tilespmem:s29+$0x0];
	s29 =	smov.u32 s28;
	s28 =	sand.u32 $0x70, s0;
	vm3 =	vmor vm3, vm15;
	[dreg:$0x11] =	wrdreg s13  }
0xc6: {  	s19 =	sadd.s32 s19, s14;
	vm3 =	vmor vm3, vm8;
	s13 =	sand.u32 $0x3FFFFC00, s5;
	s5 =	rddreg [dreg:$0x14]  }
0xc7: {  	vm12 =	veq.s32 v24, v26;
	v24 =	vld [tilespmem:s19+$0x10];
	s19 =	smov.u32 s23;
	s23 =	smov.u32 s17;
	s17 =	rddreg [dreg:$0x1a];
	vm3 =	vmor vm3, vm9  }
0xc8: {  	vm14 =	veq.s32 v22, v14;
	v22 =	vld [tilespmem:s10+$0x30];
	s6 =	sadd.s32 $0xFFFFFEF0, s7;
	s10 =	sadd.s32 s13, s14;
	s13 =	rddreg [dreg:$0x12];
	vm3 =	vmor vm3, vm10  }
0xc9: {  	s1 =	sadd.s32 s1, s14;
	vm15 =	veq.s32 v23, v15;
	v15 =	vmov v27;
	v27 =	vld [tilespmem:s16+$0x30];
	s16 =	sand.u32 $0xFC00, s5;
	s5 =	rddreg [dreg:$0x16];
	vm3 =	vmor vm3, vm11  }
.Ltmp5:
0xca: {  	v14 =	vmov v29;
	v29 =	vld [tilespmem:s10+$0x20];
	s10 =	sand.u32 $0xFC00, s13;
	s13 =	rddreg [dreg:$0x18];
	vm3 =	vmor vm3, vm12;
	(pc) =	sbr.rel @p0 .LBB2_6-.Ltmp5, $4  }
0xcb: {  	s17 =	sand.u32 $0x70, s17;
	v32 =	vld [tilespmem:s1+$0x10];
	s31 =	sand.u32 $0x70, s5;
	s0 =	sadd.s32 s13, s21;
	vm3 =	vmor vm3, vm13  }
0xcc: {  	s1 =	sadd.s32 s2, s21;
	v23 =	vld [tilespmem:s26+$0x20];
	s26 =	sadd.s32 $0xFFFFFEE0, s7;
	s5 =	sadd.s32 s31, s0;
	vm3 =	vmor vm3, vm14  }
0xcd: {  	s31 =	smov.u32 s25;
	s25 =	simm.s32 $0x15000;
	s0 =	sadd.s32 s17, s1;
	vm3 =	vmor vm3, vm15  }
0xce: {  	s17 =	smov.u32 s23;
	s23 =	smov.u32 s19;
	s19 =	smov.u32 s12;
	v21 =	vld.idx.msk [tilespmem:v19+s5+$0x0 ss:$0x1], $0xffff;
	vm2 =	vmor vm2, vm3  }
0xcf: {  	_ =	sdelay $0x3  }
0xd0: {  	s1 =	sadd.s32 s11, s21;
	s4 =	sadd.s32 s28, s9;
	v26 =	vld.idx.msk [tilespmem:v19+s0+$0x0 ss:$0x1], $0xffff;
	s11 =	sand.u32 $0x70, s18  }
0xd1: {  	s7 =	sadd.s32 s10, s21;
	s12 =	sand.u32 $0x70, s26;
	s1 =	sadd.s32 s8, s1;
	v28 =	vld.idx.msk [tilespmem:v19+s4+$0x0 ss:$0x1], $0xffff  }
0xd2: {  	s13 =	sadd.s32 s16, s21;
	s16 =	sand.u32 $0x70, s6;
	s0 =	sadd.s32 s11, s7;
	v31 =	vld.idx.msk [tilespmem:v19+s1+$0x0 ss:$0x1], $0xffff  }
0xd3: {  	s17 =	sadd.s32 s30, s21;
	s22 =	sand.u32 $0x70, s22;
	s14 =	sadd.s32 s12, s13;
	v33 =	vld.idx.msk [tilespmem:v19+s0+$0x0 ss:$0x1], $0xffff  }
0xd4: {  	s23 =	sadd.s32 s24, s21;
	s26 =	sand.u32 $0x70, s20;
	s18 =	sadd.s32 s16, s17;
	v34 =	vld.idx.msk [tilespmem:v19+s14+$0x0 ss:$0x1], $0xffff  }
0xd5: {  	v35 =	vand.u32 $0x1FFF, v30;
	s28 =	sadd.s32 s31, s21;
	s29 =	sand.u32 $0x70, s15;
	s24 =	sadd.s32 s22, s23;
	v36 =	vld.idx.msk [tilespmem:v19+s18+$0x0 ss:$0x1], $0xffff  }
0xd6: {  	s2 =	sadd.s32 s19, s21;
	v39 =	vand.u32 $0x1FFF, v29;
	s30 =	rddreg [dreg:$0x11];
	v38 =	vld.idx.msk [tilespmem:v19+s24+$0x0 ss:$0x1], $0xffff;
	s1 =	sadd.s32 s26, s28  }
0xd7: {  	s3 =	sand.u32 $0x70, s3;
	v41 =	vand.u32 $0x1FFF, v27;
	s4 =	sadd.s32 s30, s21;
	s0 =	sadd.s32 s29, s2;
	v40 =	vld.idx.msk [tilespmem:v19+s1+$0x0 ss:$0x1], $0xffff  }
0xd8: {  	v47 =	vand.u32 $0x1FFF, v25;
	s31 =	sadd.s32 s3, s4;
	v42 =	vld.idx.msk [tilespmem:v19+s0+$0x0 ss:$0x1], $0xffff  }
0xd9: {  	v37 =	vand.u32 $0x1FFF, v32;
	v19 =	vld.idx.msk [tilespmem:v19+s31+$0x0 ss:$0x1], $0xffff  }
0xda: {  	v48 =	vand.u32 $0x1FFF, v24;
	v35 =	vld.idx.msk [tilespmem:v35+s25+$0x0], $0xffff  }
0xdb: {  	v49 =	vand.u32 $0x1FFF, v23;
	v39 =	vld.idx.msk [tilespmem:v39+s25+$0x0], $0xffff  }
0xdc: {  	v41 =	vld.idx.msk [tilespmem:v41+s25+$0x0], $0xffff;
	v43 =	vand.u32 $0x1FFF, v33  }
0xdd: {  	v57 =	vld.idx.msk [tilespmem:v47+s25+$0x0], $0xffff;
	v44 =	vand.u32 $0x1FFF, v34  }
0xde: {  	v37 =	vld.idx.msk [tilespmem:v37+s25+$0x0], $0xffff;
	v45 =	vand.u32 $0x1FFF, v36  }
0xdf: {  	v59 =	vld.idx.msk [tilespmem:v48+s25+$0x0], $0xffff;
	v46 =	vand.u32 $0x1FFF, v38  }
0xe0: {  	v50 =	vand.u32 $0x1FFF, v22;
	v61 =	vld.idx.msk [tilespmem:v49+s25+$0x0], $0xffff  }
0xe1: {  	v53 =	vand.u32 $0x1FFF, v26;
	v43 =	vld.idx.msk [tilespmem:v43+s25+$0x0], $0xffff  }
0xe2: {  	v62 =	vand.u32 $0x1FFF, v31;
	v49 =	vand.u32 $0x1FFF, v16;
	v44 =	vld.idx.msk [tilespmem:v44+s25+$0x0], $0xffff  }
0xe3: {  	v56 =	vand.u32 $0x1FFF, v19;
	vm3 =	veq.s32 v35, v30;
	vm4 =	veq.s32 v37, v32;
	v45 =	vld.idx.msk [tilespmem:v45+s25+$0x0], $0xffff  }
0xe4: {  	v58 =	vand.u32 $0x1FFF, v42;
	vm14 =	veq.s32 v39, v29;
	v55 =	vld.idx.msk [tilespmem:v46+s25+$0x0], $0xffff;
	vm3 =	vmor vm3, vm4  }
0xe5: {  	v63 =	vld.idx.msk [tilespmem:v50+s25+$0x0], $0xffff;
	v60 =	vand.u32 $0x1FFF, v40;
	vm15 =	veq.s32 v41, v27;
	vm3 =	vmor vm3, vm14  }
0xe6: {  	vm13 =	veq.s32 v59, v24;
	v59 =	vld.idx.msk [tilespmem:v53+s25+$0x0], $0xffff;
	vm3 =	vmor vm3, vm15;
	vm8 =	veq.s32 v43, v33  }
0xe7: {  	v47 =	vand.u32 $0x1FFF, v17;
	v50 =	vld.idx.msk [tilespmem:v62+s25+$0x0], $0xffff;
	vm9 =	veq.s32 v44, v34;
	vm3 =	vmor vm3, vm8  }
0xe8: {  	v29 =	vld.idx.msk [tilespmem:v49+s25+$0x0], $0xffff;
	v44 =	vand.u32 $0x1FFF, v20;
	vm10 =	veq.s32 v45, v36;
	vm3 =	vmor vm3, vm9  }
0xe9: {  	v32 =	vld.idx.msk [tilespmem:v56+s25+$0x0], $0xffff;
	v45 =	vand.u32 $0x1FFF, v18;
	vm11 =	veq.s32 v55, v38;
	vm3 =	vmor vm3, vm10  }
0xea: {  	v51 =	vand.u32 $0x1FFF, v28;
	vm12 =	veq.s32 v57, v25;
	v46 =	vld.idx.msk [tilespmem:v58+s25+$0x0], $0xffff;
	vm3 =	vmor vm3, vm11  }
0xeb: {  	v57 =	vand.u32 $0x1FFF, v14;
	v48 =	vld.idx.msk [tilespmem:v60+s25+$0x0], $0xffff;
	vm3 =	vmor vm3, vm12  }
0xec: {  	vm14 =	veq.s32 v61, v23;
	v56 =	vld.idx.msk [tilespmem:v47+s25+$0x0], $0xffff;
	v55 =	vand.u32 $0x1FFF, v21;
	vm3 =	vmor vm3, vm13  }
0xed: {  	vm15 =	veq.s32 v63, v22;
	v52 =	vld.idx.msk [tilespmem:v44+s25+$0x0], $0xffff;
	vm3 =	vmor vm3, vm14  }
0xee: {  	vm8 =	veq.s32 v32, v19;
	v54 =	vld.idx.msk [tilespmem:v45+s25+$0x0], $0xffff;
	vm3 =	vmor vm3, vm15  }
0xef: {  	vm5 =	vlt.f32 v13, v7;
	v58 =	vld.idx.msk [tilespmem:v51+s25+$0x0], $0xffff;
	vm9 =	veq.s32 v46, v42;
	vm3 =	vmor vm3, vm8  }
0xf0: {  	v61 =	vand.u32 $0x1FFF, v15;
	v62 =	vld.idx.msk [tilespmem:v57+s25+$0x0], $0xffff;
	vm10 =	veq.s32 v48, v40;
	vm3 =	vmor vm3, vm9  }
0xf1: {  	vm6 =	vgt.f32 v13, v7;
	vm11 =	veq.s32 v50, v31;
	v60 =	vld.idx.msk [tilespmem:v55+s25+$0x0], $0xffff;
	vm3 =	vmor vm3, vm10  }
0xf2: {  	vm7 =	vgt.f32 v11, v9;
	vm12 =	veq.s32 v52, v20;
	vm3 =	vmor vm3, vm11  }
0xf3: {  	vm5 =	vmor vm6, vm5;
	vm13 =	veq.s32 v54, v18;
	vm3 =	vmor vm3, vm12  }
0xf4: {  	vm14 =	veq.s32 v56, v17;
	vm15 =	veq.s32 v29, v16;
	vm3 =	vmor vm3, vm13  }
0xf5: {  	v63 =	vld.idx.msk [tilespmem:v61+s25+$0x0], $0xffff;
	vm8 =	veq.s32 v58, v28;
	vm9 =	veq.s32 v59, v26;
	vm3 =	vmor vm3, vm14  }
0xf6: {  	vm10 =	veq.s32 v60, v21;
	vm11 =	veq.s32 v62, v14;
	vm3 =	vmor vm3, vm15  }
0xf7: {  	vm12 =	vlt.f32 v11, v9;
	vm13 =	vne.s32 v12, v6;
	vm3 =	vmor vm3, vm8  }
0xf8: {  	vm4 =	vmor vm7, vm12;
	vm14 =	vne.s32 v10, v8;
	vm3 =	vmor vm3, vm9  }
0xf9: {  	vm5 =	vmor vm13, vm5;
	vm4 =	vmor vm14, vm4;
	vm3 =	vmor vm3, vm10  }
0xfa: {  	vm15 =	veq.s32 v63, v15;
	vm5 =	vmand vm5, vm1;
	vm3 =	vmor vm3, vm11  }
0xfb: {  	vm4 =	vmor vm4, vm5;
	vm3 =	vmor vm3, vm15  }
0xfc: {  	v10 =	vmpcnt.ones.xlane vm4;
	vm2 =	vmor vm2, vm3  }
0xfd: {  	v11 =	vmpcnt.ones.xlane vm2  }
0xfe: {  	(v2sf) =	vpush v10, $0x0  }
0xff: {  	(v2sf) =	vpush v11, $0x0;
	_ =	sdelay $0xd  }
0x100: {  	s0 =	spop (v2sf)  }
0x101: {  	p0 =	sne.s32 s0, $0x0;
	s1 =	spop (v2sf)  }
0x102: {  	p1 =	slt.s32 @!p0 s1, $0x1  }
0x103: {  	p0 =	por p0, p1  }
.Ltmp6:
0x104: {  	_ = 	snop;
	(pc) =	sbr.rel @p0 .LBB2_11-.Ltmp6, $1  }
0x105: {  	_ =	sdelay $0x3  }
0x106: {  	s0 =	sld [smem:$0x7EA]  }
0x107: {  	s9 =	sld [smem:$0x7DD];
	_ =	sdelay $0x1  }
0x108: {  	s2 =	sld [smem:$0x7EC]  }
0x109: {  	s0 =	sadd.s32 s0, s9;
	s1 =	sshll.u32 s9, $0x4  }
0x10a: {  	s24 =	simm.s32 $0x80;
	s0 =	sshll.u32 s0, $0x8;
	s1 =	sand.u32 $0x70, s1  }
0x10b: {  	s3 =	simm.s32 $0x400;
	s0 =	sand.u32 $0xFFFE800, s0;
	s1 =	sadd.s32 s2, s1  }
0x10c: {  	s4 =	simm.s32 $0x3;
	s0 =	sadd.s32 s0, s1;
	s1 =	simm.s32 $0x14800  }
0x10d: {  	[tilespmem:s1], [sflag:$0x3] =	stream.strided.gather [hbm4b:s0+s24], $0x800, s3, s24, $0x38;
	[tilespmem:$0x19000] =	vst v63  }
0x10e: {  	_ =	swait.ge [sflag:s4], $0x800  }
0x10f: {  	s29 =	sld [smem:$0x7DE]  }
0x110: {  	s26 =	simm.s32 $0x0  }
0x111: {  	s28 =	sand.u32 $0xF000, s26  }
0x112: {  	s3 =	sshrl.u32 s28, $0x2;
	s2 =	sadd.s32 s29, s21  }
0x113: {  	s0 =	sand.u32 $0x70, s26;
	[sflag:s4] =	ssyncset.done $0x0;
	s3 =	sadd.s32 s3, s2  }
0x114: {  	[sflag:s4] =	ssyncadd.s32 $0xFFFFF800;
	s0 =	sadd.s32 s0, s3  }
0x115: {  	v6 =	vld [tilespmem:s0+$0x0];
	_ =	sdelay $0x4  }
0x116: {  	v7 =	vand.u32 $0x1FFF, v6;
	_ =	sdelay $0x4  }
0x117: {  	v7 =	vld.idx.msk [tilespmem:v7+s25+$0x0], $0xffff;
	_ =	sdelay $0x4  }
0x118: {  	vm3 =	veq.s32 v7, v6  }
0x119: {  	v6 =	vsel vm3, $0x1, v2  }
0x11a: {  	(xrf0) =	vadd.scan.msk.s32 $0xffff, v6;
	_ =	sdelay $0x5  }
0x11b: {  	v6 =	vimm.s32 $0x0;
	v7, _, _ =	vpop (xrf0)  }
0x11c: {  	v7 =	vadd.s32 v6, v7  }
0x11d: {  	vm2 =	vlt.s32 v7, $0x15  }
0x11e: {  	vm2 =	vmand vm3, vm2  }
0x11f: {  	v9 =	vld [tilespmem:s1+$0x0];
	v8 =	vadd.s32 $0xFFFFFFFF, v7  }
0x120: {  	s10 =	sld [smem:$0x7DF]  }
0x121: {  	s7 =	sld [smem:$0x7DC];
	s0 =	simm.s32 $0x200;
	v7 =	vmpcnt.ones.xlane vm3  }
0x122: {  	s8 =	sld [smem:$0x7DB];
	s30 =	sand.u32 $0xF000, s0  }
0x123: {  	s31 =	simm.s32 $0x10;
	s11 =	sld [smem:$0x7E1];
	s5 =	sshrl.u32 s30, $0x2;
	v7 =	vadd.s32 v6, v7  }
0x124: {  	s4 =	sand.u32 $0x70, s31;
	s3 =	simm.s32 $0x20;
	s5 =	sadd.s32 s5, s2;
	v6 =	vmov v7;
	[tilespmem:v8+s10+$0x0] =	vst.idx.msk vm2, v9  }
.LBB2_9:
0x125: {  	s4 =	sadd.s32 s4, s5  }
0x126: {  	[tilespmem:v8+s11+$0x0] =	vst.idx.msk vm2, v3;
	s1 =	sadd.s32 $0x10, s1;
	s5 =	smov.u32 s3;
	s6 =	sadd.s32 $0x10, s3  }
0x127: {  	p0 =	seq.s32 s3, $0x7C0;
	v8 =	vld [tilespmem:s4+$0x0];
	_ =	sdelay $0x4  }
0x128: {  	v9 =	vand.u32 $0x1FFF, v8;
	_ =	sdelay $0x4  }
0x129: {  	v9 =	vld.idx.msk [tilespmem:v9+s25+$0x0], $0xffff;
	_ =	sdelay $0x5  }
0x12a: {  	vm2 =	veq.s32 v9, v8  }
0x12b: {  	v8 =	vsel vm2, $0x1, v2;
	v9 =	vmpcnt.ones.xlane vm2  }
0x12c: {  	(xrf0) =	vadd.scan.msk.s32 $0xffff, v8  }
0x12d: {  	v7 =	vadd.s32 v7, v9;
	_ =	sdelay $0x4  }
0x12e: {  	v8, _, _ =	vpop (xrf0)  }
0x12f: {  	v8 =	vadd.s32 v6, v8;
	v6 =	vmov v7  }
0x130: {  	vm3 =	vlt.s32 v8, $0x15  }
0x131: {  	vm2 =	vmand vm2, vm3  }
0x132: {  	v8 =	vadd.s32 $0xFFFFFFFF, v8;
	v9 =	vld [tilespmem:s1+$0x0]  }
.Ltmp7:
0x133: {  	(pc) =	sbr.rel @!p0 .LBB2_9-.Ltmp7, $4  }
0x134: {  	s0 =	sadd.s32 $0x200, s0  }
0x135: {  	s3 =	sand.u32 $0xF000, s0  }
0x136: {  	s3 =	sshrl.u32 s3, $0x2  }
0x137: {  	s4 =	sand.u32 $0x70, s5;
	s5 =	sadd.s32 s3, s2;
	s3 =	smov.u32 s6;
	[tilespmem:v8+s10+$0x0] =	vst.idx.msk vm2, v9  }
0x138: {  	_ =	sdelay $0x4  }
0x139: {  	s0 =	sadd.s32 s4, s5;
	[tilespmem:v8+s11+$0x0] =	vst.idx.msk vm2, v3  }
0x13a: {  	v7 =	vld [tilespmem:s0+$0x0];
	_ =	sdelay $0x4  }
0x13b: {  	v63 =	vand.u32 $0x1FFF, v7;
	_ =	sdelay $0x4  }
0x13c: {  	v8 =	vld.idx.msk [tilespmem:v63+s25+$0x0], $0xffff;
	_ =	sdelay $0x4  }
0x13d: {  	vm2 =	veq.s32 v8, v7  }
0x13e: {  	v7 =	vsel vm2, $0x1, v2  }
0x13f: {  	(xrf0) =	vadd.scan.msk.s32 $0xffff, v7;
	_ =	sdelay $0x5  }
0x140: {  	v7, _, _ =	vpop (xrf0)  }
0x141: {  	v6 =	vadd.s32 v6, v7  }
0x142: {  	vm3 =	vlt.s32 v6, $0x15  }
0x143: {  	s31 =	sadd.s32 $0x10, s1;
	vm2 =	vmand vm2, vm3  }
0x144: {  	v7 =	vld [tilespmem:s31+$0x0];
	v6 =	vadd.s32 $0xFFFFFFFF, v6;
	_ =	sdelay $0x1  }
.Ltmp8:
0x145: {  	_ = 	snop;
	(pc) =	sbr.rel .LBB2_15-.Ltmp8, $3  }
0x146: {  	_ =	sdelay $0x1  }
0x147: {  	[tilespmem:v6+s10+$0x0] =	vst.idx.msk vm2, v7  }
0x148: {  	[tilespmem:v6+s11+$0x0] =	vst.idx.msk vm2, v3  }
.LBB2_11:
0x149: {  	p0 =	slt.s32 s0, $0x1  }
.Ltmp9:
0x14a: {  	_ = 	snop;
	(pc) =	sbr.rel @p0 .LBB2_15-.Ltmp9, $4  }
0x14b: {  	s7 =	sld [smem:$0x7DC]  }
0x14c: {  	s9 =	sld [smem:$0x7DD]  }
0x14d: {  	s8 =	sld [smem:$0x7DB]  }
0x14e: {  	s10 =	sld [smem:$0x7DF]  }
0x14f: {  	s0 =	sld [smem:$0x7E6];
	_ =	sdelay $0x2  }
0x150: {  	v46 =	vld [tilespmem:s0+$0x0];
	_ =	sdelay $0x2  }
0x151: {  	v10 =	vbroadcast v8, $0x0  }
0x152: {  	v27 =	vbroadcast v9, $0x0;
	v11 =	vbroadcast v8, $0x1  }
0x153: {  	v28 =	vbroadcast v9, $0x1;
	vm2 =	veq.s32 v46, v10  }
0x154: {  	v12 =	vbroadcast v8, $0x2;
	v13 =	vnsel vm2, $0x0, v27;
	vm2 =	veq.s32 v46, v11  }
0x155: {  	v29 =	vbroadcast v9, $0x2;
	v15 =	vsel vm2, v28, v13;
	v13 =	vbroadcast v8, $0x3  }
0x156: {  	v30 =	vbroadcast v9, $0x3;
	v14 =	vbroadcast v8, $0x4;
	vm2 =	veq.s32 v46, v12  }
0x157: {  	v31 =	vbroadcast v9, $0x4;
	v15 =	vsel vm2, v29, v15;
	vm2 =	veq.s32 v46, v13  }
0x158: {  	v16 =	vsel vm2, v30, v15;
	vm2 =	veq.s32 v46, v14;
	v15 =	vbroadcast v8, $0x5  }
0x159: {  	v32 =	vbroadcast v9, $0x5;
	v18 =	vsel vm2, v31, v16;
	v16 =	vbroadcast v8, $0x6  }
0x15a: {  	v33 =	vbroadcast v9, $0x6;
	v17 =	vbroadcast v8, $0x7;
	vm2 =	veq.s32 v46, v15  }
0x15b: {  	v34 =	vbroadcast v9, $0x7;
	v18 =	vsel vm2, v32, v18;
	vm2 =	veq.s32 v46, v16  }
0x15c: {  	v19 =	vsel vm2, v33, v18;
	vm2 =	veq.s32 v46, v17;
	v18 =	vbroadcast v8, $0x8  }
0x15d: {  	v35 =	vbroadcast v9, $0x8;
	v21 =	vsel vm2, v34, v19;
	v19 =	vbroadcast v8, $0x9  }
0x15e: {  	v36 =	vbroadcast v9, $0x9;
	v20 =	vbroadcast v8, $0xA;
	vm2 =	veq.s32 v46, v18  }
0x15f: {  	v37 =	vbroadcast v9, $0xA;
	v21 =	vsel vm2, v35, v21;
	vm2 =	veq.s32 v46, v19  }
0x160: {  	v22 =	vsel vm2, v36, v21;
	vm2 =	veq.s32 v46, v20;
	v21 =	vbroadcast v8, $0xB  }
0x161: {  	v38 =	vbroadcast v9, $0xB;
	v24 =	vsel vm2, v37, v22;
	v22 =	vbroadcast v8, $0xC  }
0x162: {  	v39 =	vbroadcast v9, $0xC;
	v23 =	vbroadcast v8, $0xD;
	vm2 =	veq.s32 v46, v21  }
0x163: {  	v40 =	vbroadcast v9, $0xD;
	v24 =	vsel vm2, v38, v24;
	vm2 =	veq.s32 v46, v22  }
0x164: {  	v41 =	vbroadcast v9, $0xE;
	v25 =	vsel vm2, v39, v24;
	v24 =	vbroadcast v8, $0xE  }
0x165: {  	v42 =	vbroadcast v9, $0xF;
	vm2 =	veq.s32 v46, v23;
	v8 =	vbroadcast v8, $0xF  }
0x166: {  	v9 =	vbroadcast v6, $0x0;
	v25 =	vsel vm2, v40, v25;
	vm2 =	veq.s32 v46, v24  }
0x167: {  	v43 =	vbroadcast v7, $0x0;
	v25 =	vsel vm2, v41, v25;
	vm2 =	veq.s32 v46, v8  }
0x168: {  	v26 =	vsel vm2, v42, v25;
	vm2 =	veq.s32 v46, v9;
	v25 =	vbroadcast v6, $0x1  }
0x169: {  	v45 =	vbroadcast v7, $0x1;
	v47 =	vsel vm2, v43, v26;
	v26 =	vbroadcast v6, $0x2  }
0x16a: {  	v44 =	vbroadcast v7, $0x2;
	v6 =	vbroadcast v6, $0x3;
	vm2 =	veq.s32 v46, v25  }
0x16b: {  	v7 =	vbroadcast v7, $0x3;
	v47 =	vsel vm2, v45, v47;
	vm2 =	veq.s32 v46, v26  }
0x16c: {  	s16 =	sld [smem:$0x7E0];
	v47 =	vsel vm2, v44, v47;
	vm2 =	veq.s32 v46, v6  }
0x16d: {  	v46 =	vsel vm2, v7, v47  }
0x16e: {  	[tilespmem:s0+$0x13000] =	vst v46  }
0x16f: {  	v46 =	vld [tilespmem:s16+$0x0];
	_ =	sdelay $0x4  }
0x170: {  	vm2 =	veq.s32 v46, v10  }
0x171: {  	v59 =	vnsel vm2, $0x0, v27;
	vm2 =	veq.s32 v46, v11  }
0x172: {  	v47 =	vsel vm2, v28, v59;
	vm2 =	veq.s32 v46, v12  }
0x173: {  	v47 =	vsel vm2, v29, v47;
	vm2 =	veq.s32 v46, v13  }
0x174: {  	v47 =	vsel vm2, v30, v47;
	vm2 =	veq.s32 v46, v14  }
0x175: {  	v47 =	vsel vm2, v31, v47;
	vm2 =	veq.s32 v46, v15  }
0x176: {  	v47 =	vsel vm2, v32, v47;
	vm2 =	veq.s32 v46, v16  }
0x177: {  	v47 =	vsel vm2, v33, v47;
	vm2 =	veq.s32 v46, v17  }
0x178: {  	v47 =	vsel vm2, v34, v47;
	vm2 =	veq.s32 v46, v18  }
0x179: {  	v47 =	vsel vm2, v35, v47;
	vm2 =	veq.s32 v46, v19  }
0x17a: {  	v47 =	vsel vm2, v36, v47;
	vm2 =	veq.s32 v46, v20  }
0x17b: {  	v47 =	vsel vm2, v37, v47;
	vm2 =	veq.s32 v46, v21  }
0x17c: {  	v47 =	vsel vm2, v38, v47;
	vm2 =	veq.s32 v46, v22  }
0x17d: {  	v47 =	vsel vm2, v39, v47;
	vm2 =	veq.s32 v46, v23  }
0x17e: {  	v47 =	vsel vm2, v40, v47;
	vm2 =	veq.s32 v46, v24  }
0x17f: {  	v47 =	vsel vm2, v41, v47;
	vm2 =	veq.s32 v46, v8  }
0x180: {  	v47 =	vsel vm2, v42, v47;
	vm2 =	veq.s32 v46, v9  }
0x181: {  	v47 =	vsel vm2, v43, v47;
	vm2 =	veq.s32 v46, v25  }
0x182: {  	v47 =	vsel vm2, v45, v47;
	vm2 =	veq.s32 v46, v26  }
0x183: {  	s17 =	sld [smem:$0x7E2];
	v47 =	vsel vm2, v44, v47;
	vm2 =	veq.s32 v46, v6  }
0x184: {  	v46 =	vsel vm2, v7, v47  }
0x185: {  	[tilespmem:s16+$0x13000] =	vst v46  }
0x186: {  	v46 =	vld [tilespmem:s17+$0x0];
	_ =	sdelay $0x4  }
0x187: {  	vm2 =	veq.s32 v46, v10  }
0x188: {  	v60 =	vnsel vm2, $0x0, v27;
	vm2 =	veq.s32 v46, v11  }
0x189: {  	v47 =	vsel vm2, v28, v60;
	vm2 =	veq.s32 v46, v12  }
0x18a: {  	v47 =	vsel vm2, v29, v47;
	vm2 =	veq.s32 v46, v13  }
0x18b: {  	v47 =	vsel vm2, v30, v47;
	vm2 =	veq.s32 v46, v14  }
0x18c: {  	v47 =	vsel vm2, v31, v47;
	vm2 =	veq.s32 v46, v15  }
0x18d: {  	v47 =	vsel vm2, v32, v47;
	vm2 =	veq.s32 v46, v16  }
0x18e: {  	v47 =	vsel vm2, v33, v47;
	vm2 =	veq.s32 v46, v17  }
0x18f: {  	v47 =	vsel vm2, v34, v47;
	vm2 =	veq.s32 v46, v18  }
0x190: {  	v47 =	vsel vm2, v35, v47;
	vm2 =	veq.s32 v46, v19  }
0x191: {  	v47 =	vsel vm2, v36, v47;
	vm2 =	veq.s32 v46, v20  }
0x192: {  	v47 =	vsel vm2, v37, v47;
	vm2 =	veq.s32 v46, v21  }
0x193: {  	v47 =	vsel vm2, v38, v47;
	vm2 =	veq.s32 v46, v22  }
0x194: {  	v47 =	vsel vm2, v39, v47;
	vm2 =	veq.s32 v46, v23  }
0x195: {  	v47 =	vsel vm2, v40, v47;
	vm2 =	veq.s32 v46, v24  }
0x196: {  	v47 =	vsel vm2, v41, v47;
	vm2 =	veq.s32 v46, v8  }
0x197: {  	v47 =	vsel vm2, v42, v47;
	vm2 =	veq.s32 v46, v9  }
0x198: {  	v47 =	vsel vm2, v43, v47;
	vm2 =	veq.s32 v46, v25  }
0x199: {  	v47 =	vsel vm2, v45, v47;
	vm2 =	veq.s32 v46, v26  }
0x19a: {  	s18 =	sld [smem:$0x7E3];
	v47 =	vsel vm2, v44, v47;
	vm2 =	veq.s32 v46, v6  }
0x19b: {  	v46 =	vsel vm2, v7, v47  }
0x19c: {  	[tilespmem:s17+$0x13000] =	vst v46  }
0x19d: {  	v46 =	vld [tilespmem:s18+$0x0];
	_ =	sdelay $0x4  }
0x19e: {  	vm2 =	veq.s32 v46, v10  }
0x19f: {  	v61 =	vnsel vm2, $0x0, v27;
	vm2 =	veq.s32 v46, v11  }
0x1a0: {  	v47 =	vsel vm2, v28, v61;
	vm2 =	veq.s32 v46, v12  }
0x1a1: {  	v47 =	vsel vm2, v29, v47;
	vm2 =	veq.s32 v46, v13  }
0x1a2: {  	v47 =	vsel vm2, v30, v47;
	vm2 =	veq.s32 v46, v14  }
0x1a3: {  	v47 =	vsel vm2, v31, v47;
	vm2 =	veq.s32 v46, v15  }
0x1a4: {  	v47 =	vsel vm2, v32, v47;
	vm2 =	veq.s32 v46, v16  }
0x1a5: {  	v47 =	vsel vm2, v33, v47;
	vm2 =	veq.s32 v46, v17  }
0x1a6: {  	v47 =	vsel vm2, v34, v47;
	vm2 =	veq.s32 v46, v18  }
0x1a7: {  	v47 =	vsel vm2, v35, v47;
	vm2 =	veq.s32 v46, v19  }
0x1a8: {  	v47 =	vsel vm2, v36, v47;
	vm2 =	veq.s32 v46, v20  }
0x1a9: {  	v47 =	vsel vm2, v37, v47;
	vm2 =	veq.s32 v46, v21  }
0x1aa: {  	v47 =	vsel vm2, v38, v47;
	vm2 =	veq.s32 v46, v22  }
0x1ab: {  	v47 =	vsel vm2, v39, v47;
	vm2 =	veq.s32 v46, v23  }
0x1ac: {  	v47 =	vsel vm2, v40, v47;
	vm2 =	veq.s32 v46, v24  }
0x1ad: {  	v47 =	vsel vm2, v41, v47;
	vm2 =	veq.s32 v46, v8  }
0x1ae: {  	v47 =	vsel vm2, v42, v47;
	vm2 =	veq.s32 v46, v9  }
0x1af: {  	v47 =	vsel vm2, v43, v47;
	vm2 =	veq.s32 v46, v25  }
0x1b0: {  	v47 =	vsel vm2, v45, v47;
	vm2 =	veq.s32 v46, v26  }
0x1b1: {  	s19 =	sld [smem:$0x7E4];
	v47 =	vsel vm2, v44, v47;
	vm2 =	veq.s32 v46, v6  }
0x1b2: {  	v46 =	vsel vm2, v7, v47  }
0x1b3: {  	[tilespmem:s18+$0x13000] =	vst v46  }
0x1b4: {  	v46 =	vld [tilespmem:s19+$0x0];
	_ =	sdelay $0x4  }
0x1b5: {  	vm2 =	veq.s32 v46, v10  }
0x1b6: {  	v62 =	vnsel vm2, $0x0, v27;
	vm2 =	veq.s32 v46, v11  }
0x1b7: {  	v47 =	vsel vm2, v28, v62;
	vm2 =	veq.s32 v46, v12  }
0x1b8: {  	v47 =	vsel vm2, v29, v47;
	vm2 =	veq.s32 v46, v13  }
0x1b9: {  	v47 =	vsel vm2, v30, v47;
	vm2 =	veq.s32 v46, v14  }
0x1ba: {  	v47 =	vsel vm2, v31, v47;
	vm2 =	veq.s32 v46, v15  }
0x1bb: {  	v47 =	vsel vm2, v32, v47;
	vm2 =	veq.s32 v46, v16  }
0x1bc: {  	v47 =	vsel vm2, v33, v47;
	vm2 =	veq.s32 v46, v17  }
0x1bd: {  	v47 =	vsel vm2, v34, v47;
	vm2 =	veq.s32 v46, v18  }
0x1be: {  	v47 =	vsel vm2, v35, v47;
	vm2 =	veq.s32 v46, v19  }
0x1bf: {  	v47 =	vsel vm2, v36, v47;
	vm2 =	veq.s32 v46, v20  }
0x1c0: {  	v47 =	vsel vm2, v37, v47;
	vm2 =	veq.s32 v46, v21  }
0x1c1: {  	v47 =	vsel vm2, v38, v47;
	vm2 =	veq.s32 v46, v22  }
0x1c2: {  	v47 =	vsel vm2, v39, v47;
	vm2 =	veq.s32 v46, v23  }
0x1c3: {  	v47 =	vsel vm2, v40, v47;
	vm2 =	veq.s32 v46, v24  }
0x1c4: {  	v47 =	vsel vm2, v41, v47;
	vm2 =	veq.s32 v46, v8  }
0x1c5: {  	v47 =	vsel vm2, v42, v47;
	vm2 =	veq.s32 v46, v9  }
0x1c6: {  	v47 =	vsel vm2, v43, v47;
	vm2 =	veq.s32 v46, v25  }
0x1c7: {  	v47 =	vsel vm2, v45, v47;
	vm2 =	veq.s32 v46, v26  }
0x1c8: {  	s20 =	sld [smem:$0x7E5];
	v47 =	vsel vm2, v44, v47;
	vm2 =	veq.s32 v46, v6  }
0x1c9: {  	v46 =	vsel vm2, v7, v47  }
0x1ca: {  	[tilespmem:s19+$0x13000] =	vst v46  }
0x1cb: {  	v46 =	vld [tilespmem:s20+$0x0];
	_ =	sdelay $0x4  }
0x1cc: {  	vm2 =	veq.s32 v46, v10  }
0x1cd: {  	v63 =	vnsel vm2, $0x0, v27;
	vm2 =	veq.s32 v46, v11  }
0x1ce: {  	v47 =	vsel vm2, v28, v63;
	vm2 =	veq.s32 v46, v12  }
0x1cf: {  	v47 =	vsel vm2, v29, v47;
	vm2 =	veq.s32 v46, v13  }
0x1d0: {  	v47 =	vsel vm2, v30, v47;
	vm2 =	veq.s32 v46, v14  }
0x1d1: {  	v47 =	vsel vm2, v31, v47;
	vm2 =	veq.s32 v46, v15  }
0x1d2: {  	v47 =	vsel vm2, v32, v47;
	vm2 =	veq.s32 v46, v16  }
0x1d3: {  	v47 =	vsel vm2, v33, v47;
	vm2 =	veq.s32 v46, v17  }
0x1d4: {  	v47 =	vsel vm2, v34, v47;
	vm2 =	veq.s32 v46, v18  }
0x1d5: {  	v47 =	vsel vm2, v35, v47;
	vm2 =	veq.s32 v46, v19  }
0x1d6: {  	v47 =	vsel vm2, v36, v47;
	vm2 =	veq.s32 v46, v20  }
0x1d7: {  	v47 =	vsel vm2, v37, v47;
	vm2 =	veq.s32 v46, v21  }
0x1d8: {  	v47 =	vsel vm2, v38, v47;
	vm2 =	veq.s32 v46, v22  }
0x1d9: {  	v47 =	vsel vm2, v39, v47;
	vm2 =	veq.s32 v46, v23  }
0x1da: {  	v47 =	vsel vm2, v40, v47;
	vm2 =	veq.s32 v46, v24  }
0x1db: {  	v47 =	vsel vm2, v41, v47;
	vm2 =	veq.s32 v46, v8  }
0x1dc: {  	v47 =	vsel vm2, v42, v47;
	vm2 =	veq.s32 v46, v9  }
0x1dd: {  	v47 =	vsel vm2, v43, v47;
	vm2 =	veq.s32 v46, v25  }
0x1de: {  	v47 =	vsel vm2, v45, v47;
	vm2 =	veq.s32 v46, v26  }
0x1df: {  	s3 =	sld [smem:$0x7E7];
	v47 =	vsel vm2, v44, v47;
	vm2 =	veq.s32 v46, v6  }
0x1e0: {  	v46 =	vsel vm2, v7, v47  }
0x1e1: {  	[tilespmem:s20+$0x13000] =	vst v46  }
0x1e2: {  	v46 =	vld [tilespmem:s3+$0x0];
	_ =	sdelay $0x4  }
0x1e3: {  	vm2 =	veq.s32 v46, v10  }
0x1e4: {  	v27 =	vnsel vm2, $0x0, v27;
	vm2 =	veq.s32 v46, v11  }
0x1e5: {  	v27 =	vsel vm2, v28, v27;
	vm2 =	veq.s32 v46, v12  }
0x1e6: {  	v27 =	vsel vm2, v29, v27;
	vm2 =	veq.s32 v46, v13  }
0x1e7: {  	v27 =	vsel vm2, v30, v27;
	vm2 =	veq.s32 v46, v14  }
0x1e8: {  	v27 =	vsel vm2, v31, v27;
	vm2 =	veq.s32 v46, v15  }
0x1e9: {  	v27 =	vsel vm2, v32, v27;
	vm2 =	veq.s32 v46, v16  }
0x1ea: {  	v27 =	vsel vm2, v33, v27;
	vm2 =	veq.s32 v46, v17  }
0x1eb: {  	v27 =	vsel vm2, v34, v27;
	vm2 =	veq.s32 v46, v18  }
0x1ec: {  	v27 =	vsel vm2, v35, v27;
	vm2 =	veq.s32 v46, v19  }
0x1ed: {  	v27 =	vsel vm2, v36, v27;
	vm2 =	veq.s32 v46, v20  }
0x1ee: {  	v27 =	vsel vm2, v37, v27;
	vm2 =	veq.s32 v46, v21  }
0x1ef: {  	v27 =	vsel vm2, v38, v27;
	vm2 =	veq.s32 v46, v22  }
0x1f0: {  	v27 =	vsel vm2, v39, v27;
	vm2 =	veq.s32 v46, v23  }
0x1f1: {  	v27 =	vsel vm2, v40, v27;
	vm2 =	veq.s32 v46, v24  }
0x1f2: {  	s22 =	sld [smem:$0x7EA];
	v27 =	vsel vm2, v41, v27;
	vm2 =	veq.s32 v46, v8  }
0x1f3: {  	v27 =	vsel vm2, v42, v27;
	vm2 =	veq.s32 v46, v9  }
0x1f4: {  	s2 =	sld [smem:$0x7EC];
	v27 =	vsel vm2, v43, v27;
	vm2 =	veq.s32 v46, v25  }
0x1f5: {  	s1 =	sshll.u32 s9, $0x4;
	s0 =	sadd.s32 s22, s9;
	v27 =	vsel vm2, v45, v27;
	vm2 =	veq.s32 v46, v26  }
0x1f6: {  	s23 =	simm.s32 $0x80;
	s1 =	sand.u32 $0x70, s1;
	s0 =	sshll.u32 s0, $0x8;
	v27 =	vsel vm2, v44, v27;
	vm2 =	veq.s32 v46, v6  }
0x1f7: {  	s24 =	simm.s32 $0x400;
	s1 =	sadd.s32 s2, s1;
	s0 =	sand.u32 $0xFFFE800, s0;
	v7 =	vsel vm2, v7, v27  }
0x1f8: {  	s4 =	simm.s32 $0x3;
	s0 =	sadd.s32 s0, s1;
	s1 =	simm.s32 $0x14800;
	[tilespmem:s3+$0x13000] =	vst v7  }
0x1f9: {  	[tilespmem:s1], [sflag:$0x3] =	stream.strided.gather [hbm4b:s0+s23], $0x800, s24, s23, $0x38;
	[tilespmem:$0x19000] =	vst v63  }
0x1fa: {  	_ =	swait.ge [sflag:s4], $0x800  }
0x1fb: {  	s29 =	sld [smem:$0x7DE]  }
0x1fc: {  	s26 =	simm.s32 $0x0  }
0x1fd: {  	s28 =	sand.u32 $0xF000, s26  }
0x1fe: {  	s3 =	sshrl.u32 s28, $0x2;
	s2 =	sadd.s32 s29, s21  }
0x1ff: {  	s0 =	sand.u32 $0x70, s26;
	[sflag:s4] =	ssyncset.done $0x0;
	s3 =	sadd.s32 s3, s2  }
0x200: {  	[sflag:s4] =	ssyncadd.s32 $0xFFFFF800;
	s0 =	sadd.s32 s0, s3  }
0x201: {  	v7 =	vld [tilespmem:s0+$0x0];
	_ =	sdelay $0x4  }
0x202: {  	vm2 =	veq.s32 v7, v10;
	vm3 =	veq.s32 v7, v11  }
0x203: {  	vm2 =	vmor vm2, vm3;
	vm3 =	veq.s32 v7, v12  }
0x204: {  	vm2 =	vmor vm3, vm2;
	vm3 =	veq.s32 v7, v13  }
0x205: {  	vm2 =	vmor vm3, vm2;
	vm3 =	veq.s32 v7, v14  }
0x206: {  	vm2 =	vmor vm3, vm2;
	vm3 =	veq.s32 v7, v15  }
0x207: {  	vm2 =	vmor vm3, vm2;
	vm3 =	veq.s32 v7, v16  }
0x208: {  	vm2 =	vmor vm3, vm2;
	vm3 =	veq.s32 v7, v17  }
0x209: {  	vm2 =	vmor vm3, vm2;
	vm3 =	veq.s32 v7, v18  }
0x20a: {  	vm2 =	vmor vm3, vm2;
	vm3 =	veq.s32 v7, v19  }
0x20b: {  	vm2 =	vmor vm3, vm2;
	vm3 =	veq.s32 v7, v20  }
0x20c: {  	vm2 =	vmor vm3, vm2;
	vm3 =	veq.s32 v7, v21  }
0x20d: {  	vm2 =	vmor vm3, vm2;
	vm3 =	veq.s32 v7, v22  }
0x20e: {  	vm2 =	vmor vm3, vm2;
	vm3 =	veq.s32 v7, v23  }
0x20f: {  	vm2 =	vmor vm3, vm2;
	vm3 =	veq.s32 v7, v24  }
0x210: {  	vm2 =	vmor vm3, vm2;
	vm3 =	veq.s32 v7, v8  }
0x211: {  	vm2 =	vmor vm3, vm2;
	vm3 =	veq.s32 v7, v9  }
0x212: {  	vm2 =	vmor vm3, vm2;
	vm3 =	veq.s32 v7, v25  }
0x213: {  	vm2 =	vmor vm3, vm2;
	vm3 =	veq.s32 v7, v26  }
0x214: {  	vm2 =	vmor vm3, vm2;
	vm3 =	veq.s32 v7, v6  }
0x215: {  	vm3 =	vmor vm3, vm2  }
0x216: {  	v7 =	vsel vm3, $0x1, v2  }
0x217: {  	(xrf0) =	vadd.scan.msk.s32 $0xffff, v7;
	_ =	sdelay $0x5  }
0x218: {  	v7 =	vimm.s32 $0x0;
	v27, _, _ =	vpop (xrf0)  }
0x219: {  	v27 =	vadd.s32 v7, v27  }
0x21a: {  	vm2 =	vlt.s32 v27, $0x15  }
0x21b: {  	vm2 =	vmand vm3, vm2  }
0x21c: {  	v29 =	vld [tilespmem:s1+$0x0];
	v28 =	vadd.s32 $0xFFFFFFFF, v27;
	_ =	sdelay $0x1  }
0x21d: {  	s3 =	simm.s32 $0x200;
	v27 =	vmpcnt.ones.xlane vm3  }
0x21e: {  	s30 =	sand.u32 $0xF000, s3  }
0x21f: {  	s31 =	simm.s32 $0x10;
	s11 =	sld [smem:$0x7E1];
	s6 =	sshrl.u32 s30, $0x2;
	v27 =	vadd.s32 v7, v27  }
0x220: {  	s5 =	sand.u32 $0x70, s31;
	s0 =	simm.s32 $0x20;
	s6 =	sadd.s32 s6, s2;
	v7 =	vmov v27;
	[tilespmem:v28+s10+$0x0] =	vst.idx.msk vm2, v29  }
.LBB2_13:
0x221: {  	s6 =	sadd.s32 s5, s6  }
0x222: {  	[tilespmem:v28+s11+$0x0] =	vst.idx.msk vm2, v3;
	s1 =	sadd.s32 $0x10, s1;
	s5 =	smov.u32 s0;
	s4 =	sadd.s32 $0x10, s0  }
0x223: {  	p0 =	sne.s32 s0, $0x7C0;
	v28 =	vld [tilespmem:s6+$0x0];
	_ =	sdelay $0x4  }
0x224: {  	vm2 =	veq.s32 v28, v10;
	vm3 =	veq.s32 v28, v11  }
0x225: {  	vm2 =	vmor vm2, vm3;
	vm3 =	veq.s32 v28, v12  }
0x226: {  	vm2 =	vmor vm3, vm2;
	vm3 =	veq.s32 v28, v13  }
0x227: {  	vm2 =	vmor vm3, vm2;
	vm3 =	veq.s32 v28, v14  }
0x228: {  	vm2 =	vmor vm3, vm2;
	vm3 =	veq.s32 v28, v15  }
0x229: {  	vm2 =	vmor vm3, vm2;
	vm3 =	veq.s32 v28, v16  }
0x22a: {  	vm2 =	vmor vm3, vm2;
	vm3 =	veq.s32 v28, v17  }
0x22b: {  	vm2 =	vmor vm3, vm2;
	vm3 =	veq.s32 v28, v18  }
0x22c: {  	vm2 =	vmor vm3, vm2;
	vm3 =	veq.s32 v28, v19  }
0x22d: {  	vm2 =	vmor vm3, vm2;
	vm3 =	veq.s32 v28, v20  }
0x22e: {  	vm2 =	vmor vm3, vm2;
	vm3 =	veq.s32 v28, v21  }
0x22f: {  	vm2 =	vmor vm3, vm2;
	vm3 =	veq.s32 v28, v22  }
0x230: {  	vm2 =	vmor vm3, vm2;
	vm3 =	veq.s32 v28, v23  }
0x231: {  	vm2 =	vmor vm3, vm2;
	vm3 =	veq.s32 v28, v24  }
0x232: {  	vm2 =	vmor vm3, vm2;
	vm3 =	veq.s32 v28, v8  }
0x233: {  	vm2 =	vmor vm3, vm2;
	vm3 =	veq.s32 v28, v9  }
0x234: {  	vm2 =	vmor vm3, vm2;
	vm3 =	veq.s32 v28, v25  }
0x235: {  	vm2 =	vmor vm3, vm2;
	vm3 =	veq.s32 v28, v26  }
0x236: {  	vm2 =	vmor vm3, vm2;
	vm3 =	veq.s32 v28, v6  }
0x237: {  	vm2 =	vmor vm3, vm2  }
0x238: {  	v28 =	vsel vm2, $0x1, v2;
	v29 =	vmpcnt.ones.xlane vm2  }
0x239: {  	(xrf0) =	vadd.scan.msk.s32 $0xffff, v28  }
0x23a: {  	v27 =	vadd.s32 v27, v29;
	_ =	sdelay $0x4  }
0x23b: {  	v28, _, _ =	vpop (xrf0)  }
0x23c: {  	v28 =	vadd.s32 v7, v28;
	v7 =	vmov v27  }
0x23d: {  	vm3 =	vlt.s32 v28, $0x15  }
0x23e: {  	vm2 =	vmand vm2, vm3  }
0x23f: {  	v28 =	vadd.s32 $0xFFFFFFFF, v28;
	v29 =	vld [tilespmem:s1+$0x0]  }
.Ltmp10:
0x240: {  	(pc) =	sbr.rel @p0 .LBB2_13-.Ltmp10, $4  }
0x241: {  	s3 =	sadd.s32 $0x200, s3  }
0x242: {  	s0 =	sand.u32 $0xF000, s3  }
0x243: {  	s0 =	sshrl.u32 s0, $0x2  }
0x244: {  	s5 =	sand.u32 $0x70, s5;
	s6 =	sadd.s32 s0, s2;
	s0 =	smov.u32 s4;
	[tilespmem:v28+s10+$0x0] =	vst.idx.msk vm2, v29  }
0x245: {  	_ =	sdelay $0x4  }
0x246: {  	s0 =	sadd.s32 s5, s6;
	[tilespmem:v28+s11+$0x0] =	vst.idx.msk vm2, v3  }
0x247: {  	v27 =	vld [tilespmem:s0+$0x0];
	_ =	sdelay $0x4  }
0x248: {  	vm2 =	veq.s32 v27, v10;
	vm3 =	veq.s32 v27, v11  }
0x249: {  	vm2 =	vmor vm2, vm3;
	vm3 =	veq.s32 v27, v12  }
0x24a: {  	vm2 =	vmor vm3, vm2;
	vm3 =	veq.s32 v27, v13  }
0x24b: {  	vm2 =	vmor vm3, vm2;
	vm3 =	veq.s32 v27, v14  }
0x24c: {  	vm2 =	vmor vm3, vm2;
	vm3 =	veq.s32 v27, v15  }
0x24d: {  	vm2 =	vmor vm3, vm2;
	vm3 =	veq.s32 v27, v16  }
0x24e: {  	vm2 =	vmor vm3, vm2;
	vm3 =	veq.s32 v27, v17  }
0x24f: {  	vm2 =	vmor vm3, vm2;
	vm3 =	veq.s32 v27, v18  }
0x250: {  	vm2 =	vmor vm3, vm2;
	vm3 =	veq.s32 v27, v19  }
0x251: {  	vm2 =	vmor vm3, vm2;
	vm3 =	veq.s32 v27, v20  }
0x252: {  	vm2 =	vmor vm3, vm2;
	vm3 =	veq.s32 v27, v21  }
0x253: {  	vm2 =	vmor vm3, vm2;
	vm3 =	veq.s32 v27, v22  }
0x254: {  	vm2 =	vmor vm3, vm2;
	vm3 =	veq.s32 v27, v23  }
0x255: {  	vm2 =	vmor vm3, vm2;
	vm3 =	veq.s32 v27, v24  }
0x256: {  	vm2 =	vmor vm3, vm2;
	vm3 =	veq.s32 v27, v8  }
0x257: {  	vm2 =	vmor vm3, vm2;
	vm3 =	veq.s32 v27, v9  }
0x258: {  	vm2 =	vmor vm3, vm2;
	vm3 =	veq.s32 v27, v25  }
0x259: {  	vm2 =	vmor vm3, vm2;
	vm3 =	veq.s32 v27, v26  }
0x25a: {  	vm2 =	vmor vm3, vm2;
	vm3 =	veq.s32 v27, v6  }
0x25b: {  	vm2 =	vmor vm3, vm2  }
0x25c: {  	v6 =	vsel vm2, $0x1, v2  }
0x25d: {  	(xrf0) =	vadd.scan.msk.s32 $0xffff, v6;
	_ =	sdelay $0x5  }
0x25e: {  	v6, _, _ =	vpop (xrf0)  }
0x25f: {  	v6 =	vadd.s32 v7, v6  }
0x260: {  	vm3 =	vlt.s32 v6, $0x15  }
0x261: {  	s31 =	sadd.s32 $0x10, s1;
	vm2 =	vmand vm2, vm3  }
0x262: {  	v7 =	vld [tilespmem:s31+$0x0];
	v6 =	vadd.s32 $0xFFFFFFFF, v6;
	_ =	sdelay $0x1  }
.Ltmp11:
0x263: {  	_ = 	snop;
	(pc) =	sbr.rel .LBB2_15-.Ltmp11, $3  }
0x264: {  	_ =	sdelay $0x1  }
0x265: {  	[tilespmem:v6+s10+$0x0] =	vst.idx.msk vm2, v7  }
0x266: {  	[tilespmem:v6+s11+$0x0] =	vst.idx.msk vm2, v3  }
.LBB2_16:
0x267: {  	s5 =	sld [smem:$0x7EA]  }
0x268: {  	s1 =	sld [smem:$0x7ED];
	_ =	sdelay $0x1  }
0x269: {  	s2 =	simm.s32 $0x0;
	s0 =	sshll.u32 s5, $0x4  }
0x26a: {  	s3 =	simm.s32 $0x13000;
	s23 =	simm.s32 $0x3;
	s1 =	sadd.s32 s1, s0  }
0x26b: {  	[hbm4b:s1+s2] =	stream.linear.scatter [tilespmem:s3], [sflag:$0x3], $0x800, $0x38;
	[tilespmem:$0x19000] =	vst v63  }
0x26c: {  	_ =	swait.ge [sflag:s23], $0x800  }
0x26d: {  	s24 =	sld [smem:$0x7EE];
	_ =	sdelay $0x1  }
0x26e: {  	[sflag:s23] =	ssyncset.done $0x0  }
0x26f: {  	s4 =	simm.s32 $0x13800;
	[sflag:s23] =	ssyncadd.s32 $0xFFFFF800;
	s1 =	sadd.s32 s24, s0  }
0x270: {  	[hbm4b:s1+s2] =	stream.linear.scatter [tilespmem:s4], [sflag:$0x3], $0x800, $0x38;
	[tilespmem:$0x19000] =	vst v63  }
0x271: {  	_ =	swait.ge [sflag:s23], $0x800  }
0x272: {  	s26 =	sld [smem:$0x7EF];
	_ =	sdelay $0x1  }
0x273: {  	[sflag:s23] =	ssyncset.done $0x0  }
0x274: {  	s28 =	simm.s32 $0x14000;
	[sflag:s23] =	ssyncadd.s32 $0xFFFFF800;
	s0 =	sadd.s32 s26, s0  }
0x275: {  	[hbm4b:s0+s2] =	stream.linear.scatter [tilespmem:s28], [sflag:$0x3], $0x800, $0x38;
	[tilespmem:$0x19000] =	vst v63  }
0x276: {  	s29 =	sld [smem:$0x7E8];
	_ =	swait.ge [sflag:s23], $0x800  }
0x277: {  	s0 =	sld [smem:$0x7FA]  }
0x278: {  	s1 =	sld [smem:$0x7E9];
	_ =	sdelay $0x1  }
0x279: {  	p0 =	seq.s32 s29, $0x3  }
0x27a: {  	s0 =	sadd.s32 @!p0 s1, s0  }
0x27b: {  	[sflag:s23] =	ssyncset.done $0x0;
	s2 =	rddreg [dreg:$0x1e];
	s1 =	sshll.u32 @!p0 s0, $0x4  }
0x27c: {  	s3 =	simm.s32 @!p0 $0x0;
	[sflag:s23] =	ssyncadd.s32 $0xFFFFF800;
	s2 =	sadd.s32 @!p0 s2, s1  }
0x27d: {  	[tilespmem:s3], [sflag:$0x1] =	stream.linear.gather @!p0 [hbm4b:s2+s3], $0x800, $0x38;
	[tilespmem:$0x19000] =	vst v63  }
0x27e: {  	s0 =	sshll.u32 @!p0 s0, $0x8;
	s2 =	rddreg [dreg:$0x1f]  }
0x27f: {  	s0 =	sadd.s32 @!p0 s2, s0;
	s2 =	simm.s32 @!p0 $0x800  }
0x280: {  	[tilespmem:s2], [sflag:$0x1] =	stream.linear.gather @!p0 [hbm4b:s0+s3], $0x8000, $0x38;
	[tilespmem:$0x19000] =	vst v63  }
0x281: {  	s0 =	sld [smem:$0x7F6];
	_ =	sdelay $0x2  }
0x282: {  	s2 =	simm.s32 @!p0 $0x8800;
	s0 =	sadd.s32 @!p0 s0, s1  }
0x283: {  	[tilespmem:s2], [sflag:$0x1] =	stream.linear.gather @!p0 [hbm4b:s0+s3], $0x800, $0x38;
	[tilespmem:$0x19000] =	vst v63  }
0x284: {  	s0 =	sld [smem:$0x7F8];
	_ =	sdelay $0x2  }
0x285: {  	s30 =	simm.s32 $0x2;
	s0 =	sadd.s32 @!p0 s0, s1;
	s1 =	simm.s32 @!p0 $0x9000  }
0x286: {  	[tilespmem:s1], [sflag:$0x1] =	stream.linear.gather @!p0 [hbm4b:s0+s3], $0x800, $0x38;
	[tilespmem:$0x19000] =	vst v63  }
0x287: {  	_ =	swait.ge [sflag:s30], $0x800  }
0x288: {  	[sflag:s30] =	ssyncset.done $0x0  }
0x289: {  	[sflag:s30] =	ssyncadd.s32 $0xFFFFF800  }
0x28a: {  	_ =	swait.ge [sflag:s30], $0x8000  }
0x28b: {  	[sflag:s30] =	ssyncset.done $0x0  }
0x28c: {  	[sflag:s30] =	ssyncadd.s32 $0xFFFF8000  }
0x28d: {  	_ =	swait.ge [sflag:s30], $0x800  }
.Ltmp12:
0x28e: {  	[sflag:s30] =	ssyncset.done $0x0;
	(pc) =	sbr.rel .LBB2_17-.Ltmp12, $4  }
0x28f: {  	[sflag:s30] =	ssyncadd.s32 $0xFFFFF800  }
0x290: {  	s7 =	simm.s32 $0x0;
	_ =	swait.ge [sflag:s30], $0x800  }
0x291: {  	s8 =	simm.s32 $0x0;
	s31 =	sor.u32 $0x10, s5;
	[sflag:s30] =	ssyncset.done $0x0  }
0x292: {  	s9 =	simm.s32 $0x0;
	[smem:$0x7DA] =	sst s31;
	[sflag:s30] =	ssyncadd.s32 $0xFFFFF800  }
.LBB2_27:
0x293: {  	s9 =	sadd.s32 $0x1, s9  }
0x294: {  	p1 =	sne.s32 s9, $0x10  }
.Ltmp13:
0x295: {  	_ = 	snop;
	(pc) =	sbr.rel @!p1 .LBB2_28-.Ltmp13, $3  }
0x296: {  	_ =	sdelay $0x1  }
0x297: {  	[tilespmem:v4+s25+$0x0] =	vst.idx.msk $0xffff, v0  }
0x298: {  	s8 =	sadd.s32 $0x800, s8;
	s7 =	sadd.s32 $0x1, s7;
	[tilespmem:v5+s25+$0x0] =	vst.idx.msk $0xf, v0  }
.LBB2_17:
0x299: {  	s22 =	sshll.u32 s9, $0x7  }
0x29a: {  	v8 =	vld [tilespmem:s22+$0x12000];
	_ =	sdelay $0x1  }
0x29b: {  	v6 =	vld [tilespmem:s22+$0x12010];
	_ =	sdelay $0x2  }
0x29c: {  	v4 =	vand.u32 $0x1FFF, v8  }
0x29d: {  	[tilespmem:s22+$0x13800] =	vst v1;
	v9 =	vld [tilespmem:s22+$0x12800]  }
0x29e: {  	[tilespmem:s22+$0x13810] =	vst v1;
	v5 =	vand.u32 $0x1FFF, v6  }
0x29f: {  	[tilespmem:s22+$0x14000] =	vst v1;
	v7 =	vld [tilespmem:s22+$0x12810]  }
0x2a0: {  	[tilespmem:s22+$0x14010] =	vst v1  }
0x2a1: {  	s14 =	simm.s32 $0x17000;
	[tilespmem:v4+s25+$0x0] =	vst.idx.msk $0xffff, v8  }
0x2a2: {  	[tilespmem:v4+s14+$0x0] =	vst.idx.msk $0xffff, v9  }
0x2a3: {  	[tilespmem:v5+s25+$0x0] =	vst.idx.msk $0xf, v6  }
0x2a4: {  	[tilespmem:v5+s14+$0x0] =	vst.idx.msk $0xf, v7  }
0x2a5: {  	v14 =	vld [tilespmem:s22+$0x9800];
	_ =	sdelay $0x4  }
0x2a6: {  	v10 =	vand.u32 $0x1FFF, v14;
	_ =	sdelay $0x2  }
0x2a7: {  	v15 =	vld [tilespmem:s22+$0x9810];
	_ =	sdelay $0x1  }
0x2a8: {  	v16 =	vld.idx.msk [tilespmem:v10+s25+$0x0], $0xffff  }
0x2a9: {  	v17 =	vld.idx.msk [tilespmem:v10+s14+$0x0], $0xffff;
	_ =	sdelay $0x1  }
0x2aa: {  	v11 =	vld.idx.msk [tilespmem:v4+s14+$0x0], $0xffff;
	v18 =	vand.u32 $0x1FFF, v15  }
0x2ab: {  	v12 =	vld.idx.msk [tilespmem:v5+s25+$0x0], $0xffff  }
0x2ac: {  	v13 =	vld.idx.msk [tilespmem:v5+s14+$0x0], $0xffff;
	vm2 =	veq.s32 v16, v14  }
0x2ad: {  	v16 =	vld [tilespmem:s22+$0x9820];
	v14 =	vnsel vm2, $0x0, v17  }
0x2ae: {  	v10 =	vld.idx.msk [tilespmem:v4+s25+$0x0], $0xffff;
	[tilespmem:s22+$0x13000] =	vst v14  }
0x2af: {  	v14 =	vld.idx.msk [tilespmem:v18+s25+$0x0], $0xffff  }
0x2b0: {  	v17 =	vld.idx.msk [tilespmem:v18+s14+$0x0], $0xffff;
	_ =	sdelay $0x1  }
0x2b1: {  	v18 =	vand.u32 $0x1FFF, v16;
	_ =	sdelay $0x1  }
0x2b2: {  	vm2 =	veq.s32 v14, v15  }
0x2b3: {  	v15 =	vld [tilespmem:s22+$0x9830];
	v14 =	vnsel vm2, $0x0, v17  }
0x2b4: {  	[tilespmem:s22+$0x13010] =	vst v14  }
0x2b5: {  	v14 =	vld.idx.msk [tilespmem:v18+s25+$0x0], $0xffff  }
0x2b6: {  	v17 =	vld.idx.msk [tilespmem:v18+s14+$0x0], $0xffff;
	_ =	sdelay $0x1  }
0x2b7: {  	v18 =	vand.u32 $0x1FFF, v15;
	_ =	sdelay $0x1  }
0x2b8: {  	vm2 =	veq.s32 v14, v16  }
0x2b9: {  	v16 =	vld [tilespmem:s22+$0x9840];
	v14 =	vnsel vm2, $0x0, v17  }
0x2ba: {  	[tilespmem:s22+$0x13020] =	vst v14  }
0x2bb: {  	v14 =	vld.idx.msk [tilespmem:v18+s25+$0x0], $0xffff  }
0x2bc: {  	v17 =	vld.idx.msk [tilespmem:v18+s14+$0x0], $0xffff;
	_ =	sdelay $0x1  }
0x2bd: {  	v18 =	vand.u32 $0x1FFF, v16  }
0x2be: {  	[smem:$0x7CD] =	sst s8  }
0x2bf: {  	s0 =	sshll.u32 s8, $0x2;
	[smem:$0x7CE] =	sst s7;
	s1 =	sand.u32 $0x7, s7;
	vm2 =	veq.s32 v14, v15  }
0x2c0: {  	[smem:$0x7CF] =	sst s9;
	s15 =	sshll.u32 s9, $0xB;
	s16 =	simm.s32 $0xB80;
	v15 =	vld [tilespmem:s22+$0x9850];
	v14 =	vnsel vm2, $0x0, v17  }
0x2c1: {  	s8 =	simm.s32 $0x170;
	s23 =	simm.s32 $0x980;
	s18 =	simm.s32 $0x900;
	[tilespmem:s22+$0x13030] =	vst v14  }
0x2c2: {  	s19 =	simm.s32 $0x880;
	s20 =	simm.s32 $0x580;
	s21 =	simm.s32 $0x500;
	v14 =	vld.idx.msk [tilespmem:v18+s25+$0x0], $0xffff  }
0x2c3: {  	s24 =	simm.s32 $0x480;
	s31 =	simm.s32 $0x180;
	s26 =	simm.s32 $0x100;
	v17 =	vld.idx.msk [tilespmem:v18+s14+$0x0], $0xffff  }
0x2c4: {  	s2 =	simm.s32 $0xA00;
	s3 =	simm.s32 $0xA80;
	s4 =	simm.s32 $0xB00  }
0x2c5: {  	s5 =	simm.s32 $0x680;
	s6 =	simm.s32 $0x700;
	s9 =	simm.s32 $0x780;
	v18 =	vand.u32 $0x1FFF, v15  }
0x2c6: {  	s10 =	simm.s32 $0x300;
	s11 =	simm.s32 $0x380;
	s13 =	simm.s32 $0x600  }
0x2c7: {  	s17 =	simm.s32 $0x0;
	s0 =	sand.u32 $0xFFFF0000, s0;
	s1 =	sshll.u32 s1, $0x9;
	vm2 =	veq.s32 v14, v16  }
0x2c8: {  	s12 =	sand.u32 $0x70, s8;
	s4 =	sand.u32 $0xFC00, s4;
	s3 =	sand.u32 $0xFC00, s3;
	v16 =	vld [tilespmem:s22+$0x9860];
	v14 =	vnsel vm2, $0x0, v17  }
0x2c9: {  	s2 =	sand.u32 $0xFC00, s2;
	s30 =	sand.u32 $0xFC00, s13;
	s13 =	simm.s32 $0x80;
	[tilespmem:s22+$0x13040] =	vst v14  }
0x2ca: {  	[smem:$0x7D8] =	sst s22;
	s0 =	sor.u32 s1, s0;
	s1 =	sand.u32 $0x4000, s15;
	v14 =	vld.idx.msk [tilespmem:v18+s25+$0x0], $0xffff  }
0x2cb: {  	s15 =	sand.u32 $0x380, s22;
	s0 =	sshrl.u32 s0, $0x2;
	s28 =	sor.u32 $0xA000, s1;
	v17 =	vld.idx.msk [tilespmem:v18+s14+$0x0], $0xffff  }
0x2cc: {  	[smem:$0x7D0] =	sst s15;
	s1 =	sand.u32 $0x3FFFFC00, s18;
	s18 =	simm.s32 $0x580  }
0x2cd: {  	s7 =	sadd.s32 $0xA000, s0;
	s0 =	sand.u32 $0xFC00, s16;
	s16 =	sand.u32 $0x3FFFFC00, s17;
	v18 =	vand.u32 $0x1FFF, v16  }
0x2ce: {  	s3 =	sadd.s32 s3, s28;
	[dreg:$0x6] =	wrdreg s18;
	s0 =	sadd.s32 s0, s28  }
0x2cf: {  	[dreg:$0xb] =	wrdreg s28;
	s17 =	sadd.s32 s12, s0;
	s12 =	simm.s32 $0x150;
	vm2 =	veq.s32 v14, v15  }
0x2d0: {  	s0 =	sand.u32 $0x70, s12;
	s12 =	sand.u32 $0xFC00, s9;
	s9 =	simm.s32 $0x880;
	v14 =	vnsel vm2, $0x0, v17  }
0x2d1: {  	s0 =	sadd.s32 s0, s3;
	s3 =	sadd.s32 s1, s7;
	[dreg:$0x4] =	wrdreg s9;
	[tilespmem:s22+$0x13050] =	vst v14  }
0x2d2: {  	s1 =	sand.u32 $0x3FFFFC00, s21;
	s21 =	sand.u32 $0xFC00, s10;
	s10 =	simm.s32 $0x100;
	v14 =	vld.idx.msk [tilespmem:v18+s25+$0x0], $0xffff  }
0x2d3: {  	v19 =	vmov s15;
	s15 =	sand.u32 $0x3FFFFC00, s23;
	s4 =	sadd.s32 s4, s28;
	[dreg:$0xe] =	wrdreg s10;
	v15 =	vld.idx.msk [tilespmem:v18+s14+$0x0], $0xffff  }
0x2d4: {  	s10 =	sadd.s32 s2, s28;
	s2 =	sadd.s32 $0x13800, s22;
	s14 =	simm.s32 $0x160  }
0x2d5: {  	s28 =	simm.s32 $0x50;
	[smem:$0x7D1] =	sst s2;
	s14 =	sand.u32 $0x70, s14  }
0x2d6: {  	s4 =	sadd.s32 s14, s4;
	s14 =	sadd.s32 s16, s7;
	s16 =	simm.s32 $0x900  }
0x2d7: {  	s2 =	simm.s32 $0xE0;
	[dreg:$0x2] =	wrdreg s16;
	s16 =	sadd.s32 s15, s7;
	vm2 =	veq.s32 v14, v16  }
0x2d8: {  	s15 =	sand.u32 $0x3FFFFC00, s19;
	s19 =	sand.u32 $0x3FFFFC00, s20;
	s20 =	simm.s32 $0x500;
	v14 =	vnsel vm2, $0x0, v15  }
0x2d9: {  	s9 =	sadd.s32 s15, s7;
	s15 =	sand.u32 $0xFC00, s6;
	s6 =	sadd.s32 s19, s7;
	[tilespmem:s22+$0x13060] =	vst v14  }
0x2da: {  	s19 =	sand.u32 $0xFC00, s5;
	[dreg:$0x8] =	wrdreg s20;
	s5 =	sand.u32 $0xFC00, s11;
	v14 =	vld.idx.msk [tilespmem:v19+s17+$0x0 ss:$0x1], $0xffff  }
0x2db: {  	s20 =	sand.u32 $0x3FFFFC00, s31;
	s11 =	sand.u32 $0x3FFFFC00, s26;
	v17 =	vld [tilespmem:s3+$0x20];
	s3 =	sadd.s32 s1, s7  }
0x2dc: {  	v16 =	vld [tilespmem:s16+$0x30];
	s16 =	simm.s32 $0x480;
	s17 =	sand.u32 $0x3FFFFC00, s24;
	s24 =	sadd.s32 s20, s7  }
0x2dd: {  	v18 =	vld [tilespmem:s9+$0x10];
	s20 =	sand.u32 $0x3FFFFC00, s13;
	s1 =	simm.s32 $0xF0;
	s13 =	sor.u32 $0x20, s22  }
0x2de: {  	[dreg:$0xa] =	wrdreg s16;
	s18 =	sadd.s32 s17, s7;
	v23 =	vld [tilespmem:s3+$0x20];
	s3 =	sadd.s32 s11, s7  }
0x2df: {  	v22 =	vld [tilespmem:s6+$0x30];
	s16 =	simm.s32 $0x280;
	s17 =	simm.s32 $0x200;
	s9 =	sadd.s32 s20, s7  }
0x2e0: {  	v27 =	vld [tilespmem:s24+$0x30];
	s24 =	simm.s32 $0x140;
	s6 =	sand.u32 $0x70, s1;
	s11 =	sadd.s32 $0x14000, s22  }
0x2e1: {  	v15 =	vld [tilespmem:s14+$0xC00];
	[smem:$0x7D4] =	sst s13;
	s20 =	sor.u32 $0x50, s22;
	s13 =	simm.s32 $0xC0  }
0x2e2: {  	v24 =	vld [tilespmem:s18+$0x10];
	s26 =	sand.u32 $0xFC00, s16;
	s18 =	simm.s32 $0x80;
	[smem:$0x7D3] =	sst s11  }
0x2e3: {  	v29 =	vld [tilespmem:s3+$0x20];
	s29 =	sand.u32 $0x70, s24;
	s3 =	sor.u32 $0x10, s22;
	[smem:$0x7D7] =	sst s20  }
0x2e4: {  	v20 =	vld [tilespmem:s14+$0x800];
	s16 =	sor.u32 $0x30, s22;
	s24 =	sor.u32 $0x60, s22;
	[dreg:$0xf] =	wrdreg s18  }
0x2e5: {  	v25 =	vld [tilespmem:s14+$0x400];
	s11 =	simm.s32 $0x60;
	s20 =	simm.s32 $0x0;
	[smem:$0x7D2] =	sst s3  }
0x2e6: {  	v30 =	vld [tilespmem:s14+$0x0];
	s18 =	sand.u32 $0xFC00, s17;
	[smem:$0x7D5] =	sst s16;
	s17 =	sor.u32 $0x40, s22  }
0x2e7: {  	v21 =	vld.idx.msk [tilespmem:v19+s4+$0x0 ss:$0x1], $0xffff;
	[smem:$0x7D9] =	sst s24;
	s3 =	simm.s32 $0xD0;
	s16 =	simm.s32 $0x70  }
0x2e8: {  	vm2 =	vmmov vm0;
	v32 =	vld [tilespmem:s9+$0x10];
	s22 =	simm.s32 $0x1800;
	[smem:$0x7D6] =	sst s17;
	s17 =	simm.s32 $0x40  }
.LBB2_18:
0x2e9: {  	s14 =	rddreg [dreg:$0xb]  }
0x2ea: {  	s10 =	sadd.s32 s29, s10;
	v26 =	vld.idx.msk [tilespmem:v19+s0+$0x0 ss:$0x1], $0xffff;
	s9 =	sadd.s32 s12, s14  }
0x2eb: {  	s1 =	sand.u32 $0x70, s17;
	s4 =	sadd.s32 s18, s14;
	v28 =	vld.idx.msk [tilespmem:v19+s10+$0x0 ss:$0x1], $0xffff;
	s6 =	sadd.s32 s6, s9  }
0x2ec: {  	s12 =	sand.u32 $0x70, s28;
	s17 =	sadd.s32 s26, s14;
	s0 =	sadd.s32 s1, s4;
	v31 =	vld.idx.msk [tilespmem:v19+s6+$0x0 ss:$0x1], $0xffff  }
0x2ed: {  	s24 =	sand.u32 $0x70, s11;
	s26 =	sadd.s32 s21, s14;
	s18 =	sadd.s32 s12, s17;
	v33 =	vld.idx.msk [tilespmem:v19+s0+$0x0 ss:$0x1], $0xffff  }
0x2ee: {  	s2 =	sand.u32 $0x70, s2;
	s10 =	sadd.s32 s15, s14;
	s1 =	sadd.s32 s24, s26;
	v34 =	vld.idx.msk [tilespmem:v19+s18+$0x0 ss:$0x1], $0xffff  }
0x2ef: {  	s13 =	sand.u32 $0x70, s13;
	v35 =	vand.u32 $0x1FFF, v30;
	s15 =	sadd.s32 s30, s14;
	s2 =	sadd.s32 s2, s10;
	v36 =	vld.idx.msk [tilespmem:v19+s1+$0x0 ss:$0x1], $0xffff  }
0x2f0: {  	s5 =	sadd.s32 s5, s14;
	v41 =	vand.u32 $0x1FFF, v27;
	s4 =	sand.u32 $0x70, s16;
	s16 =	sadd.s32 s13, s15;
	v40 =	vld.idx.msk [tilespmem:v19+s2+$0x0 ss:$0x1], $0xffff  }
0x2f1: {  	s11 =	sand.u32 $0x70, s3;
	s12 =	sadd.s32 s19, s14;
	s9 =	sadd.s32 s4, s5;
	v44 =	vld.idx.msk [tilespmem:v19+s16+$0x0 ss:$0x1], $0xffff;
	v51 =	vand.u32 $0x1FFF, v22  }
0x2f2: {  	s0 =	sadd.s32 s11, s12;
	v59 =	vand.u32 $0x1FFF, v17;
	v38 =	vld.idx.msk [tilespmem:v19+s9+$0x0 ss:$0x1], $0xffff  }
0x2f3: {  	v37 =	vand.u32 $0x1FFF, v32;
	v42 =	vld.idx.msk [tilespmem:v19+s0+$0x0 ss:$0x1], $0xffff  }
0x2f4: {  	v39 =	vand.u32 $0x1FFF, v29;
	v35 =	vld.idx.msk [tilespmem:v35+s25+$0x0], $0xffff  }
0x2f5: {  	v50 =	vand.u32 $0x1FFF, v23;
	v41 =	vld.idx.msk [tilespmem:v41+s25+$0x0], $0xffff  }
0x2f6: {  	p1 =	sne.s32 s22, $0x3D80;
	v49 =	vand.u32 $0x1FFF, v24;
	v56 =	vld.idx.msk [tilespmem:v51+s25+$0x0], $0xffff  }
0x2f7: {  	s8 =	sadd.s32 $0x190, s8;
	s7 =	sadd.s32 $0x10, s7;
	s28 =	rddreg [dreg:$0x8];
	v43 =	vand.u32 $0x1FFF, v33;
	v62 =	vld.idx.msk [tilespmem:v59+s25+$0x0], $0xffff  }
0x2f8: {  	s23 =	sadd.s32 $0xC80, s23;
	s31 =	sadd.s32 $0xC80, s31;
	s30 =	rddreg [dreg:$0xe];
	v45 =	vand.u32 $0x1FFF, v34;
	v37 =	vld.idx.msk [tilespmem:v37+s25+$0x0], $0xffff  }
0x2f9: {  	s20 =	sadd.s32 $0xC80, s20;
	s3 =	sadd.s32 $0xFFFFFF00, s22;
	s17 =	rddreg [dreg:$0x4];
	v39 =	vld.idx.msk [tilespmem:v39+s25+$0x0], $0xffff;
	v47 =	vand.u32 $0x1FFF, v38  }
0x2fa: {  	v48 =	vand.u32 $0x1FFF, v25;
	s21 =	sadd.s32 $0xFFFFF800, s22;
	s29 =	sadd.s32 $0xFFFFFFD0, s8;
	s24 =	rddreg [dreg:$0xa];
	v54 =	vld.idx.msk [tilespmem:v50+s25+$0x0], $0xffff  }
0x2fb: {  	s28 =	sadd.s32 $0xC80, s28;
	s30 =	sadd.s32 $0xC80, s30;
	s1 =	rddreg [dreg:$0x2];
	v46 =	vand.u32 $0x1FFF, v36;
	vm10 =	veq.s32 v41, v27;
	v27 =	vld.idx.msk [tilespmem:v49+s25+$0x0], $0xffff  }
0x2fc: {  	s19 =	sand.u32 $0xFC00, s22;
	s26 =	sadd.s32 $0xFFFFF780, s22;
	s18 =	rddreg [dreg:$0x6];
	v55 =	vand.u32 $0x1FFF, v31;
	v43 =	vld.idx.msk [tilespmem:v43+s25+$0x0], $0xffff  }
0x2fd: {  	v57 =	vand.u32 $0x1FFF, v20;
	s13 =	sadd.s32 $0xFFFFF680, s22;
	s10 =	sand.u32 $0x70, s8;
	s4 =	rddreg [dreg:$0xf];
	v45 =	vld.idx.msk [tilespmem:v45+s25+$0x0], $0xffff  }
0x2fe: {  	s29 =	sand.u32 $0x70, s29;
	s24 =	sadd.s32 $0xC80, s24;
	[dreg:$0x13] =	wrdreg s13;
	v58 =	vand.u32 $0x1FFF, v18;
	v61 =	vand.u32 $0x1FFF, v21;
	vm3 =	veq.s32 v35, v30;
	v30 =	vld.idx.msk [tilespmem:v47+s25+$0x0], $0xffff  }
0x2ff: {  	s2 =	sadd.s32 $0xFFFFFE80, s22;
	s6 =	sadd.s32 $0xFFFFFF80, s22;
	[dreg:$0x8] =	wrdreg s28;
	v52 =	vand.u32 $0x1FFF, v42;
	vm4 =	veq.s32 v37, v32;
	vm9 =	veq.s32 v39, v29;
	v29 =	vld.idx.msk [tilespmem:v48+s25+$0x0], $0xffff  }
0x300: {  	s11 =	sadd.s32 $0xFFFFFB00, s22;
	s16 =	sadd.s32 $0xFFFFFB80, s22;
	[dreg:$0xe] =	wrdreg s30;
	v60 =	vand.u32 $0x1FFF, v26;
	v53 =	vand.u32 $0x1FFF, v40;
	v46 =	vld.idx.msk [tilespmem:v46+s25+$0x0], $0xffff;
	vm3 =	vmor vm3, vm4  }
0x301: {  	s9 =	sadd.s32 $0xC80, s17;
	s17 =	sadd.s32 $0xFFFFF700, s22;
	[dreg:$0xa] =	wrdreg s24;
	v47 =	vand.u32 $0x1FFF, v44;
	vm3 =	vmor vm3, vm9;
	vm8 =	veq.s32 v27, v24;
	v24 =	vld.idx.msk [tilespmem:v55+s25+$0x0], $0xffff  }
0x302: {  	s15 =	sadd.s32 $0xC80, s18;
	s18 =	sadd.s32 $0xFFFFFFF0, s8;
	[dreg:$0x15] =	wrdreg s17;
	vm9 =	veq.s32 v54, v23;
	v23 =	vld.idx.msk [tilespmem:v57+s25+$0x0], $0xffff;
	vm3 =	vmor vm3, vm10;
	vm11 =	veq.s32 v43, v33  }
0x303: {  	s12 =	sadd.s32 $0xFFFFFC00, s22;
	s6 =	sand.u32 $0xFC00, s6;
	[dreg:$0x17] =	wrdreg s18;
	vm10 =	veq.s32 v56, v22;
	v22 =	vld.idx.msk [tilespmem:v58+s25+$0x0], $0xffff;
	vm12 =	veq.s32 v45, v34;
	vm3 =	vmor vm3, vm11  }
0x304: {  	s5 =	sadd.s32 $0xFFFFFA80, s22;
	s1 =	sadd.s32 $0xC80, s1;
	[dreg:$0x19] =	wrdreg s6;
	vm14 =	veq.s32 v30, v38;
	v30 =	vld.idx.msk [tilespmem:v52+s25+$0x0], $0xffff;
	vm15 =	veq.s32 v29, v25;
	v29 =	vand.u32 $0x1FFF, v16  }
0x305: {  	s13 =	sand.u32 $0x3FFFFC00, s23;
	s4 =	sadd.s32 $0xC80, s4;
	[dreg:$0x2] =	wrdreg s1;
	v27 =	vand.u32 $0x1FFF, v28;
	vm13 =	veq.s32 v46, v36;
	v25 =	vld.idx.msk [tilespmem:v53+s25+$0x0], $0xffff;
	vm3 =	vmor vm3, vm12  }
0x306: {  	v63 =	vand.u32 $0x1FFF, v14;
	s0 =	sand.u32 $0x3FFFFC00, s20;
	s13 =	sadd.s32 s13, s7;
	[dreg:$0x4] =	wrdreg s9;
	v32 =	vld.idx.msk [tilespmem:v47+s25+$0x0], $0xffff;
	vm3 =	vmor vm3, vm13  }
0x307: {  	s22 =	sadd.s32 $0xC80, s22;
	s17 =	sadd.s32 s19, s14;
	[dreg:$0x6] =	wrdreg s15;
	vm3 =	vmor vm3, vm14;
	vm14 =	veq.s32 v24, v31;
	v24 =	vld.idx.msk [tilespmem:v60+s25+$0x0], $0xffff  }
0x308: {  	s19 =	sadd.s32 $0xFFFFFFE0, s8;
	s0 =	sadd.s32 s0, s7;
	[dreg:$0xf] =	wrdreg s4;
	vm3 =	vmor vm3, vm15;
	vm15 =	veq.s32 v23, v20;
	v20 =	vld.idx.msk [tilespmem:v61+s25+$0x0], $0xffff  }
0x309: {  	s15 =	sand.u32 $0x3FFFFC00, s15;
	[dreg:$0x1b] =	wrdreg s19;
	s19 =	sand.u32 $0x3FFFFC00, s1;
	vm3 =	vmor vm3, vm8;
	vm12 =	veq.s32 v30, v42;
	v29 =	vld.idx.msk [tilespmem:v29+s25+$0x0], $0xffff;
	v30 =	vand.u32 $0x1FFF, v15  }
0x30a: {  	s6 =	sadd.s32 s10, s17;
	s10 =	sadd.s32 $0xFFFFFF80, s8;
	s1 =	sand.u32 $0x3FFFFC00, s28;
	vm13 =	veq.s32 v25, v40;
	v25 =	vld.idx.msk [tilespmem:v27+s25+$0x0], $0xffff;
	vm3 =	vmor vm3, vm9  }
0x30b: {  	s28 =	sand.u32 $0x3FFFFC00, s24;
	s18 =	sadd.s32 s15, s7;
	s24 =	sand.u32 $0x3FFFFC00, s31;
	vm11 =	veq.s32 v32, v44;
	vm8 =	veq.s32 v22, v18;
	v22 =	vld.idx.msk [tilespmem:v63+s25+$0x0], $0xffff;
	vm3 =	vmor vm3, vm10  }
0x30c: {  	[dreg:$0x1d] =	wrdreg s10;
	s10 =	sand.u32 $0xFC00, s2;
	s15 =	sadd.s32 s28, s7;
	v27 =	vld [tilespmem:s0+$0xC00];
	vm3 =	vmor vm3, vm11  }
0x30d: {  	s2 =	sadd.s32 $0xFFFFFF70, s8;
	s17 =	sadd.s32 s1, s7;
	s1 =	sand.u32 $0xFC00, s5;
	vm3 =	vmor vm3, vm12;
	vm12 =	veq.s32 v24, v26;
	v24 =	vld [tilespmem:s15+$0x10]  }
0x30e: {  	s5 =	sand.u32 $0xFC00, s21;
	s21 =	sand.u32 $0xFC00, s26;
	s26 =	sadd.s32 s24, s7;
	v23 =	vld.idx.msk [tilespmem:v30+s25+$0x0], $0xffff  }
0x30f: {  	s24 =	smov.u32 s31;
	s31 =	sand.u32 $0x3FFFFC00, s4;
	s4 =	rddreg [dreg:$0x1b];
	vm10 =	veq.s32 v29, v16;
	v29 =	vld.idx.msk [tilespmem:v19+s6+$0x0 ss:$0x1], $0xffff  }
0x310: {  	s28 =	sadd.s32 $0xFFFFFEE0, s8;
	s10 =	sadd.s32 s10, s14;
	s15 =	rddreg [dreg:$0x15];
	v16 =	vld [tilespmem:s13+$0x30]  }
0x311: {  	vm3 =	vmor vm3, vm13;
	s25 =	sand.u32 $0x3FFFFC00, s9;
	s9 =	sand.u32 $0xFC00, s3;
	s6 =	sand.u32 $0xFC00, s12;
	vm13 =	veq.s32 v20, v21;
	v20 =	vld [tilespmem:s0+$0x800]  }
0x312: {  	vm11 =	veq.s32 v25, v28;
	s12 =	sadd.s32 s19, s7;
	s3 =	sadd.s32 $0xFFFFFF60, s8;
	s13 =	sadd.s32 $0xFFFFFF50, s8;
	v25 =	vld [tilespmem:s0+$0x400];
	vm3 =	vmor vm3, vm14  }
0x313: {  	v30 =	vld [tilespmem:s0+$0x0];
	s0 =	sadd.s32 s31, s7;
	s31 =	smov.u32 s24;
	s24 =	rddreg [dreg:$0x19];
	vm3 =	vmor vm3, vm15  }
0x314: {  	vm9 =	veq.s32 v62, v17;
	s19 =	sadd.s32 s25, s7;
	v17 =	vld [tilespmem:s12+$0x20];
	s12 =	smov.u32 s20;
	s20 =	sand.u32 $0xFC00, s16;
	vm3 =	vmor vm3, vm8  }
0x315: {  	vm14 =	veq.s32 v22, v14;
	s16 =	sadd.s32 $0xFFFFFF00, s8;
	v22 =	vld [tilespmem:s18+$0x30];
	s25 =	sand.u32 $0x3FFFFC00, s30;
	s30 =	smov.u32 s1;
	vm3 =	vmor vm3, vm9  }
0x316: {  	s1 =	sand.u32 $0x70, s4;
	s4 =	sadd.s32 s24, s14;
	v32 =	vld [tilespmem:s0+$0x10];
	s9 =	sadd.s32 s9, s14;
	vm3 =	vmor vm3, vm10  }
0x317: {  	s24 =	rddreg [dreg:$0x1d];
	v18 =	vld [tilespmem:s19+$0x10];
	s19 =	sand.u32 $0xFC00, s11;
	s11 =	sadd.s32 $0xFFFFFEF0, s8;
	vm3 =	vmor vm3, vm11  }
.Ltmp14:
0x318: {  	s18 =	sadd.s32 s25, s7;
	s25 =	rddreg [dreg:$0x13];
	vm15 =	veq.s32 v23, v15;
	v23 =	vld [tilespmem:s17+$0x20];
	vm3 =	vmor vm3, vm12;
	(pc) =	sbr.rel @p1 .LBB2_18-.Ltmp14, $4  }
0x319: {  	s0 =	sadd.s32 s1, s9;
	v15 =	vmov v27;
	v27 =	vld [tilespmem:s26+$0x30];
	s26 =	sand.u32 $0xFC00, s15;
	s15 =	rddreg [dreg:$0x17];
	vm3 =	vmor vm3, vm13  }
0x31a: {  	v14 =	vmov v29;
	s17 =	sadd.s32 $0xFFFFFED0, s8;
	v29 =	vld [tilespmem:s18+$0x20];
	s18 =	sand.u32 $0xFC00, s25;
	s15 =	sand.u32 $0x70, s15;
	vm3 =	vmor vm3, vm14  }
0x31b: {  	s25 =	simm.s32 $0x15000;
	s14 =	sadd.s32 s15, s4;
	s15 =	smov.u32 s20;
	vm3 =	vmor vm3, vm15  }
0x31c: {  	s20 =	smov.u32 s12;
	s12 =	smov.u32 s6;
	s6 =	sand.u32 $0x70, s24;
	v21 =	vld.idx.msk [tilespmem:v19+s14+$0x0 ss:$0x1], $0xffff;
	vm2 =	vmor vm2, vm3  }
0x31d: {  	_ =	sdelay $0x2  }
0x31e: {  	s8 =	rddreg [dreg:$0xb]  }
0x31f: {  	s4 =	sadd.s32 s29, s10;
	v26 =	vld.idx.msk [tilespmem:v19+s0+$0x0 ss:$0x1], $0xffff;
	s1 =	sadd.s32 s12, s8  }
0x320: {  	s31 =	sand.u32 $0x70, s17;
	s7 =	sadd.s32 s18, s8;
	v28 =	vld.idx.msk [tilespmem:v19+s4+$0x0 ss:$0x1], $0xffff;
	s1 =	sadd.s32 s6, s1  }
0x321: {  	s9 =	sand.u32 $0x70, s28;
	s10 =	sadd.s32 s26, s8;
	s0 =	sadd.s32 s31, s7;
	v31 =	vld.idx.msk [tilespmem:v19+s1+$0x0 ss:$0x1], $0xffff  }
0x322: {  	s14 =	sand.u32 $0x70, s11;
	s17 =	sadd.s32 s21, s8;
	s12 =	sadd.s32 s9, s10;
	v33 =	vld.idx.msk [tilespmem:v19+s0+$0x0 ss:$0x1], $0xffff  }
0x323: {  	s20 =	sand.u32 $0x70, s16;
	s21 =	sadd.s32 s5, s8;
	s18 =	sadd.s32 s14, s17;
	v34 =	vld.idx.msk [tilespmem:v19+s12+$0x0 ss:$0x1], $0xffff  }
0x324: {  	v35 =	vand.u32 $0x1FFF, v30;
	s23 =	sand.u32 $0x70, s2;
	s24 =	sadd.s32 s15, s8;
	s22 =	sadd.s32 s20, s21;
	v36 =	vld.idx.msk [tilespmem:v19+s18+$0x0 ss:$0x1], $0xffff  }
0x325: {  	v37 =	vand.u32 $0x1FFF, v32;
	s26 =	sand.u32 $0x70, s3;
	s28 =	sadd.s32 s19, s8;
	v38 =	vld.idx.msk [tilespmem:v19+s22+$0x0 ss:$0x1], $0xffff;
	s1 =	sadd.s32 s23, s24  }
0x326: {  	s29 =	sand.u32 $0x70, s13;
	v47 =	vand.u32 $0x1FFF, v25;
	s30 =	sadd.s32 s30, s8;
	s0 =	sadd.s32 s26, s28;
	v40 =	vld.idx.msk [tilespmem:v19+s1+$0x0 ss:$0x1], $0xffff  }
0x327: {  	v48 =	vand.u32 $0x1FFF, v24;
	s31 =	sadd.s32 s29, s30;
	v42 =	vld.idx.msk [tilespmem:v19+s0+$0x0 ss:$0x1], $0xffff  }
0x328: {  	v49 =	vand.u32 $0x1FFF, v23;
	v19 =	vld.idx.msk [tilespmem:v19+s31+$0x0 ss:$0x1], $0xffff  }
0x329: {  	v39 =	vand.u32 $0x1FFF, v29;
	v35 =	vld.idx.msk [tilespmem:v35+s25+$0x0], $0xffff  }
0x32a: {  	v41 =	vand.u32 $0x1FFF, v27;
	v37 =	vld.idx.msk [tilespmem:v37+s25+$0x0], $0xffff  }
0x32b: {  	v57 =	vld.idx.msk [tilespmem:v47+s25+$0x0], $0xffff;
	v43 =	vand.u32 $0x1FFF, v33  }
0x32c: {  	v59 =	vld.idx.msk [tilespmem:v48+s25+$0x0], $0xffff;
	v44 =	vand.u32 $0x1FFF, v34  }
0x32d: {  	v61 =	vld.idx.msk [tilespmem:v49+s25+$0x0], $0xffff;
	v45 =	vand.u32 $0x1FFF, v36  }
0x32e: {  	v39 =	vld.idx.msk [tilespmem:v39+s25+$0x0], $0xffff;
	v46 =	vand.u32 $0x1FFF, v38  }
0x32f: {  	v50 =	vand.u32 $0x1FFF, v22;
	v41 =	vld.idx.msk [tilespmem:v41+s25+$0x0], $0xffff  }
0x330: {  	v53 =	vand.u32 $0x1FFF, v26;
	v43 =	vld.idx.msk [tilespmem:v43+s25+$0x0], $0xffff  }
0x331: {  	v49 =	vand.u32 $0x1FFF, v16;
	v62 =	vand.u32 $0x1FFF, v31;
	v44 =	vld.idx.msk [tilespmem:v44+s25+$0x0], $0xffff  }
0x332: {  	v56 =	vand.u32 $0x1FFF, v19;
	vm3 =	veq.s32 v35, v30;
	vm4 =	veq.s32 v37, v32;
	v45 =	vld.idx.msk [tilespmem:v45+s25+$0x0], $0xffff  }
0x333: {  	v58 =	vand.u32 $0x1FFF, v42;
	vm3 =	vmor vm3, vm4;
	vm14 =	veq.s32 v39, v29;
	v55 =	vld.idx.msk [tilespmem:v46+s25+$0x0], $0xffff  }
0x334: {  	v63 =	vld.idx.msk [tilespmem:v50+s25+$0x0], $0xffff;
	v60 =	vand.u32 $0x1FFF, v40;
	vm15 =	veq.s32 v41, v27;
	vm3 =	vmor vm3, vm14  }
0x335: {  	vm13 =	veq.s32 v59, v24;
	v59 =	vld.idx.msk [tilespmem:v53+s25+$0x0], $0xffff;
	vm3 =	vmor vm3, vm15;
	vm8 =	veq.s32 v43, v33  }
0x336: {  	v47 =	vand.u32 $0x1FFF, v17;
	v29 =	vld.idx.msk [tilespmem:v49+s25+$0x0], $0xffff;
	vm9 =	veq.s32 v44, v34;
	vm3 =	vmor vm3, vm8  }
0x337: {  	v50 =	vld.idx.msk [tilespmem:v62+s25+$0x0], $0xffff;
	v44 =	vand.u32 $0x1FFF, v20;
	vm10 =	veq.s32 v45, v36;
	vm3 =	vmor vm3, vm9  }
0x338: {  	v32 =	vld.idx.msk [tilespmem:v56+s25+$0x0], $0xffff;
	v45 =	vand.u32 $0x1FFF, v18;
	vm11 =	veq.s32 v55, v38;
	vm3 =	vmor vm3, vm10  }
0x339: {  	v51 =	vand.u32 $0x1FFF, v28;
	vm12 =	veq.s32 v57, v25;
	v46 =	vld.idx.msk [tilespmem:v58+s25+$0x0], $0xffff;
	vm3 =	vmor vm3, vm11  }
0x33a: {  	v57 =	vand.u32 $0x1FFF, v14;
	v48 =	vld.idx.msk [tilespmem:v60+s25+$0x0], $0xffff;
	vm3 =	vmor vm3, vm12  }
0x33b: {  	vm14 =	veq.s32 v61, v23;
	v56 =	vld.idx.msk [tilespmem:v47+s25+$0x0], $0xffff;
	v55 =	vand.u32 $0x1FFF, v21;
	vm3 =	vmor vm3, vm13  }
0x33c: {  	vm15 =	veq.s32 v63, v22;
	v52 =	vld.idx.msk [tilespmem:v44+s25+$0x0], $0xffff;
	vm3 =	vmor vm3, vm14  }
0x33d: {  	vm8 =	veq.s32 v32, v19;
	v54 =	vld.idx.msk [tilespmem:v45+s25+$0x0], $0xffff;
	vm3 =	vmor vm3, vm15  }
0x33e: {  	vm5 =	vlt.f32 v13, v7;
	v58 =	vld.idx.msk [tilespmem:v51+s25+$0x0], $0xffff;
	vm9 =	veq.s32 v46, v42;
	vm3 =	vmor vm3, vm8  }
0x33f: {  	v61 =	vand.u32 $0x1FFF, v15;
	v62 =	vld.idx.msk [tilespmem:v57+s25+$0x0], $0xffff;
	vm10 =	veq.s32 v48, v40;
	vm3 =	vmor vm3, vm9  }
0x340: {  	vm6 =	vgt.f32 v13, v7;
	vm11 =	veq.s32 v50, v31;
	v60 =	vld.idx.msk [tilespmem:v55+s25+$0x0], $0xffff;
	vm3 =	vmor vm3, vm10  }
0x341: {  	vm7 =	vgt.f32 v11, v9;
	vm12 =	veq.s32 v52, v20;
	vm3 =	vmor vm3, vm11  }
0x342: {  	vm5 =	vmor vm6, vm5;
	vm13 =	veq.s32 v54, v18;
	vm3 =	vmor vm3, vm12  }
0x343: {  	vm14 =	veq.s32 v56, v17;
	vm15 =	veq.s32 v29, v16;
	vm3 =	vmor vm3, vm13  }
0x344: {  	v63 =	vld.idx.msk [tilespmem:v61+s25+$0x0], $0xffff;
	vm8 =	veq.s32 v58, v28;
	vm9 =	veq.s32 v59, v26;
	vm3 =	vmor vm3, vm14  }
0x345: {  	vm10 =	veq.s32 v60, v21;
	vm11 =	veq.s32 v62, v14;
	vm3 =	vmor vm3, vm15  }
0x346: {  	vm12 =	vlt.f32 v11, v9;
	vm13 =	vne.s32 v12, v6;
	vm3 =	vmor vm3, vm8  }
0x347: {  	vm4 =	vmor vm7, vm12;
	vm14 =	vne.s32 v10, v8;
	vm3 =	vmor vm3, vm9  }
0x348: {  	vm5 =	vmor vm13, vm5;
	vm4 =	vmor vm14, vm4;
	vm3 =	vmor vm3, vm10  }
0x349: {  	vm15 =	veq.s32 v63, v15;
	vm5 =	vmand vm5, vm1;
	vm3 =	vmor vm3, vm11  }
0x34a: {  	vm4 =	vmor vm4, vm5;
	vm3 =	vmor vm3, vm15  }
0x34b: {  	v10 =	vmpcnt.ones.xlane vm4;
	vm2 =	vmor vm2, vm3  }
0x34c: {  	v11 =	vmpcnt.ones.xlane vm2  }
0x34d: {  	(v2sf) =	vpush v10, $0x0  }
0x34e: {  	(v2sf) =	vpush v11, $0x0;
	_ =	sdelay $0xd  }
0x34f: {  	s0 =	spop (v2sf)  }
0x350: {  	p1 =	sne.s32 s0, $0x0;
	s1 =	spop (v2sf)  }
0x351: {  	p2 =	slt.s32 @!p1 s1, $0x1  }
0x352: {  	p1 =	por p1, p2  }
.Ltmp15:
0x353: {  	_ = 	snop;
	(pc) =	sbr.rel @p1 .LBB2_23-.Ltmp15, $1  }
0x354: {  	_ =	sdelay $0x3  }
0x355: {  	s0 =	sld [smem:$0x7DA]  }
0x356: {  	s9 =	sld [smem:$0x7CF];
	_ =	sdelay $0x1  }
0x357: {  	s2 =	sld [smem:$0x7EC]  }
0x358: {  	s0 =	sadd.s32 s0, s9;
	s1 =	sshll.u32 s9, $0x4  }
0x359: {  	s23 =	simm.s32 $0x80;
	s0 =	sshll.u32 s0, $0x8;
	s1 =	sand.u32 $0x70, s1  }
0x35a: {  	s3 =	simm.s32 $0x400;
	s0 =	sand.u32 $0xFFFF800, s0;
	s1 =	sadd.s32 s2, s1  }
0x35b: {  	s4 =	simm.s32 $0x3;
	s0 =	sadd.s32 s0, s1;
	s1 =	simm.s32 $0x14800  }
0x35c: {  	[tilespmem:s1], [sflag:$0x3] =	stream.strided.gather [hbm4b:s0+s23], $0x800, s3, s23, $0x38;
	[tilespmem:$0x19000] =	vst v63  }
0x35d: {  	_ =	swait.ge [sflag:s4], $0x800  }
0x35e: {  	s28 =	sld [smem:$0x7D0]  }
0x35f: {  	s24 =	simm.s32 $0x0  }
0x360: {  	s26 =	sand.u32 $0xF000, s24;
	s5 =	rddreg [dreg:$0xb]  }
0x361: {  	s3 =	sshrl.u32 s26, $0x2;
	s2 =	sadd.s32 s28, s5  }
0x362: {  	s0 =	sand.u32 $0x70, s24;
	[sflag:s4] =	ssyncset.done $0x0;
	s3 =	sadd.s32 s3, s2  }
0x363: {  	[sflag:s4] =	ssyncadd.s32 $0xFFFFF800;
	s0 =	sadd.s32 s0, s3  }
0x364: {  	v6 =	vld [tilespmem:s0+$0x0];
	_ =	sdelay $0x4  }
0x365: {  	v7 =	vand.u32 $0x1FFF, v6;
	_ =	sdelay $0x4  }
0x366: {  	v7 =	vld.idx.msk [tilespmem:v7+s25+$0x0], $0xffff;
	_ =	sdelay $0x4  }
0x367: {  	vm3 =	veq.s32 v7, v6  }
0x368: {  	v6 =	vsel vm3, $0x1, v2  }
0x369: {  	(xrf0) =	vadd.scan.msk.s32 $0xffff, v6;
	_ =	sdelay $0x5  }
0x36a: {  	v6 =	vimm.s32 $0x0;
	v7, _, _ =	vpop (xrf0)  }
0x36b: {  	v7 =	vadd.s32 v6, v7  }
0x36c: {  	vm2 =	vlt.s32 v7, $0x15  }
0x36d: {  	vm2 =	vmand vm3, vm2  }
0x36e: {  	v9 =	vld [tilespmem:s1+$0x0];
	v8 =	vadd.s32 $0xFFFFFFFF, v7  }
0x36f: {  	s10 =	sld [smem:$0x7D1]  }
0x370: {  	s7 =	sld [smem:$0x7CE];
	s0 =	simm.s32 $0x200;
	v7 =	vmpcnt.ones.xlane vm3  }
0x371: {  	s8 =	sld [smem:$0x7CD];
	s29 =	sand.u32 $0xF000, s0  }
0x372: {  	s30 =	simm.s32 $0x10;
	s11 =	sld [smem:$0x7D3];
	s31 =	sshrl.u32 s29, $0x2;
	v7 =	vadd.s32 v6, v7  }
0x373: {  	s4 =	sand.u32 $0x70, s30;
	s3 =	simm.s32 $0x20;
	s5 =	sadd.s32 s31, s2;
	v6 =	vmov v7;
	[tilespmem:v8+s10+$0x0] =	vst.idx.msk vm2, v9  }
.LBB2_21:
0x374: {  	s4 =	sadd.s32 s4, s5  }
0x375: {  	[tilespmem:v8+s11+$0x0] =	vst.idx.msk vm2, v3;
	s1 =	sadd.s32 $0x10, s1;
	s5 =	smov.u32 s3;
	s6 =	sadd.s32 $0x10, s3  }
0x376: {  	p1 =	seq.s32 s3, $0x7C0;
	v8 =	vld [tilespmem:s4+$0x0];
	_ =	sdelay $0x4  }
0x377: {  	v9 =	vand.u32 $0x1FFF, v8;
	_ =	sdelay $0x4  }
0x378: {  	v9 =	vld.idx.msk [tilespmem:v9+s25+$0x0], $0xffff;
	_ =	sdelay $0x5  }
0x379: {  	vm2 =	veq.s32 v9, v8  }
0x37a: {  	v8 =	vsel vm2, $0x1, v2;
	v9 =	vmpcnt.ones.xlane vm2  }
0x37b: {  	(xrf0) =	vadd.scan.msk.s32 $0xffff, v8  }
0x37c: {  	v7 =	vadd.s32 v7, v9;
	_ =	sdelay $0x4  }
0x37d: {  	v8, _, _ =	vpop (xrf0)  }
0x37e: {  	v8 =	vadd.s32 v6, v8;
	v6 =	vmov v7  }
0x37f: {  	vm3 =	vlt.s32 v8, $0x15  }
0x380: {  	vm2 =	vmand vm2, vm3  }
0x381: {  	v8 =	vadd.s32 $0xFFFFFFFF, v8;
	v9 =	vld [tilespmem:s1+$0x0]  }
.Ltmp16:
0x382: {  	(pc) =	sbr.rel @!p1 .LBB2_21-.Ltmp16, $4  }
0x383: {  	s0 =	sadd.s32 $0x200, s0  }
0x384: {  	s3 =	sand.u32 $0xF000, s0  }
0x385: {  	s3 =	sshrl.u32 s3, $0x2  }
0x386: {  	s4 =	sand.u32 $0x70, s5;
	s5 =	sadd.s32 s3, s2;
	s3 =	smov.u32 s6;
	[tilespmem:v8+s10+$0x0] =	vst.idx.msk vm2, v9  }
0x387: {  	_ =	sdelay $0x4  }
0x388: {  	s0 =	sadd.s32 s4, s5;
	[tilespmem:v8+s11+$0x0] =	vst.idx.msk vm2, v3  }
0x389: {  	v7 =	vld [tilespmem:s0+$0x0];
	_ =	sdelay $0x4  }
0x38a: {  	v63 =	vand.u32 $0x1FFF, v7;
	_ =	sdelay $0x4  }
0x38b: {  	v8 =	vld.idx.msk [tilespmem:v63+s25+$0x0], $0xffff;
	_ =	sdelay $0x4  }
0x38c: {  	vm2 =	veq.s32 v8, v7  }
0x38d: {  	v7 =	vsel vm2, $0x1, v2  }
0x38e: {  	(xrf0) =	vadd.scan.msk.s32 $0xffff, v7;
	_ =	sdelay $0x5  }
0x38f: {  	v7, _, _ =	vpop (xrf0)  }
0x390: {  	v6 =	vadd.s32 v6, v7  }
0x391: {  	vm3 =	vlt.s32 v6, $0x15  }
0x392: {  	s31 =	sadd.s32 $0x10, s1;
	vm2 =	vmand vm2, vm3  }
0x393: {  	v7 =	vld [tilespmem:s31+$0x0];
	v6 =	vadd.s32 $0xFFFFFFFF, v6;
	_ =	sdelay $0x1  }
.Ltmp17:
0x394: {  	_ = 	snop;
	(pc) =	sbr.rel .LBB2_27-.Ltmp17, $3  }
0x395: {  	_ =	sdelay $0x1  }
0x396: {  	[tilespmem:v6+s10+$0x0] =	vst.idx.msk vm2, v7  }
0x397: {  	[tilespmem:v6+s11+$0x0] =	vst.idx.msk vm2, v3  }
.LBB2_23:
0x398: {  	p1 =	slt.s32 s0, $0x1  }
.Ltmp18:
0x399: {  	_ = 	snop;
	(pc) =	sbr.rel @p1 .LBB2_27-.Ltmp18, $4  }
0x39a: {  	s7 =	sld [smem:$0x7CE]  }
0x39b: {  	s9 =	sld [smem:$0x7CF]  }
0x39c: {  	s8 =	sld [smem:$0x7CD]  }
0x39d: {  	s10 =	sld [smem:$0x7D1]  }
0x39e: {  	s0 =	sld [smem:$0x7D8];
	_ =	sdelay $0x2  }
0x39f: {  	v46 =	vld [tilespmem:s0+$0x9800];
	_ =	sdelay $0x2  }
0x3a0: {  	v10 =	vbroadcast v8, $0x0  }
0x3a1: {  	v27 =	vbroadcast v9, $0x0;
	v11 =	vbroadcast v8, $0x1  }
0x3a2: {  	v28 =	vbroadcast v9, $0x1;
	vm2 =	veq.s32 v46, v10  }
0x3a3: {  	v12 =	vbroadcast v8, $0x2;
	v13 =	vnsel vm2, $0x0, v27;
	vm2 =	veq.s32 v46, v11  }
0x3a4: {  	v29 =	vbroadcast v9, $0x2;
	v15 =	vsel vm2, v28, v13;
	v13 =	vbroadcast v8, $0x3  }
0x3a5: {  	v30 =	vbroadcast v9, $0x3;
	v14 =	vbroadcast v8, $0x4;
	vm2 =	veq.s32 v46, v12  }
0x3a6: {  	v31 =	vbroadcast v9, $0x4;
	v15 =	vsel vm2, v29, v15;
	vm2 =	veq.s32 v46, v13  }
0x3a7: {  	v16 =	vsel vm2, v30, v15;
	vm2 =	veq.s32 v46, v14;
	v15 =	vbroadcast v8, $0x5  }
0x3a8: {  	v32 =	vbroadcast v9, $0x5;
	v18 =	vsel vm2, v31, v16;
	v16 =	vbroadcast v8, $0x6  }
0x3a9: {  	v33 =	vbroadcast v9, $0x6;
	v17 =	vbroadcast v8, $0x7;
	vm2 =	veq.s32 v46, v15  }
0x3aa: {  	v34 =	vbroadcast v9, $0x7;
	v18 =	vsel vm2, v32, v18;
	vm2 =	veq.s32 v46, v16  }
0x3ab: {  	v19 =	vsel vm2, v33, v18;
	vm2 =	veq.s32 v46, v17;
	v18 =	vbroadcast v8, $0x8  }
0x3ac: {  	v35 =	vbroadcast v9, $0x8;
	v21 =	vsel vm2, v34, v19;
	v19 =	vbroadcast v8, $0x9  }
0x3ad: {  	v36 =	vbroadcast v9, $0x9;
	v20 =	vbroadcast v8, $0xA;
	vm2 =	veq.s32 v46, v18  }
0x3ae: {  	v37 =	vbroadcast v9, $0xA;
	v21 =	vsel vm2, v35, v21;
	vm2 =	veq.s32 v46, v19  }
0x3af: {  	v22 =	vsel vm2, v36, v21;
	vm2 =	veq.s32 v46, v20;
	v21 =	vbroadcast v8, $0xB  }
0x3b0: {  	v38 =	vbroadcast v9, $0xB;
	v24 =	vsel vm2, v37, v22;
	v22 =	vbroadcast v8, $0xC  }
0x3b1: {  	v39 =	vbroadcast v9, $0xC;
	v23 =	vbroadcast v8, $0xD;
	vm2 =	veq.s32 v46, v21  }
0x3b2: {  	v40 =	vbroadcast v9, $0xD;
	v24 =	vsel vm2, v38, v24;
	vm2 =	veq.s32 v46, v22  }
0x3b3: {  	v41 =	vbroadcast v9, $0xE;
	v25 =	vsel vm2, v39, v24;
	v24 =	vbroadcast v8, $0xE  }
0x3b4: {  	v42 =	vbroadcast v9, $0xF;
	vm2 =	veq.s32 v46, v23;
	v8 =	vbroadcast v8, $0xF  }
0x3b5: {  	v9 =	vbroadcast v6, $0x0;
	v25 =	vsel vm2, v40, v25;
	vm2 =	veq.s32 v46, v24  }
0x3b6: {  	v43 =	vbroadcast v7, $0x0;
	v25 =	vsel vm2, v41, v25;
	vm2 =	veq.s32 v46, v8  }
0x3b7: {  	v26 =	vsel vm2, v42, v25;
	vm2 =	veq.s32 v46, v9;
	v25 =	vbroadcast v6, $0x1  }
0x3b8: {  	v45 =	vbroadcast v7, $0x1;
	v47 =	vsel vm2, v43, v26;
	v26 =	vbroadcast v6, $0x2  }
0x3b9: {  	v44 =	vbroadcast v7, $0x2;
	v6 =	vbroadcast v6, $0x3;
	vm2 =	veq.s32 v46, v25  }
0x3ba: {  	v7 =	vbroadcast v7, $0x3;
	v47 =	vsel vm2, v45, v47;
	vm2 =	veq.s32 v46, v26  }
0x3bb: {  	s17 =	sld [smem:$0x7D2];
	v47 =	vsel vm2, v44, v47;
	vm2 =	veq.s32 v46, v6  }
0x3bc: {  	v46 =	vsel vm2, v7, v47  }
0x3bd: {  	[tilespmem:s0+$0x13000] =	vst v46  }
0x3be: {  	v46 =	vld [tilespmem:s17+$0x9800];
	_ =	sdelay $0x4  }
0x3bf: {  	vm2 =	veq.s32 v46, v10  }
0x3c0: {  	v59 =	vnsel vm2, $0x0, v27;
	vm2 =	veq.s32 v46, v11  }
0x3c1: {  	v47 =	vsel vm2, v28, v59;
	vm2 =	veq.s32 v46, v12  }
0x3c2: {  	v47 =	vsel vm2, v29, v47;
	vm2 =	veq.s32 v46, v13  }
0x3c3: {  	v47 =	vsel vm2, v30, v47;
	vm2 =	veq.s32 v46, v14  }
0x3c4: {  	v47 =	vsel vm2, v31, v47;
	vm2 =	veq.s32 v46, v15  }
0x3c5: {  	v47 =	vsel vm2, v32, v47;
	vm2 =	veq.s32 v46, v16  }
0x3c6: {  	v47 =	vsel vm2, v33, v47;
	vm2 =	veq.s32 v46, v17  }
0x3c7: {  	v47 =	vsel vm2, v34, v47;
	vm2 =	veq.s32 v46, v18  }
0x3c8: {  	v47 =	vsel vm2, v35, v47;
	vm2 =	veq.s32 v46, v19  }
0x3c9: {  	v47 =	vsel vm2, v36, v47;
	vm2 =	veq.s32 v46, v20  }
0x3ca: {  	v47 =	vsel vm2, v37, v47;
	vm2 =	veq.s32 v46, v21  }
0x3cb: {  	v47 =	vsel vm2, v38, v47;
	vm2 =	veq.s32 v46, v22  }
0x3cc: {  	v47 =	vsel vm2, v39, v47;
	vm2 =	veq.s32 v46, v23  }
0x3cd: {  	v47 =	vsel vm2, v40, v47;
	vm2 =	veq.s32 v46, v24  }
0x3ce: {  	v47 =	vsel vm2, v41, v47;
	vm2 =	veq.s32 v46, v8  }
0x3cf: {  	v47 =	vsel vm2, v42, v47;
	vm2 =	veq.s32 v46, v9  }
0x3d0: {  	v47 =	vsel vm2, v43, v47;
	vm2 =	veq.s32 v46, v25  }
0x3d1: {  	v47 =	vsel vm2, v45, v47;
	vm2 =	veq.s32 v46, v26  }
0x3d2: {  	s18 =	sld [smem:$0x7D4];
	v47 =	vsel vm2, v44, v47;
	vm2 =	veq.s32 v46, v6  }
0x3d3: {  	v46 =	vsel vm2, v7, v47  }
0x3d4: {  	[tilespmem:s17+$0x13000] =	vst v46  }
0x3d5: {  	v46 =	vld [tilespmem:s18+$0x9800];
	_ =	sdelay $0x4  }
0x3d6: {  	vm2 =	veq.s32 v46, v10  }
0x3d7: {  	v60 =	vnsel vm2, $0x0, v27;
	vm2 =	veq.s32 v46, v11  }
0x3d8: {  	v47 =	vsel vm2, v28, v60;
	vm2 =	veq.s32 v46, v12  }
0x3d9: {  	v47 =	vsel vm2, v29, v47;
	vm2 =	veq.s32 v46, v13  }
0x3da: {  	v47 =	vsel vm2, v30, v47;
	vm2 =	veq.s32 v46, v14  }
0x3db: {  	v47 =	vsel vm2, v31, v47;
	vm2 =	veq.s32 v46, v15  }
0x3dc: {  	v47 =	vsel vm2, v32, v47;
	vm2 =	veq.s32 v46, v16  }
0x3dd: {  	v47 =	vsel vm2, v33, v47;
	vm2 =	veq.s32 v46, v17  }
0x3de: {  	v47 =	vsel vm2, v34, v47;
	vm2 =	veq.s32 v46, v18  }
0x3df: {  	v47 =	vsel vm2, v35, v47;
	vm2 =	veq.s32 v46, v19  }
0x3e0: {  	v47 =	vsel vm2, v36, v47;
	vm2 =	veq.s32 v46, v20  }
0x3e1: {  	v47 =	vsel vm2, v37, v47;
	vm2 =	veq.s32 v46, v21  }
0x3e2: {  	v47 =	vsel vm2, v38, v47;
	vm2 =	veq.s32 v46, v22  }
0x3e3: {  	v47 =	vsel vm2, v39, v47;
	vm2 =	veq.s32 v46, v23  }
0x3e4: {  	v47 =	vsel vm2, v40, v47;
	vm2 =	veq.s32 v46, v24  }
0x3e5: {  	v47 =	vsel vm2, v41, v47;
	vm2 =	veq.s32 v46, v8  }
0x3e6: {  	v47 =	vsel vm2, v42, v47;
	vm2 =	veq.s32 v46, v9  }
0x3e7: {  	v47 =	vsel vm2, v43, v47;
	vm2 =	veq.s32 v46, v25  }
0x3e8: {  	v47 =	vsel vm2, v45, v47;
	vm2 =	veq.s32 v46, v26  }
0x3e9: {  	s19 =	sld [smem:$0x7D5];
	v47 =	vsel vm2, v44, v47;
	vm2 =	veq.s32 v46, v6  }
0x3ea: {  	v46 =	vsel vm2, v7, v47  }
0x3eb: {  	[tilespmem:s18+$0x13000] =	vst v46  }
0x3ec: {  	v46 =	vld [tilespmem:s19+$0x9800];
	_ =	sdelay $0x4  }
0x3ed: {  	vm2 =	veq.s32 v46, v10  }
0x3ee: {  	v61 =	vnsel vm2, $0x0, v27;
	vm2 =	veq.s32 v46, v11  }
0x3ef: {  	v47 =	vsel vm2, v28, v61;
	vm2 =	veq.s32 v46, v12  }
0x3f0: {  	v47 =	vsel vm2, v29, v47;
	vm2 =	veq.s32 v46, v13  }
0x3f1: {  	v47 =	vsel vm2, v30, v47;
	vm2 =	veq.s32 v46, v14  }
0x3f2: {  	v47 =	vsel vm2, v31, v47;
	vm2 =	veq.s32 v46, v15  }
0x3f3: {  	v47 =	vsel vm2, v32, v47;
	vm2 =	veq.s32 v46, v16  }
0x3f4: {  	v47 =	vsel vm2, v33, v47;
	vm2 =	veq.s32 v46, v17  }
0x3f5: {  	v47 =	vsel vm2, v34, v47;
	vm2 =	veq.s32 v46, v18  }
0x3f6: {  	v47 =	vsel vm2, v35, v47;
	vm2 =	veq.s32 v46, v19  }
0x3f7: {  	v47 =	vsel vm2, v36, v47;
	vm2 =	veq.s32 v46, v20  }
0x3f8: {  	v47 =	vsel vm2, v37, v47;
	vm2 =	veq.s32 v46, v21  }
0x3f9: {  	v47 =	vsel vm2, v38, v47;
	vm2 =	veq.s32 v46, v22  }
0x3fa: {  	v47 =	vsel vm2, v39, v47;
	vm2 =	veq.s32 v46, v23  }
0x3fb: {  	v47 =	vsel vm2, v40, v47;
	vm2 =	veq.s32 v46, v24  }
0x3fc: {  	v47 =	vsel vm2, v41, v47;
	vm2 =	veq.s32 v46, v8  }
0x3fd: {  	v47 =	vsel vm2, v42, v47;
	vm2 =	veq.s32 v46, v9  }
0x3fe: {  	v47 =	vsel vm2, v43, v47;
	vm2 =	veq.s32 v46, v25  }
0x3ff: {  	v47 =	vsel vm2, v45, v47;
	vm2 =	veq.s32 v46, v26  }
0x400: {  	s20 =	sld [smem:$0x7D6];
	v47 =	vsel vm2, v44, v47;
	vm2 =	veq.s32 v46, v6  }
0x401: {  	v46 =	vsel vm2, v7, v47  }
0x402: {  	[tilespmem:s19+$0x13000] =	vst v46  }
0x403: {  	v46 =	vld [tilespmem:s20+$0x9800];
	_ =	sdelay $0x4  }
0x404: {  	vm2 =	veq.s32 v46, v10  }
0x405: {  	v62 =	vnsel vm2, $0x0, v27;
	vm2 =	veq.s32 v46, v11  }
0x406: {  	v47 =	vsel vm2, v28, v62;
	vm2 =	veq.s32 v46, v12  }
0x407: {  	v47 =	vsel vm2, v29, v47;
	vm2 =	veq.s32 v46, v13  }
0x408: {  	v47 =	vsel vm2, v30, v47;
	vm2 =	veq.s32 v46, v14  }
0x409: {  	v47 =	vsel vm2, v31, v47;
	vm2 =	veq.s32 v46, v15  }
0x40a: {  	v47 =	vsel vm2, v32, v47;
	vm2 =	veq.s32 v46, v16  }
0x40b: {  	v47 =	vsel vm2, v33, v47;
	vm2 =	veq.s32 v46, v17  }
0x40c: {  	v47 =	vsel vm2, v34, v47;
	vm2 =	veq.s32 v46, v18  }
0x40d: {  	v47 =	vsel vm2, v35, v47;
	vm2 =	veq.s32 v46, v19  }
0x40e: {  	v47 =	vsel vm2, v36, v47;
	vm2 =	veq.s32 v46, v20  }
0x40f: {  	v47 =	vsel vm2, v37, v47;
	vm2 =	veq.s32 v46, v21  }
0x410: {  	v47 =	vsel vm2, v38, v47;
	vm2 =	veq.s32 v46, v22  }
0x411: {  	v47 =	vsel vm2, v39, v47;
	vm2 =	veq.s32 v46, v23  }
0x412: {  	v47 =	vsel vm2, v40, v47;
	vm2 =	veq.s32 v46, v24  }
0x413: {  	v47 =	vsel vm2, v41, v47;
	vm2 =	veq.s32 v46, v8  }
0x414: {  	v47 =	vsel vm2, v42, v47;
	vm2 =	veq.s32 v46, v9  }
0x415: {  	v47 =	vsel vm2, v43, v47;
	vm2 =	veq.s32 v46, v25  }
0x416: {  	v47 =	vsel vm2, v45, v47;
	vm2 =	veq.s32 v46, v26  }
0x417: {  	s21 =	sld [smem:$0x7D7];
	v47 =	vsel vm2, v44, v47;
	vm2 =	veq.s32 v46, v6  }
0x418: {  	v46 =	vsel vm2, v7, v47  }
0x419: {  	[tilespmem:s20+$0x13000] =	vst v46  }
0x41a: {  	v46 =	vld [tilespmem:s21+$0x9800];
	_ =	sdelay $0x4  }
0x41b: {  	vm2 =	veq.s32 v46, v10  }
0x41c: {  	v63 =	vnsel vm2, $0x0, v27;
	vm2 =	veq.s32 v46, v11  }
0x41d: {  	v47 =	vsel vm2, v28, v63;
	vm2 =	veq.s32 v46, v12  }
0x41e: {  	v47 =	vsel vm2, v29, v47;
	vm2 =	veq.s32 v46, v13  }
0x41f: {  	v47 =	vsel vm2, v30, v47;
	vm2 =	veq.s32 v46, v14  }
0x420: {  	v47 =	vsel vm2, v31, v47;
	vm2 =	veq.s32 v46, v15  }
0x421: {  	v47 =	vsel vm2, v32, v47;
	vm2 =	veq.s32 v46, v16  }
0x422: {  	v47 =	vsel vm2, v33, v47;
	vm2 =	veq.s32 v46, v17  }
0x423: {  	v47 =	vsel vm2, v34, v47;
	vm2 =	veq.s32 v46, v18  }
0x424: {  	v47 =	vsel vm2, v35, v47;
	vm2 =	veq.s32 v46, v19  }
0x425: {  	v47 =	vsel vm2, v36, v47;
	vm2 =	veq.s32 v46, v20  }
0x426: {  	v47 =	vsel vm2, v37, v47;
	vm2 =	veq.s32 v46, v21  }
0x427: {  	v47 =	vsel vm2, v38, v47;
	vm2 =	veq.s32 v46, v22  }
0x428: {  	v47 =	vsel vm2, v39, v47;
	vm2 =	veq.s32 v46, v23  }
0x429: {  	v47 =	vsel vm2, v40, v47;
	vm2 =	veq.s32 v46, v24  }
0x42a: {  	v47 =	vsel vm2, v41, v47;
	vm2 =	veq.s32 v46, v8  }
0x42b: {  	v47 =	vsel vm2, v42, v47;
	vm2 =	veq.s32 v46, v9  }
0x42c: {  	v47 =	vsel vm2, v43, v47;
	vm2 =	veq.s32 v46, v25  }
0x42d: {  	v47 =	vsel vm2, v45, v47;
	vm2 =	veq.s32 v46, v26  }
0x42e: {  	s3 =	sld [smem:$0x7D9];
	v47 =	vsel vm2, v44, v47;
	vm2 =	veq.s32 v46, v6  }
0x42f: {  	v46 =	vsel vm2, v7, v47  }
0x430: {  	[tilespmem:s21+$0x13000] =	vst v46  }
0x431: {  	v46 =	vld [tilespmem:s3+$0x9800];
	_ =	sdelay $0x4  }
0x432: {  	vm2 =	veq.s32 v46, v10  }
0x433: {  	v27 =	vnsel vm2, $0x0, v27;
	vm2 =	veq.s32 v46, v11  }
0x434: {  	v27 =	vsel vm2, v28, v27;
	vm2 =	veq.s32 v46, v12  }
0x435: {  	v27 =	vsel vm2, v29, v27;
	vm2 =	veq.s32 v46, v13  }
0x436: {  	v27 =	vsel vm2, v30, v27;
	vm2 =	veq.s32 v46, v14  }
0x437: {  	v27 =	vsel vm2, v31, v27;
	vm2 =	veq.s32 v46, v15  }
0x438: {  	v27 =	vsel vm2, v32, v27;
	vm2 =	veq.s32 v46, v16  }
0x439: {  	v27 =	vsel vm2, v33, v27;
	vm2 =	veq.s32 v46, v17  }
0x43a: {  	v27 =	vsel vm2, v34, v27;
	vm2 =	veq.s32 v46, v18  }
0x43b: {  	v27 =	vsel vm2, v35, v27;
	vm2 =	veq.s32 v46, v19  }
0x43c: {  	v27 =	vsel vm2, v36, v27;
	vm2 =	veq.s32 v46, v20  }
0x43d: {  	v27 =	vsel vm2, v37, v27;
	vm2 =	veq.s32 v46, v21  }
0x43e: {  	v27 =	vsel vm2, v38, v27;
	vm2 =	veq.s32 v46, v22  }
0x43f: {  	v27 =	vsel vm2, v39, v27;
	vm2 =	veq.s32 v46, v23  }
0x440: {  	v27 =	vsel vm2, v40, v27;
	vm2 =	veq.s32 v46, v24  }
0x441: {  	s22 =	sld [smem:$0x7DA];
	v27 =	vsel vm2, v41, v27;
	vm2 =	veq.s32 v46, v8  }
0x442: {  	v27 =	vsel vm2, v42, v27;
	vm2 =	veq.s32 v46, v9  }
0x443: {  	s2 =	sld [smem:$0x7EC];
	v27 =	vsel vm2, v43, v27;
	vm2 =	veq.s32 v46, v25  }
0x444: {  	s1 =	sshll.u32 s9, $0x4;
	s0 =	sadd.s32 s22, s9;
	v27 =	vsel vm2, v45, v27;
	vm2 =	veq.s32 v46, v26  }
0x445: {  	s23 =	simm.s32 $0x80;
	s1 =	sand.u32 $0x70, s1;
	s0 =	sshll.u32 s0, $0x8;
	v27 =	vsel vm2, v44, v27;
	vm2 =	veq.s32 v46, v6  }
0x446: {  	s24 =	simm.s32 $0x400;
	s1 =	sadd.s32 s2, s1;
	s0 =	sand.u32 $0xFFFF800, s0;
	v7 =	vsel vm2, v7, v27  }
0x447: {  	s4 =	simm.s32 $0x3;
	s0 =	sadd.s32 s0, s1;
	s1 =	simm.s32 $0x14800;
	[tilespmem:s3+$0x13000] =	vst v7  }
0x448: {  	[tilespmem:s1], [sflag:$0x3] =	stream.strided.gather [hbm4b:s0+s23], $0x800, s24, s23, $0x38;
	[tilespmem:$0x19000] =	vst v63  }
0x449: {  	_ =	swait.ge [sflag:s4], $0x800  }
0x44a: {  	s29 =	sld [smem:$0x7D0]  }
0x44b: {  	s26 =	simm.s32 $0x0  }
0x44c: {  	s28 =	sand.u32 $0xF000, s26;
	s5 =	rddreg [dreg:$0xb]  }
0x44d: {  	s3 =	sshrl.u32 s28, $0x2;
	s2 =	sadd.s32 s29, s5  }
0x44e: {  	s0 =	sand.u32 $0x70, s26;
	[sflag:s4] =	ssyncset.done $0x0;
	s3 =	sadd.s32 s3, s2  }
0x44f: {  	[sflag:s4] =	ssyncadd.s32 $0xFFFFF800;
	s0 =	sadd.s32 s0, s3  }
0x450: {  	v7 =	vld [tilespmem:s0+$0x0];
	_ =	sdelay $0x4  }
0x451: {  	vm2 =	veq.s32 v7, v10;
	vm3 =	veq.s32 v7, v11  }
0x452: {  	vm2 =	vmor vm2, vm3;
	vm3 =	veq.s32 v7, v12  }
0x453: {  	vm2 =	vmor vm3, vm2;
	vm3 =	veq.s32 v7, v13  }
0x454: {  	vm2 =	vmor vm3, vm2;
	vm3 =	veq.s32 v7, v14  }
0x455: {  	vm2 =	vmor vm3, vm2;
	vm3 =	veq.s32 v7, v15  }
0x456: {  	vm2 =	vmor vm3, vm2;
	vm3 =	veq.s32 v7, v16  }
0x457: {  	vm2 =	vmor vm3, vm2;
	vm3 =	veq.s32 v7, v17  }
0x458: {  	vm2 =	vmor vm3, vm2;
	vm3 =	veq.s32 v7, v18  }
0x459: {  	vm2 =	vmor vm3, vm2;
	vm3 =	veq.s32 v7, v19  }
0x45a: {  	vm2 =	vmor vm3, vm2;
	vm3 =	veq.s32 v7, v20  }
0x45b: {  	vm2 =	vmor vm3, vm2;
	vm3 =	veq.s32 v7, v21  }
0x45c: {  	vm2 =	vmor vm3, vm2;
	vm3 =	veq.s32 v7, v22  }
0x45d: {  	vm2 =	vmor vm3, vm2;
	vm3 =	veq.s32 v7, v23  }
0x45e: {  	vm2 =	vmor vm3, vm2;
	vm3 =	veq.s32 v7, v24  }
0x45f: {  	vm2 =	vmor vm3, vm2;
	vm3 =	veq.s32 v7, v8  }
0x460: {  	vm2 =	vmor vm3, vm2;
	vm3 =	veq.s32 v7, v9  }
0x461: {  	vm2 =	vmor vm3, vm2;
	vm3 =	veq.s32 v7, v25  }
0x462: {  	vm2 =	vmor vm3, vm2;
	vm3 =	veq.s32 v7, v26  }
0x463: {  	vm2 =	vmor vm3, vm2;
	vm3 =	veq.s32 v7, v6  }
0x464: {  	vm3 =	vmor vm3, vm2  }
0x465: {  	v7 =	vsel vm3, $0x1, v2  }
0x466: {  	(xrf0) =	vadd.scan.msk.s32 $0xffff, v7;
	_ =	sdelay $0x5  }
0x467: {  	v7 =	vimm.s32 $0x0;
	v27, _, _ =	vpop (xrf0)  }
0x468: {  	v27 =	vadd.s32 v7, v27  }
0x469: {  	vm2 =	vlt.s32 v27, $0x15  }
0x46a: {  	vm2 =	vmand vm3, vm2  }
0x46b: {  	v29 =	vld [tilespmem:s1+$0x0];
	v28 =	vadd.s32 $0xFFFFFFFF, v27;
	_ =	sdelay $0x1  }
0x46c: {  	s3 =	simm.s32 $0x200;
	v27 =	vmpcnt.ones.xlane vm3  }
0x46d: {  	s30 =	sand.u32 $0xF000, s3  }
0x46e: {  	s31 =	simm.s32 $0x10;
	s11 =	sld [smem:$0x7D3];
	s6 =	sshrl.u32 s30, $0x2;
	v27 =	vadd.s32 v7, v27  }
0x46f: {  	s5 =	sand.u32 $0x70, s31;
	s0 =	simm.s32 $0x20;
	s6 =	sadd.s32 s6, s2;
	v7 =	vmov v27;
	[tilespmem:v28+s10+$0x0] =	vst.idx.msk vm2, v29  }
.LBB2_25:
0x470: {  	s6 =	sadd.s32 s5, s6  }
0x471: {  	[tilespmem:v28+s11+$0x0] =	vst.idx.msk vm2, v3;
	s1 =	sadd.s32 $0x10, s1;
	s5 =	smov.u32 s0;
	s4 =	sadd.s32 $0x10, s0  }
0x472: {  	p1 =	sne.s32 s0, $0x7C0;
	v28 =	vld [tilespmem:s6+$0x0];
	_ =	sdelay $0x4  }
0x473: {  	vm2 =	veq.s32 v28, v10;
	vm3 =	veq.s32 v28, v11  }
0x474: {  	vm2 =	vmor vm2, vm3;
	vm3 =	veq.s32 v28, v12  }
0x475: {  	vm2 =	vmor vm3, vm2;
	vm3 =	veq.s32 v28, v13  }
0x476: {  	vm2 =	vmor vm3, vm2;
	vm3 =	veq.s32 v28, v14  }
0x477: {  	vm2 =	vmor vm3, vm2;
	vm3 =	veq.s32 v28, v15  }
0x478: {  	vm2 =	vmor vm3, vm2;
	vm3 =	veq.s32 v28, v16  }
0x479: {  	vm2 =	vmor vm3, vm2;
	vm3 =	veq.s32 v28, v17  }
0x47a: {  	vm2 =	vmor vm3, vm2;
	vm3 =	veq.s32 v28, v18  }
0x47b: {  	vm2 =	vmor vm3, vm2;
	vm3 =	veq.s32 v28, v19  }
0x47c: {  	vm2 =	vmor vm3, vm2;
	vm3 =	veq.s32 v28, v20  }
0x47d: {  	vm2 =	vmor vm3, vm2;
	vm3 =	veq.s32 v28, v21  }
0x47e: {  	vm2 =	vmor vm3, vm2;
	vm3 =	veq.s32 v28, v22  }
0x47f: {  	vm2 =	vmor vm3, vm2;
	vm3 =	veq.s32 v28, v23  }
0x480: {  	vm2 =	vmor vm3, vm2;
	vm3 =	veq.s32 v28, v24  }
0x481: {  	vm2 =	vmor vm3, vm2;
	vm3 =	veq.s32 v28, v8  }
0x482: {  	vm2 =	vmor vm3, vm2;
	vm3 =	veq.s32 v28, v9  }
0x483: {  	vm2 =	vmor vm3, vm2;
	vm3 =	veq.s32 v28, v25  }
0x484: {  	vm2 =	vmor vm3, vm2;
	vm3 =	veq.s32 v28, v26  }
0x485: {  	vm2 =	vmor vm3, vm2;
	vm3 =	veq.s32 v28, v6  }
0x486: {  	vm2 =	vmor vm3, vm2  }
0x487: {  	v28 =	vsel vm2, $0x1, v2;
	v29 =	vmpcnt.ones.xlane vm2  }
0x488: {  	(xrf0) =	vadd.scan.msk.s32 $0xffff, v28  }
0x489: {  	v27 =	vadd.s32 v27, v29;
	_ =	sdelay $0x4  }
0x48a: {  	v28, _, _ =	vpop (xrf0)  }
0x48b: {  	v28 =	vadd.s32 v7, v28;
	v7 =	vmov v27  }
0x48c: {  	vm3 =	vlt.s32 v28, $0x15  }
0x48d: {  	vm2 =	vmand vm2, vm3  }
0x48e: {  	v28 =	vadd.s32 $0xFFFFFFFF, v28;
	v29 =	vld [tilespmem:s1+$0x0]  }
.Ltmp19:
0x48f: {  	(pc) =	sbr.rel @p1 .LBB2_25-.Ltmp19, $4  }
0x490: {  	s3 =	sadd.s32 $0x200, s3  }
0x491: {  	s0 =	sand.u32 $0xF000, s3  }
0x492: {  	s0 =	sshrl.u32 s0, $0x2  }
0x493: {  	s5 =	sand.u32 $0x70, s5;
	s6 =	sadd.s32 s0, s2;
	s0 =	smov.u32 s4;
	[tilespmem:v28+s10+$0x0] =	vst.idx.msk vm2, v29  }
0x494: {  	_ =	sdelay $0x4  }
0x495: {  	s0 =	sadd.s32 s5, s6;
	[tilespmem:v28+s11+$0x0] =	vst.idx.msk vm2, v3  }
0x496: {  	v27 =	vld [tilespmem:s0+$0x0];
	_ =	sdelay $0x4  }
0x497: {  	vm2 =	veq.s32 v27, v10;
	vm3 =	veq.s32 v27, v11  }
0x498: {  	vm2 =	vmor vm2, vm3;
	vm3 =	veq.s32 v27, v12  }
0x499: {  	vm2 =	vmor vm3, vm2;
	vm3 =	veq.s32 v27, v13  }
0x49a: {  	vm2 =	vmor vm3, vm2;
	vm3 =	veq.s32 v27, v14  }
0x49b: {  	vm2 =	vmor vm3, vm2;
	vm3 =	veq.s32 v27, v15  }
0x49c: {  	vm2 =	vmor vm3, vm2;
	vm3 =	veq.s32 v27, v16  }
0x49d: {  	vm2 =	vmor vm3, vm2;
	vm3 =	veq.s32 v27, v17  }
0x49e: {  	vm2 =	vmor vm3, vm2;
	vm3 =	veq.s32 v27, v18  }
0x49f: {  	vm2 =	vmor vm3, vm2;
	vm3 =	veq.s32 v27, v19  }
0x4a0: {  	vm2 =	vmor vm3, vm2;
	vm3 =	veq.s32 v27, v20  }
0x4a1: {  	vm2 =	vmor vm3, vm2;
	vm3 =	veq.s32 v27, v21  }
0x4a2: {  	vm2 =	vmor vm3, vm2;
	vm3 =	veq.s32 v27, v22  }
0x4a3: {  	vm2 =	vmor vm3, vm2;
	vm3 =	veq.s32 v27, v23  }
0x4a4: {  	vm2 =	vmor vm3, vm2;
	vm3 =	veq.s32 v27, v24  }
0x4a5: {  	vm2 =	vmor vm3, vm2;
	vm3 =	veq.s32 v27, v8  }
0x4a6: {  	vm2 =	vmor vm3, vm2;
	vm3 =	veq.s32 v27, v9  }
0x4a7: {  	vm2 =	vmor vm3, vm2;
	vm3 =	veq.s32 v27, v25  }
0x4a8: {  	vm2 =	vmor vm3, vm2;
	vm3 =	veq.s32 v27, v26  }
0x4a9: {  	vm2 =	vmor vm3, vm2;
	vm3 =	veq.s32 v27, v6  }
0x4aa: {  	vm2 =	vmor vm3, vm2  }
0x4ab: {  	v6 =	vsel vm2, $0x1, v2  }
0x4ac: {  	(xrf0) =	vadd.scan.msk.s32 $0xffff, v6;
	_ =	sdelay $0x5  }
0x4ad: {  	v6, _, _ =	vpop (xrf0)  }
0x4ae: {  	v6 =	vadd.s32 v7, v6  }
0x4af: {  	vm3 =	vlt.s32 v6, $0x15  }
0x4b0: {  	s31 =	sadd.s32 $0x10, s1;
	vm2 =	vmand vm2, vm3  }
0x4b1: {  	v7 =	vld [tilespmem:s31+$0x0];
	v6 =	vadd.s32 $0xFFFFFFFF, v6;
	_ =	sdelay $0x1  }
.Ltmp20:
0x4b2: {  	_ = 	snop;
	(pc) =	sbr.rel .LBB2_27-.Ltmp20, $3  }
0x4b3: {  	_ =	sdelay $0x1  }
0x4b4: {  	[tilespmem:v6+s10+$0x0] =	vst.idx.msk vm2, v7  }
0x4b5: {  	[tilespmem:v6+s11+$0x0] =	vst.idx.msk vm2, v3  }
.LBB2_28:
0x4b6: {  	s0 =	sld [smem:$0x7DA]  }
0x4b7: {  	s1 =	sld [smem:$0x7ED];
	_ =	sdelay $0x1  }
0x4b8: {  	s3 =	simm.s32 $0x0;
	s0 =	sshll.u32 s0, $0x4  }
0x4b9: {  	s2 =	simm.s32 $0x13000;
	s28 =	simm.s32 $0x3;
	s1 =	sadd.s32 s1, s0  }
0x4ba: {  	[hbm4b:s1+s3] =	stream.linear.scatter [tilespmem:s2], [sflag:$0x3], $0x800, $0x38;
	[tilespmem:$0x19000] =	vst v63  }
0x4bb: {  	_ =	swait.ge [sflag:s28], $0x800  }
0x4bc: {  	s29 =	sld [smem:$0x7EE];
	_ =	sdelay $0x1  }
0x4bd: {  	[sflag:s28] =	ssyncset.done $0x0  }
0x4be: {  	s4 =	simm.s32 $0x13800;
	[sflag:s28] =	ssyncadd.s32 $0xFFFFF800;
	s1 =	sadd.s32 s29, s0  }
0x4bf: {  	[hbm4b:s1+s3] =	stream.linear.scatter [tilespmem:s4], [sflag:$0x3], $0x800, $0x38;
	[tilespmem:$0x19000] =	vst v63  }
0x4c0: {  	_ =	swait.ge [sflag:s28], $0x800  }
0x4c1: {  	s30 =	sld [smem:$0x7EF];
	_ =	sdelay $0x1  }
0x4c2: {  	s31 =	simm.s32 $0x14000;
	[sflag:s28] =	ssyncset.done $0x0  }
.Ltmp21:
0x4c3: {  	[sflag:s28] =	ssyncadd.s32 $0xFFFFF800;
	s0 =	sadd.s32 s30, s0;
	(pc) =	sbr.rel @p0 .LBB2_30-.Ltmp21, $4  }
0x4c4: {  	[hbm4b:s0+s3] =	stream.linear.scatter [tilespmem:s31], [sflag:$0x3], $0x800, $0x38;
	[tilespmem:$0x19000] =	vst v63  }
0x4c5: {  	_ =	swait.ge [sflag:s28], $0x800  }
0x4c6: {  	[sflag:s28] =	ssyncset.done $0x0  }
0x4c7: {  	[sflag:s28] =	ssyncadd.s32 $0xFFFFF800  }
0x4c8: {  	s0 =	sld [smem:$0x7FC]  }
0x4c9: {  	s1 =	sld [smem:$0x7E9];
	_ =	sdelay $0x2  }
0x4ca: {  	s2 =	rddreg [dreg:$0x1e];
	s0 =	sadd.s32 s1, s0  }
0x4cb: {  	s4 =	simm.s32 $0x9800;
	s23 =	rddreg [dreg:$0x1f];
	s1 =	sshll.u32 s0, $0x4  }
0x4cc: {  	s26 =	sld [smem:$0x7F6];
	s0 =	sshll.u32 s0, $0x8;
	s2 =	sadd.s32 s2, s1  }
0x4cd: {  	[tilespmem:s4], [sflag:$0x2] =	stream.linear.gather [hbm4b:s2+s3], $0x800, $0x38;
	[tilespmem:$0x19000] =	vst v63  }
0x4ce: {  	s24 =	simm.s32 $0xA000;
	s29 =	sld [smem:$0x7F8];
	s0 =	sadd.s32 s23, s0  }
0x4cf: {  	[tilespmem:s24], [sflag:$0x2] =	stream.linear.gather [hbm4b:s0+s3], $0x8000, $0x38;
	[tilespmem:$0x19000] =	vst v63  }
.Ltmp22:
0x4d0: {  	s31 =	sld [smem:$0x7E8];
	(pc) =	sbr.rel .LBB2_4-.Ltmp22, $4  }
0x4d1: {  	s28 =	simm.s32 $0x12000;
	s0 =	sadd.s32 s26, s1  }
0x4d2: {  	[tilespmem:s28], [sflag:$0x2] =	stream.linear.gather [hbm4b:s0+s3], $0x800, $0x38;
	[tilespmem:$0x19000] =	vst v63  }
0x4d3: {  	s30 =	simm.s32 $0x12800;
	s2 =	sadd.s32 $0x1, s31;
	s0 =	sadd.s32 s29, s1  }
0x4d4: {  	[tilespmem:s30], [sflag:$0x2] =	stream.linear.gather [hbm4b:s0+s3], $0x800, $0x38;
	[tilespmem:$0x19000] =	vst v63  }
.LBB2_31:
0x4d5: {  	_ =	sfence.sel $0x180000  }
0x4d6: {  	[bflag:$0x0] =	sbarrier.arrive $0xFFFF  }
0x4d7: {  	_ =	strace $0x90000047  }
0x4d8: {  	s0 =	stileid.u32;
	[bflag:$0x2] =	sbarrier.arrive $0xFFFF  }
0x4d9: {  	p0 =	sne.s32 s0, $0x0;
	s0 =	rddreg [dreg:$0x1]  }
0x4da: {  	s0 =	sadd.s32 @!p0 $0x100000, s0  }
0x4db: {  	[sflag:s0] =	ssyncadd.tile.s32 @!p0 $0x1;
	_ =	shalt  }
.Lfunc_end2:
_tile_overlayer_lowered:
.L_overlay_start_2:
0x4dc: {  	(tag) =	ssettag $0x2  }
0x4dd: {  	s0 =	rddreg [dreg:$0x0];
	s2 =	stileid.u32  }
0x4de: {  	s1 =	rddreg [dreg:$0x1];
	p0 =	sne.s32 s2, $0x0  }
0x4df: {  	s3 =	rddreg [dreg:$0x2];
	[bflag:$0x3] =	sbarrier.arrive $0xFFFF;
	s2 =	simm.s32 @!p0 $0x1C03  }
0x4e0: {  	[timem:s3], [sflag:s2] =	dma.local @!p0 [hbm:s0], s1  }
0x4e1: {  	s0 =	simm.s32 @!p0 $0x3  }
0x4e2: {  	_ =	swait.ge @!p0 [sflag:s0], s1  }
0x4e3: {  	s1 =	ssub.s32 @!p0 $0x0, s1;
	[sflag:s0] =	ssyncset.done @!p0 $0x0  }
0x4e4: {  	[sflag:s0] =	ssyncadd.s32 @!p0 s1  }
0x4e5: {  	[bflag:$0x3] =	sbarrier.arrive $0xFFFF  }
0x4e6: {  	_ =	shalt  }

</sc_bundles>
